<compile_context>
chip_gen: v7x
topology: tpu7x:2x2x1
jax: 0.10.2.dev20260603
libtpu: 0.0.44.dev20260713+nightly
codegen_flags: <defaults>
</compile_context>

<pallas_src>
import jax
import jax.numpy as jnp
from jax import lax
from jax.experimental import pallas as pl
from jax.experimental.pallas import tpu as pltpu
from jax.experimental.pallas import tpu_sc as plsc

N_LEAVES = 32768
N_NODES = 2 * N_LEAVES - 1
N_INTERNAL = N_NODES - N_LEAVES
H = 128
LEVELS = 15
N_CLS = 5


_NC, _NS = 2, 16
_NW = _NC * _NS
_B_PER_W = N_LEAVES // _NW
_SC_CHUNK = 256
_SC_NCHUNK = _B_PER_W // _SC_CHUNK
_SC_NBUF = 3


def _sc_gather_body(emb_hbm, idx_hbm, out_hbm, idx_v, rows, gsem, ssem):
    c = lax.axis_index("c")
    s = lax.axis_index("s")
    wid = s * _NC + c
    base = wid * _B_PER_W
    pltpu.sync_copy(idx_hbm.at[pl.ds(base, _B_PER_W)], idx_v)
    gathers = [None] * _SC_NCHUNK
    scatters = [None] * _SC_NCHUNK

    def start_gather(j):
        gathers[j] = pltpu.make_async_copy(
            emb_hbm.at[idx_v.at[pl.ds(j * _SC_CHUNK, _SC_CHUNK)]],
            rows.at[j % _SC_NBUF], gsem)
        gathers[j].start()

    def start_scatter(j):
        scatters[j] = pltpu.make_async_copy(
            rows.at[j % _SC_NBUF],
            out_hbm.at[pl.ds(base + j * _SC_CHUNK, _SC_CHUNK)], ssem)
        scatters[j].start()

    for j in range(min(_SC_NBUF, _SC_NCHUNK)):
        start_gather(j)
    for j in range(_SC_NCHUNK):
        gathers[j].wait()
        start_scatter(j)
        nxt = j + _SC_NBUF
        if nxt < _SC_NCHUNK:
            scatters[nxt - _SC_NBUF].wait()
            start_gather(nxt)
    for j in range(max(0, _SC_NCHUNK - _SC_NBUF), _SC_NCHUNK):
        scatters[j].wait()


def _sc_gather(emb, leaf_x):
    mesh = plsc.VectorSubcoreMesh(
        core_axis_name="c", subcore_axis_name="s",
        num_cores=_NC, num_subcores=_NS)
    return pl.kernel(
        _sc_gather_body,
        out_type=jax.ShapeDtypeStruct((N_LEAVES, H), jnp.float32),
        mesh=mesh,
        scratch_types=[
            pltpu.VMEM((_B_PER_W,), jnp.int32),
            pltpu.VMEM((_SC_NBUF, _SC_CHUNK, H), jnp.float32),
            pltpu.SemaphoreType.DMA,
            pltpu.SemaphoreType.DMA,
        ],
    )(emb, leaf_x)



_CSL = 2048
_NCL = N_LEAVES // _CSL
_NRING = 4


def _sig_pre(t):
    return 0.5 * jnp.tanh(t) + 0.5


def _gates(iou, c_in):
    i_g = iou[:, :H]
    o_g = iou[:, H:2 * H]
    u_g = iou[:, 2 * H:]
    c = _sig_pre(i_g) * jnp.tanh(u_g) + c_in
    h = _sig_pre(o_g) * jnp.tanh(c)
    return h, c


def _tree_body(embeds, Wiou, Uiou, UfW, biou, Ufb, linW, linb, out,
               Ah, Ac, Bh, Bc, lgbuf, ebuf, lsem, esem):
    col = lax.broadcasted_iota(jnp.int32, (1, 3 * H), 1)
    iou_scale = jnp.where(col < 2 * H, 0.5, 1.0)
    Wiou_b = (Wiou[...] * iou_scale).astype(jnp.bfloat16)
    Uiou_b = (Uiou[...] * iou_scale).astype(jnp.bfloat16)
    UfW_b = (UfW[...] * 0.5).astype(jnp.bfloat16)
    biou_s = biou[...] * iou_scale
    Ufb_s = Ufb[...] * 0.5
    linW_b = linW[...].astype(jnp.bfloat16)
    linb_v = linb[...]

    pending = []
    seq = [0]

    def emit_logits(h, node0):
        n = h.shape[0]
        lg = (jnp.dot(h.astype(jnp.bfloat16), linW_b,
                      preferred_element_type=jnp.float32) + linb_v)
        k = seq[0] % _NRING
        if len(pending) >= _NRING:
            pending.pop(0).wait()
        lgbuf[k, pl.ds(0, n), :] = lg
        cp = pltpu.make_async_copy(
            lgbuf.at[k, pl.ds(0, n), :],
            out.at[pl.ds(node0, n), :], lsem)
        cp.start()
        pending.append(cp)
        seq[0] += 1

    def level_step(h_child, c_child):
        p = h_child.shape[0] // 2
        hcat = h_child.reshape(p, 2 * H)
        ccat = c_child.reshape(p, 2 * H)
        hb = hcat.astype(jnp.bfloat16)
        f = _sig_pre(jnp.dot(hb, UfW_b, preferred_element_type=jnp.float32)
                     + Ufb_s)
        c_red = f[:, :H] * ccat[:, :H] + f[:, H:] * ccat[:, H:]
        iou = (jnp.dot(hb, Uiou_b, preferred_element_type=jnp.float32)
               + biou_s)
        return _gates(iou, c_red)

    ecp = [None] * _NCL

    def start_embed(k):
        ecp[k] = pltpu.make_async_copy(
            embeds.at[pl.ds(k * _CSL, _CSL), :], ebuf.at[k % 2], esem)
        ecp[k].start()

    start_embed(0)
    start_embed(1)
    for k in range(_NCL):
        ecp[k].wait()
        x = ebuf[k % 2].astype(jnp.bfloat16)
        if k + 2 < _NCL:
            start_embed(k + 2)
        iou = (jnp.dot(x, Wiou_b, preferred_element_type=jnp.float32)
               + biou_s)
        h_leaf, c_leaf = _gates(iou, 0.0)
        emit_logits(h_leaf, N_INTERNAL + k * _CSL)
        h14, c14 = level_step(h_leaf, c_leaf)
        po = k * (_CSL // 2)
        Ah[pl.ds(po, _CSL // 2), :] = h14
        Ac[pl.ds(po, _CSL // 2), :] = c14
        emit_logits(h14, (2 ** 14 - 1) + po)

    for l in range(13, -1, -1):
        P = 2 ** l
        start = 2 ** l - 1
        if l % 2 == 0:
            srcH, srcC, dstH, dstC = Bh, Bc, Ah, Ac
        else:
            srcH, srcC, dstH, dstC = Ah, Ac, Bh, Bc
        cs = min(P, _CSL)
        for k in range(P // cs):
            hc = srcH[pl.ds(2 * k * cs, 2 * cs), :]
            cc = srcC[pl.ds(2 * k * cs, 2 * cs), :]
            h_lv, c_lv = level_step(hc, cc)
            dstH[pl.ds(k * cs, cs), :] = h_lv
            dstC[pl.ds(k * cs, cs), :] = c_lv
            emit_logits(h_lv, start + k * cs)
    for cp in pending:
        cp.wait()


def _tree(embeds, Wiou, Uiou, UfW, biou, Ufb, linW, linb):
    vmem = pl.BlockSpec(memory_space=pltpu.MemorySpace.VMEM)
    hbm = pl.BlockSpec(memory_space=pltpu.MemorySpace.HBM)
    return pl.pallas_call(
        _tree_body,
        out_shape=jax.ShapeDtypeStruct((N_NODES, N_CLS), jnp.float32),
        in_specs=[hbm] + [vmem] * 7,
        out_specs=hbm,
        scratch_shapes=[
            pltpu.VMEM((2 ** 14, H), jnp.float32),
            pltpu.VMEM((2 ** 14, H), jnp.float32),
            pltpu.VMEM((2 ** 13, H), jnp.float32),
            pltpu.VMEM((2 ** 13, H), jnp.float32),
            pltpu.VMEM((_NRING, _CSL, N_CLS), jnp.float32),
            pltpu.VMEM((2, _CSL, H), jnp.float32),
            pltpu.SemaphoreType.DMA,
            pltpu.SemaphoreType.DMA,
        ],
        compiler_params=pltpu.CompilerParams(
            vmem_limit_bytes=100 * 1024 * 1024),
    )(embeds, Wiou, Uiou, UfW, biou, Ufb, linW, linb)



@jax.jit
def kernel(leaf_x, emb, W_iou, U_iou, b_iou, Uf_W, Uf_b, lin_W, lin_b):
    embeds = _sc_gather(emb, leaf_x)
    return _tree(embeds, W_iou, U_iou, Uf_W, b_iou,
                 Uf_b.reshape(1, 2 * H), lin_W, lin_b.reshape(1, N_CLS))

# --- scband reference (transcript-rebuilt; emitter-appended) ---
"""Pipeline reference for scband-tree-lstm-2602750181891 (READ-ONLY COPY).

The authoritative reference and input builder live on the scoring server;
editing this copy changes nothing except your own understanding.
"""

import jax, jax.numpy as jnp
import numpy as np

N_LEAVES = 32768
N_NODES = 2 * N_LEAVES - 1
N_INTERNAL = N_NODES - N_LEAVES
X_SIZE = 128
H_SIZE = 128
NUM_VOCABS = 100000
NUM_CLASSES = 5
LEVELS = 15  # internal levels l=0..14 in heap layout; children of i are 2i+1, 2i+2


def setup_inputs(seed: int = 0) -> dict:
    key = jax.random.key(seed)
    ks = jax.random.split(key, 8)
    leaf_x = jax.random.randint(ks[0], (N_LEAVES,), 0, NUM_VOCABS)
    emb = jax.random.normal(ks[1], (NUM_VOCABS, X_SIZE), jnp.float32) * 0.05
    W_iou = jax.random.normal(ks[2], (X_SIZE, 3 * H_SIZE), jnp.float32) * 0.05
    U_iou = jax.random.normal(ks[3], (2 * H_SIZE, 3 * H_SIZE), jnp.float32) * 0.05
    b_iou = jnp.zeros((1, 3 * H_SIZE), jnp.float32)
    Uf_W = jax.random.normal(ks[4], (2 * H_SIZE, 2 * H_SIZE), jnp.float32) * 0.05
    Uf_b = jnp.zeros((2 * H_SIZE,), jnp.float32)
    lin_W = jax.random.normal(ks[5], (H_SIZE, NUM_CLASSES), jnp.float32) * 0.05
    lin_b = jnp.zeros((NUM_CLASSES,), jnp.float32)
    return {"leaf_x": leaf_x, "emb": emb, "W_iou": W_iou, "U_iou": U_iou,
            "b_iou": b_iou, "Uf_W": Uf_W, "Uf_b": Uf_b, "lin_W": lin_W, "lin_b": lin_b}


def _apply_func(iou, b_iou, c):
    # TreeLSTMCell.apply_node_func / apply_func2
    iou = iou + b_iou
    i, o, u = jnp.split(iou, 3, axis=1)
    c = jax.nn.sigmoid(i) * jnp.tanh(u) + c
    h = jax.nn.sigmoid(o) * jnp.tanh(c)
    return h, c


def reference(leaf_x, emb, W_iou, U_iou, b_iou, Uf_W, Uf_b, lin_W, lin_b):
    # Leaf step: embedding lookup (gather) + W_iou; dropout=0.0 -> identity
    embeds = jnp.take(emb, leaf_x, axis=0)
    iou = embeds @ W_iou
    c0 = jnp.zeros((N_LEAVES, H_SIZE), jnp.float32)
    h_leaf, c_leaf = _apply_func(iou, b_iou, c0)
    h_all = jnp.zeros((N_NODES, H_SIZE), jnp.float32).at[N_INTERNAL:].set(h_leaf)
    c_all = jnp.zeros((N_NODES, H_SIZE), jnp.float32).at[N_INTERNAL:].set(c_leaf)
    # Level-wise message passing bottom-up (g[et].update_all per tree height)
    for l in range(LEVELS - 1, -1, -1):
        start, end = 2 ** l - 1, 2 ** (l + 1) - 1
        parents = jnp.arange(start, end)
        left = 2 * parents + 1
        right = 2 * parents + 2
        # message_func: gather children h, c
        h_cat = jnp.concatenate([h_all[left], h_all[right]], axis=1)  # (P, 2H)
        # reduce_func
        f = jax.nn.sigmoid(h_cat @ Uf_W + Uf_b).reshape(end - start, 2, H_SIZE)
        c_child = jnp.stack([c_all[left], c_all[right]], axis=1)  # (P, 2, H)
        c_red = jnp.sum(f * c_child, axis=1)
        iou_l = h_cat @ U_iou
        # apply_node_func, then scatter-overwrite into node state
        h_lv, c_lv = _apply_func(iou_l, b_iou, c_red)
        h_all = h_all.at[parents].set(h_lv)
        c_all = c_all.at[parents].set(c_lv)
    # readout over all nodes; dropout=0.0 -> identity
    logits = h_all @ lin_W + lin_b
    return logits


if False:  # reference __main__ guard neutralized (emitter)
    out = reference(**setup_inputs())
    print(out.shape)

if __name__ == "__main__":
    import jax
    _d = setup_inputs()
    print(jax.jit(kernel)(*tuple(_d.values())))

</pallas_src>

<mosaic_0001>
#map = affine_map<(d0, d1) -> (0, 0)>
#map1 = affine_map<(d0, d1) -> (0)>
module attributes {stable_mosaic.version = 14 : i64} {
  func.func @_sc_gather_body(%arg0: i32, %arg1: i32, %arg2: memref<100000x128xf32, #tpu.memory_space<hbm>>, %arg3: memref<32768xi32, #tpu.memory_space<hbm>>, %arg4: memref<32768x128xf32, #tpu.memory_space<hbm>>, %arg5: memref<1024xi32, #tpu.memory_space<vmem>>, %arg6: memref<3x256x128xf32, #tpu.memory_space<vmem>>, %arg7: memref<!tpu.dma_semaphore, #tpu.memory_space<semaphore_mem>>, %arg8: memref<!tpu.dma_semaphore, #tpu.memory_space<semaphore_mem>>) attributes {dimension_semantics = [#tpu.dimension_semantics<core_parallel>, #tpu.dimension_semantics<subcore_parallel>], iteration_bounds = array<i64: 2, 16>, scalar_prefetch = 0 : i64, scratch_operands = 4 : i64, tpu.core_type = #tpu.core_type<sc_vector_subcore>, window_params = [{transform_indices = #map}, {transform_indices = #map1}, {transform_indices = #map}]} {
    %mul3A = arith.constant 2 : i32
    %mul3A_0 = arith.muli %arg1, %mul3A : i32
    %add3A = arith.addi %mul3A_0, %arg0 : i32
    %mul3A_1 = arith.constant 1024 : i32
    %mul3A_2 = arith.muli %add3A, %mul3A_1 : i32
    "tpu.region"() ({
      %run_scoped3A = tpu.sem_alloc : memref<!tpu.dma_semaphore, #tpu.memory_space<semaphore_mem>>
      %dma_start3A_193 = tpu.memref_slice %arg3[%mul3A_2] : memref<32768xi32, #tpu.memory_space<hbm>> -> memref<1024xi32, #tpu.memory_space<hbm>>
      %dma_start3A_194 = tpu.memref_slice %arg3[%mul3A_2] : memref<32768xi32, #tpu.memory_space<hbm>> -> memref<1024xi32, #tpu.memory_space<hbm>>
      tpu.enqueue_dma source(%dma_start3A_194 : memref<1024xi32, #tpu.memory_space<hbm>>) target(%arg5 : memref<1024xi32, #tpu.memory_space<vmem>>) target_semaphore(%run_scoped3A : memref<!tpu.dma_semaphore, #tpu.memory_space<semaphore_mem>>)
      %dma_wait3A_195 = tpu.memref_slice %arg3[%mul3A_2] : memref<32768xi32, #tpu.memory_space<hbm>> -> memref<1024xi32, #tpu.memory_space<hbm>>
      %dma_wait3A_196 = tpu.memref_slice %arg3[%mul3A_2] : memref<32768xi32, #tpu.memory_space<hbm>> -> memref<1024xi32, #tpu.memory_space<hbm>>
      tpu.wait_dma2 semaphore(%run_scoped3A : memref<!tpu.dma_semaphore, #tpu.memory_space<semaphore_mem>>) src(%dma_wait3A_196 : memref<1024xi32, #tpu.memory_space<hbm>>) dst(%arg5 : memref<1024xi32, #tpu.memory_space<vmem>>)
      tpu.yield
    }) : () -> ()
    %dma_start3A = arith.constant 0 : i32
    %dma_start3A_3 = arith.constant 0 : i32
    %dma_start3A_4 = arith.constant 0 : i32
    %dma_start3A_5 = tpu.memref_slice %arg6[%dma_start3A, %dma_start3A_3, %dma_start3A_4] : memref<3x256x128xf32, #tpu.memory_space<vmem>> -> memref<1x256x128xf32, #tpu.memory_space<vmem>>
    %dma_start3A_6 = tpu.memref_squeeze %dma_start3A_5 : memref<1x256x128xf32, #tpu.memory_space<vmem>> -> memref<256x128xf32, #tpu.memory_space<vmem>>
    %dma_start3A_7 = arith.constant 0 : i32
    %dma_start3A_8 = tpu.memref_slice %arg5[%dma_start3A_7] : memref<1024xi32, #tpu.memory_space<vmem>> -> memref<256xi32, #tpu.memory_space<vmem>>
    %dma_start3A_9 = arith.constant 0 : i32
    %dma_start3A_10 = arith.constant 0 : i32
    %dma_start3A_11 = tpu.memref_slice %arg2[%dma_start3A_9, %dma_start3A_10] : memref<100000x128xf32, #tpu.memory_space<hbm>> -> memref<100000x128xf32, #tpu.memory_space<hbm>>
    tpu.enqueue_indirect_dma source(%dma_start3A_11 : memref<100000x128xf32, #tpu.memory_space<hbm>>) target(%dma_start3A_6 : memref<256x128xf32, #tpu.memory_space<vmem>>) offsets(%dma_start3A_8 : memref<256xi32, #tpu.memory_space<vmem>>) semaphore(%arg7 : memref<!tpu.dma_semaphore, #tpu.memory_space<semaphore_mem>>)
    %dma_start3A_12 = arith.constant 1 : i32
    %dma_start3A_13 = arith.constant 0 : i32
    %dma_start3A_14 = arith.constant 0 : i32
    %dma_start3A_15 = tpu.memref_slice %arg6[%dma_start3A_12, %dma_start3A_13, %dma_start3A_14] : memref<3x256x128xf32, #tpu.memory_space<vmem>> -> memref<1x256x128xf32, #tpu.memory_space<vmem>>
    %dma_start3A_16 = tpu.memref_squeeze %dma_start3A_15 : memref<1x256x128xf32, #tpu.memory_space<vmem>> -> memref<256x128xf32, #tpu.memory_space<vmem>>
    %dma_start3A_17 = arith.constant 256 : i32
    %dma_start3A_18 = tpu.memref_slice %arg5[%dma_start3A_17] : memref<1024xi32, #tpu.memory_space<vmem>> -> memref<256xi32, #tpu.memory_space<vmem>>
    %dma_start3A_19 = arith.constant 0 : i32
    %dma_start3A_20 = arith.constant 0 : i32
    %dma_start3A_21 = tpu.memref_slice %arg2[%dma_start3A_19, %dma_start3A_20] : memref<100000x128xf32, #tpu.memory_space<hbm>> -> memref<100000x128xf32, #tpu.memory_space<hbm>>
    tpu.enqueue_indirect_dma source(%dma_start3A_21 : memref<100000x128xf32, #tpu.memory_space<hbm>>) target(%dma_start3A_16 : memref<256x128xf32, #tpu.memory_space<vmem>>) offsets(%dma_start3A_18 : memref<256xi32, #tpu.memory_space<vmem>>) semaphore(%arg7 : memref<!tpu.dma_semaphore, #tpu.memory_space<semaphore_mem>>)
    %dma_start3A_22 = arith.constant 2 : i32
    %dma_start3A_23 = arith.constant 0 : i32
    %dma_start3A_24 = arith.constant 0 : i32
    %dma_start3A_25 = tpu.memref_slice %arg6[%dma_start3A_22, %dma_start3A_23, %dma_start3A_24] : memref<3x256x128xf32, #tpu.memory_space<vmem>> -> memref<1x256x128xf32, #tpu.memory_space<vmem>>
    %dma_start3A_26 = tpu.memref_squeeze %dma_start3A_25 : memref<1x256x128xf32, #tpu.memory_space<vmem>> -> memref<256x128xf32, #tpu.memory_space<vmem>>
    %dma_start3A_27 = arith.constant 512 : i32
    %dma_start3A_28 = tpu.memref_slice %arg5[%dma_start3A_27] : memref<1024xi32, #tpu.memory_space<vmem>> -> memref<256xi32, #tpu.memory_space<vmem>>
    %dma_start3A_29 = arith.constant 0 : i32
    %dma_start3A_30 = arith.constant 0 : i32
    %dma_start3A_31 = tpu.memref_slice %arg2[%dma_start3A_29, %dma_start3A_30] : memref<100000x128xf32, #tpu.memory_space<hbm>> -> memref<100000x128xf32, #tpu.memory_space<hbm>>
    tpu.enqueue_indirect_dma source(%dma_start3A_31 : memref<100000x128xf32, #tpu.memory_space<hbm>>) target(%dma_start3A_26 : memref<256x128xf32, #tpu.memory_space<vmem>>) offsets(%dma_start3A_28 : memref<256xi32, #tpu.memory_space<vmem>>) semaphore(%arg7 : memref<!tpu.dma_semaphore, #tpu.memory_space<semaphore_mem>>)
    %dma_wait3A = arith.constant 0 : i32
    %dma_wait3A_32 = arith.constant 0 : i32
    %dma_wait3A_33 = arith.constant 0 : i32
    %dma_wait3A_34 = tpu.memref_slice %arg6[%dma_wait3A, %dma_wait3A_32, %dma_wait3A_33] : memref<3x256x128xf32, #tpu.memory_space<vmem>> -> memref<1x256x128xf32, #tpu.memory_space<vmem>>
    %dma_wait3A_35 = tpu.memref_squeeze %dma_wait3A_34 : memref<1x256x128xf32, #tpu.memory_space<vmem>> -> memref<256x128xf32, #tpu.memory_space<vmem>>
    %dma_wait3A_36 = arith.constant 0 : i32
    %dma_wait3A_37 = tpu.memref_slice %arg5[%dma_wait3A_36] : memref<1024xi32, #tpu.memory_space<vmem>> -> memref<256xi32, #tpu.memory_space<vmem>>
    %dma_wait3A_38 = arith.constant 0 : i32
    %dma_wait3A_39 = arith.constant 0 : i32
    %dma_wait3A_40 = tpu.memref_slice %arg2[%dma_wait3A_38, %dma_wait3A_39] : memref<100000x128xf32, #tpu.memory_space<hbm>> -> memref<100000x128xf32, #tpu.memory_space<hbm>>
    tpu.wait_indirect_dma semaphore(%arg7 : memref<!tpu.dma_semaphore, #tpu.memory_space<semaphore_mem>>) src(%dma_wait3A_40 : memref<100000x128xf32, #tpu.memory_space<hbm>>) dst(%dma_wait3A_35 : memref<256x128xf32, #tpu.memory_space<vmem>>)
    %add3A_41 = arith.constant 0 : i32
    %add3A_42 = arith.addi %mul3A_2, %add3A_41 : i32
    %dma_start3A_43 = arith.constant 0 : i32
    %dma_start3A_44 = arith.constant 0 : i32
    %dma_start3A_45 = arith.constant 0 : i32
    %dma_start3A_46 = tpu.memref_slice %arg6[%dma_start3A_43, %dma_start3A_44, %dma_start3A_45] : memref<3x256x128xf32, #tpu.memory_space<vmem>> -> memref<1x256x128xf32, #tpu.memory_space<vmem>>
    %dma_start3A_47 = tpu.memref_squeeze %dma_start3A_46 : memref<1x256x128xf32, #tpu.memory_space<vmem>> -> memref<256x128xf32, #tpu.memory_space<vmem>>
    %dma_start3A_48 = arith.constant 0 : i32
    %dma_start3A_49 = tpu.memref_slice %arg4[%add3A_42, %dma_start3A_48] : memref<32768x128xf32, #tpu.memory_space<hbm>> -> memref<256x128xf32, #tpu.memory_space<hbm>>
    %dma_start3A_50 = arith.constant 0 : i32
    %dma_start3A_51 = tpu.memref_slice %arg4[%add3A_42, %dma_start3A_50] : memref<32768x128xf32, #tpu.memory_space<hbm>> -> memref<256x128xf32, #tpu.memory_space<hbm>>
    %dma_start3A_52 = arith.constant 0 : i32
    %dma_start3A_53 = arith.constant 0 : i32
    %dma_start3A_54 = tpu.memref_slice %arg6[%dma_start3A_43, %dma_start3A_52, %dma_start3A_53] : memref<3x256x128xf32, #tpu.memory_space<vmem>> -> memref<1x256x128xf32, #tpu.memory_space<vmem>>
    %dma_start3A_55 = tpu.memref_squeeze %dma_start3A_54 : memref<1x256x128xf32, #tpu.memory_space<vmem>> -> memref<256x128xf32, #tpu.memory_space<vmem>>
    tpu.enqueue_dma source(%dma_start3A_55 : memref<256x128xf32, #tpu.memory_space<vmem>>) target(%dma_start3A_51 : memref<256x128xf32, #tpu.memory_space<hbm>>) target_semaphore(%arg8 : memref<!tpu.dma_semaphore, #tpu.memory_space<semaphore_mem>>)
    %dma_wait3A_56 = arith.constant 0 : i32
    %dma_wait3A_57 = arith.constant 0 : i32
    %dma_wait3A_58 = arith.constant 0 : i32
    %dma_wait3A_59 = tpu.memref_slice %arg6[%dma_wait3A_56, %dma_wait3A_57, %dma_wait3A_58] : memref<3x256x128xf32, #tpu.memory_space<vmem>> -> memref<1x256x128xf32, #tpu.memory_space<vmem>>
    %dma_wait3A_60 = tpu.memref_squeeze %dma_wait3A_59 : memref<1x256x128xf32, #tpu.memory_space<vmem>> -> memref<256x128xf32, #tpu.memory_space<vmem>>
    %dma_wait3A_61 = arith.constant 0 : i32
    %dma_wait3A_62 = tpu.memref_slice %arg4[%add3A_42, %dma_wait3A_61] : memref<32768x128xf32, #tpu.memory_space<hbm>> -> memref<256x128xf32, #tpu.memory_space<hbm>>
    %dma_wait3A_63 = arith.constant 0 : i32
    %dma_wait3A_64 = tpu.memref_slice %arg4[%add3A_42, %dma_wait3A_63] : memref<32768x128xf32, #tpu.memory_space<hbm>> -> memref<256x128xf32, #tpu.memory_space<hbm>>
    %dma_wait3A_65 = arith.constant 0 : i32
    %dma_wait3A_66 = arith.constant 0 : i32
    %dma_wait3A_67 = tpu.memref_slice %arg6[%dma_wait3A_56, %dma_wait3A_65, %dma_wait3A_66] : memref<3x256x128xf32, #tpu.memory_space<vmem>> -> memref<1x256x128xf32, #tpu.memory_space<vmem>>
    %dma_wait3A_68 = tpu.memref_squeeze %dma_wait3A_67 : memref<1x256x128xf32, #tpu.memory_space<vmem>> -> memref<256x128xf32, #tpu.memory_space<vmem>>
    tpu.wait_dma2 semaphore(%arg8 : memref<!tpu.dma_semaphore, #tpu.memory_space<semaphore_mem>>) src(%dma_wait3A_68 : memref<256x128xf32, #tpu.memory_space<vmem>>) dst(%dma_wait3A_64 : memref<256x128xf32, #tpu.memory_space<hbm>>)
    %dma_start3A_69 = arith.constant 0 : i32
    %dma_start3A_70 = arith.constant 0 : i32
    %dma_start3A_71 = arith.constant 0 : i32
    %dma_start3A_72 = tpu.memref_slice %arg6[%dma_start3A_69, %dma_start3A_70, %dma_start3A_71] : memref<3x256x128xf32, #tpu.memory_space<vmem>> -> memref<1x256x128xf32, #tpu.memory_space<vmem>>
    %dma_start3A_73 = tpu.memref_squeeze %dma_start3A_72 : memref<1x256x128xf32, #tpu.memory_space<vmem>> -> memref<256x128xf32, #tpu.memory_space<vmem>>
    %dma_start3A_74 = arith.constant 768 : i32
    %dma_start3A_75 = tpu.memref_slice %arg5[%dma_start3A_74] : memref<1024xi32, #tpu.memory_space<vmem>> -> memref<256xi32, #tpu.memory_space<vmem>>
    %dma_start3A_76 = arith.constant 0 : i32
    %dma_start3A_77 = arith.constant 0 : i32
    %dma_start3A_78 = tpu.memref_slice %arg2[%dma_start3A_76, %dma_start3A_77] : memref<100000x128xf32, #tpu.memory_space<hbm>> -> memref<100000x128xf32, #tpu.memory_space<hbm>>
    tpu.enqueue_indirect_dma source(%dma_start3A_78 : memref<100000x128xf32, #tpu.memory_space<hbm>>) target(%dma_start3A_73 : memref<256x128xf32, #tpu.memory_space<vmem>>) offsets(%dma_start3A_75 : memref<256xi32, #tpu.memory_space<vmem>>) semaphore(%arg7 : memref<!tpu.dma_semaphore, #tpu.memory_space<semaphore_mem>>)
    %dma_wait3A_79 = arith.constant 1 : i32
    %dma_wait3A_80 = arith.constant 0 : i32
    %dma_wait3A_81 = arith.constant 0 : i32
    %dma_wait3A_82 = tpu.memref_slice %arg6[%dma_wait3A_79, %dma_wait3A_80, %dma_wait3A_81] : memref<3x256x128xf32, #tpu.memory_space<vmem>> -> memref<1x256x128xf32, #tpu.memory_space<vmem>>
    %dma_wait3A_83 = tpu.memref_squeeze %dma_wait3A_82 : memref<1x256x128xf32, #tpu.memory_space<vmem>> -> memref<256x128xf32, #tpu.memory_space<vmem>>
    %dma_wait3A_84 = arith.constant 256 : i32
    %dma_wait3A_85 = tpu.memref_slice %arg5[%dma_wait3A_84] : memref<1024xi32, #tpu.memory_space<vmem>> -> memref<256xi32, #tpu.memory_space<vmem>>
    %dma_wait3A_86 = arith.constant 0 : i32
    %dma_wait3A_87 = arith.constant 0 : i32
    %dma_wait3A_88 = tpu.memref_slice %arg2[%dma_wait3A_86, %dma_wait3A_87] : memref<100000x128xf32, #tpu.memory_space<hbm>> -> memref<100000x128xf32, #tpu.memory_space<hbm>>
    tpu.wait_indirect_dma semaphore(%arg7 : memref<!tpu.dma_semaphore, #tpu.memory_space<semaphore_mem>>) src(%dma_wait3A_88 : memref<100000x128xf32, #tpu.memory_space<hbm>>) dst(%dma_wait3A_83 : memref<256x128xf32, #tpu.memory_space<vmem>>)
    %add3A_89 = arith.constant 256 : i32
    %add3A_90 = arith.addi %mul3A_2, %add3A_89 : i32
    %dma_start3A_91 = arith.constant 1 : i32
    %dma_start3A_92 = arith.constant 0 : i32
    %dma_start3A_93 = arith.constant 0 : i32
    %dma_start3A_94 = tpu.memref_slice %arg6[%dma_start3A_91, %dma_start3A_92, %dma_start3A_93] : memref<3x256x128xf32, #tpu.memory_space<vmem>> -> memref<1x256x128xf32, #tpu.memory_space<vmem>>
    %dma_start3A_95 = tpu.memref_squeeze %dma_start3A_94 : memref<1x256x128xf32, #tpu.memory_space<vmem>> -> memref<256x128xf32, #tpu.memory_space<vmem>>
    %dma_start3A_96 = arith.constant 0 : i32
    %dma_start3A_97 = tpu.memref_slice %arg4[%add3A_90, %dma_start3A_96] : memref<32768x128xf32, #tpu.memory_space<hbm>> -> memref<256x128xf32, #tpu.memory_space<hbm>>
    %dma_start3A_98 = arith.constant 0 : i32
    %dma_start3A_99 = tpu.memref_slice %arg4[%add3A_90, %dma_start3A_98] : memref<32768x128xf32, #tpu.memory_space<hbm>> -> memref<256x128xf32, #tpu.memory_space<hbm>>
    %dma_start3A_100 = arith.constant 0 : i32
    %dma_start3A_101 = arith.constant 0 : i32
    %dma_start3A_102 = tpu.memref_slice %arg6[%dma_start3A_91, %dma_start3A_100, %dma_start3A_101] : memref<3x256x128xf32, #tpu.memory_space<vmem>> -> memref<1x256x128xf32, #tpu.memory_space<vmem>>
    %dma_start3A_103 = tpu.memref_squeeze %dma_start3A_102 : memref<1x256x128xf32, #tpu.memory_space<vmem>> -> memref<256x128xf32, #tpu.memory_space<vmem>>
    tpu.enqueue_dma source(%dma_start3A_103 : memref<256x128xf32, #tpu.memory_space<vmem>>) target(%dma_start3A_99 : memref<256x128xf32, #tpu.memory_space<hbm>>) target_semaphore(%arg8 : memref<!tpu.dma_semaphore, #tpu.memory_space<semaphore_mem>>)
    %dma_wait3A_104 = arith.constant 2 : i32
    %dma_wait3A_105 = arith.constant 0 : i32
    %dma_wait3A_106 = arith.constant 0 : i32
    %dma_wait3A_107 = tpu.memref_slice %arg6[%dma_wait3A_104, %dma_wait3A_105, %dma_wait3A_106] : memref<3x256x128xf32, #tpu.memory_space<vmem>> -> memref<1x256x128xf32, #tpu.memory_space<vmem>>
    %dma_wait3A_108 = tpu.memref_squeeze %dma_wait3A_107 : memref<1x256x128xf32, #tpu.memory_space<vmem>> -> memref<256x128xf32, #tpu.memory_space<vmem>>
    %dma_wait3A_109 = arith.constant 512 : i32
    %dma_wait3A_110 = tpu.memref_slice %arg5[%dma_wait3A_109] : memref<1024xi32, #tpu.memory_space<vmem>> -> memref<256xi32, #tpu.memory_space<vmem>>
    %dma_wait3A_111 = arith.constant 0 : i32
    %dma_wait3A_112 = arith.constant 0 : i32
    %dma_wait3A_113 = tpu.memref_slice %arg2[%dma_wait3A_111, %dma_wait3A_112] : memref<100000x128xf32, #tpu.memory_space<hbm>> -> memref<100000x128xf32, #tpu.memory_space<hbm>>
    tpu.wait_indirect_dma semaphore(%arg7 : memref<!tpu.dma_semaphore, #tpu.memory_space<semaphore_mem>>) src(%dma_wait3A_113 : memref<100000x128xf32, #tpu.memory_space<hbm>>) dst(%dma_wait3A_108 : memref<256x128xf32, #tpu.memory_space<vmem>>)
    %add3A_114 = arith.constant 512 : i32
    %add3A_115 = arith.addi %mul3A_2, %add3A_114 : i32
    %dma_start3A_116 = arith.constant 2 : i32
    %dma_start3A_117 = arith.constant 0 : i32
    %dma_start3A_118 = arith.constant 0 : i32
    %dma_start3A_119 = tpu.memref_slice %arg6[%dma_start3A_116, %dma_start3A_117, %dma_start3A_118] : memref<3x256x128xf32, #tpu.memory_space<vmem>> -> memref<1x256x128xf32, #tpu.memory_space<vmem>>
    %dma_start3A_120 = tpu.memref_squeeze %dma_start3A_119 : memref<1x256x128xf32, #tpu.memory_space<vmem>> -> memref<256x128xf32, #tpu.memory_space<vmem>>
    %dma_start3A_121 = arith.constant 0 : i32
    %dma_start3A_122 = tpu.memref_slice %arg4[%add3A_115, %dma_start3A_121] : memref<32768x128xf32, #tpu.memory_space<hbm>> -> memref<256x128xf32, #tpu.memory_space<hbm>>
    %dma_start3A_123 = arith.constant 0 : i32
    %dma_start3A_124 = tpu.memref_slice %arg4[%add3A_115, %dma_start3A_123] : memref<32768x128xf32, #tpu.memory_space<hbm>> -> memref<256x128xf32, #tpu.memory_space<hbm>>
    %dma_start3A_125 = arith.constant 0 : i32
    %dma_start3A_126 = arith.constant 0 : i32
    %dma_start3A_127 = tpu.memref_slice %arg6[%dma_start3A_116, %dma_start3A_125, %dma_start3A_126] : memref<3x256x128xf32, #tpu.memory_space<vmem>> -> memref<1x256x128xf32, #tpu.memory_space<vmem>>
    %dma_start3A_128 = tpu.memref_squeeze %dma_start3A_127 : memref<1x256x128xf32, #tpu.memory_space<vmem>> -> memref<256x128xf32, #tpu.memory_space<vmem>>
    tpu.enqueue_dma source(%dma_start3A_128 : memref<256x128xf32, #tpu.memory_space<vmem>>) target(%dma_start3A_124 : memref<256x128xf32, #tpu.memory_space<hbm>>) target_semaphore(%arg8 : memref<!tpu.dma_semaphore, #tpu.memory_space<semaphore_mem>>)
    %dma_wait3A_129 = arith.constant 0 : i32
    %dma_wait3A_130 = arith.constant 0 : i32
    %dma_wait3A_131 = arith.constant 0 : i32
    %dma_wait3A_132 = tpu.memref_slice %arg6[%dma_wait3A_129, %dma_wait3A_130, %dma_wait3A_131] : memref<3x256x128xf32, #tpu.memory_space<vmem>> -> memref<1x256x128xf32, #tpu.memory_space<vmem>>
    %dma_wait3A_133 = tpu.memref_squeeze %dma_wait3A_132 : memref<1x256x128xf32, #tpu.memory_space<vmem>> -> memref<256x128xf32, #tpu.memory_space<vmem>>
    %dma_wait3A_134 = arith.constant 768 : i32
    %dma_wait3A_135 = tpu.memref_slice %arg5[%dma_wait3A_134] : memref<1024xi32, #tpu.memory_space<vmem>> -> memref<256xi32, #tpu.memory_space<vmem>>
    %dma_wait3A_136 = arith.constant 0 : i32
    %dma_wait3A_137 = arith.constant 0 : i32
    %dma_wait3A_138 = tpu.memref_slice %arg2[%dma_wait3A_136, %dma_wait3A_137] : memref<100000x128xf32, #tpu.memory_space<hbm>> -> memref<100000x128xf32, #tpu.memory_space<hbm>>
    tpu.wait_indirect_dma semaphore(%arg7 : memref<!tpu.dma_semaphore, #tpu.memory_space<semaphore_mem>>) src(%dma_wait3A_138 : memref<100000x128xf32, #tpu.memory_space<hbm>>) dst(%dma_wait3A_133 : memref<256x128xf32, #tpu.memory_space<vmem>>)
    %add3A_139 = arith.constant 768 : i32
    %add3A_140 = arith.addi %mul3A_2, %add3A_139 : i32
    %dma_start3A_141 = arith.constant 0 : i32
    %dma_start3A_142 = arith.constant 0 : i32
    %dma_start3A_143 = arith.constant 0 : i32
    %dma_start3A_144 = tpu.memref_slice %arg6[%dma_start3A_141, %dma_start3A_142, %dma_start3A_143] : memref<3x256x128xf32, #tpu.memory_space<vmem>> -> memref<1x256x128xf32, #tpu.memory_space<vmem>>
    %dma_start3A_145 = tpu.memref_squeeze %dma_start3A_144 : memref<1x256x128xf32, #tpu.memory_space<vmem>> -> memref<256x128xf32, #tpu.memory_space<vmem>>
    %dma_start3A_146 = arith.constant 0 : i32
    %dma_start3A_147 = tpu.memref_slice %arg4[%add3A_140, %dma_start3A_146] : memref<32768x128xf32, #tpu.memory_space<hbm>> -> memref<256x128xf32, #tpu.memory_space<hbm>>
    %dma_start3A_148 = arith.constant 0 : i32
    %dma_start3A_149 = tpu.memref_slice %arg4[%add3A_140, %dma_start3A_148] : memref<32768x128xf32, #tpu.memory_space<hbm>> -> memref<256x128xf32, #tpu.memory_space<hbm>>
    %dma_start3A_150 = arith.constant 0 : i32
    %dma_start3A_151 = arith.constant 0 : i32
    %dma_start3A_152 = tpu.memref_slice %arg6[%dma_start3A_141, %dma_start3A_150, %dma_start3A_151] : memref<3x256x128xf32, #tpu.memory_space<vmem>> -> memref<1x256x128xf32, #tpu.memory_space<vmem>>
    %dma_start3A_153 = tpu.memref_squeeze %dma_start3A_152 : memref<1x256x128xf32, #tpu.memory_space<vmem>> -> memref<256x128xf32, #tpu.memory_space<vmem>>
    tpu.enqueue_dma source(%dma_start3A_153 : memref<256x128xf32, #tpu.memory_space<vmem>>) target(%dma_start3A_149 : memref<256x128xf32, #tpu.memory_space<hbm>>) target_semaphore(%arg8 : memref<!tpu.dma_semaphore, #tpu.memory_space<semaphore_mem>>)
    %dma_wait3A_154 = arith.constant 1 : i32
    %dma_wait3A_155 = arith.constant 0 : i32
    %dma_wait3A_156 = arith.constant 0 : i32
    %dma_wait3A_157 = tpu.memref_slice %arg6[%dma_wait3A_154, %dma_wait3A_155, %dma_wait3A_156] : memref<3x256x128xf32, #tpu.memory_space<vmem>> -> memref<1x256x128xf32, #tpu.memory_space<vmem>>
    %dma_wait3A_158 = tpu.memref_squeeze %dma_wait3A_157 : memref<1x256x128xf32, #tpu.memory_space<vmem>> -> memref<256x128xf32, #tpu.memory_space<vmem>>
    %dma_wait3A_159 = arith.constant 0 : i32
    %dma_wait3A_160 = tpu.memref_slice %arg4[%add3A_90, %dma_wait3A_159] : memref<32768x128xf32, #tpu.memory_space<hbm>> -> memref<256x128xf32, #tpu.memory_space<hbm>>
    %dma_wait3A_161 = arith.constant 0 : i32
    %dma_wait3A_162 = tpu.memref_slice %arg4[%add3A_90, %dma_wait3A_161] : memref<32768x128xf32, #tpu.memory_space<hbm>> -> memref<256x128xf32, #tpu.memory_space<hbm>>
    %dma_wait3A_163 = arith.constant 0 : i32
    %dma_wait3A_164 = arith.constant 0 : i32
    %dma_wait3A_165 = tpu.memref_slice %arg6[%dma_wait3A_154, %dma_wait3A_163, %dma_wait3A_164] : memref<3x256x128xf32, #tpu.memory_space<vmem>> -> memref<1x256x128xf32, #tpu.memory_space<vmem>>
    %dma_wait3A_166 = tpu.memref_squeeze %dma_wait3A_165 : memref<1x256x128xf32, #tpu.memory_space<vmem>> -> memref<256x128xf32, #tpu.memory_space<vmem>>
    tpu.wait_dma2 semaphore(%arg8 : memref<!tpu.dma_semaphore, #tpu.memory_space<semaphore_mem>>) src(%dma_wait3A_166 : memref<256x128xf32, #tpu.memory_space<vmem>>) dst(%dma_wait3A_162 : memref<256x128xf32, #tpu.memory_space<hbm>>)
    %dma_wait3A_167 = arith.constant 2 : i32
    %dma_wait3A_168 = arith.constant 0 : i32
    %dma_wait3A_169 = arith.constant 0 : i32
    %dma_wait3A_170 = tpu.memref_slice %arg6[%dma_wait3A_167, %dma_wait3A_168, %dma_wait3A_169] : memref<3x256x128xf32, #tpu.memory_space<vmem>> -> memref<1x256x128xf32, #tpu.memory_space<vmem>>
    %dma_wait3A_171 = tpu.memref_squeeze %dma_wait3A_170 : memref<1x256x128xf32, #tpu.memory_space<vmem>> -> memref<256x128xf32, #tpu.memory_space<vmem>>
    %dma_wait3A_172 = arith.constant 0 : i32
    %dma_wait3A_173 = tpu.memref_slice %arg4[%add3A_115, %dma_wait3A_172] : memref<32768x128xf32, #tpu.memory_space<hbm>> -> memref<256x128xf32, #tpu.memory_space<hbm>>
    %dma_wait3A_174 = arith.constant 0 : i32
    %dma_wait3A_175 = tpu.memref_slice %arg4[%add3A_115, %dma_wait3A_174] : memref<32768x128xf32, #tpu.memory_space<hbm>> -> memref<256x128xf32, #tpu.memory_space<hbm>>
    %dma_wait3A_176 = arith.constant 0 : i32
    %dma_wait3A_177 = arith.constant 0 : i32
    %dma_wait3A_178 = tpu.memref_slice %arg6[%dma_wait3A_167, %dma_wait3A_176, %dma_wait3A_177] : memref<3x256x128xf32, #tpu.memory_space<vmem>> -> memref<1x256x128xf32, #tpu.memory_space<vmem>>
    %dma_wait3A_179 = tpu.memref_squeeze %dma_wait3A_178 : memref<1x256x128xf32, #tpu.memory_space<vmem>> -> memref<256x128xf32, #tpu.memory_space<vmem>>
    tpu.wait_dma2 semaphore(%arg8 : memref<!tpu.dma_semaphore, #tpu.memory_space<semaphore_mem>>) src(%dma_wait3A_179 : memref<256x128xf32, #tpu.memory_space<vmem>>) dst(%dma_wait3A_175 : memref<256x128xf32, #tpu.memory_space<hbm>>)
    %dma_wait3A_180 = arith.constant 0 : i32
    %dma_wait3A_181 = arith.constant 0 : i32
    %dma_wait3A_182 = arith.constant 0 : i32
    %dma_wait3A_183 = tpu.memref_slice %arg6[%dma_wait3A_180, %dma_wait3A_181, %dma_wait3A_182] : memref<3x256x128xf32, #tpu.memory_space<vmem>> -> memref<1x256x128xf32, #tpu.memory_space<vmem>>
    %dma_wait3A_184 = tpu.memref_squeeze %dma_wait3A_183 : memref<1x256x128xf32, #tpu.memory_space<vmem>> -> memref<256x128xf32, #tpu.memory_space<vmem>>
    %dma_wait3A_185 = arith.constant 0 : i32
    %dma_wait3A_186 = tpu.memref_slice %arg4[%add3A_140, %dma_wait3A_185] : memref<32768x128xf32, #tpu.memory_space<hbm>> -> memref<256x128xf32, #tpu.memory_space<hbm>>
    %dma_wait3A_187 = arith.constant 0 : i32
    %dma_wait3A_188 = tpu.memref_slice %arg4[%add3A_140, %dma_wait3A_187] : memref<32768x128xf32, #tpu.memory_space<hbm>> -> memref<256x128xf32, #tpu.memory_space<hbm>>
    %dma_wait3A_189 = arith.constant 0 : i32
    %dma_wait3A_190 = arith.constant 0 : i32
    %dma_wait3A_191 = tpu.memref_slice %arg6[%dma_wait3A_180, %dma_wait3A_189, %dma_wait3A_190] : memref<3x256x128xf32, #tpu.memory_space<vmem>> -> memref<1x256x128xf32, #tpu.memory_space<vmem>>
    %dma_wait3A_192 = tpu.memref_squeeze %dma_wait3A_191 : memref<1x256x128xf32, #tpu.memory_space<vmem>> -> memref<256x128xf32, #tpu.memory_space<vmem>>
    tpu.wait_dma2 semaphore(%arg8 : memref<!tpu.dma_semaphore, #tpu.memory_space<semaphore_mem>>) src(%dma_wait3A_192 : memref<256x128xf32, #tpu.memory_space<vmem>>) dst(%dma_wait3A_188 : memref<256x128xf32, #tpu.memory_space<hbm>>)
    return
  }
}

module attributes {stable_mosaic.version = 14 : i64} {
  func.func @_tree_body(%arg0: memref<32768x128xf32, #tpu.memory_space<hbm>>, %arg1: memref<128x384xf32, #tpu.memory_space<vmem>>, %arg2: memref<256x384xf32, #tpu.memory_space<vmem>>, %arg3: memref<256x256xf32, #tpu.memory_space<vmem>>, %arg4: memref<1x384xf32, #tpu.memory_space<vmem>>, %arg5: memref<1x256xf32, #tpu.memory_space<vmem>>, %arg6: memref<128x5xf32, #tpu.memory_space<vmem>>, %arg7: memref<1x5xf32, #tpu.memory_space<vmem>>, %arg8: memref<65535x5xf32, #tpu.memory_space<hbm>>, %arg9: memref<16384x128xf32, #tpu.memory_space<vmem>>, %arg10: memref<16384x128xf32, #tpu.memory_space<vmem>>, %arg11: memref<8192x128xf32, #tpu.memory_space<vmem>>, %arg12: memref<8192x128xf32, #tpu.memory_space<vmem>>, %arg13: memref<4x2048x5xf32, #tpu.memory_space<vmem>>, %arg14: memref<2x2048x128xf32, #tpu.memory_space<vmem>>, %arg15: memref<!tpu.dma_semaphore, #tpu.memory_space<semaphore_mem>>, %arg16: memref<!tpu.dma_semaphore, #tpu.memory_space<semaphore_mem>>) attributes {dimension_semantics = [], scalar_prefetch = 0 : i64, scratch_operands = 8 : i64, tpu.core_type = #tpu.core_type<tc>} {
    %iota3A = tpu.iota {dimensions = array<i32: 1>} : vector<1x384xi32>
    %lt3A = arith.constant 256 : i32
    %lt3A_0 = vector.broadcast %lt3A : i32 to vector<1x384xi32>
    %lt3A_1 = arith.cmpi slt, %iota3A, %lt3A_0 : vector<1x384xi32>
    %jit3A = arith.constant 5.000000e-01 : f32
    %jit3A_2 = arith.constant 1.000000e+00 : f32
    %broadcast_in_dim3A = vector.broadcast %jit3A : f32 to vector<1x384xf32>
    %broadcast_in_dim3A_3 = vector.broadcast %jit3A_2 : f32 to vector<1x384xf32>
    %select_n3A = arith.select %lt3A_1, %broadcast_in_dim3A, %broadcast_in_dim3A_3 : vector<1x384xi1>, vector<1x384xf32>
    %get3A = arith.constant 0 : index
    %get3A_4 = arith.constant 0 : index
    %get3A_5 = vector.load %arg1[%get3A, %get3A_4] : memref<128x384xf32, #tpu.memory_space<vmem>>, vector<128x384xf32>
    %mul3A = vector.broadcast %select_n3A : vector<1x384xf32> to vector<128x384xf32>
    %mul3A_6 = arith.mulf %get3A_5, %mul3A : vector<128x384xf32>
    %convert_element_type3A = arith.truncf %mul3A_6 : vector<128x384xf32> to vector<128x384xbf16>
    %get3A_7 = arith.constant 0 : index
    %get3A_8 = arith.constant 0 : index
    %get3A_9 = vector.load %arg2[%get3A_7, %get3A_8] : memref<256x384xf32, #tpu.memory_space<vmem>>, vector<256x384xf32>
    %mul3A_10 = vector.broadcast %select_n3A : vector<1x384xf32> to vector<256x384xf32>
    %mul3A_11 = arith.mulf %get3A_9, %mul3A_10 : vector<256x384xf32>
    %convert_element_type3A_12 = arith.truncf %mul3A_11 : vector<256x384xf32> to vector<256x384xbf16>
    %get3A_13 = arith.constant 0 : index
    %get3A_14 = arith.constant 0 : index
    %get3A_15 = vector.load %arg3[%get3A_13, %get3A_14] : memref<256x256xf32, #tpu.memory_space<vmem>>, vector<256x256xf32>
    %mul3A_16 = arith.constant 5.000000e-01 : f32
    %mul3A_17 = vector.broadcast %mul3A_16 : f32 to vector<256x256xf32>
    %mul3A_18 = arith.mulf %get3A_15, %mul3A_17 : vector<256x256xf32>
    %convert_element_type3A_19 = arith.truncf %mul3A_18 : vector<256x256xf32> to vector<256x256xbf16>
    %get3A_20 = arith.constant 0 : index
    %get3A_21 = arith.constant 0 : index
    %get3A_22 = vector.load %arg4[%get3A_20, %get3A_21] : memref<1x384xf32, #tpu.memory_space<vmem>>, vector<1x384xf32>
    %mul3A_23 = arith.mulf %get3A_22, %select_n3A : vector<1x384xf32>
    %get3A_24 = arith.constant 0 : index
    %get3A_25 = arith.constant 0 : index
    %get3A_26 = vector.load %arg5[%get3A_24, %get3A_25] : memref<1x256xf32, #tpu.memory_space<vmem>>, vector<1x256xf32>
    %mul3A_27 = arith.constant 5.000000e-01 : f32
    %mul3A_28 = vector.broadcast %mul3A_27 : f32 to vector<1x256xf32>
    %mul3A_29 = arith.mulf %get3A_26, %mul3A_28 : vector<1x256xf32>
    %get3A_30 = arith.constant 0 : index
    %get3A_31 = arith.constant 0 : index
    %get3A_32 = vector.load %arg6[%get3A_30, %get3A_31] : memref<128x5xf32, #tpu.memory_space<vmem>>, vector<128x5xf32>
    %convert_element_type3A_33 = arith.truncf %get3A_32 : vector<128x5xf32> to vector<128x5xbf16>
    %get3A_34 = arith.constant 0 : index
    %get3A_35 = arith.constant 0 : index
    %get3A_36 = vector.load %arg7[%get3A_34, %get3A_35] : memref<1x5xf32, #tpu.memory_space<vmem>>, vector<1x5xf32>
    %dma_start3A = arith.constant 0 : i32
    %dma_start3A_37 = arith.constant 0 : i32
    %dma_start3A_38 = arith.constant 0 : i32
    %dma_start3A_39 = tpu.memref_slice %arg14[%dma_start3A, %dma_start3A_37, %dma_start3A_38] : memref<2x2048x128xf32, #tpu.memory_space<vmem>> -> memref<1x2048x128xf32, #tpu.memory_space<vmem>>
    %dma_start3A_40 = tpu.memref_squeeze %dma_start3A_39 : memref<1x2048x128xf32, #tpu.memory_space<vmem>> -> memref<2048x128xf32, #tpu.memory_space<vmem>>
    %dma_start3A_41 = arith.constant 0 : i32
    %dma_start3A_42 = arith.constant 0 : i32
    %dma_start3A_43 = tpu.memref_slice %arg0[%dma_start3A_41, %dma_start3A_42] : memref<32768x128xf32, #tpu.memory_space<hbm>> -> memref<2048x128xf32, #tpu.memory_space<hbm>>
    tpu.enqueue_dma source(%dma_start3A_43 : memref<2048x128xf32, #tpu.memory_space<hbm>>) target(%dma_start3A_40 : memref<2048x128xf32, #tpu.memory_space<vmem>>) target_semaphore(%arg16 : memref<!tpu.dma_semaphore, #tpu.memory_space<semaphore_mem>>)
    %dma_start3A_44 = arith.constant 1 : i32
    %dma_start3A_45 = arith.constant 0 : i32
    %dma_start3A_46 = arith.constant 0 : i32
    %dma_start3A_47 = tpu.memref_slice %arg14[%dma_start3A_44, %dma_start3A_45, %dma_start3A_46] : memref<2x2048x128xf32, #tpu.memory_space<vmem>> -> memref<1x2048x128xf32, #tpu.memory_space<vmem>>
    %dma_start3A_48 = tpu.memref_squeeze %dma_start3A_47 : memref<1x2048x128xf32, #tpu.memory_space<vmem>> -> memref<2048x128xf32, #tpu.memory_space<vmem>>
    %dma_start3A_49 = arith.constant 2048 : i32
    %dma_start3A_50 = arith.constant 0 : i32
    %dma_start3A_51 = tpu.memref_slice %arg0[%dma_start3A_49, %dma_start3A_50] : memref<32768x128xf32, #tpu.memory_space<hbm>> -> memref<2048x128xf32, #tpu.memory_space<hbm>>
    tpu.enqueue_dma source(%dma_start3A_51 : memref<2048x128xf32, #tpu.memory_space<hbm>>) target(%dma_start3A_48 : memref<2048x128xf32, #tpu.memory_space<vmem>>) target_semaphore(%arg16 : memref<!tpu.dma_semaphore, #tpu.memory_space<semaphore_mem>>)
    %dma_wait3A = arith.constant 0 : i32
    %dma_wait3A_52 = arith.constant 0 : i32
    %dma_wait3A_53 = arith.constant 0 : i32
    %dma_wait3A_54 = tpu.memref_slice %arg14[%dma_wait3A, %dma_wait3A_52, %dma_wait3A_53] : memref<2x2048x128xf32, #tpu.memory_space<vmem>> -> memref<1x2048x128xf32, #tpu.memory_space<vmem>>
    %dma_wait3A_55 = tpu.memref_squeeze %dma_wait3A_54 : memref<1x2048x128xf32, #tpu.memory_space<vmem>> -> memref<2048x128xf32, #tpu.memory_space<vmem>>
    %dma_wait3A_56 = arith.constant 0 : i32
    %dma_wait3A_57 = arith.constant 0 : i32
    %dma_wait3A_58 = tpu.memref_slice %arg0[%dma_wait3A_56, %dma_wait3A_57] : memref<32768x128xf32, #tpu.memory_space<hbm>> -> memref<2048x128xf32, #tpu.memory_space<hbm>>
    tpu.wait_dma2 semaphore(%arg16 : memref<!tpu.dma_semaphore, #tpu.memory_space<semaphore_mem>>) src(%dma_wait3A_58 : memref<2048x128xf32, #tpu.memory_space<hbm>>) dst(%dma_wait3A_55 : memref<2048x128xf32, #tpu.memory_space<vmem>>)
    %get3A_59 = arith.constant 0 : index
    %get3A_60 = arith.constant 0 : index
    %get3A_61 = arith.constant 0 : index
    %get3A_62 = vector.load %arg14[%get3A_59, %get3A_60, %get3A_61] : memref<2x2048x128xf32, #tpu.memory_space<vmem>>, vector<1x2048x128xf32>
    %get3A_63 = vector.shape_cast %get3A_62 : vector<1x2048x128xf32> to vector<2048x128xf32>
    %convert_element_type3A_64 = arith.truncf %get3A_63 : vector<2048x128xf32> to vector<2048x128xbf16>
    %dma_start3A_65 = arith.constant 0 : i32
    %dma_start3A_66 = arith.constant 0 : i32
    %dma_start3A_67 = arith.constant 0 : i32
    %dma_start3A_68 = tpu.memref_slice %arg14[%dma_start3A_65, %dma_start3A_66, %dma_start3A_67] : memref<2x2048x128xf32, #tpu.memory_space<vmem>> -> memref<1x2048x128xf32, #tpu.memory_space<vmem>>
    %dma_start3A_69 = tpu.memref_squeeze %dma_start3A_68 : memref<1x2048x128xf32, #tpu.memory_space<vmem>> -> memref<2048x128xf32, #tpu.memory_space<vmem>>
    %dma_start3A_70 = arith.constant 4096 : i32
    %dma_start3A_71 = arith.constant 0 : i32
    %dma_start3A_72 = tpu.memref_slice %arg0[%dma_start3A_70, %dma_start3A_71] : memref<32768x128xf32, #tpu.memory_space<hbm>> -> memref<2048x128xf32, #tpu.memory_space<hbm>>
    tpu.enqueue_dma source(%dma_start3A_72 : memref<2048x128xf32, #tpu.memory_space<hbm>>) target(%dma_start3A_69 : memref<2048x128xf32, #tpu.memory_space<vmem>>) target_semaphore(%arg16 : memref<!tpu.dma_semaphore, #tpu.memory_space<semaphore_mem>>)
    %dot_general3A = arith.constant dense<0.000000e+00> : vector<2048x384xf32>
    %dot_general3A_73 = tpu.matmul %convert_element_type3A_64, %convert_element_type3A, %dot_general3A {dimension_numbers = #tpu.dot_dimension_numbers<[1], [0], [0], [1], [0, 0, 1, 1], [], []>, transpose_lhs_hint = false} : vector<2048x128xbf16>, vector<128x384xbf16>, vector<2048x384xf32> -> vector<2048x384xf32>
    %add3A = vector.broadcast %mul3A_23 : vector<1x384xf32> to vector<2048x384xf32>
    %add3A_74 = arith.addf %dot_general3A_73, %add3A : vector<2048x384xf32>
    %slice3A = vector.extract_strided_slice %add3A_74 {offsets = [0, 0], sizes = [2048, 128], strides = [1, 1]} : vector<2048x384xf32> to vector<2048x128xf32>
    %slice3A_75 = vector.extract_strided_slice %add3A_74 {offsets = [0, 128], sizes = [2048, 128], strides = [1, 1]} : vector<2048x384xf32> to vector<2048x128xf32>
    %slice3A_76 = vector.extract_strided_slice %add3A_74 {offsets = [0, 256], sizes = [2048, 128], strides = [1, 1]} : vector<2048x384xf32> to vector<2048x128xf32>
    %tanh3A = math.tanh %slice3A : vector<2048x128xf32>
    %mul3A_77 = arith.constant 5.000000e-01 : f32
    %mul3A_78 = vector.broadcast %mul3A_77 : f32 to vector<2048x128xf32>
    %mul3A_79 = arith.mulf %mul3A_78, %tanh3A : vector<2048x128xf32>
    %add3A_80 = arith.constant 5.000000e-01 : f32
    %add3A_81 = vector.broadcast %add3A_80 : f32 to vector<2048x128xf32>
    %add3A_82 = arith.addf %mul3A_79, %add3A_81 : vector<2048x128xf32>
    %tanh3A_83 = math.tanh %slice3A_76 : vector<2048x128xf32>
    %mul3A_84 = arith.mulf %add3A_82, %tanh3A_83 : vector<2048x128xf32>
    %add3A_85 = arith.constant 0.000000e+00 : f32
    %add3A_86 = vector.broadcast %add3A_85 : f32 to vector<2048x128xf32>
    %add3A_87 = arith.addf %mul3A_84, %add3A_86 : vector<2048x128xf32>
    %tanh3A_88 = math.tanh %slice3A_75 : vector<2048x128xf32>
    %mul3A_89 = arith.constant 5.000000e-01 : f32
    %mul3A_90 = vector.broadcast %mul3A_89 : f32 to vector<2048x128xf32>
    %mul3A_91 = arith.mulf %mul3A_90, %tanh3A_88 : vector<2048x128xf32>
    %add3A_92 = arith.constant 5.000000e-01 : f32
    %add3A_93 = vector.broadcast %add3A_92 : f32 to vector<2048x128xf32>
    %add3A_94 = arith.addf %mul3A_91, %add3A_93 : vector<2048x128xf32>
    %tanh3A_95 = math.tanh %add3A_87 : vector<2048x128xf32>
    %mul3A_96 = arith.mulf %add3A_94, %tanh3A_95 : vector<2048x128xf32>
    %convert_element_type3A_97 = arith.truncf %mul3A_96 : vector<2048x128xf32> to vector<2048x128xbf16>
    %dot_general3A_98 = arith.constant dense<0.000000e+00> : vector<2048x5xf32>
    %dot_general3A_99 = tpu.matmul %convert_element_type3A_97, %convert_element_type3A_33, %dot_general3A_98 {dimension_numbers = #tpu.dot_dimension_numbers<[1], [0], [0], [1], [0, 0, 1, 1], [], []>, transpose_lhs_hint = false} : vector<2048x128xbf16>, vector<128x5xbf16>, vector<2048x5xf32> -> vector<2048x5xf32>
    %add3A_100 = vector.broadcast %get3A_36 : vector<1x5xf32> to vector<2048x5xf32>
    %add3A_101 = arith.addf %dot_general3A_99, %add3A_100 : vector<2048x5xf32>
    %swap3A = arith.constant 0 : index
    %swap3A_102 = arith.constant 0 : index
    %swap3A_103 = arith.constant 0 : index
    %swap3A_104 = vector.load %arg13[%swap3A, %swap3A_102, %swap3A_103] : memref<4x2048x5xf32, #tpu.memory_space<vmem>>, vector<1x2048x5xf32>
    %swap3A_105 = vector.shape_cast %swap3A_104 : vector<1x2048x5xf32> to vector<2048x5xf32>
    %swap3A_106 = vector.shape_cast %add3A_101 : vector<2048x5xf32> to vector<1x2048x5xf32>
    tpu.vector_store %arg13[%swap3A, %swap3A_102, %swap3A_103], %swap3A_106 {strides = array<i32>} : memref<4x2048x5xf32, #tpu.memory_space<vmem>>, vector<1x2048x5xf32>,
    %dma_start3A_107 = arith.constant 0 : i32
    %dma_start3A_108 = arith.constant 32767 : i32
    %dma_start3A_109 = arith.constant 0 : i32
    %dma_start3A_110 = tpu.memref_slice %arg8[%dma_start3A_108, %dma_start3A_109] : memref<65535x5xf32, #tpu.memory_space<hbm>> -> memref<2048x5xf32, #tpu.memory_space<hbm>>
    %dma_start3A_111 = arith.constant 0 : i32
    %dma_start3A_112 = arith.constant 0 : i32
    %dma_start3A_113 = tpu.memref_slice %arg13[%dma_start3A_107, %dma_start3A_111, %dma_start3A_112] : memref<4x2048x5xf32, #tpu.memory_space<vmem>> -> memref<1x2048x5xf32, #tpu.memory_space<vmem>>
    %dma_start3A_114 = tpu.memref_squeeze %dma_start3A_113 : memref<1x2048x5xf32, #tpu.memory_space<vmem>> -> memref<2048x5xf32, #tpu.memory_space<vmem>>
    tpu.enqueue_dma source(%dma_start3A_114 : memref<2048x5xf32, #tpu.memory_space<vmem>>) target(%dma_start3A_110 : memref<2048x5xf32, #tpu.memory_space<hbm>>) target_semaphore(%arg15 : memref<!tpu.dma_semaphore, #tpu.memory_space<semaphore_mem>>)
    %reshape3A = vector.shape_cast %mul3A_96 : vector<2048x128xf32> to vector<1024x256xf32>
    %reshape3A_115 = vector.shape_cast %add3A_87 : vector<2048x128xf32> to vector<1024x256xf32>
    %convert_element_type3A_116 = arith.truncf %reshape3A : vector<1024x256xf32> to vector<1024x256xbf16>
    %dot_general3A_117 = arith.constant dense<0.000000e+00> : vector<1024x256xf32>
    %dot_general3A_118 = tpu.matmul %convert_element_type3A_116, %convert_element_type3A_19, %dot_general3A_117 {dimension_numbers = #tpu.dot_dimension_numbers<[1], [0], [0], [1], [0, 0, 1, 1], [], []>, transpose_lhs_hint = false} : vector<1024x256xbf16>, vector<256x256xbf16>, vector<1024x256xf32> -> vector<1024x256xf32>
    %add3A_119 = vector.broadcast %mul3A_29 : vector<1x256xf32> to vector<1024x256xf32>
    %add3A_120 = arith.addf %dot_general3A_118, %add3A_119 : vector<1024x256xf32>
    %tanh3A_121 = math.tanh %add3A_120 : vector<1024x256xf32>
    %mul3A_122 = arith.constant 5.000000e-01 : f32
    %mul3A_123 = vector.broadcast %mul3A_122 : f32 to vector<1024x256xf32>
    %mul3A_124 = arith.mulf %mul3A_123, %tanh3A_121 : vector<1024x256xf32>
    %add3A_125 = arith.constant 5.000000e-01 : f32
    %add3A_126 = vector.broadcast %add3A_125 : f32 to vector<1024x256xf32>
    %add3A_127 = arith.addf %mul3A_124, %add3A_126 : vector<1024x256xf32>
    %slice3A_128 = vector.extract_strided_slice %add3A_127 {offsets = [0, 0], sizes = [1024, 128], strides = [1, 1]} : vector<1024x256xf32> to vector<1024x128xf32>
    %slice3A_129 = vector.extract_strided_slice %reshape3A_115 {offsets = [0, 0], sizes = [1024, 128], strides = [1, 1]} : vector<1024x256xf32> to vector<1024x128xf32>
    %mul3A_130 = arith.mulf %slice3A_128, %slice3A_129 : vector<1024x128xf32>
    %slice3A_131 = vector.extract_strided_slice %add3A_127 {offsets = [0, 128], sizes = [1024, 128], strides = [1, 1]} : vector<1024x256xf32> to vector<1024x128xf32>
    %slice3A_132 = vector.extract_strided_slice %reshape3A_115 {offsets = [0, 128], sizes = [1024, 128], strides = [1, 1]} : vector<1024x256xf32> to vector<1024x128xf32>
    %mul3A_133 = arith.mulf %slice3A_131, %slice3A_132 : vector<1024x128xf32>
    %add3A_134 = arith.addf %mul3A_130, %mul3A_133 : vector<1024x128xf32>
    %dot_general3A_135 = arith.constant dense<0.000000e+00> : vector<1024x384xf32>
    %dot_general3A_136 = tpu.matmul %convert_element_type3A_116, %convert_element_type3A_12, %dot_general3A_135 {dimension_numbers = #tpu.dot_dimension_numbers<[1], [0], [0], [1], [0, 0, 1, 1], [], []>, transpose_lhs_hint = false} : vector<1024x256xbf16>, vector<256x384xbf16>, vector<1024x384xf32> -> vector<1024x384xf32>
    %add3A_137 = vector.broadcast %mul3A_23 : vector<1x384xf32> to vector<1024x384xf32>
    %add3A_138 = arith.addf %dot_general3A_136, %add3A_137 : vector<1024x384xf32>
    %slice3A_139 = vector.extract_strided_slice %add3A_138 {offsets = [0, 0], sizes = [1024, 128], strides = [1, 1]} : vector<1024x384xf32> to vector<1024x128xf32>
    %slice3A_140 = vector.extract_strided_slice %add3A_138 {offsets = [0, 128], sizes = [1024, 128], strides = [1, 1]} : vector<1024x384xf32> to vector<1024x128xf32>
    %slice3A_141 = vector.extract_strided_slice %add3A_138 {offsets = [0, 256], sizes = [1024, 128], strides = [1, 1]} : vector<1024x384xf32> to vector<1024x128xf32>
    %tanh3A_142 = math.tanh %slice3A_139 : vector<1024x128xf32>
    %mul3A_143 = arith.constant 5.000000e-01 : f32
    %mul3A_144 = vector.broadcast %mul3A_143 : f32 to vector<1024x128xf32>
    %mul3A_145 = arith.mulf %mul3A_144, %tanh3A_142 : vector<1024x128xf32>
    %add3A_146 = arith.constant 5.000000e-01 : f32
    %add3A_147 = vector.broadcast %add3A_146 : f32 to vector<1024x128xf32>
    %add3A_148 = arith.addf %mul3A_145, %add3A_147 : vector<1024x128xf32>
    %tanh3A_149 = math.tanh %slice3A_141 : vector<1024x128xf32>
    %mul3A_150 = arith.mulf %add3A_148, %tanh3A_149 : vector<1024x128xf32>
    %add3A_151 = arith.addf %mul3A_150, %add3A_134 : vector<1024x128xf32>
    %tanh3A_152 = math.tanh %slice3A_140 : vector<1024x128xf32>
    %mul3A_153 = arith.constant 5.000000e-01 : f32
    %mul3A_154 = vector.broadcast %mul3A_153 : f32 to vector<1024x128xf32>
    %mul3A_155 = arith.mulf %mul3A_154, %tanh3A_152 : vector<1024x128xf32>
    %add3A_156 = arith.constant 5.000000e-01 : f32
    %add3A_157 = vector.broadcast %add3A_156 : f32 to vector<1024x128xf32>
    %add3A_158 = arith.addf %mul3A_155, %add3A_157 : vector<1024x128xf32>
    %tanh3A_159 = math.tanh %add3A_151 : vector<1024x128xf32>
    %mul3A_160 = arith.mulf %add3A_158, %tanh3A_159 : vector<1024x128xf32>
    %swap3A_161 = arith.constant 0 : index
    %swap3A_162 = arith.constant 0 : index
    %swap3A_163 = vector.load %arg9[%swap3A_161, %swap3A_162] : memref<16384x128xf32, #tpu.memory_space<vmem>>, vector<1024x128xf32>
    tpu.vector_store %arg9[%swap3A_161, %swap3A_162], %mul3A_160 {strides = array<i32>} : memref<16384x128xf32, #tpu.memory_space<vmem>>, vector<1024x128xf32>,
    %swap3A_164 = arith.constant 0 : index
    %swap3A_165 = arith.constant 0 : index
    %swap3A_166 = vector.load %arg10[%swap3A_164, %swap3A_165] : memref<16384x128xf32, #tpu.memory_space<vmem>>, vector<1024x128xf32>
    tpu.vector_store %arg10[%swap3A_164, %swap3A_165], %add3A_151 {strides = array<i32>} : memref<16384x128xf32, #tpu.memory_space<vmem>>, vector<1024x128xf32>,
    %convert_element_type3A_167 = arith.truncf %mul3A_160 : vector<1024x128xf32> to vector<1024x128xbf16>
    %dot_general3A_168 = arith.constant dense<0.000000e+00> : vector<1024x5xf32>
    %dot_general3A_169 = tpu.matmul %convert_element_type3A_167, %convert_element_type3A_33, %dot_general3A_168 {dimension_numbers = #tpu.dot_dimension_numbers<[1], [0], [0], [1], [0, 0, 1, 1], [], []>, transpose_lhs_hint = false} : vector<1024x128xbf16>, vector<128x5xbf16>, vector<1024x5xf32> -> vector<1024x5xf32>
    %add3A_170 = vector.broadcast %get3A_36 : vector<1x5xf32> to vector<1024x5xf32>
    %add3A_171 = arith.addf %dot_general3A_169, %add3A_170 : vector<1024x5xf32>
    %swap3A_172 = arith.constant 1 : index
    %swap3A_173 = arith.constant 0 : index
    %swap3A_174 = arith.constant 0 : index
    %swap3A_175 = vector.load %arg13[%swap3A_172, %swap3A_173, %swap3A_174] : memref<4x2048x5xf32, #tpu.memory_space<vmem>>, vector<1x1024x5xf32>
    %swap3A_176 = vector.shape_cast %swap3A_175 : vector<1x1024x5xf32> to vector<1024x5xf32>
    %swap3A_177 = vector.shape_cast %add3A_171 : vector<1024x5xf32> to vector<1x1024x5xf32>
    tpu.vector_store %arg13[%swap3A_172, %swap3A_173, %swap3A_174], %swap3A_177 {strides = array<i32>} : memref<4x2048x5xf32, #tpu.memory_space<vmem>>, vector<1x1024x5xf32>,
    %dma_start3A_178 = arith.constant 1 : i32
    %dma_start3A_179 = arith.constant 16383 : i32
    %dma_start3A_180 = arith.constant 0 : i32
    %dma_start3A_181 = tpu.memref_slice %arg8[%dma_start3A_179, %dma_start3A_180] : memref<65535x5xf32, #tpu.memory_space<hbm>> -> memref<1024x5xf32, #tpu.memory_space<hbm>>
    %dma_start3A_182 = arith.constant 0 : i32
    %dma_start3A_183 = arith.constant 0 : i32
    %dma_start3A_184 = tpu.memref_slice %arg13[%dma_start3A_178, %dma_start3A_182, %dma_start3A_183] : memref<4x2048x5xf32, #tpu.memory_space<vmem>> -> memref<1x1024x5xf32, #tpu.memory_space<vmem>>
    %dma_start3A_185 = tpu.memref_squeeze %dma_start3A_184 : memref<1x1024x5xf32, #tpu.memory_space<vmem>> -> memref<1024x5xf32, #tpu.memory_space<vmem>>
    tpu.enqueue_dma source(%dma_start3A_185 : memref<1024x5xf32, #tpu.memory_space<vmem>>) target(%dma_start3A_181 : memref<1024x5xf32, #tpu.memory_space<hbm>>) target_semaphore(%arg15 : memref<!tpu.dma_semaphore, #tpu.memory_space<semaphore_mem>>)
    %dma_wait3A_186 = arith.constant 1 : i32
    %dma_wait3A_187 = arith.constant 0 : i32
    %dma_wait3A_188 = arith.constant 0 : i32
    %dma_wait3A_189 = tpu.memref_slice %arg14[%dma_wait3A_186, %dma_wait3A_187, %dma_wait3A_188] : memref<2x2048x128xf32, #tpu.memory_space<vmem>> -> memref<1x2048x128xf32, #tpu.memory_space<vmem>>
    %dma_wait3A_190 = tpu.memref_squeeze %dma_wait3A_189 : memref<1x2048x128xf32, #tpu.memory_space<vmem>> -> memref<2048x128xf32, #tpu.memory_space<vmem>>
    %dma_wait3A_191 = arith.constant 2048 : i32
    %dma_wait3A_192 = arith.constant 0 : i32
    %dma_wait3A_193 = tpu.memref_slice %arg0[%dma_wait3A_191, %dma_wait3A_192] : memref<32768x128xf32, #tpu.memory_space<hbm>> -> memref<2048x128xf32, #tpu.memory_space<hbm>>
    tpu.wait_dma2 semaphore(%arg16 : memref<!tpu.dma_semaphore, #tpu.memory_space<semaphore_mem>>) src(%dma_wait3A_193 : memref<2048x128xf32, #tpu.memory_space<hbm>>) dst(%dma_wait3A_190 : memref<2048x128xf32, #tpu.memory_space<vmem>>)
    %get3A_194 = arith.constant 1 : index
    %get3A_195 = arith.constant 0 : index
    %get3A_196 = arith.constant 0 : index
    %get3A_197 = vector.load %arg14[%get3A_194, %get3A_195, %get3A_196] : memref<2x2048x128xf32, #tpu.memory_space<vmem>>, vector<1x2048x128xf32>
    %get3A_198 = vector.shape_cast %get3A_197 : vector<1x2048x128xf32> to vector<2048x128xf32>
    %convert_element_type3A_199 = arith.truncf %get3A_198 : vector<2048x128xf32> to vector<2048x128xbf16>
    %dma_start3A_200 = arith.constant 1 : i32
    %dma_start3A_201 = arith.constant 0 : i32
    %dma_start3A_202 = arith.constant 0 : i32
    %dma_start3A_203 = tpu.memref_slice %arg14[%dma_start3A_200, %dma_start3A_201, %dma_start3A_202] : memref<2x2048x128xf32, #tpu.memory_space<vmem>> -> memref<1x2048x128xf32, #tpu.memory_space<vmem>>
    %dma_start3A_204 = tpu.memref_squeeze %dma_start3A_203 : memref<1x2048x128xf32, #tpu.memory_space<vmem>> -> memref<2048x128xf32, #tpu.memory_space<vmem>>
    %dma_start3A_205 = arith.constant 6144 : i32
    %dma_start3A_206 = arith.constant 0 : i32
    %dma_start3A_207 = tpu.memref_slice %arg0[%dma_start3A_205, %dma_start3A_206] : memref<32768x128xf32, #tpu.memory_space<hbm>> -> memref<2048x128xf32, #tpu.memory_space<hbm>>
    tpu.enqueue_dma source(%dma_start3A_207 : memref<2048x128xf32, #tpu.memory_space<hbm>>) target(%dma_start3A_204 : memref<2048x128xf32, #tpu.memory_space<vmem>>) target_semaphore(%arg16 : memref<!tpu.dma_semaphore, #tpu.memory_space<semaphore_mem>>)
    %dot_general3A_208 = arith.constant dense<0.000000e+00> : vector<2048x384xf32>
    %dot_general3A_209 = tpu.matmul %convert_element_type3A_199, %convert_element_type3A, %dot_general3A_208 {dimension_numbers = #tpu.dot_dimension_numbers<[1], [0], [0], [1], [0, 0, 1, 1], [], []>, transpose_lhs_hint = false} : vector<2048x128xbf16>, vector<128x384xbf16>, vector<2048x384xf32> -> vector<2048x384xf32>
    %add3A_210 = vector.broadcast %mul3A_23 : vector<1x384xf32> to vector<2048x384xf32>
    %add3A_211 = arith.addf %dot_general3A_209, %add3A_210 : vector<2048x384xf32>
    %slice3A_212 = vector.extract_strided_slice %add3A_211 {offsets = [0, 0], sizes = [2048, 128], strides = [1, 1]} : vector<2048x384xf32> to vector<2048x128xf32>
    %slice3A_213 = vector.extract_strided_slice %add3A_211 {offsets = [0, 128], sizes = [2048, 128], strides = [1, 1]} : vector<2048x384xf32> to vector<2048x128xf32>
    %slice3A_214 = vector.extract_strided_slice %add3A_211 {offsets = [0, 256], sizes = [2048, 128], strides = [1, 1]} : vector<2048x384xf32> to vector<2048x128xf32>
    %tanh3A_215 = math.tanh %slice3A_212 : vector<2048x128xf32>
    %mul3A_216 = arith.constant 5.000000e-01 : f32
    %mul3A_217 = vector.broadcast %mul3A_216 : f32 to vector<2048x128xf32>
    %mul3A_218 = arith.mulf %mul3A_217, %tanh3A_215 : vector<2048x128xf32>
    %add3A_219 = arith.constant 5.000000e-01 : f32
    %add3A_220 = vector.broadcast %add3A_219 : f32 to vector<2048x128xf32>
    %add3A_221 = arith.addf %mul3A_218, %add3A_220 : vector<2048x128xf32>
    %tanh3A_222 = math.tanh %slice3A_214 : vector<2048x128xf32>
    %mul3A_223 = arith.mulf %add3A_221, %tanh3A_222 : vector<2048x128xf32>
    %add3A_224 = arith.constant 0.000000e+00 : f32
    %add3A_225 = vector.broadcast %add3A_224 : f32 to vector<2048x128xf32>
    %add3A_226 = arith.addf %mul3A_223, %add3A_225 : vector<2048x128xf32>
    %tanh3A_227 = math.tanh %slice3A_213 : vector<2048x128xf32>
    %mul3A_228 = arith.constant 5.000000e-01 : f32
    %mul3A_229 = vector.broadcast %mul3A_228 : f32 to vector<2048x128xf32>
    %mul3A_230 = arith.mulf %mul3A_229, %tanh3A_227 : vector<2048x128xf32>
    %add3A_231 = arith.constant 5.000000e-01 : f32
    %add3A_232 = vector.broadcast %add3A_231 : f32 to vector<2048x128xf32>
    %add3A_233 = arith.addf %mul3A_230, %add3A_232 : vector<2048x128xf32>
    %tanh3A_234 = math.tanh %add3A_226 : vector<2048x128xf32>
    %mul3A_235 = arith.mulf %add3A_233, %tanh3A_234 : vector<2048x128xf32>
    %convert_element_type3A_236 = arith.truncf %mul3A_235 : vector<2048x128xf32> to vector<2048x128xbf16>
    %dot_general3A_237 = arith.constant dense<0.000000e+00> : vector<2048x5xf32>
    %dot_general3A_238 = tpu.matmul %convert_element_type3A_236, %convert_element_type3A_33, %dot_general3A_237 {dimension_numbers = #tpu.dot_dimension_numbers<[1], [0], [0], [1], [0, 0, 1, 1], [], []>, transpose_lhs_hint = false} : vector<2048x128xbf16>, vector<128x5xbf16>, vector<2048x5xf32> -> vector<2048x5xf32>
    %add3A_239 = vector.broadcast %get3A_36 : vector<1x5xf32> to vector<2048x5xf32>
    %add3A_240 = arith.addf %dot_general3A_238, %add3A_239 : vector<2048x5xf32>
    %swap3A_241 = arith.constant 2 : index
    %swap3A_242 = arith.constant 0 : index
    %swap3A_243 = arith.constant 0 : index
    %swap3A_244 = vector.load %arg13[%swap3A_241, %swap3A_242, %swap3A_243] : memref<4x2048x5xf32, #tpu.memory_space<vmem>>, vector<1x2048x5xf32>
    %swap3A_245 = vector.shape_cast %swap3A_244 : vector<1x2048x5xf32> to vector<2048x5xf32>
    %swap3A_246 = vector.shape_cast %add3A_240 : vector<2048x5xf32> to vector<1x2048x5xf32>
    tpu.vector_store %arg13[%swap3A_241, %swap3A_242, %swap3A_243], %swap3A_246 {strides = array<i32>} : memref<4x2048x5xf32, #tpu.memory_space<vmem>>, vector<1x2048x5xf32>,
    %dma_start3A_247 = arith.constant 2 : i32
    %dma_start3A_248 = arith.constant 34815 : i32
    %dma_start3A_249 = arith.constant 0 : i32
    %dma_start3A_250 = tpu.memref_slice %arg8[%dma_start3A_248, %dma_start3A_249] : memref<65535x5xf32, #tpu.memory_space<hbm>> -> memref<2048x5xf32, #tpu.memory_space<hbm>>
    %dma_start3A_251 = arith.constant 0 : i32
    %dma_start3A_252 = arith.constant 0 : i32
    %dma_start3A_253 = tpu.memref_slice %arg13[%dma_start3A_247, %dma_start3A_251, %dma_start3A_252] : memref<4x2048x5xf32, #tpu.memory_space<vmem>> -> memref<1x2048x5xf32, #tpu.memory_space<vmem>>
    %dma_start3A_254 = tpu.memref_squeeze %dma_start3A_253 : memref<1x2048x5xf32, #tpu.memory_space<vmem>> -> memref<2048x5xf32, #tpu.memory_space<vmem>>
    tpu.enqueue_dma source(%dma_start3A_254 : memref<2048x5xf32, #tpu.memory_space<vmem>>) target(%dma_start3A_250 : memref<2048x5xf32, #tpu.memory_space<hbm>>) target_semaphore(%arg15 : memref<!tpu.dma_semaphore, #tpu.memory_space<semaphore_mem>>)
    %reshape3A_255 = vector.shape_cast %mul3A_235 : vector<2048x128xf32> to vector<1024x256xf32>
    %reshape3A_256 = vector.shape_cast %add3A_226 : vector<2048x128xf32> to vector<1024x256xf32>
    %convert_element_type3A_257 = arith.truncf %reshape3A_255 : vector<1024x256xf32> to vector<1024x256xbf16>
    %dot_general3A_258 = arith.constant dense<0.000000e+00> : vector<1024x256xf32>
    %dot_general3A_259 = tpu.matmul %convert_element_type3A_257, %convert_element_type3A_19, %dot_general3A_258 {dimension_numbers = #tpu.dot_dimension_numbers<[1], [0], [0], [1], [0, 0, 1, 1], [], []>, transpose_lhs_hint = false} : vector<1024x256xbf16>, vector<256x256xbf16>, vector<1024x256xf32> -> vector<1024x256xf32>
    %add3A_260 = vector.broadcast %mul3A_29 : vector<1x256xf32> to vector<1024x256xf32>
    %add3A_261 = arith.addf %dot_general3A_259, %add3A_260 : vector<1024x256xf32>
    %tanh3A_262 = math.tanh %add3A_261 : vector<1024x256xf32>
    %mul3A_263 = arith.constant 5.000000e-01 : f32
    %mul3A_264 = vector.broadcast %mul3A_263 : f32 to vector<1024x256xf32>
    %mul3A_265 = arith.mulf %mul3A_264, %tanh3A_262 : vector<1024x256xf32>
    %add3A_266 = arith.constant 5.000000e-01 : f32
    %add3A_267 = vector.broadcast %add3A_266 : f32 to vector<1024x256xf32>
    %add3A_268 = arith.addf %mul3A_265, %add3A_267 : vector<1024x256xf32>
    %slice3A_269 = vector.extract_strided_slice %add3A_268 {offsets = [0, 0], sizes = [1024, 128], strides = [1, 1]} : vector<1024x256xf32> to vector<1024x128xf32>
    %slice3A_270 = vector.extract_strided_slice %reshape3A_256 {offsets = [0, 0], sizes = [1024, 128], strides = [1, 1]} : vector<1024x256xf32> to vector<1024x128xf32>
    %mul3A_271 = arith.mulf %slice3A_269, %slice3A_270 : vector<1024x128xf32>
    %slice3A_272 = vector.extract_strided_slice %add3A_268 {offsets = [0, 128], sizes = [1024, 128], strides = [1, 1]} : vector<1024x256xf32> to vector<1024x128xf32>
    %slice3A_273 = vector.extract_strided_slice %reshape3A_256 {offsets = [0, 128], sizes = [1024, 128], strides = [1, 1]} : vector<1024x256xf32> to vector<1024x128xf32>
    %mul3A_274 = arith.mulf %slice3A_272, %slice3A_273 : vector<1024x128xf32>
    %add3A_275 = arith.addf %mul3A_271, %mul3A_274 : vector<1024x128xf32>
    %dot_general3A_276 = arith.constant dense<0.000000e+00> : vector<1024x384xf32>
    %dot_general3A_277 = tpu.matmul %convert_element_type3A_257, %convert_element_type3A_12, %dot_general3A_276 {dimension_numbers = #tpu.dot_dimension_numbers<[1], [0], [0], [1], [0, 0, 1, 1], [], []>, transpose_lhs_hint = false} : vector<1024x256xbf16>, vector<256x384xbf16>, vector<1024x384xf32> -> vector<1024x384xf32>
    %add3A_278 = vector.broadcast %mul3A_23 : vector<1x384xf32> to vector<1024x384xf32>
    %add3A_279 = arith.addf %dot_general3A_277, %add3A_278 : vector<1024x384xf32>
    %slice3A_280 = vector.extract_strided_slice %add3A_279 {offsets = [0, 0], sizes = [1024, 128], strides = [1, 1]} : vector<1024x384xf32> to vector<1024x128xf32>
    %slice3A_281 = vector.extract_strided_slice %add3A_279 {offsets = [0, 128], sizes = [1024, 128], strides = [1, 1]} : vector<1024x384xf32> to vector<1024x128xf32>
    %slice3A_282 = vector.extract_strided_slice %add3A_279 {offsets = [0, 256], sizes = [1024, 128], strides = [1, 1]} : vector<1024x384xf32> to vector<1024x128xf32>
    %tanh3A_283 = math.tanh %slice3A_280 : vector<1024x128xf32>
    %mul3A_284 = arith.constant 5.000000e-01 : f32
    %mul3A_285 = vector.broadcast %mul3A_284 : f32 to vector<1024x128xf32>
    %mul3A_286 = arith.mulf %mul3A_285, %tanh3A_283 : vector<1024x128xf32>
    %add3A_287 = arith.constant 5.000000e-01 : f32
    %add3A_288 = vector.broadcast %add3A_287 : f32 to vector<1024x128xf32>
    %add3A_289 = arith.addf %mul3A_286, %add3A_288 : vector<1024x128xf32>
    %tanh3A_290 = math.tanh %slice3A_282 : vector<1024x128xf32>
    %mul3A_291 = arith.mulf %add3A_289, %tanh3A_290 : vector<1024x128xf32>
    %add3A_292 = arith.addf %mul3A_291, %add3A_275 : vector<1024x128xf32>
    %tanh3A_293 = math.tanh %slice3A_281 : vector<1024x128xf32>
    %mul3A_294 = arith.constant 5.000000e-01 : f32
    %mul3A_295 = vector.broadcast %mul3A_294 : f32 to vector<1024x128xf32>
    %mul3A_296 = arith.mulf %mul3A_295, %tanh3A_293 : vector<1024x128xf32>
    %add3A_297 = arith.constant 5.000000e-01 : f32
    %add3A_298 = vector.broadcast %add3A_297 : f32 to vector<1024x128xf32>
    %add3A_299 = arith.addf %mul3A_296, %add3A_298 : vector<1024x128xf32>
    %tanh3A_300 = math.tanh %add3A_292 : vector<1024x128xf32>
    %mul3A_301 = arith.mulf %add3A_299, %tanh3A_300 : vector<1024x128xf32>
    %swap3A_302 = arith.constant 1024 : index
    %swap3A_303 = arith.constant 0 : index
    %swap3A_304 = vector.load %arg9[%swap3A_302, %swap3A_303] : memref<16384x128xf32, #tpu.memory_space<vmem>>, vector<1024x128xf32>
    tpu.vector_store %arg9[%swap3A_302, %swap3A_303], %mul3A_301 {strides = array<i32>} : memref<16384x128xf32, #tpu.memory_space<vmem>>, vector<1024x128xf32>,
    %swap3A_305 = arith.constant 1024 : index
    %swap3A_306 = arith.constant 0 : index
    %swap3A_307 = vector.load %arg10[%swap3A_305, %swap3A_306] : memref<16384x128xf32, #tpu.memory_space<vmem>>, vector<1024x128xf32>
    tpu.vector_store %arg10[%swap3A_305, %swap3A_306], %add3A_292 {strides = array<i32>} : memref<16384x128xf32, #tpu.memory_space<vmem>>, vector<1024x128xf32>,
    %convert_element_type3A_308 = arith.truncf %mul3A_301 : vector<1024x128xf32> to vector<1024x128xbf16>
    %dot_general3A_309 = arith.constant dense<0.000000e+00> : vector<1024x5xf32>
    %dot_general3A_310 = tpu.matmul %convert_element_type3A_308, %convert_element_type3A_33, %dot_general3A_309 {dimension_numbers = #tpu.dot_dimension_numbers<[1], [0], [0], [1], [0, 0, 1, 1], [], []>, transpose_lhs_hint = false} : vector<1024x128xbf16>, vector<128x5xbf16>, vector<1024x5xf32> -> vector<1024x5xf32>
    %add3A_311 = vector.broadcast %get3A_36 : vector<1x5xf32> to vector<1024x5xf32>
    %add3A_312 = arith.addf %dot_general3A_310, %add3A_311 : vector<1024x5xf32>
    %swap3A_313 = arith.constant 3 : index
    %swap3A_314 = arith.constant 0 : index
    %swap3A_315 = arith.constant 0 : index
    %swap3A_316 = vector.load %arg13[%swap3A_313, %swap3A_314, %swap3A_315] : memref<4x2048x5xf32, #tpu.memory_space<vmem>>, vector<1x1024x5xf32>
    %swap3A_317 = vector.shape_cast %swap3A_316 : vector<1x1024x5xf32> to vector<1024x5xf32>
    %swap3A_318 = vector.shape_cast %add3A_312 : vector<1024x5xf32> to vector<1x1024x5xf32>
    tpu.vector_store %arg13[%swap3A_313, %swap3A_314, %swap3A_315], %swap3A_318 {strides = array<i32>} : memref<4x2048x5xf32, #tpu.memory_space<vmem>>, vector<1x1024x5xf32>,
    %dma_start3A_319 = arith.constant 3 : i32
    %dma_start3A_320 = arith.constant 17407 : i32
    %dma_start3A_321 = arith.constant 0 : i32
    %dma_start3A_322 = tpu.memref_slice %arg8[%dma_start3A_320, %dma_start3A_321] : memref<65535x5xf32, #tpu.memory_space<hbm>> -> memref<1024x5xf32, #tpu.memory_space<hbm>>
    %dma_start3A_323 = arith.constant 0 : i32
    %dma_start3A_324 = arith.constant 0 : i32
    %dma_start3A_325 = tpu.memref_slice %arg13[%dma_start3A_319, %dma_start3A_323, %dma_start3A_324] : memref<4x2048x5xf32, #tpu.memory_space<vmem>> -> memref<1x1024x5xf32, #tpu.memory_space<vmem>>
    %dma_start3A_326 = tpu.memref_squeeze %dma_start3A_325 : memref<1x1024x5xf32, #tpu.memory_space<vmem>> -> memref<1024x5xf32, #tpu.memory_space<vmem>>
    tpu.enqueue_dma source(%dma_start3A_326 : memref<1024x5xf32, #tpu.memory_space<vmem>>) target(%dma_start3A_322 : memref<1024x5xf32, #tpu.memory_space<hbm>>) target_semaphore(%arg15 : memref<!tpu.dma_semaphore, #tpu.memory_space<semaphore_mem>>)
    %dma_wait3A_327 = arith.constant 0 : i32
    %dma_wait3A_328 = arith.constant 0 : i32
    %dma_wait3A_329 = arith.constant 0 : i32
    %dma_wait3A_330 = tpu.memref_slice %arg14[%dma_wait3A_327, %dma_wait3A_328, %dma_wait3A_329] : memref<2x2048x128xf32, #tpu.memory_space<vmem>> -> memref<1x2048x128xf32, #tpu.memory_space<vmem>>
    %dma_wait3A_331 = tpu.memref_squeeze %dma_wait3A_330 : memref<1x2048x128xf32, #tpu.memory_space<vmem>> -> memref<2048x128xf32, #tpu.memory_space<vmem>>
    %dma_wait3A_332 = arith.constant 4096 : i32
    %dma_wait3A_333 = arith.constant 0 : i32
    %dma_wait3A_334 = tpu.memref_slice %arg0[%dma_wait3A_332, %dma_wait3A_333] : memref<32768x128xf32, #tpu.memory_space<hbm>> -> memref<2048x128xf32, #tpu.memory_space<hbm>>
    tpu.wait_dma2 semaphore(%arg16 : memref<!tpu.dma_semaphore, #tpu.memory_space<semaphore_mem>>) src(%dma_wait3A_334 : memref<2048x128xf32, #tpu.memory_space<hbm>>) dst(%dma_wait3A_331 : memref<2048x128xf32, #tpu.memory_space<vmem>>)
    %get3A_335 = arith.constant 0 : index
    %get3A_336 = arith.constant 0 : index
    %get3A_337 = arith.constant 0 : index
    %get3A_338 = vector.load %arg14[%get3A_335, %get3A_336, %get3A_337] : memref<2x2048x128xf32, #tpu.memory_space<vmem>>, vector<1x2048x128xf32>
    %get3A_339 = vector.shape_cast %get3A_338 : vector<1x2048x128xf32> to vector<2048x128xf32>
    %convert_element_type3A_340 = arith.truncf %get3A_339 : vector<2048x128xf32> to vector<2048x128xbf16>
    %dma_start3A_341 = arith.constant 0 : i32
    %dma_start3A_342 = arith.constant 0 : i32
    %dma_start3A_343 = arith.constant 0 : i32
    %dma_start3A_344 = tpu.memref_slice %arg14[%dma_start3A_341, %dma_start3A_342, %dma_start3A_343] : memref<2x2048x128xf32, #tpu.memory_space<vmem>> -> memref<1x2048x128xf32, #tpu.memory_space<vmem>>
    %dma_start3A_345 = tpu.memref_squeeze %dma_start3A_344 : memref<1x2048x128xf32, #tpu.memory_space<vmem>> -> memref<2048x128xf32, #tpu.memory_space<vmem>>
    %dma_start3A_346 = arith.constant 8192 : i32
    %dma_start3A_347 = arith.constant 0 : i32
    %dma_start3A_348 = tpu.memref_slice %arg0[%dma_start3A_346, %dma_start3A_347] : memref<32768x128xf32, #tpu.memory_space<hbm>> -> memref<2048x128xf32, #tpu.memory_space<hbm>>
    tpu.enqueue_dma source(%dma_start3A_348 : memref<2048x128xf32, #tpu.memory_space<hbm>>) target(%dma_start3A_345 : memref<2048x128xf32, #tpu.memory_space<vmem>>) target_semaphore(%arg16 : memref<!tpu.dma_semaphore, #tpu.memory_space<semaphore_mem>>)
    %dot_general3A_349 = arith.constant dense<0.000000e+00> : vector<2048x384xf32>
    %dot_general3A_350 = tpu.matmul %convert_element_type3A_340, %convert_element_type3A, %dot_general3A_349 {dimension_numbers = #tpu.dot_dimension_numbers<[1], [0], [0], [1], [0, 0, 1, 1], [], []>, transpose_lhs_hint = false} : vector<2048x128xbf16>, vector<128x384xbf16>, vector<2048x384xf32> -> vector<2048x384xf32>
    %add3A_351 = vector.broadcast %mul3A_23 : vector<1x384xf32> to vector<2048x384xf32>
    %add3A_352 = arith.addf %dot_general3A_350, %add3A_351 : vector<2048x384xf32>
    %slice3A_353 = vector.extract_strided_slice %add3A_352 {offsets = [0, 0], sizes = [2048, 128], strides = [1, 1]} : vector<2048x384xf32> to vector<2048x128xf32>
    %slice3A_354 = vector.extract_strided_slice %add3A_352 {offsets = [0, 128], sizes = [2048, 128], strides = [1, 1]} : vector<2048x384xf32> to vector<2048x128xf32>
    %slice3A_355 = vector.extract_strided_slice %add3A_352 {offsets = [0, 256], sizes = [2048, 128], strides = [1, 1]} : vector<2048x384xf32> to vector<2048x128xf32>
    %tanh3A_356 = math.tanh %slice3A_353 : vector<2048x128xf32>
    %mul3A_357 = arith.constant 5.000000e-01 : f32
    %mul3A_358 = vector.broadcast %mul3A_357 : f32 to vector<2048x128xf32>
    %mul3A_359 = arith.mulf %mul3A_358, %tanh3A_356 : vector<2048x128xf32>
    %add3A_360 = arith.constant 5.000000e-01 : f32
    %add3A_361 = vector.broadcast %add3A_360 : f32 to vector<2048x128xf32>
    %add3A_362 = arith.addf %mul3A_359, %add3A_361 : vector<2048x128xf32>
    %tanh3A_363 = math.tanh %slice3A_355 : vector<2048x128xf32>
    %mul3A_364 = arith.mulf %add3A_362, %tanh3A_363 : vector<2048x128xf32>
    %add3A_365 = arith.constant 0.000000e+00 : f32
    %add3A_366 = vector.broadcast %add3A_365 : f32 to vector<2048x128xf32>
    %add3A_367 = arith.addf %mul3A_364, %add3A_366 : vector<2048x128xf32>
    %tanh3A_368 = math.tanh %slice3A_354 : vector<2048x128xf32>
    %mul3A_369 = arith.constant 5.000000e-01 : f32
    %mul3A_370 = vector.broadcast %mul3A_369 : f32 to vector<2048x128xf32>
    %mul3A_371 = arith.mulf %mul3A_370, %tanh3A_368 : vector<2048x128xf32>
    %add3A_372 = arith.constant 5.000000e-01 : f32
    %add3A_373 = vector.broadcast %add3A_372 : f32 to vector<2048x128xf32>
    %add3A_374 = arith.addf %mul3A_371, %add3A_373 : vector<2048x128xf32>
    %tanh3A_375 = math.tanh %add3A_367 : vector<2048x128xf32>
    %mul3A_376 = arith.mulf %add3A_374, %tanh3A_375 : vector<2048x128xf32>
    %convert_element_type3A_377 = arith.truncf %mul3A_376 : vector<2048x128xf32> to vector<2048x128xbf16>
    %dot_general3A_378 = arith.constant dense<0.000000e+00> : vector<2048x5xf32>
    %dot_general3A_379 = tpu.matmul %convert_element_type3A_377, %convert_element_type3A_33, %dot_general3A_378 {dimension_numbers = #tpu.dot_dimension_numbers<[1], [0], [0], [1], [0, 0, 1, 1], [], []>, transpose_lhs_hint = false} : vector<2048x128xbf16>, vector<128x5xbf16>, vector<2048x5xf32> -> vector<2048x5xf32>
    %add3A_380 = vector.broadcast %get3A_36 : vector<1x5xf32> to vector<2048x5xf32>
    %add3A_381 = arith.addf %dot_general3A_379, %add3A_380 : vector<2048x5xf32>
    %dma_wait3A_382 = arith.constant 0 : i32
    %dma_wait3A_383 = arith.constant 32767 : i32
    %dma_wait3A_384 = arith.constant 0 : i32
    %dma_wait3A_385 = tpu.memref_slice %arg8[%dma_wait3A_383, %dma_wait3A_384] : memref<65535x5xf32, #tpu.memory_space<hbm>> -> memref<2048x5xf32, #tpu.memory_space<hbm>>
    %dma_wait3A_386 = arith.constant 0 : i32
    %dma_wait3A_387 = arith.constant 0 : i32
    %dma_wait3A_388 = tpu.memref_slice %arg13[%dma_wait3A_382, %dma_wait3A_386, %dma_wait3A_387] : memref<4x2048x5xf32, #tpu.memory_space<vmem>> -> memref<1x2048x5xf32, #tpu.memory_space<vmem>>
    %dma_wait3A_389 = tpu.memref_squeeze %dma_wait3A_388 : memref<1x2048x5xf32, #tpu.memory_space<vmem>> -> memref<2048x5xf32, #tpu.memory_space<vmem>>
    tpu.wait_dma2 semaphore(%arg15 : memref<!tpu.dma_semaphore, #tpu.memory_space<semaphore_mem>>) src(%dma_wait3A_389 : memref<2048x5xf32, #tpu.memory_space<vmem>>) dst(%dma_wait3A_385 : memref<2048x5xf32, #tpu.memory_space<hbm>>)
    %swap3A_390 = arith.constant 0 : index
    %swap3A_391 = arith.constant 0 : index
    %swap3A_392 = arith.constant 0 : index
    %swap3A_393 = vector.load %arg13[%swap3A_390, %swap3A_391, %swap3A_392] : memref<4x2048x5xf32, #tpu.memory_space<vmem>>, vector<1x2048x5xf32>
    %swap3A_394 = vector.shape_cast %swap3A_393 : vector<1x2048x5xf32> to vector<2048x5xf32>
    %swap3A_395 = vector.shape_cast %add3A_381 : vector<2048x5xf32> to vector<1x2048x5xf32>
    tpu.vector_store %arg13[%swap3A_390, %swap3A_391, %swap3A_392], %swap3A_395 {strides = array<i32>} : memref<4x2048x5xf32, #tpu.memory_space<vmem>>, vector<1x2048x5xf32>,
    %dma_start3A_396 = arith.constant 0 : i32
    %dma_start3A_397 = arith.constant 36863 : i32
    %dma_start3A_398 = arith.constant 0 : i32
    %dma_start3A_399 = tpu.memref_slice %arg8[%dma_start3A_397, %dma_start3A_398] : memref<65535x5xf32, #tpu.memory_space<hbm>> -> memref<2048x5xf32, #tpu.memory_space<hbm>>
    %dma_start3A_400 = arith.constant 0 : i32
    %dma_start3A_401 = arith.constant 0 : i32
    %dma_start3A_402 = tpu.memref_slice %arg13[%dma_start3A_396, %dma_start3A_400, %dma_start3A_401] : memref<4x2048x5xf32, #tpu.memory_space<vmem>> -> memref<1x2048x5xf32, #tpu.memory_space<vmem>>
    %dma_start3A_403 = tpu.memref_squeeze %dma_start3A_402 : memref<1x2048x5xf32, #tpu.memory_space<vmem>> -> memref<2048x5xf32, #tpu.memory_space<vmem>>
    tpu.enqueue_dma source(%dma_start3A_403 : memref<2048x5xf32, #tpu.memory_space<vmem>>) target(%dma_start3A_399 : memref<2048x5xf32, #tpu.memory_space<hbm>>) target_semaphore(%arg15 : memref<!tpu.dma_semaphore, #tpu.memory_space<semaphore_mem>>)
    %reshape3A_404 = vector.shape_cast %mul3A_376 : vector<2048x128xf32> to vector<1024x256xf32>
    %reshape3A_405 = vector.shape_cast %add3A_367 : vector<2048x128xf32> to vector<1024x256xf32>
    %convert_element_type3A_406 = arith.truncf %reshape3A_404 : vector<1024x256xf32> to vector<1024x256xbf16>
    %dot_general3A_407 = arith.constant dense<0.000000e+00> : vector<1024x256xf32>
    %dot_general3A_408 = tpu.matmul %convert_element_type3A_406, %convert_element_type3A_19, %dot_general3A_407 {dimension_numbers = #tpu.dot_dimension_numbers<[1], [0], [0], [1], [0, 0, 1, 1], [], []>, transpose_lhs_hint = false} : vector<1024x256xbf16>, vector<256x256xbf16>, vector<1024x256xf32> -> vector<1024x256xf32>
    %add3A_409 = vector.broadcast %mul3A_29 : vector<1x256xf32> to vector<1024x256xf32>
    %add3A_410 = arith.addf %dot_general3A_408, %add3A_409 : vector<1024x256xf32>
    %tanh3A_411 = math.tanh %add3A_410 : vector<1024x256xf32>
    %mul3A_412 = arith.constant 5.000000e-01 : f32
    %mul3A_413 = vector.broadcast %mul3A_412 : f32 to vector<1024x256xf32>
    %mul3A_414 = arith.mulf %mul3A_413, %tanh3A_411 : vector<1024x256xf32>
    %add3A_415 = arith.constant 5.000000e-01 : f32
    %add3A_416 = vector.broadcast %add3A_415 : f32 to vector<1024x256xf32>
    %add3A_417 = arith.addf %mul3A_414, %add3A_416 : vector<1024x256xf32>
    %slice3A_418 = vector.extract_strided_slice %add3A_417 {offsets = [0, 0], sizes = [1024, 128], strides = [1, 1]} : vector<1024x256xf32> to vector<1024x128xf32>
    %slice3A_419 = vector.extract_strided_slice %reshape3A_405 {offsets = [0, 0], sizes = [1024, 128], strides = [1, 1]} : vector<1024x256xf32> to vector<1024x128xf32>
    %mul3A_420 = arith.mulf %slice3A_418, %slice3A_419 : vector<1024x128xf32>
    %slice3A_421 = vector.extract_strided_slice %add3A_417 {offsets = [0, 128], sizes = [1024, 128], strides = [1, 1]} : vector<1024x256xf32> to vector<1024x128xf32>
    %slice3A_422 = vector.extract_strided_slice %reshape3A_405 {offsets = [0, 128], sizes = [1024, 128], strides = [1, 1]} : vector<1024x256xf32> to vector<1024x128xf32>
    %mul3A_423 = arith.mulf %slice3A_421, %slice3A_422 : vector<1024x128xf32>
    %add3A_424 = arith.addf %mul3A_420, %mul3A_423 : vector<1024x128xf32>
    %dot_general3A_425 = arith.constant dense<0.000000e+00> : vector<1024x384xf32>
    %dot_general3A_426 = tpu.matmul %convert_element_type3A_406, %convert_element_type3A_12, %dot_general3A_425 {dimension_numbers = #tpu.dot_dimension_numbers<[1], [0], [0], [1], [0, 0, 1, 1], [], []>, transpose_lhs_hint = false} : vector<1024x256xbf16>, vector<256x384xbf16>, vector<1024x384xf32> -> vector<1024x384xf32>
    %add3A_427 = vector.broadcast %mul3A_23 : vector<1x384xf32> to vector<1024x384xf32>
    %add3A_428 = arith.addf %dot_general3A_426, %add3A_427 : vector<1024x384xf32>
    %slice3A_429 = vector.extract_strided_slice %add3A_428 {offsets = [0, 0], sizes = [1024, 128], strides = [1, 1]} : vector<1024x384xf32> to vector<1024x128xf32>
    %slice3A_430 = vector.extract_strided_slice %add3A_428 {offsets = [0, 128], sizes = [1024, 128], strides = [1, 1]} : vector<1024x384xf32> to vector<1024x128xf32>
    %slice3A_431 = vector.extract_strided_slice %add3A_428 {offsets = [0, 256], sizes = [1024, 128], strides = [1, 1]} : vector<1024x384xf32> to vector<1024x128xf32>
    %tanh3A_432 = math.tanh %slice3A_429 : vector<1024x128xf32>
    %mul3A_433 = arith.constant 5.000000e-01 : f32
    %mul3A_434 = vector.broadcast %mul3A_433 : f32 to vector<1024x128xf32>
    %mul3A_435 = arith.mulf %mul3A_434, %tanh3A_432 : vector<1024x128xf32>
    %add3A_436 = arith.constant 5.000000e-01 : f32
    %add3A_437 = vector.broadcast %add3A_436 : f32 to vector<1024x128xf32>
    %add3A_438 = arith.addf %mul3A_435, %add3A_437 : vector<1024x128xf32>
    %tanh3A_439 = math.tanh %slice3A_431 : vector<1024x128xf32>
    %mul3A_440 = arith.mulf %add3A_438, %tanh3A_439 : vector<1024x128xf32>
    %add3A_441 = arith.addf %mul3A_440, %add3A_424 : vector<1024x128xf32>
    %tanh3A_442 = math.tanh %slice3A_430 : vector<1024x128xf32>
    %mul3A_443 = arith.constant 5.000000e-01 : f32
    %mul3A_444 = vector.broadcast %mul3A_443 : f32 to vector<1024x128xf32>
    %mul3A_445 = arith.mulf %mul3A_444, %tanh3A_442 : vector<1024x128xf32>
    %add3A_446 = arith.constant 5.000000e-01 : f32
    %add3A_447 = vector.broadcast %add3A_446 : f32 to vector<1024x128xf32>
    %add3A_448 = arith.addf %mul3A_445, %add3A_447 : vector<1024x128xf32>
    %tanh3A_449 = math.tanh %add3A_441 : vector<1024x128xf32>
    %mul3A_450 = arith.mulf %add3A_448, %tanh3A_449 : vector<1024x128xf32>
    %swap3A_451 = arith.constant 2048 : index
    %swap3A_452 = arith.constant 0 : index
    %swap3A_453 = vector.load %arg9[%swap3A_451, %swap3A_452] : memref<16384x128xf32, #tpu.memory_space<vmem>>, vector<1024x128xf32>
    tpu.vector_store %arg9[%swap3A_451, %swap3A_452], %mul3A_450 {strides = array<i32>} : memref<16384x128xf32, #tpu.memory_space<vmem>>, vector<1024x128xf32>,
    %swap3A_454 = arith.constant 2048 : index
    %swap3A_455 = arith.constant 0 : index
    %swap3A_456 = vector.load %arg10[%swap3A_454, %swap3A_455] : memref<16384x128xf32, #tpu.memory_space<vmem>>, vector<1024x128xf32>
    tpu.vector_store %arg10[%swap3A_454, %swap3A_455], %add3A_441 {strides = array<i32>} : memref<16384x128xf32, #tpu.memory_space<vmem>>, vector<1024x128xf32>,
    %convert_element_type3A_457 = arith.truncf %mul3A_450 : vector<1024x128xf32> to vector<1024x128xbf16>
    %dot_general3A_458 = arith.constant dense<0.000000e+00> : vector<1024x5xf32>
    %dot_general3A_459 = tpu.matmul %convert_element_type3A_457, %convert_element_type3A_33, %dot_general3A_458 {dimension_numbers = #tpu.dot_dimension_numbers<[1], [0], [0], [1], [0, 0, 1, 1], [], []>, transpose_lhs_hint = false} : vector<1024x128xbf16>, vector<128x5xbf16>, vector<1024x5xf32> -> vector<1024x5xf32>
    %add3A_460 = vector.broadcast %get3A_36 : vector<1x5xf32> to vector<1024x5xf32>
    %add3A_461 = arith.addf %dot_general3A_459, %add3A_460 : vector<1024x5xf32>
    %dma_wait3A_462 = arith.constant 1 : i32
    %dma_wait3A_463 = arith.constant 16383 : i32
    %dma_wait3A_464 = arith.constant 0 : i32
    %dma_wait3A_465 = tpu.memref_slice %arg8[%dma_wait3A_463, %dma_wait3A_464] : memref<65535x5xf32, #tpu.memory_space<hbm>> -> memref<1024x5xf32, #tpu.memory_space<hbm>>
    %dma_wait3A_466 = arith.constant 0 : i32
    %dma_wait3A_467 = arith.constant 0 : i32
    %dma_wait3A_468 = tpu.memref_slice %arg13[%dma_wait3A_462, %dma_wait3A_466, %dma_wait3A_467] : memref<4x2048x5xf32, #tpu.memory_space<vmem>> -> memref<1x1024x5xf32, #tpu.memory_space<vmem>>
    %dma_wait3A_469 = tpu.memref_squeeze %dma_wait3A_468 : memref<1x1024x5xf32, #tpu.memory_space<vmem>> -> memref<1024x5xf32, #tpu.memory_space<vmem>>
    tpu.wait_dma2 semaphore(%arg15 : memref<!tpu.dma_semaphore, #tpu.memory_space<semaphore_mem>>) src(%dma_wait3A_469 : memref<1024x5xf32, #tpu.memory_space<vmem>>) dst(%dma_wait3A_465 : memref<1024x5xf32, #tpu.memory_space<hbm>>)
    %swap3A_470 = arith.constant 1 : index
    %swap3A_471 = arith.constant 0 : index
    %swap3A_472 = arith.constant 0 : index
    %swap3A_473 = vector.load %arg13[%swap3A_470, %swap3A_471, %swap3A_472] : memref<4x2048x5xf32, #tpu.memory_space<vmem>>, vector<1x1024x5xf32>
    %swap3A_474 = vector.shape_cast %swap3A_473 : vector<1x1024x5xf32> to vector<1024x5xf32>
    %swap3A_475 = vector.shape_cast %add3A_461 : vector<1024x5xf32> to vector<1x1024x5xf32>
    tpu.vector_store %arg13[%swap3A_470, %swap3A_471, %swap3A_472], %swap3A_475 {strides = array<i32>} : memref<4x2048x5xf32, #tpu.memory_space<vmem>>, vector<1x1024x5xf32>,
    %dma_start3A_476 = arith.constant 1 : i32
    %dma_start3A_477 = arith.constant 18431 : i32
    %dma_start3A_478 = arith.constant 0 : i32
    %dma_start3A_479 = tpu.memref_slice %arg8[%dma_start3A_477, %dma_start3A_478] : memref<65535x5xf32, #tpu.memory_space<hbm>> -> memref<1024x5xf32, #tpu.memory_space<hbm>>
    %dma_start3A_480 = arith.constant 0 : i32
    %dma_start3A_481 = arith.constant 0 : i32
    %dma_start3A_482 = tpu.memref_slice %arg13[%dma_start3A_476, %dma_start3A_480, %dma_start3A_481] : memref<4x2048x5xf32, #tpu.memory_space<vmem>> -> memref<1x1024x5xf32, #tpu.memory_space<vmem>>
    %dma_start3A_483 = tpu.memref_squeeze %dma_start3A_482 : memref<1x1024x5xf32, #tpu.memory_space<vmem>> -> memref<1024x5xf32, #tpu.memory_space<vmem>>
    tpu.enqueue_dma source(%dma_start3A_483 : memref<1024x5xf32, #tpu.memory_space<vmem>>) target(%dma_start3A_479 : memref<1024x5xf32, #tpu.memory_space<hbm>>) target_semaphore(%arg15 : memref<!tpu.dma_semaphore, #tpu.memory_space<semaphore_mem>>)
    %dma_wait3A_484 = arith.constant 1 : i32
    %dma_wait3A_485 = arith.constant 0 : i32
    %dma_wait3A_486 = arith.constant 0 : i32
    %dma_wait3A_487 = tpu.memref_slice %arg14[%dma_wait3A_484, %dma_wait3A_485, %dma_wait3A_486] : memref<2x2048x128xf32, #tpu.memory_space<vmem>> -> memref<1x2048x128xf32, #tpu.memory_space<vmem>>
    %dma_wait3A_488 = tpu.memref_squeeze %dma_wait3A_487 : memref<1x2048x128xf32, #tpu.memory_space<vmem>> -> memref<2048x128xf32, #tpu.memory_space<vmem>>
    %dma_wait3A_489 = arith.constant 6144 : i32
    %dma_wait3A_490 = arith.constant 0 : i32
    %dma_wait3A_491 = tpu.memref_slice %arg0[%dma_wait3A_489, %dma_wait3A_490] : memref<32768x128xf32, #tpu.memory_space<hbm>> -> memref<2048x128xf32, #tpu.memory_space<hbm>>
    tpu.wait_dma2 semaphore(%arg16 : memref<!tpu.dma_semaphore, #tpu.memory_space<semaphore_mem>>) src(%dma_wait3A_491 : memref<2048x128xf32, #tpu.memory_space<hbm>>) dst(%dma_wait3A_488 : memref<2048x128xf32, #tpu.memory_space<vmem>>)
    %get3A_492 = arith.constant 1 : index
    %get3A_493 = arith.constant 0 : index
    %get3A_494 = arith.constant 0 : index
    %get3A_495 = vector.load %arg14[%get3A_492, %get3A_493, %get3A_494] : memref<2x2048x128xf32, #tpu.memory_space<vmem>>, vector<1x2048x128xf32>
    %get3A_496 = vector.shape_cast %get3A_495 : vector<1x2048x128xf32> to vector<2048x128xf32>
    %convert_element_type3A_497 = arith.truncf %get3A_496 : vector<2048x128xf32> to vector<2048x128xbf16>
    %dma_start3A_498 = arith.constant 1 : i32
    %dma_start3A_499 = arith.constant 0 : i32
    %dma_start3A_500 = arith.constant 0 : i32
    %dma_start3A_501 = tpu.memref_slice %arg14[%dma_start3A_498, %dma_start3A_499, %dma_start3A_500] : memref<2x2048x128xf32, #tpu.memory_space<vmem>> -> memref<1x2048x128xf32, #tpu.memory_space<vmem>>
    %dma_start3A_502 = tpu.memref_squeeze %dma_start3A_501 : memref<1x2048x128xf32, #tpu.memory_space<vmem>> -> memref<2048x128xf32, #tpu.memory_space<vmem>>
    %dma_start3A_503 = arith.constant 10240 : i32
    %dma_start3A_504 = arith.constant 0 : i32
    %dma_start3A_505 = tpu.memref_slice %arg0[%dma_start3A_503, %dma_start3A_504] : memref<32768x128xf32, #tpu.memory_space<hbm>> -> memref<2048x128xf32, #tpu.memory_space<hbm>>
    tpu.enqueue_dma source(%dma_start3A_505 : memref<2048x128xf32, #tpu.memory_space<hbm>>) target(%dma_start3A_502 : memref<2048x128xf32, #tpu.memory_space<vmem>>) target_semaphore(%arg16 : memref<!tpu.dma_semaphore, #tpu.memory_space<semaphore_mem>>)
    %dot_general3A_506 = arith.constant dense<0.000000e+00> : vector<2048x384xf32>
    %dot_general3A_507 = tpu.matmul %convert_element_type3A_497, %convert_element_type3A, %dot_general3A_506 {dimension_numbers = #tpu.dot_dimension_numbers<[1], [0], [0], [1], [0, 0, 1, 1], [], []>, transpose_lhs_hint = false} : vector<2048x128xbf16>, vector<128x384xbf16>, vector<2048x384xf32> -> vector<2048x384xf32>
    %add3A_508 = vector.broadcast %mul3A_23 : vector<1x384xf32> to vector<2048x384xf32>
    %add3A_509 = arith.addf %dot_general3A_507, %add3A_508 : vector<2048x384xf32>
    %slice3A_510 = vector.extract_strided_slice %add3A_509 {offsets = [0, 0], sizes = [2048, 128], strides = [1, 1]} : vector<2048x384xf32> to vector<2048x128xf32>
    %slice3A_511 = vector.extract_strided_slice %add3A_509 {offsets = [0, 128], sizes = [2048, 128], strides = [1, 1]} : vector<2048x384xf32> to vector<2048x128xf32>
    %slice3A_512 = vector.extract_strided_slice %add3A_509 {offsets = [0, 256], sizes = [2048, 128], strides = [1, 1]} : vector<2048x384xf32> to vector<2048x128xf32>
    %tanh3A_513 = math.tanh %slice3A_510 : vector<2048x128xf32>
    %mul3A_514 = arith.constant 5.000000e-01 : f32
    %mul3A_515 = vector.broadcast %mul3A_514 : f32 to vector<2048x128xf32>
    %mul3A_516 = arith.mulf %mul3A_515, %tanh3A_513 : vector<2048x128xf32>
    %add3A_517 = arith.constant 5.000000e-01 : f32
    %add3A_518 = vector.broadcast %add3A_517 : f32 to vector<2048x128xf32>
    %add3A_519 = arith.addf %mul3A_516, %add3A_518 : vector<2048x128xf32>
    %tanh3A_520 = math.tanh %slice3A_512 : vector<2048x128xf32>
    %mul3A_521 = arith.mulf %add3A_519, %tanh3A_520 : vector<2048x128xf32>
    %add3A_522 = arith.constant 0.000000e+00 : f32
    %add3A_523 = vector.broadcast %add3A_522 : f32 to vector<2048x128xf32>
    %add3A_524 = arith.addf %mul3A_521, %add3A_523 : vector<2048x128xf32>
    %tanh3A_525 = math.tanh %slice3A_511 : vector<2048x128xf32>
    %mul3A_526 = arith.constant 5.000000e-01 : f32
    %mul3A_527 = vector.broadcast %mul3A_526 : f32 to vector<2048x128xf32>
    %mul3A_528 = arith.mulf %mul3A_527, %tanh3A_525 : vector<2048x128xf32>
    %add3A_529 = arith.constant 5.000000e-01 : f32
    %add3A_530 = vector.broadcast %add3A_529 : f32 to vector<2048x128xf32>
    %add3A_531 = arith.addf %mul3A_528, %add3A_530 : vector<2048x128xf32>
    %tanh3A_532 = math.tanh %add3A_524 : vector<2048x128xf32>
    %mul3A_533 = arith.mulf %add3A_531, %tanh3A_532 : vector<2048x128xf32>
    %convert_element_type3A_534 = arith.truncf %mul3A_533 : vector<2048x128xf32> to vector<2048x128xbf16>
    %dot_general3A_535 = arith.constant dense<0.000000e+00> : vector<2048x5xf32>
    %dot_general3A_536 = tpu.matmul %convert_element_type3A_534, %convert_element_type3A_33, %dot_general3A_535 {dimension_numbers = #tpu.dot_dimension_numbers<[1], [0], [0], [1], [0, 0, 1, 1], [], []>, transpose_lhs_hint = false} : vector<2048x128xbf16>, vector<128x5xbf16>, vector<2048x5xf32> -> vector<2048x5xf32>
    %add3A_537 = vector.broadcast %get3A_36 : vector<1x5xf32> to vector<2048x5xf32>
    %add3A_538 = arith.addf %dot_general3A_536, %add3A_537 : vector<2048x5xf32>
    %dma_wait3A_539 = arith.constant 2 : i32
    %dma_wait3A_540 = arith.constant 34815 : i32
    %dma_wait3A_541 = arith.constant 0 : i32
    %dma_wait3A_542 = tpu.memref_slice %arg8[%dma_wait3A_540, %dma_wait3A_541] : memref<65535x5xf32, #tpu.memory_space<hbm>> -> memref<2048x5xf32, #tpu.memory_space<hbm>>
    %dma_wait3A_543 = arith.constant 0 : i32
    %dma_wait3A_544 = arith.constant 0 : i32
    %dma_wait3A_545 = tpu.memref_slice %arg13[%dma_wait3A_539, %dma_wait3A_543, %dma_wait3A_544] : memref<4x2048x5xf32, #tpu.memory_space<vmem>> -> memref<1x2048x5xf32, #tpu.memory_space<vmem>>
    %dma_wait3A_546 = tpu.memref_squeeze %dma_wait3A_545 : memref<1x2048x5xf32, #tpu.memory_space<vmem>> -> memref<2048x5xf32, #tpu.memory_space<vmem>>
    tpu.wait_dma2 semaphore(%arg15 : memref<!tpu.dma_semaphore, #tpu.memory_space<semaphore_mem>>) src(%dma_wait3A_546 : memref<2048x5xf32, #tpu.memory_space<vmem>>) dst(%dma_wait3A_542 : memref<2048x5xf32, #tpu.memory_space<hbm>>)
    %swap3A_547 = arith.constant 2 : index
    %swap3A_548 = arith.constant 0 : index
    %swap3A_549 = arith.constant 0 : index
    %swap3A_550 = vector.load %arg13[%swap3A_547, %swap3A_548, %swap3A_549] : memref<4x2048x5xf32, #tpu.memory_space<vmem>>, vector<1x2048x5xf32>
    %swap3A_551 = vector.shape_cast %swap3A_550 : vector<1x2048x5xf32> to vector<2048x5xf32>
    %swap3A_552 = vector.shape_cast %add3A_538 : vector<2048x5xf32> to vector<1x2048x5xf32>
    tpu.vector_store %arg13[%swap3A_547, %swap3A_548, %swap3A_549], %swap3A_552 {strides = array<i32>} : memref<4x2048x5xf32, #tpu.memory_space<vmem>>, vector<1x2048x5xf32>,
    %dma_start3A_553 = arith.constant 2 : i32
    %dma_start3A_554 = arith.constant 38911 : i32
    %dma_start3A_555 = arith.constant 0 : i32
    %dma_start3A_556 = tpu.memref_slice %arg8[%dma_start3A_554, %dma_start3A_555] : memref<65535x5xf32, #tpu.memory_space<hbm>> -> memref<2048x5xf32, #tpu.memory_space<hbm>>
    %dma_start3A_557 = arith.constant 0 : i32
    %dma_start3A_558 = arith.constant 0 : i32
    %dma_start3A_559 = tpu.memref_slice %arg13[%dma_start3A_553, %dma_start3A_557, %dma_start3A_558] : memref<4x2048x5xf32, #tpu.memory_space<vmem>> -> memref<1x2048x5xf32, #tpu.memory_space<vmem>>
    %dma_start3A_560 = tpu.memref_squeeze %dma_start3A_559 : memref<1x2048x5xf32, #tpu.memory_space<vmem>> -> memref<2048x5xf32, #tpu.memory_space<vmem>>
    tpu.enqueue_dma source(%dma_start3A_560 : memref<2048x5xf32, #tpu.memory_space<vmem>>) target(%dma_start3A_556 : memref<2048x5xf32, #tpu.memory_space<hbm>>) target_semaphore(%arg15 : memref<!tpu.dma_semaphore, #tpu.memory_space<semaphore_mem>>)
    %reshape3A_561 = vector.shape_cast %mul3A_533 : vector<2048x128xf32> to vector<1024x256xf32>
    %reshape3A_562 = vector.shape_cast %add3A_524 : vector<2048x128xf32> to vector<1024x256xf32>
    %convert_element_type3A_563 = arith.truncf %reshape3A_561 : vector<1024x256xf32> to vector<1024x256xbf16>
    %dot_general3A_564 = arith.constant dense<0.000000e+00> : vector<1024x256xf32>
    %dot_general3A_565 = tpu.matmul %convert_element_type3A_563, %convert_element_type3A_19, %dot_general3A_564 {dimension_numbers = #tpu.dot_dimension_numbers<[1], [0], [0], [1], [0, 0, 1, 1], [], []>, transpose_lhs_hint = false} : vector<1024x256xbf16>, vector<256x256xbf16>, vector<1024x256xf32> -> vector<1024x256xf32>
    %add3A_566 = vector.broadcast %mul3A_29 : vector<1x256xf32> to vector<1024x256xf32>
    %add3A_567 = arith.addf %dot_general3A_565, %add3A_566 : vector<1024x256xf32>
    %tanh3A_568 = math.tanh %add3A_567 : vector<1024x256xf32>
    %mul3A_569 = arith.constant 5.000000e-01 : f32
    %mul3A_570 = vector.broadcast %mul3A_569 : f32 to vector<1024x256xf32>
    %mul3A_571 = arith.mulf %mul3A_570, %tanh3A_568 : vector<1024x256xf32>
    %add3A_572 = arith.constant 5.000000e-01 : f32
    %add3A_573 = vector.broadcast %add3A_572 : f32 to vector<1024x256xf32>
    %add3A_574 = arith.addf %mul3A_571, %add3A_573 : vector<1024x256xf32>
    %slice3A_575 = vector.extract_strided_slice %add3A_574 {offsets = [0, 0], sizes = [1024, 128], strides = [1, 1]} : vector<1024x256xf32> to vector<1024x128xf32>
    %slice3A_576 = vector.extract_strided_slice %reshape3A_562 {offsets = [0, 0], sizes = [1024, 128], strides = [1, 1]} : vector<1024x256xf32> to vector<1024x128xf32>
    %mul3A_577 = arith.mulf %slice3A_575, %slice3A_576 : vector<1024x128xf32>
    %slice3A_578 = vector.extract_strided_slice %add3A_574 {offsets = [0, 128], sizes = [1024, 128], strides = [1, 1]} : vector<1024x256xf32> to vector<1024x128xf32>
    %slice3A_579 = vector.extract_strided_slice %reshape3A_562 {offsets = [0, 128], sizes = [1024, 128], strides = [1, 1]} : vector<1024x256xf32> to vector<1024x128xf32>
    %mul3A_580 = arith.mulf %slice3A_578, %slice3A_579 : vector<1024x128xf32>
    %add3A_581 = arith.addf %mul3A_577, %mul3A_580 : vector<1024x128xf32>
    %dot_general3A_582 = arith.constant dense<0.000000e+00> : vector<1024x384xf32>
    %dot_general3A_583 = tpu.matmul %convert_element_type3A_563, %convert_element_type3A_12, %dot_general3A_582 {dimension_numbers = #tpu.dot_dimension_numbers<[1], [0], [0], [1], [0, 0, 1, 1], [], []>, transpose_lhs_hint = false} : vector<1024x256xbf16>, vector<256x384xbf16>, vector<1024x384xf32> -> vector<1024x384xf32>
    %add3A_584 = vector.broadcast %mul3A_23 : vector<1x384xf32> to vector<1024x384xf32>
    %add3A_585 = arith.addf %dot_general3A_583, %add3A_584 : vector<1024x384xf32>
    %slice3A_586 = vector.extract_strided_slice %add3A_585 {offsets = [0, 0], sizes = [1024, 128], strides = [1, 1]} : vector<1024x384xf32> to vector<1024x128xf32>
    %slice3A_587 = vector.extract_strided_slice %add3A_585 {offsets = [0, 128], sizes = [1024, 128], strides = [1, 1]} : vector<1024x384xf32> to vector<1024x128xf32>
    %slice3A_588 = vector.extract_strided_slice %add3A_585 {offsets = [0, 256], sizes = [1024, 128], strides = [1, 1]} : vector<1024x384xf32> to vector<1024x128xf32>
    %tanh3A_589 = math.tanh %slice3A_586 : vector<1024x128xf32>
    %mul3A_590 = arith.constant 5.000000e-01 : f32
    %mul3A_591 = vector.broadcast %mul3A_590 : f32 to vector<1024x128xf32>
    %mul3A_592 = arith.mulf %mul3A_591, %tanh3A_589 : vector<1024x128xf32>
    %add3A_593 = arith.constant 5.000000e-01 : f32
    %add3A_594 = vector.broadcast %add3A_593 : f32 to vector<1024x128xf32>
    %add3A_595 = arith.addf %mul3A_592, %add3A_594 : vector<1024x128xf32>
    %tanh3A_596 = math.tanh %slice3A_588 : vector<1024x128xf32>
    %mul3A_597 = arith.mulf %add3A_595, %tanh3A_596 : vector<1024x128xf32>
    %add3A_598 = arith.addf %mul3A_597, %add3A_581 : vector<1024x128xf32>
    %tanh3A_599 = math.tanh %slice3A_587 : vector<1024x128xf32>
    %mul3A_600 = arith.constant 5.000000e-01 : f32
    %mul3A_601 = vector.broadcast %mul3A_600 : f32 to vector<1024x128xf32>
    %mul3A_602 = arith.mulf %mul3A_601, %tanh3A_599 : vector<1024x128xf32>
    %add3A_603 = arith.constant 5.000000e-01 : f32
    %add3A_604 = vector.broadcast %add3A_603 : f32 to vector<1024x128xf32>
    %add3A_605 = arith.addf %mul3A_602, %add3A_604 : vector<1024x128xf32>
    %tanh3A_606 = math.tanh %add3A_598 : vector<1024x128xf32>
    %mul3A_607 = arith.mulf %add3A_605, %tanh3A_606 : vector<1024x128xf32>
    %swap3A_608 = arith.constant 3072 : index
    %swap3A_609 = arith.constant 0 : index
    %swap3A_610 = vector.load %arg9[%swap3A_608, %swap3A_609] : memref<16384x128xf32, #tpu.memory_space<vmem>>, vector<1024x128xf32>
    tpu.vector_store %arg9[%swap3A_608, %swap3A_609], %mul3A_607 {strides = array<i32>} : memref<16384x128xf32, #tpu.memory_space<vmem>>, vector<1024x128xf32>,
    %swap3A_611 = arith.constant 3072 : index
    %swap3A_612 = arith.constant 0 : index
    %swap3A_613 = vector.load %arg10[%swap3A_611, %swap3A_612] : memref<16384x128xf32, #tpu.memory_space<vmem>>, vector<1024x128xf32>
    tpu.vector_store %arg10[%swap3A_611, %swap3A_612], %add3A_598 {strides = array<i32>} : memref<16384x128xf32, #tpu.memory_space<vmem>>, vector<1024x128xf32>,
    %convert_element_type3A_614 = arith.truncf %mul3A_607 : vector<1024x128xf32> to vector<1024x128xbf16>
    %dot_general3A_615 = arith.constant dense<0.000000e+00> : vector<1024x5xf32>
    %dot_general3A_616 = tpu.matmul %convert_element_type3A_614, %convert_element_type3A_33, %dot_general3A_615 {dimension_numbers = #tpu.dot_dimension_numbers<[1], [0], [0], [1], [0, 0, 1, 1], [], []>, transpose_lhs_hint = false} : vector<1024x128xbf16>, vector<128x5xbf16>, vector<1024x5xf32> -> vector<1024x5xf32>
    %add3A_617 = vector.broadcast %get3A_36 : vector<1x5xf32> to vector<1024x5xf32>
    %add3A_618 = arith.addf %dot_general3A_616, %add3A_617 : vector<1024x5xf32>
    %dma_wait3A_619 = arith.constant 3 : i32
    %dma_wait3A_620 = arith.constant 17407 : i32
    %dma_wait3A_621 = arith.constant 0 : i32
    %dma_wait3A_622 = tpu.memref_slice %arg8[%dma_wait3A_620, %dma_wait3A_621] : memref<65535x5xf32, #tpu.memory_space<hbm>> -> memref<1024x5xf32, #tpu.memory_space<hbm>>
    %dma_wait3A_623 = arith.constant 0 : i32
    %dma_wait3A_624 = arith.constant 0 : i32
    %dma_wait3A_625 = tpu.memref_slice %arg13[%dma_wait3A_619, %dma_wait3A_623, %dma_wait3A_624] : memref<4x2048x5xf32, #tpu.memory_space<vmem>> -> memref<1x1024x5xf32, #tpu.memory_space<vmem>>
    %dma_wait3A_626 = tpu.memref_squeeze %dma_wait3A_625 : memref<1x1024x5xf32, #tpu.memory_space<vmem>> -> memref<1024x5xf32, #tpu.memory_space<vmem>>
    tpu.wait_dma2 semaphore(%arg15 : memref<!tpu.dma_semaphore, #tpu.memory_space<semaphore_mem>>) src(%dma_wait3A_626 : memref<1024x5xf32, #tpu.memory_space<vmem>>) dst(%dma_wait3A_622 : memref<1024x5xf32, #tpu.memory_space<hbm>>)
    %swap3A_627 = arith.constant 3 : index
    %swap3A_628 = arith.constant 0 : index
    %swap3A_629 = arith.constant 0 : index
    %swap3A_630 = vector.load %arg13[%swap3A_627, %swap3A_628, %swap3A_629] : memref<4x2048x5xf32, #tpu.memory_space<vmem>>, vector<1x1024x5xf32>
    %swap3A_631 = vector.shape_cast %swap3A_630 : vector<1x1024x5xf32> to vector<1024x5xf32>
    %swap3A_632 = vector.shape_cast %add3A_618 : vector<1024x5xf32> to vector<1x1024x5xf32>
    tpu.vector_store %arg13[%swap3A_627, %swap3A_628, %swap3A_629], %swap3A_632 {strides = array<i32>} : memref<4x2048x5xf32, #tpu.memory_space<vmem>>, vector<1x1024x5xf32>,
    %dma_start3A_633 = arith.constant 3 : i32
    %dma_start3A_634 = arith.constant 19455 : i32
    %dma_start3A_635 = arith.constant 0 : i32
    %dma_start3A_636 = tpu.memref_slice %arg8[%dma_start3A_634, %dma_start3A_635] : memref<65535x5xf32, #tpu.memory_space<hbm>> -> memref<1024x5xf32, #tpu.memory_space<hbm>>
    %dma_start3A_637 = arith.constant 0 : i32
    %dma_start3A_638 = arith.constant 0 : i32
    %dma_start3A_639 = tpu.memref_slice %arg13[%dma_start3A_633, %dma_start3A_637, %dma_start3A_638] : memref<4x2048x5xf32, #tpu.memory_space<vmem>> -> memref<1x1024x5xf32, #tpu.memory_space<vmem>>
    %dma_start3A_640 = tpu.memref_squeeze %dma_start3A_639 : memref<1x1024x5xf32, #tpu.memory_space<vmem>> -> memref<1024x5xf32, #tpu.memory_space<vmem>>
    tpu.enqueue_dma source(%dma_start3A_640 : memref<1024x5xf32, #tpu.memory_space<vmem>>) target(%dma_start3A_636 : memref<1024x5xf32, #tpu.memory_space<hbm>>) target_semaphore(%arg15 : memref<!tpu.dma_semaphore, #tpu.memory_space<semaphore_mem>>)
    %dma_wait3A_641 = arith.constant 0 : i32
    %dma_wait3A_642 = arith.constant 0 : i32
    %dma_wait3A_643 = arith.constant 0 : i32
    %dma_wait3A_644 = tpu.memref_slice %arg14[%dma_wait3A_641, %dma_wait3A_642, %dma_wait3A_643] : memref<2x2048x128xf32, #tpu.memory_space<vmem>> -> memref<1x2048x128xf32, #tpu.memory_space<vmem>>
    %dma_wait3A_645 = tpu.memref_squeeze %dma_wait3A_644 : memref<1x2048x128xf32, #tpu.memory_space<vmem>> -> memref<2048x128xf32, #tpu.memory_space<vmem>>
    %dma_wait3A_646 = arith.constant 8192 : i32
    %dma_wait3A_647 = arith.constant 0 : i32
    %dma_wait3A_648 = tpu.memref_slice %arg0[%dma_wait3A_646, %dma_wait3A_647] : memref<32768x128xf32, #tpu.memory_space<hbm>> -> memref<2048x128xf32, #tpu.memory_space<hbm>>
    tpu.wait_dma2 semaphore(%arg16 : memref<!tpu.dma_semaphore, #tpu.memory_space<semaphore_mem>>) src(%dma_wait3A_648 : memref<2048x128xf32, #tpu.memory_space<hbm>>) dst(%dma_wait3A_645 : memref<2048x128xf32, #tpu.memory_space<vmem>>)
    %get3A_649 = arith.constant 0 : index
    %get3A_650 = arith.constant 0 : index
    %get3A_651 = arith.constant 0 : index
    %get3A_652 = vector.load %arg14[%get3A_649, %get3A_650, %get3A_651] : memref<2x2048x128xf32, #tpu.memory_space<vmem>>, vector<1x2048x128xf32>
    %get3A_653 = vector.shape_cast %get3A_652 : vector<1x2048x128xf32> to vector<2048x128xf32>
    %convert_element_type3A_654 = arith.truncf %get3A_653 : vector<2048x128xf32> to vector<2048x128xbf16>
    %dma_start3A_655 = arith.constant 0 : i32
    %dma_start3A_656 = arith.constant 0 : i32
    %dma_start3A_657 = arith.constant 0 : i32
    %dma_start3A_658 = tpu.memref_slice %arg14[%dma_start3A_655, %dma_start3A_656, %dma_start3A_657] : memref<2x2048x128xf32, #tpu.memory_space<vmem>> -> memref<1x2048x128xf32, #tpu.memory_space<vmem>>
    %dma_start3A_659 = tpu.memref_squeeze %dma_start3A_658 : memref<1x2048x128xf32, #tpu.memory_space<vmem>> -> memref<2048x128xf32, #tpu.memory_space<vmem>>
    %dma_start3A_660 = arith.constant 12288 : i32
    %dma_start3A_661 = arith.constant 0 : i32
    %dma_start3A_662 = tpu.memref_slice %arg0[%dma_start3A_660, %dma_start3A_661] : memref<32768x128xf32, #tpu.memory_space<hbm>> -> memref<2048x128xf32, #tpu.memory_space<hbm>>
    tpu.enqueue_dma source(%dma_start3A_662 : memref<2048x128xf32, #tpu.memory_space<hbm>>) target(%dma_start3A_659 : memref<2048x128xf32, #tpu.memory_space<vmem>>) target_semaphore(%arg16 : memref<!tpu.dma_semaphore, #tpu.memory_space<semaphore_mem>>)
    %dot_general3A_663 = arith.constant dense<0.000000e+00> : vector<2048x384xf32>
    %dot_general3A_664 = tpu.matmul %convert_element_type3A_654, %convert_element_type3A, %dot_general3A_663 {dimension_numbers = #tpu.dot_dimension_numbers<[1], [0], [0], [1], [0, 0, 1, 1], [], []>, transpose_lhs_hint = false} : vector<2048x128xbf16>, vector<128x384xbf16>, vector<2048x384xf32> -> vector<2048x384xf32>
    %add3A_665 = vector.broadcast %mul3A_23 : vector<1x384xf32> to vector<2048x384xf32>
    %add3A_666 = arith.addf %dot_general3A_664, %add3A_665 : vector<2048x384xf32>
    %slice3A_667 = vector.extract_strided_slice %add3A_666 {offsets = [0, 0], sizes = [2048, 128], strides = [1, 1]} : vector<2048x384xf32> to vector<2048x128xf32>
    %slice3A_668 = vector.extract_strided_slice %add3A_666 {offsets = [0, 128], sizes = [2048, 128], strides = [1, 1]} : vector<2048x384xf32> to vector<2048x128xf32>
    %slice3A_669 = vector.extract_strided_slice %add3A_666 {offsets = [0, 256], sizes = [2048, 128], strides = [1, 1]} : vector<2048x384xf32> to vector<2048x128xf32>
    %tanh3A_670 = math.tanh %slice3A_667 : vector<2048x128xf32>
    %mul3A_671 = arith.constant 5.000000e-01 : f32
    %mul3A_672 = vector.broadcast %mul3A_671 : f32 to vector<2048x128xf32>
    %mul3A_673 = arith.mulf %mul3A_672, %tanh3A_670 : vector<2048x128xf32>
    %add3A_674 = arith.constant 5.000000e-01 : f32
    %add3A_675 = vector.broadcast %add3A_674 : f32 to vector<2048x128xf32>
    %add3A_676 = arith.addf %mul3A_673, %add3A_675 : vector<2048x128xf32>
    %tanh3A_677 = math.tanh %slice3A_669 : vector<2048x128xf32>
    %mul3A_678 = arith.mulf %add3A_676, %tanh3A_677 : vector<2048x128xf32>
    %add3A_679 = arith.constant 0.000000e+00 : f32
    %add3A_680 = vector.broadcast %add3A_679 : f32 to vector<2048x128xf32>
    %add3A_681 = arith.addf %mul3A_678, %add3A_680 : vector<2048x128xf32>
    %tanh3A_682 = math.tanh %slice3A_668 : vector<2048x128xf32>
    %mul3A_683 = arith.constant 5.000000e-01 : f32
    %mul3A_684 = vector.broadcast %mul3A_683 : f32 to vector<2048x128xf32>
    %mul3A_685 = arith.mulf %mul3A_684, %tanh3A_682 : vector<2048x128xf32>
    %add3A_686 = arith.constant 5.000000e-01 : f32
    %add3A_687 = vector.broadcast %add3A_686 : f32 to vector<2048x128xf32>
    %add3A_688 = arith.addf %mul3A_685, %add3A_687 : vector<2048x128xf32>
    %tanh3A_689 = math.tanh %add3A_681 : vector<2048x128xf32>
    %mul3A_690 = arith.mulf %add3A_688, %tanh3A_689 : vector<2048x128xf32>
    %convert_element_type3A_691 = arith.truncf %mul3A_690 : vector<2048x128xf32> to vector<2048x128xbf16>
    %dot_general3A_692 = arith.constant dense<0.000000e+00> : vector<2048x5xf32>
    %dot_general3A_693 = tpu.matmul %convert_element_type3A_691, %convert_element_type3A_33, %dot_general3A_692 {dimension_numbers = #tpu.dot_dimension_numbers<[1], [0], [0], [1], [0, 0, 1, 1], [], []>, transpose_lhs_hint = false} : vector<2048x128xbf16>, vector<128x5xbf16>, vector<2048x5xf32> -> vector<2048x5xf32>
    %add3A_694 = vector.broadcast %get3A_36 : vector<1x5xf32> to vector<2048x5xf32>
    %add3A_695 = arith.addf %dot_general3A_693, %add3A_694 : vector<2048x5xf32>
    %dma_wait3A_696 = arith.constant 0 : i32
    %dma_wait3A_697 = arith.constant 36863 : i32
    %dma_wait3A_698 = arith.constant 0 : i32
    %dma_wait3A_699 = tpu.memref_slice %arg8[%dma_wait3A_697, %dma_wait3A_698] : memref<65535x5xf32, #tpu.memory_space<hbm>> -> memref<2048x5xf32, #tpu.memory_space<hbm>>
    %dma_wait3A_700 = arith.constant 0 : i32
    %dma_wait3A_701 = arith.constant 0 : i32
    %dma_wait3A_702 = tpu.memref_slice %arg13[%dma_wait3A_696, %dma_wait3A_700, %dma_wait3A_701] : memref<4x2048x5xf32, #tpu.memory_space<vmem>> -> memref<1x2048x5xf32, #tpu.memory_space<vmem>>
    %dma_wait3A_703 = tpu.memref_squeeze %dma_wait3A_702 : memref<1x2048x5xf32, #tpu.memory_space<vmem>> -> memref<2048x5xf32, #tpu.memory_space<vmem>>
    tpu.wait_dma2 semaphore(%arg15 : memref<!tpu.dma_semaphore, #tpu.memory_space<semaphore_mem>>) src(%dma_wait3A_703 : memref<2048x5xf32, #tpu.memory_space<vmem>>) dst(%dma_wait3A_699 : memref<2048x5xf32, #tpu.memory_space<hbm>>)
    %swap3A_704 = arith.constant 0 : index
    %swap3A_705 = arith.constant 0 : index
    %swap3A_706 = arith.constant 0 : index
    %swap3A_707 = vector.load %arg13[%swap3A_704, %swap3A_705, %swap3A_706] : memref<4x2048x5xf32, #tpu.memory_space<vmem>>, vector<1x2048x5xf32>
    %swap3A_708 = vector.shape_cast %swap3A_707 : vector<1x2048x5xf32> to vector<2048x5xf32>
    %swap3A_709 = vector.shape_cast %add3A_695 : vector<2048x5xf32> to vector<1x2048x5xf32>
    tpu.vector_store %arg13[%swap3A_704, %swap3A_705, %swap3A_706], %swap3A_709 {strides = array<i32>} : memref<4x2048x5xf32, #tpu.memory_space<vmem>>, vector<1x2048x5xf32>,
    %dma_start3A_710 = arith.constant 0 : i32
    %dma_start3A_711 = arith.constant 40959 : i32
    %dma_start3A_712 = arith.constant 0 : i32
    %dma_start3A_713 = tpu.memref_slice %arg8[%dma_start3A_711, %dma_start3A_712] : memref<65535x5xf32, #tpu.memory_space<hbm>> -> memref<2048x5xf32, #tpu.memory_space<hbm>>
    %dma_start3A_714 = arith.constant 0 : i32
    %dma_start3A_715 = arith.constant 0 : i32
    %dma_start3A_716 = tpu.memref_slice %arg13[%dma_start3A_710, %dma_start3A_714, %dma_start3A_715] : memref<4x2048x5xf32, #tpu.memory_space<vmem>> -> memref<1x2048x5xf32, #tpu.memory_space<vmem>>
    %dma_start3A_717 = tpu.memref_squeeze %dma_start3A_716 : memref<1x2048x5xf32, #tpu.memory_space<vmem>> -> memref<2048x5xf32, #tpu.memory_space<vmem>>
    tpu.enqueue_dma source(%dma_start3A_717 : memref<2048x5xf32, #tpu.memory_space<vmem>>) target(%dma_start3A_713 : memref<2048x5xf32, #tpu.memory_space<hbm>>) target_semaphore(%arg15 : memref<!tpu.dma_semaphore, #tpu.memory_space<semaphore_mem>>)
    %reshape3A_718 = vector.shape_cast %mul3A_690 : vector<2048x128xf32> to vector<1024x256xf32>
    %reshape3A_719 = vector.shape_cast %add3A_681 : vector<2048x128xf32> to vector<1024x256xf32>
    %convert_element_type3A_720 = arith.truncf %reshape3A_718 : vector<1024x256xf32> to vector<1024x256xbf16>
    %dot_general3A_721 = arith.constant dense<0.000000e+00> : vector<1024x256xf32>
    %dot_general3A_722 = tpu.matmul %convert_element_type3A_720, %convert_element_type3A_19, %dot_general3A_721 {dimension_numbers = #tpu.dot_dimension_numbers<[1], [0], [0], [1], [0, 0, 1, 1], [], []>, transpose_lhs_hint = false} : vector<1024x256xbf16>, vector<256x256xbf16>, vector<1024x256xf32> -> vector<1024x256xf32>
    %add3A_723 = vector.broadcast %mul3A_29 : vector<1x256xf32> to vector<1024x256xf32>
    %add3A_724 = arith.addf %dot_general3A_722, %add3A_723 : vector<1024x256xf32>
    %tanh3A_725 = math.tanh %add3A_724 : vector<1024x256xf32>
    %mul3A_726 = arith.constant 5.000000e-01 : f32
    %mul3A_727 = vector.broadcast %mul3A_726 : f32 to vector<1024x256xf32>
    %mul3A_728 = arith.mulf %mul3A_727, %tanh3A_725 : vector<1024x256xf32>
    %add3A_729 = arith.constant 5.000000e-01 : f32
    %add3A_730 = vector.broadcast %add3A_729 : f32 to vector<1024x256xf32>
    %add3A_731 = arith.addf %mul3A_728, %add3A_730 : vector<1024x256xf32>
    %slice3A_732 = vector.extract_strided_slice %add3A_731 {offsets = [0, 0], sizes = [1024, 128], strides = [1, 1]} : vector<1024x256xf32> to vector<1024x128xf32>
    %slice3A_733 = vector.extract_strided_slice %reshape3A_719 {offsets = [0, 0], sizes = [1024, 128], strides = [1, 1]} : vector<1024x256xf32> to vector<1024x128xf32>
    %mul3A_734 = arith.mulf %slice3A_732, %slice3A_733 : vector<1024x128xf32>
    %slice3A_735 = vector.extract_strided_slice %add3A_731 {offsets = [0, 128], sizes = [1024, 128], strides = [1, 1]} : vector<1024x256xf32> to vector<1024x128xf32>
    %slice3A_736 = vector.extract_strided_slice %reshape3A_719 {offsets = [0, 128], sizes = [1024, 128], strides = [1, 1]} : vector<1024x256xf32> to vector<1024x128xf32>
    %mul3A_737 = arith.mulf %slice3A_735, %slice3A_736 : vector<1024x128xf32>
    %add3A_738 = arith.addf %mul3A_734, %mul3A_737 : vector<1024x128xf32>
    %dot_general3A_739 = arith.constant dense<0.000000e+00> : vector<1024x384xf32>
    %dot_general3A_740 = tpu.matmul %convert_element_type3A_720, %convert_element_type3A_12, %dot_general3A_739 {dimension_numbers = #tpu.dot_dimension_numbers<[1], [0], [0], [1], [0, 0, 1, 1], [], []>, transpose_lhs_hint = false} : vector<1024x256xbf16>, vector<256x384xbf16>, vector<1024x384xf32> -> vector<1024x384xf32>
    %add3A_741 = vector.broadcast %mul3A_23 : vector<1x384xf32> to vector<1024x384xf32>
    %add3A_742 = arith.addf %dot_general3A_740, %add3A_741 : vector<1024x384xf32>
    %slice3A_743 = vector.extract_strided_slice %add3A_742 {offsets = [0, 0], sizes = [1024, 128], strides = [1, 1]} : vector<1024x384xf32> to vector<1024x128xf32>
    %slice3A_744 = vector.extract_strided_slice %add3A_742 {offsets = [0, 128], sizes = [1024, 128], strides = [1, 1]} : vector<1024x384xf32> to vector<1024x128xf32>
    %slice3A_745 = vector.extract_strided_slice %add3A_742 {offsets = [0, 256], sizes = [1024, 128], strides = [1, 1]} : vector<1024x384xf32> to vector<1024x128xf32>
    %tanh3A_746 = math.tanh %slice3A_743 : vector<1024x128xf32>
    %mul3A_747 = arith.constant 5.000000e-01 : f32
    %mul3A_748 = vector.broadcast %mul3A_747 : f32 to vector<1024x128xf32>
    %mul3A_749 = arith.mulf %mul3A_748, %tanh3A_746 : vector<1024x128xf32>
    %add3A_750 = arith.constant 5.000000e-01 : f32
    %add3A_751 = vector.broadcast %add3A_750 : f32 to vector<1024x128xf32>
    %add3A_752 = arith.addf %mul3A_749, %add3A_751 : vector<1024x128xf32>
    %tanh3A_753 = math.tanh %slice3A_745 : vector<1024x128xf32>
    %mul3A_754 = arith.mulf %add3A_752, %tanh3A_753 : vector<1024x128xf32>
    %add3A_755 = arith.addf %mul3A_754, %add3A_738 : vector<1024x128xf32>
    %tanh3A_756 = math.tanh %slice3A_744 : vector<1024x128xf32>
    %mul3A_757 = arith.constant 5.000000e-01 : f32
    %mul3A_758 = vector.broadcast %mul3A_757 : f32 to vector<1024x128xf32>
    %mul3A_759 = arith.mulf %mul3A_758, %tanh3A_756 : vector<1024x128xf32>
    %add3A_760 = arith.constant 5.000000e-01 : f32
    %add3A_761 = vector.broadcast %add3A_760 : f32 to vector<1024x128xf32>
    %add3A_762 = arith.addf %mul3A_759, %add3A_761 : vector<1024x128xf32>
    %tanh3A_763 = math.tanh %add3A_755 : vector<1024x128xf32>
    %mul3A_764 = arith.mulf %add3A_762, %tanh3A_763 : vector<1024x128xf32>
    %swap3A_765 = arith.constant 4096 : index
    %swap3A_766 = arith.constant 0 : index
    %swap3A_767 = vector.load %arg9[%swap3A_765, %swap3A_766] : memref<16384x128xf32, #tpu.memory_space<vmem>>, vector<1024x128xf32>
    tpu.vector_store %arg9[%swap3A_765, %swap3A_766], %mul3A_764 {strides = array<i32>} : memref<16384x128xf32, #tpu.memory_space<vmem>>, vector<1024x128xf32>,
    %swap3A_768 = arith.constant 4096 : index
    %swap3A_769 = arith.constant 0 : index
    %swap3A_770 = vector.load %arg10[%swap3A_768, %swap3A_769] : memref<16384x128xf32, #tpu.memory_space<vmem>>, vector<1024x128xf32>
    tpu.vector_store %arg10[%swap3A_768, %swap3A_769], %add3A_755 {strides = array<i32>} : memref<16384x128xf32, #tpu.memory_space<vmem>>, vector<1024x128xf32>,
    %convert_element_type3A_771 = arith.truncf %mul3A_764 : vector<1024x128xf32> to vector<1024x128xbf16>
    %dot_general3A_772 = arith.constant dense<0.000000e+00> : vector<1024x5xf32>
    %dot_general3A_773 = tpu.matmul %convert_element_type3A_771, %convert_element_type3A_33, %dot_general3A_772 {dimension_numbers = #tpu.dot_dimension_numbers<[1], [0], [0], [1], [0, 0, 1, 1], [], []>, transpose_lhs_hint = false} : vector<1024x128xbf16>, vector<128x5xbf16>, vector<1024x5xf32> -> vector<1024x5xf32>
    %add3A_774 = vector.broadcast %get3A_36 : vector<1x5xf32> to vector<1024x5xf32>
    %add3A_775 = arith.addf %dot_general3A_773, %add3A_774 : vector<1024x5xf32>
    %dma_wait3A_776 = arith.constant 1 : i32
    %dma_wait3A_777 = arith.constant 18431 : i32
    %dma_wait3A_778 = arith.constant 0 : i32
    %dma_wait3A_779 = tpu.memref_slice %arg8[%dma_wait3A_777, %dma_wait3A_778] : memref<65535x5xf32, #tpu.memory_space<hbm>> -> memref<1024x5xf32, #tpu.memory_space<hbm>>
    %dma_wait3A_780 = arith.constant 0 : i32
    %dma_wait3A_781 = arith.constant 0 : i32
    %dma_wait3A_782 = tpu.memref_slice %arg13[%dma_wait3A_776, %dma_wait3A_780, %dma_wait3A_781] : memref<4x2048x5xf32, #tpu.memory_space<vmem>> -> memref<1x1024x5xf32, #tpu.memory_space<vmem>>
    %dma_wait3A_783 = tpu.memref_squeeze %dma_wait3A_782 : memref<1x1024x5xf32, #tpu.memory_space<vmem>> -> memref<1024x5xf32, #tpu.memory_space<vmem>>
    tpu.wait_dma2 semaphore(%arg15 : memref<!tpu.dma_semaphore, #tpu.memory_space<semaphore_mem>>) src(%dma_wait3A_783 : memref<1024x5xf32, #tpu.memory_space<vmem>>) dst(%dma_wait3A_779 : memref<1024x5xf32, #tpu.memory_space<hbm>>)
    %swap3A_784 = arith.constant 1 : index
    %swap3A_785 = arith.constant 0 : index
    %swap3A_786 = arith.constant 0 : index
    %swap3A_787 = vector.load %arg13[%swap3A_784, %swap3A_785, %swap3A_786] : memref<4x2048x5xf32, #tpu.memory_space<vmem>>, vector<1x1024x5xf32>
    %swap3A_788 = vector.shape_cast %swap3A_787 : vector<1x1024x5xf32> to vector<1024x5xf32>
    %swap3A_789 = vector.shape_cast %add3A_775 : vector<1024x5xf32> to vector<1x1024x5xf32>
    tpu.vector_store %arg13[%swap3A_784, %swap3A_785, %swap3A_786], %swap3A_789 {strides = array<i32>} : memref<4x2048x5xf32, #tpu.memory_space<vmem>>, vector<1x1024x5xf32>,
    %dma_start3A_790 = arith.constant 1 : i32
    %dma_start3A_791 = arith.constant 20479 : i32
    %dma_start3A_792 = arith.constant 0 : i32
    %dma_start3A_793 = tpu.memref_slice %arg8[%dma_start3A_791, %dma_start3A_792] : memref<65535x5xf32, #tpu.memory_space<hbm>> -> memref<1024x5xf32, #tpu.memory_space<hbm>>
    %dma_start3A_794 = arith.constant 0 : i32
    %dma_start3A_795 = arith.constant 0 : i32
    %dma_start3A_796 = tpu.memref_slice %arg13[%dma_start3A_790, %dma_start3A_794, %dma_start3A_795] : memref<4x2048x5xf32, #tpu.memory_space<vmem>> -> memref<1x1024x5xf32, #tpu.memory_space<vmem>>
    %dma_start3A_797 = tpu.memref_squeeze %dma_start3A_796 : memref<1x1024x5xf32, #tpu.memory_space<vmem>> -> memref<1024x5xf32, #tpu.memory_space<vmem>>
    tpu.enqueue_dma source(%dma_start3A_797 : memref<1024x5xf32, #tpu.memory_space<vmem>>) target(%dma_start3A_793 : memref<1024x5xf32, #tpu.memory_space<hbm>>) target_semaphore(%arg15 : memref<!tpu.dma_semaphore, #tpu.memory_space<semaphore_mem>>)
    %dma_wait3A_798 = arith.constant 1 : i32
    %dma_wait3A_799 = arith.constant 0 : i32
    %dma_wait3A_800 = arith.constant 0 : i32
    %dma_wait3A_801 = tpu.memref_slice %arg14[%dma_wait3A_798, %dma_wait3A_799, %dma_wait3A_800] : memref<2x2048x128xf32, #tpu.memory_space<vmem>> -> memref<1x2048x128xf32, #tpu.memory_space<vmem>>
    %dma_wait3A_802 = tpu.memref_squeeze %dma_wait3A_801 : memref<1x2048x128xf32, #tpu.memory_space<vmem>> -> memref<2048x128xf32, #tpu.memory_space<vmem>>
    %dma_wait3A_803 = arith.constant 10240 : i32
    %dma_wait3A_804 = arith.constant 0 : i32
    %dma_wait3A_805 = tpu.memref_slice %arg0[%dma_wait3A_803, %dma_wait3A_804] : memref<32768x128xf32, #tpu.memory_space<hbm>> -> memref<2048x128xf32, #tpu.memory_space<hbm>>
    tpu.wait_dma2 semaphore(%arg16 : memref<!tpu.dma_semaphore, #tpu.memory_space<semaphore_mem>>) src(%dma_wait3A_805 : memref<2048x128xf32, #tpu.memory_space<hbm>>) dst(%dma_wait3A_802 : memref<2048x128xf32, #tpu.memory_space<vmem>>)
    %get3A_806 = arith.constant 1 : index
    %get3A_807 = arith.constant 0 : index
    %get3A_808 = arith.constant 0 : index
    %get3A_809 = vector.load %arg14[%get3A_806, %get3A_807, %get3A_808] : memref<2x2048x128xf32, #tpu.memory_space<vmem>>, vector<1x2048x128xf32>
    %get3A_810 = vector.shape_cast %get3A_809 : vector<1x2048x128xf32> to vector<2048x128xf32>
    %convert_element_type3A_811 = arith.truncf %get3A_810 : vector<2048x128xf32> to vector<2048x128xbf16>
    %dma_start3A_812 = arith.constant 1 : i32
    %dma_start3A_813 = arith.constant 0 : i32
    %dma_start3A_814 = arith.constant 0 : i32
    %dma_start3A_815 = tpu.memref_slice %arg14[%dma_start3A_812, %dma_start3A_813, %dma_start3A_814] : memref<2x2048x128xf32, #tpu.memory_space<vmem>> -> memref<1x2048x128xf32, #tpu.memory_space<vmem>>
    %dma_start3A_816 = tpu.memref_squeeze %dma_start3A_815 : memref<1x2048x128xf32, #tpu.memory_space<vmem>> -> memref<2048x128xf32, #tpu.memory_space<vmem>>
    %dma_start3A_817 = arith.constant 14336 : i32
    %dma_start3A_818 = arith.constant 0 : i32
    %dma_start3A_819 = tpu.memref_slice %arg0[%dma_start3A_817, %dma_start3A_818] : memref<32768x128xf32, #tpu.memory_space<hbm>> -> memref<2048x128xf32, #tpu.memory_space<hbm>>
    tpu.enqueue_dma source(%dma_start3A_819 : memref<2048x128xf32, #tpu.memory_space<hbm>>) target(%dma_start3A_816 : memref<2048x128xf32, #tpu.memory_space<vmem>>) target_semaphore(%arg16 : memref<!tpu.dma_semaphore, #tpu.memory_space<semaphore_mem>>)
    %dot_general3A_820 = arith.constant dense<0.000000e+00> : vector<2048x384xf32>
    %dot_general3A_821 = tpu.matmul %convert_element_type3A_811, %convert_element_type3A, %dot_general3A_820 {dimension_numbers = #tpu.dot_dimension_numbers<[1], [0], [0], [1], [0, 0, 1, 1], [], []>, transpose_lhs_hint = false} : vector<2048x128xbf16>, vector<128x384xbf16>, vector<2048x384xf32> -> vector<2048x384xf32>
    %add3A_822 = vector.broadcast %mul3A_23 : vector<1x384xf32> to vector<2048x384xf32>
    %add3A_823 = arith.addf %dot_general3A_821, %add3A_822 : vector<2048x384xf32>
    %slice3A_824 = vector.extract_strided_slice %add3A_823 {offsets = [0, 0], sizes = [2048, 128], strides = [1, 1]} : vector<2048x384xf32> to vector<2048x128xf32>
    %slice3A_825 = vector.extract_strided_slice %add3A_823 {offsets = [0, 128], sizes = [2048, 128], strides = [1, 1]} : vector<2048x384xf32> to vector<2048x128xf32>
    %slice3A_826 = vector.extract_strided_slice %add3A_823 {offsets = [0, 256], sizes = [2048, 128], strides = [1, 1]} : vector<2048x384xf32> to vector<2048x128xf32>
    %tanh3A_827 = math.tanh %slice3A_824 : vector<2048x128xf32>
    %mul3A_828 = arith.constant 5.000000e-01 : f32
    %mul3A_829 = vector.broadcast %mul3A_828 : f32 to vector<2048x128xf32>
    %mul3A_830 = arith.mulf %mul3A_829, %tanh3A_827 : vector<2048x128xf32>
    %add3A_831 = arith.constant 5.000000e-01 : f32
    %add3A_832 = vector.broadcast %add3A_831 : f32 to vector<2048x128xf32>
    %add3A_833 = arith.addf %mul3A_830, %add3A_832 : vector<2048x128xf32>
    %tanh3A_834 = math.tanh %slice3A_826 : vector<2048x128xf32>
    %mul3A_835 = arith.mulf %add3A_833, %tanh3A_834 : vector<2048x128xf32>
    %add3A_836 = arith.constant 0.000000e+00 : f32
    %add3A_837 = vector.broadcast %add3A_836 : f32 to vector<2048x128xf32>
    %add3A_838 = arith.addf %mul3A_835, %add3A_837 : vector<2048x128xf32>
    %tanh3A_839 = math.tanh %slice3A_825 : vector<2048x128xf32>
    %mul3A_840 = arith.constant 5.000000e-01 : f32
    %mul3A_841 = vector.broadcast %mul3A_840 : f32 to vector<2048x128xf32>
    %mul3A_842 = arith.mulf %mul3A_841, %tanh3A_839 : vector<2048x128xf32>
    %add3A_843 = arith.constant 5.000000e-01 : f32
    %add3A_844 = vector.broadcast %add3A_843 : f32 to vector<2048x128xf32>
    %add3A_845 = arith.addf %mul3A_842, %add3A_844 : vector<2048x128xf32>
    %tanh3A_846 = math.tanh %add3A_838 : vector<2048x128xf32>
    %mul3A_847 = arith.mulf %add3A_845, %tanh3A_846 : vector<2048x128xf32>
    %convert_element_type3A_848 = arith.truncf %mul3A_847 : vector<2048x128xf32> to vector<2048x128xbf16>
    %dot_general3A_849 = arith.constant dense<0.000000e+00> : vector<2048x5xf32>
    %dot_general3A_850 = tpu.matmul %convert_element_type3A_848, %convert_element_type3A_33, %dot_general3A_849 {dimension_numbers = #tpu.dot_dimension_numbers<[1], [0], [0], [1], [0, 0, 1, 1], [], []>, transpose_lhs_hint = false} : vector<2048x128xbf16>, vector<128x5xbf16>, vector<2048x5xf32> -> vector<2048x5xf32>
    %add3A_851 = vector.broadcast %get3A_36 : vector<1x5xf32> to vector<2048x5xf32>
    %add3A_852 = arith.addf %dot_general3A_850, %add3A_851 : vector<2048x5xf32>
    %dma_wait3A_853 = arith.constant 2 : i32
    %dma_wait3A_854 = arith.constant 38911 : i32
    %dma_wait3A_855 = arith.constant 0 : i32
    %dma_wait3A_856 = tpu.memref_slice %arg8[%dma_wait3A_854, %dma_wait3A_855] : memref<65535x5xf32, #tpu.memory_space<hbm>> -> memref<2048x5xf32, #tpu.memory_space<hbm>>
    %dma_wait3A_857 = arith.constant 0 : i32
    %dma_wait3A_858 = arith.constant 0 : i32
    %dma_wait3A_859 = tpu.memref_slice %arg13[%dma_wait3A_853, %dma_wait3A_857, %dma_wait3A_858] : memref<4x2048x5xf32, #tpu.memory_space<vmem>> -> memref<1x2048x5xf32, #tpu.memory_space<vmem>>
    %dma_wait3A_860 = tpu.memref_squeeze %dma_wait3A_859 : memref<1x2048x5xf32, #tpu.memory_space<vmem>> -> memref<2048x5xf32, #tpu.memory_space<vmem>>
    tpu.wait_dma2 semaphore(%arg15 : memref<!tpu.dma_semaphore, #tpu.memory_space<semaphore_mem>>) src(%dma_wait3A_860 : memref<2048x5xf32, #tpu.memory_space<vmem>>) dst(%dma_wait3A_856 : memref<2048x5xf32, #tpu.memory_space<hbm>>)
    %swap3A_861 = arith.constant 2 : index
    %swap3A_862 = arith.constant 0 : index
    %swap3A_863 = arith.constant 0 : index
    %swap3A_864 = vector.load %arg13[%swap3A_861, %swap3A_862, %swap3A_863] : memref<4x2048x5xf32, #tpu.memory_space<vmem>>, vector<1x2048x5xf32>
    %swap3A_865 = vector.shape_cast %swap3A_864 : vector<1x2048x5xf32> to vector<2048x5xf32>
    %swap3A_866 = vector.shape_cast %add3A_852 : vector<2048x5xf32> to vector<1x2048x5xf32>
    tpu.vector_store %arg13[%swap3A_861, %swap3A_862, %swap3A_863], %swap3A_866 {strides = array<i32>} : memref<4x2048x5xf32, #tpu.memory_space<vmem>>, vector<1x2048x5xf32>,
    %dma_start3A_867 = arith.constant 2 : i32
    %dma_start3A_868 = arith.constant 43007 : i32
    %dma_start3A_869 = arith.constant 0 : i32
    %dma_start3A_870 = tpu.memref_slice %arg8[%dma_start3A_868, %dma_start3A_869] : memref<65535x5xf32, #tpu.memory_space<hbm>> -> memref<2048x5xf32, #tpu.memory_space<hbm>>
    %dma_start3A_871 = arith.constant 0 : i32
    %dma_start3A_872 = arith.constant 0 : i32
    %dma_start3A_873 = tpu.memref_slice %arg13[%dma_start3A_867, %dma_start3A_871, %dma_start3A_872] : memref<4x2048x5xf32, #tpu.memory_space<vmem>> -> memref<1x2048x5xf32, #tpu.memory_space<vmem>>
    %dma_start3A_874 = tpu.memref_squeeze %dma_start3A_873 : memref<1x2048x5xf32, #tpu.memory_space<vmem>> -> memref<2048x5xf32, #tpu.memory_space<vmem>>
    tpu.enqueue_dma source(%dma_start3A_874 : memref<2048x5xf32, #tpu.memory_space<vmem>>) target(%dma_start3A_870 : memref<2048x5xf32, #tpu.memory_space<hbm>>) target_semaphore(%arg15 : memref<!tpu.dma_semaphore, #tpu.memory_space<semaphore_mem>>)
    %reshape3A_875 = vector.shape_cast %mul3A_847 : vector<2048x128xf32> to vector<1024x256xf32>
    %reshape3A_876 = vector.shape_cast %add3A_838 : vector<2048x128xf32> to vector<1024x256xf32>
    %convert_element_type3A_877 = arith.truncf %reshape3A_875 : vector<1024x256xf32> to vector<1024x256xbf16>
    %dot_general3A_878 = arith.constant dense<0.000000e+00> : vector<1024x256xf32>
    %dot_general3A_879 = tpu.matmul %convert_element_type3A_877, %convert_element_type3A_19, %dot_general3A_878 {dimension_numbers = #tpu.dot_dimension_numbers<[1], [0], [0], [1], [0, 0, 1, 1], [], []>, transpose_lhs_hint = false} : vector<1024x256xbf16>, vector<256x256xbf16>, vector<1024x256xf32> -> vector<1024x256xf32>
    %add3A_880 = vector.broadcast %mul3A_29 : vector<1x256xf32> to vector<1024x256xf32>
    %add3A_881 = arith.addf %dot_general3A_879, %add3A_880 : vector<1024x256xf32>
    %tanh3A_882 = math.tanh %add3A_881 : vector<1024x256xf32>
    %mul3A_883 = arith.constant 5.000000e-01 : f32
    %mul3A_884 = vector.broadcast %mul3A_883 : f32 to vector<1024x256xf32>
    %mul3A_885 = arith.mulf %mul3A_884, %tanh3A_882 : vector<1024x256xf32>
    %add3A_886 = arith.constant 5.000000e-01 : f32
    %add3A_887 = vector.broadcast %add3A_886 : f32 to vector<1024x256xf32>
    %add3A_888 = arith.addf %mul3A_885, %add3A_887 : vector<1024x256xf32>
    %slice3A_889 = vector.extract_strided_slice %add3A_888 {offsets = [0, 0], sizes = [1024, 128], strides = [1, 1]} : vector<1024x256xf32> to vector<1024x128xf32>
    %slice3A_890 = vector.extract_strided_slice %reshape3A_876 {offsets = [0, 0], sizes = [1024, 128], strides = [1, 1]} : vector<1024x256xf32> to vector<1024x128xf32>
    %mul3A_891 = arith.mulf %slice3A_889, %slice3A_890 : vector<1024x128xf32>
    %slice3A_892 = vector.extract_strided_slice %add3A_888 {offsets = [0, 128], sizes = [1024, 128], strides = [1, 1]} : vector<1024x256xf32> to vector<1024x128xf32>
    %slice3A_893 = vector.extract_strided_slice %reshape3A_876 {offsets = [0, 128], sizes = [1024, 128], strides = [1, 1]} : vector<1024x256xf32> to vector<1024x128xf32>
    %mul3A_894 = arith.mulf %slice3A_892, %slice3A_893 : vector<1024x128xf32>
    %add3A_895 = arith.addf %mul3A_891, %mul3A_894 : vector<1024x128xf32>
    %dot_general3A_896 = arith.constant dense<0.000000e+00> : vector<1024x384xf32>
    %dot_general3A_897 = tpu.matmul %convert_element_type3A_877, %convert_element_type3A_12, %dot_general3A_896 {dimension_numbers = #tpu.dot_dimension_numbers<[1], [0], [0], [1], [0, 0, 1, 1], [], []>, transpose_lhs_hint = false} : vector<1024x256xbf16>, vector<256x384xbf16>, vector<1024x384xf32> -> vector<1024x384xf32>
    %add3A_898 = vector.broadcast %mul3A_23 : vector<1x384xf32> to vector<1024x384xf32>
    %add3A_899 = arith.addf %dot_general3A_897, %add3A_898 : vector<1024x384xf32>
    %slice3A_900 = vector.extract_strided_slice %add3A_899 {offsets = [0, 0], sizes = [1024, 128], strides = [1, 1]} : vector<1024x384xf32> to vector<1024x128xf32>
    %slice3A_901 = vector.extract_strided_slice %add3A_899 {offsets = [0, 128], sizes = [1024, 128], strides = [1, 1]} : vector<1024x384xf32> to vector<1024x128xf32>
    %slice3A_902 = vector.extract_strided_slice %add3A_899 {offsets = [0, 256], sizes = [1024, 128], strides = [1, 1]} : vector<1024x384xf32> to vector<1024x128xf32>
    %tanh3A_903 = math.tanh %slice3A_900 : vector<1024x128xf32>
    %mul3A_904 = arith.constant 5.000000e-01 : f32
    %mul3A_905 = vector.broadcast %mul3A_904 : f32 to vector<1024x128xf32>
    %mul3A_906 = arith.mulf %mul3A_905, %tanh3A_903 : vector<1024x128xf32>
    %add3A_907 = arith.constant 5.000000e-01 : f32
    %add3A_908 = vector.broadcast %add3A_907 : f32 to vector<1024x128xf32>
    %add3A_909 = arith.addf %mul3A_906, %add3A_908 : vector<1024x128xf32>
    %tanh3A_910 = math.tanh %slice3A_902 : vector<1024x128xf32>
    %mul3A_911 = arith.mulf %add3A_909, %tanh3A_910 : vector<1024x128xf32>
    %add3A_912 = arith.addf %mul3A_911, %add3A_895 : vector<1024x128xf32>
    %tanh3A_913 = math.tanh %slice3A_901 : vector<1024x128xf32>
    %mul3A_914 = arith.constant 5.000000e-01 : f32
    %mul3A_915 = vector.broadcast %mul3A_914 : f32 to vector<1024x128xf32>
    %mul3A_916 = arith.mulf %mul3A_915, %tanh3A_913 : vector<1024x128xf32>
    %add3A_917 = arith.constant 5.000000e-01 : f32
    %add3A_918 = vector.broadcast %add3A_917 : f32 to vector<1024x128xf32>
    %add3A_919 = arith.addf %mul3A_916, %add3A_918 : vector<1024x128xf32>
    %tanh3A_920 = math.tanh %add3A_912 : vector<1024x128xf32>
    %mul3A_921 = arith.mulf %add3A_919, %tanh3A_920 : vector<1024x128xf32>
    %swap3A_922 = arith.constant 5120 : index
    %swap3A_923 = arith.constant 0 : index
    %swap3A_924 = vector.load %arg9[%swap3A_922, %swap3A_923] : memref<16384x128xf32, #tpu.memory_space<vmem>>, vector<1024x128xf32>
    tpu.vector_store %arg9[%swap3A_922, %swap3A_923], %mul3A_921 {strides = array<i32>} : memref<16384x128xf32, #tpu.memory_space<vmem>>, vector<1024x128xf32>,
    %swap3A_925 = arith.constant 5120 : index
    %swap3A_926 = arith.constant 0 : index
    %swap3A_927 = vector.load %arg10[%swap3A_925, %swap3A_926] : memref<16384x128xf32, #tpu.memory_space<vmem>>, vector<1024x128xf32>
    tpu.vector_store %arg10[%swap3A_925, %swap3A_926], %add3A_912 {strides = array<i32>} : memref<16384x128xf32, #tpu.memory_space<vmem>>, vector<1024x128xf32>,
    %convert_element_type3A_928 = arith.truncf %mul3A_921 : vector<1024x128xf32> to vector<1024x128xbf16>
    %dot_general3A_929 = arith.constant dense<0.000000e+00> : vector<1024x5xf32>
    %dot_general3A_930 = tpu.matmul %convert_element_type3A_928, %convert_element_type3A_33, %dot_general3A_929 {dimension_numbers = #tpu.dot_dimension_numbers<[1], [0], [0], [1], [0, 0, 1, 1], [], []>, transpose_lhs_hint = false} : vector<1024x128xbf16>, vector<128x5xbf16>, vector<1024x5xf32> -> vector<1024x5xf32>
    %add3A_931 = vector.broadcast %get3A_36 : vector<1x5xf32> to vector<1024x5xf32>
    %add3A_932 = arith.addf %dot_general3A_930, %add3A_931 : vector<1024x5xf32>
    %dma_wait3A_933 = arith.constant 3 : i32
    %dma_wait3A_934 = arith.constant 19455 : i32
    %dma_wait3A_935 = arith.constant 0 : i32
    %dma_wait3A_936 = tpu.memref_slice %arg8[%dma_wait3A_934, %dma_wait3A_935] : memref<65535x5xf32, #tpu.memory_space<hbm>> -> memref<1024x5xf32, #tpu.memory_space<hbm>>
    %dma_wait3A_937 = arith.constant 0 : i32
    %dma_wait3A_938 = arith.constant 0 : i32
    %dma_wait3A_939 = tpu.memref_slice %arg13[%dma_wait3A_933, %dma_wait3A_937, %dma_wait3A_938] : memref<4x2048x5xf32, #tpu.memory_space<vmem>> -> memref<1x1024x5xf32, #tpu.memory_space<vmem>>
    %dma_wait3A_940 = tpu.memref_squeeze %dma_wait3A_939 : memref<1x1024x5xf32, #tpu.memory_space<vmem>> -> memref<1024x5xf32, #tpu.memory_space<vmem>>
    tpu.wait_dma2 semaphore(%arg15 : memref<!tpu.dma_semaphore, #tpu.memory_space<semaphore_mem>>) src(%dma_wait3A_940 : memref<1024x5xf32, #tpu.memory_space<vmem>>) dst(%dma_wait3A_936 : memref<1024x5xf32, #tpu.memory_space<hbm>>)
    %swap3A_941 = arith.constant 3 : index
    %swap3A_942 = arith.constant 0 : index
    %swap3A_943 = arith.constant 0 : index
    %swap3A_944 = vector.load %arg13[%swap3A_941, %swap3A_942, %swap3A_943] : memref<4x2048x5xf32, #tpu.memory_space<vmem>>, vector<1x1024x5xf32>
    %swap3A_945 = vector.shape_cast %swap3A_944 : vector<1x1024x5xf32> to vector<1024x5xf32>
    %swap3A_946 = vector.shape_cast %add3A_932 : vector<1024x5xf32> to vector<1x1024x5xf32>
    tpu.vector_store %arg13[%swap3A_941, %swap3A_942, %swap3A_943], %swap3A_946 {strides = array<i32>} : memref<4x2048x5xf32, #tpu.memory_space<vmem>>, vector<1x1024x5xf32>,
    %dma_start3A_947 = arith.constant 3 : i32
    %dma_start3A_948 = arith.constant 21503 : i32
    %dma_start3A_949 = arith.constant 0 : i32
    %dma_start3A_950 = tpu.memref_slice %arg8[%dma_start3A_948, %dma_start3A_949] : memref<65535x5xf32, #tpu.memory_space<hbm>> -> memref<1024x5xf32, #tpu.memory_space<hbm>>
    %dma_start3A_951 = arith.constant 0 : i32
    %dma_start3A_952 = arith.constant 0 : i32
    %dma_start3A_953 = tpu.memref_slice %arg13[%dma_start3A_947, %dma_start3A_951, %dma_start3A_952] : memref<4x2048x5xf32, #tpu.memory_space<vmem>> -> memref<1x1024x5xf32, #tpu.memory_space<vmem>>
    %dma_start3A_954 = tpu.memref_squeeze %dma_start3A_953 : memref<1x1024x5xf32, #tpu.memory_space<vmem>> -> memref<1024x5xf32, #tpu.memory_space<vmem>>
    tpu.enqueue_dma source(%dma_start3A_954 : memref<1024x5xf32, #tpu.memory_space<vmem>>) target(%dma_start3A_950 : memref<1024x5xf32, #tpu.memory_space<hbm>>) target_semaphore(%arg15 : memref<!tpu.dma_semaphore, #tpu.memory_space<semaphore_mem>>)
    %dma_wait3A_955 = arith.constant 0 : i32
    %dma_wait3A_956 = arith.constant 0 : i32
    %dma_wait3A_957 = arith.constant 0 : i32
    %dma_wait3A_958 = tpu.memref_slice %arg14[%dma_wait3A_955, %dma_wait3A_956, %dma_wait3A_957] : memref<2x2048x128xf32, #tpu.memory_space<vmem>> -> memref<1x2048x128xf32, #tpu.memory_space<vmem>>
    %dma_wait3A_959 = tpu.memref_squeeze %dma_wait3A_958 : memref<1x2048x128xf32, #tpu.memory_space<vmem>> -> memref<2048x128xf32, #tpu.memory_space<vmem>>
    %dma_wait3A_960 = arith.constant 12288 : i32
    %dma_wait3A_961 = arith.constant 0 : i32
    %dma_wait3A_962 = tpu.memref_slice %arg0[%dma_wait3A_960, %dma_wait3A_961] : memref<32768x128xf32, #tpu.memory_space<hbm>> -> memref<2048x128xf32, #tpu.memory_space<hbm>>
    tpu.wait_dma2 semaphore(%arg16 : memref<!tpu.dma_semaphore, #tpu.memory_space<semaphore_mem>>) src(%dma_wait3A_962 : memref<2048x128xf32, #tpu.memory_space<hbm>>) dst(%dma_wait3A_959 : memref<2048x128xf32, #tpu.memory_space<vmem>>)
    %get3A_963 = arith.constant 0 : index
    %get3A_964 = arith.constant 0 : index
    %get3A_965 = arith.constant 0 : index
    %get3A_966 = vector.load %arg14[%get3A_963, %get3A_964, %get3A_965] : memref<2x2048x128xf32, #tpu.memory_space<vmem>>, vector<1x2048x128xf32>
    %get3A_967 = vector.shape_cast %get3A_966 : vector<1x2048x128xf32> to vector<2048x128xf32>
    %convert_element_type3A_968 = arith.truncf %get3A_967 : vector<2048x128xf32> to vector<2048x128xbf16>
    %dma_start3A_969 = arith.constant 0 : i32
    %dma_start3A_970 = arith.constant 0 : i32
    %dma_start3A_971 = arith.constant 0 : i32
    %dma_start3A_972 = tpu.memref_slice %arg14[%dma_start3A_969, %dma_start3A_970, %dma_start3A_971] : memref<2x2048x128xf32, #tpu.memory_space<vmem>> -> memref<1x2048x128xf32, #tpu.memory_space<vmem>>
    %dma_start3A_973 = tpu.memref_squeeze %dma_start3A_972 : memref<1x2048x128xf32, #tpu.memory_space<vmem>> -> memref<2048x128xf32, #tpu.memory_space<vmem>>
    %dma_start3A_974 = arith.constant 16384 : i32
    %dma_start3A_975 = arith.constant 0 : i32
    %dma_start3A_976 = tpu.memref_slice %arg0[%dma_start3A_974, %dma_start3A_975] : memref<32768x128xf32, #tpu.memory_space<hbm>> -> memref<2048x128xf32, #tpu.memory_space<hbm>>
    tpu.enqueue_dma source(%dma_start3A_976 : memref<2048x128xf32, #tpu.memory_space<hbm>>) target(%dma_start3A_973 : memref<2048x128xf32, #tpu.memory_space<vmem>>) target_semaphore(%arg16 : memref<!tpu.dma_semaphore, #tpu.memory_space<semaphore_mem>>)
    %dot_general3A_977 = arith.constant dense<0.000000e+00> : vector<2048x384xf32>
    %dot_general3A_978 = tpu.matmul %convert_element_type3A_968, %convert_element_type3A, %dot_general3A_977 {dimension_numbers = #tpu.dot_dimension_numbers<[1], [0], [0], [1], [0, 0, 1, 1], [], []>, transpose_lhs_hint = false} : vector<2048x128xbf16>, vector<128x384xbf16>, vector<2048x384xf32> -> vector<2048x384xf32>
    %add3A_979 = vector.broadcast %mul3A_23 : vector<1x384xf32> to vector<2048x384xf32>
    %add3A_980 = arith.addf %dot_general3A_978, %add3A_979 : vector<2048x384xf32>
    %slice3A_981 = vector.extract_strided_slice %add3A_980 {offsets = [0, 0], sizes = [2048, 128], strides = [1, 1]} : vector<2048x384xf32> to vector<2048x128xf32>
    %slice3A_982 = vector.extract_strided_slice %add3A_980 {offsets = [0, 128], sizes = [2048, 128], strides = [1, 1]} : vector<2048x384xf32> to vector<2048x128xf32>
    %slice3A_983 = vector.extract_strided_slice %add3A_980 {offsets = [0, 256], sizes = [2048, 128], strides = [1, 1]} : vector<2048x384xf32> to vector<2048x128xf32>
    %tanh3A_984 = math.tanh %slice3A_981 : vector<2048x128xf32>
    %mul3A_985 = arith.constant 5.000000e-01 : f32
    %mul3A_986 = vector.broadcast %mul3A_985 : f32 to vector<2048x128xf32>
    %mul3A_987 = arith.mulf %mul3A_986, %tanh3A_984 : vector<2048x128xf32>
    %add3A_988 = arith.constant 5.000000e-01 : f32
    %add3A_989 = vector.broadcast %add3A_988 : f32 to vector<2048x128xf32>
    %add3A_990 = arith.addf %mul3A_987, %add3A_989 : vector<2048x128xf32>
    %tanh3A_991 = math.tanh %slice3A_983 : vector<2048x128xf32>
    %mul3A_992 = arith.mulf %add3A_990, %tanh3A_991 : vector<2048x128xf32>
    %add3A_993 = arith.constant 0.000000e+00 : f32
    %add3A_994 = vector.broadcast %add3A_993 : f32 to vector<2048x128xf32>
    %add3A_995 = arith.addf %mul3A_992, %add3A_994 : vector<2048x128xf32>
    %tanh3A_996 = math.tanh %slice3A_982 : vector<2048x128xf32>
    %mul3A_997 = arith.constant 5.000000e-01 : f32
    %mul3A_998 = vector.broadcast %mul3A_997 : f32 to vector<2048x128xf32>
    %mul3A_999 = arith.mulf %mul3A_998, %tanh3A_996 : vector<2048x128xf32>
    %add3A_1000 = arith.constant 5.000000e-01 : f32
    %add3A_1001 = vector.broadcast %add3A_1000 : f32 to vector<2048x128xf32>
    %add3A_1002 = arith.addf %mul3A_999, %add3A_1001 : vector<2048x128xf32>
    %tanh3A_1003 = math.tanh %add3A_995 : vector<2048x128xf32>
    %mul3A_1004 = arith.mulf %add3A_1002, %tanh3A_1003 : vector<2048x128xf32>
    %convert_element_type3A_1005 = arith.truncf %mul3A_1004 : vector<2048x128xf32> to vector<2048x128xbf16>
    %dot_general3A_1006 = arith.constant dense<0.000000e+00> : vector<2048x5xf32>
    %dot_general3A_1007 = tpu.matmul %convert_element_type3A_1005, %convert_element_type3A_33, %dot_general3A_1006 {dimension_numbers = #tpu.dot_dimension_numbers<[1], [0], [0], [1], [0, 0, 1, 1], [], []>, transpose_lhs_hint = false} : vector<2048x128xbf16>, vector<128x5xbf16>, vector<2048x5xf32> -> vector<2048x5xf32>
    %add3A_1008 = vector.broadcast %get3A_36 : vector<1x5xf32> to vector<2048x5xf32>
    %add3A_1009 = arith.addf %dot_general3A_1007, %add3A_1008 : vector<2048x5xf32>
    %dma_wait3A_1010 = arith.constant 0 : i32
    %dma_wait3A_1011 = arith.constant 40959 : i32
    %dma_wait3A_1012 = arith.constant 0 : i32
    %dma_wait3A_1013 = tpu.memref_slice %arg8[%dma_wait3A_1011, %dma_wait3A_1012] : memref<65535x5xf32, #tpu.memory_space<hbm>> -> memref<2048x5xf32, #tpu.memory_space<hbm>>
    %dma_wait3A_1014 = arith.constant 0 : i32
    %dma_wait3A_1015 = arith.constant 0 : i32
    %dma_wait3A_1016 = tpu.memref_slice %arg13[%dma_wait3A_1010, %dma_wait3A_1014, %dma_wait3A_1015] : memref<4x2048x5xf32, #tpu.memory_space<vmem>> -> memref<1x2048x5xf32, #tpu.memory_space<vmem>>
    %dma_wait3A_1017 = tpu.memref_squeeze %dma_wait3A_1016 : memref<1x2048x5xf32, #tpu.memory_space<vmem>> -> memref<2048x5xf32, #tpu.memory_space<vmem>>
    tpu.wait_dma2 semaphore(%arg15 : memref<!tpu.dma_semaphore, #tpu.memory_space<semaphore_mem>>) src(%dma_wait3A_1017 : memref<2048x5xf32, #tpu.memory_space<vmem>>) dst(%dma_wait3A_1013 : memref<2048x5xf32, #tpu.memory_space<hbm>>)
    %swap3A_1018 = arith.constant 0 : index
    %swap3A_1019 = arith.constant 0 : index
    %swap3A_1020 = arith.constant 0 : index
    %swap3A_1021 = vector.load %arg13[%swap3A_1018, %swap3A_1019, %swap3A_1020] : memref<4x2048x5xf32, #tpu.memory_space<vmem>>, vector<1x2048x5xf32>
    %swap3A_1022 = vector.shape_cast %swap3A_1021 : vector<1x2048x5xf32> to vector<2048x5xf32>
    %swap3A_1023 = vector.shape_cast %add3A_1009 : vector<2048x5xf32> to vector<1x2048x5xf32>
    tpu.vector_store %arg13[%swap3A_1018, %swap3A_1019, %swap3A_1020], %swap3A_1023 {strides = array<i32>} : memref<4x2048x5xf32, #tpu.memory_space<vmem>>, vector<1x2048x5xf32>,
    %dma_start3A_1024 = arith.constant 0 : i32
    %dma_start3A_1025 = arith.constant 45055 : i32
    %dma_start3A_1026 = arith.constant 0 : i32
    %dma_start3A_1027 = tpu.memref_slice %arg8[%dma_start3A_1025, %dma_start3A_1026] : memref<65535x5xf32, #tpu.memory_space<hbm>> -> memref<2048x5xf32, #tpu.memory_space<hbm>>
    %dma_start3A_1028 = arith.constant 0 : i32
    %dma_start3A_1029 = arith.constant 0 : i32
    %dma_start3A_1030 = tpu.memref_slice %arg13[%dma_start3A_1024, %dma_start3A_1028, %dma_start3A_1029] : memref<4x2048x5xf32, #tpu.memory_space<vmem>> -> memref<1x2048x5xf32, #tpu.memory_space<vmem>>
    %dma_start3A_1031 = tpu.memref_squeeze %dma_start3A_1030 : memref<1x2048x5xf32, #tpu.memory_space<vmem>> -> memref<2048x5xf32, #tpu.memory_space<vmem>>
    tpu.enqueue_dma source(%dma_start3A_1031 : memref<2048x5xf32, #tpu.memory_space<vmem>>) target(%dma_start3A_1027 : memref<2048x5xf32, #tpu.memory_space<hbm>>) target_semaphore(%arg15 : memref<!tpu.dma_semaphore, #tpu.memory_space<semaphore_mem>>)
    %reshape3A_1032 = vector.shape_cast %mul3A_1004 : vector<2048x128xf32> to vector<1024x256xf32>
    %reshape3A_1033 = vector.shape_cast %add3A_995 : vector<2048x128xf32> to vector<1024x256xf32>
    %convert_element_type3A_1034 = arith.truncf %reshape3A_1032 : vector<1024x256xf32> to vector<1024x256xbf16>
    %dot_general3A_1035 = arith.constant dense<0.000000e+00> : vector<1024x256xf32>
    %dot_general3A_1036 = tpu.matmul %convert_element_type3A_1034, %convert_element_type3A_19, %dot_general3A_1035 {dimension_numbers = #tpu.dot_dimension_numbers<[1], [0], [0], [1], [0, 0, 1, 1], [], []>, transpose_lhs_hint = false} : vector<1024x256xbf16>, vector<256x256xbf16>, vector<1024x256xf32> -> vector<1024x256xf32>
    %add3A_1037 = vector.broadcast %mul3A_29 : vector<1x256xf32> to vector<1024x256xf32>
    %add3A_1038 = arith.addf %dot_general3A_1036, %add3A_1037 : vector<1024x256xf32>
    %tanh3A_1039 = math.tanh %add3A_1038 : vector<1024x256xf32>
    %mul3A_1040 = arith.constant 5.000000e-01 : f32
    %mul3A_1041 = vector.broadcast %mul3A_1040 : f32 to vector<1024x256xf32>
    %mul3A_1042 = arith.mulf %mul3A_1041, %tanh3A_1039 : vector<1024x256xf32>
    %add3A_1043 = arith.constant 5.000000e-01 : f32
    %add3A_1044 = vector.broadcast %add3A_1043 : f32 to vector<1024x256xf32>
    %add3A_1045 = arith.addf %mul3A_1042, %add3A_1044 : vector<1024x256xf32>
    %slice3A_1046 = vector.extract_strided_slice %add3A_1045 {offsets = [0, 0], sizes = [1024, 128], strides = [1, 1]} : vector<1024x256xf32> to vector<1024x128xf32>
    %slice3A_1047 = vector.extract_strided_slice %reshape3A_1033 {offsets = [0, 0], sizes = [1024, 128], strides = [1, 1]} : vector<1024x256xf32> to vector<1024x128xf32>
    %mul3A_1048 = arith.mulf %slice3A_1046, %slice3A_1047 : vector<1024x128xf32>
    %slice3A_1049 = vector.extract_strided_slice %add3A_1045 {offsets = [0, 128], sizes = [1024, 128], strides = [1, 1]} : vector<1024x256xf32> to vector<1024x128xf32>
    %slice3A_1050 = vector.extract_strided_slice %reshape3A_1033 {offsets = [0, 128], sizes = [1024, 128], strides = [1, 1]} : vector<1024x256xf32> to vector<1024x128xf32>
    %mul3A_1051 = arith.mulf %slice3A_1049, %slice3A_1050 : vector<1024x128xf32>
    %add3A_1052 = arith.addf %mul3A_1048, %mul3A_1051 : vector<1024x128xf32>
    %dot_general3A_1053 = arith.constant dense<0.000000e+00> : vector<1024x384xf32>
    %dot_general3A_1054 = tpu.matmul %convert_element_type3A_1034, %convert_element_type3A_12, %dot_general3A_1053 {dimension_numbers = #tpu.dot_dimension_numbers<[1], [0], [0], [1], [0, 0, 1, 1], [], []>, transpose_lhs_hint = false} : vector<1024x256xbf16>, vector<256x384xbf16>, vector<1024x384xf32> -> vector<1024x384xf32>
    %add3A_1055 = vector.broadcast %mul3A_23 : vector<1x384xf32> to vector<1024x384xf32>
    %add3A_1056 = arith.addf %dot_general3A_1054, %add3A_1055 : vector<1024x384xf32>
    %slice3A_1057 = vector.extract_strided_slice %add3A_1056 {offsets = [0, 0], sizes = [1024, 128], strides = [1, 1]} : vector<1024x384xf32> to vector<1024x128xf32>
    %slice3A_1058 = vector.extract_strided_slice %add3A_1056 {offsets = [0, 128], sizes = [1024, 128], strides = [1, 1]} : vector<1024x384xf32> to vector<1024x128xf32>
    %slice3A_1059 = vector.extract_strided_slice %add3A_1056 {offsets = [0, 256], sizes = [1024, 128], strides = [1, 1]} : vector<1024x384xf32> to vector<1024x128xf32>
    %tanh3A_1060 = math.tanh %slice3A_1057 : vector<1024x128xf32>
    %mul3A_1061 = arith.constant 5.000000e-01 : f32
    %mul3A_1062 = vector.broadcast %mul3A_1061 : f32 to vector<1024x128xf32>
    %mul3A_1063 = arith.mulf %mul3A_1062, %tanh3A_1060 : vector<1024x128xf32>
    %add3A_1064 = arith.constant 5.000000e-01 : f32
    %add3A_1065 = vector.broadcast %add3A_1064 : f32 to vector<1024x128xf32>
    %add3A_1066 = arith.addf %mul3A_1063, %add3A_1065 : vector<1024x128xf32>
    %tanh3A_1067 = math.tanh %slice3A_1059 : vector<1024x128xf32>
    %mul3A_1068 = arith.mulf %add3A_1066, %tanh3A_1067 : vector<1024x128xf32>
    %add3A_1069 = arith.addf %mul3A_1068, %add3A_1052 : vector<1024x128xf32>
    %tanh3A_1070 = math.tanh %slice3A_1058 : vector<1024x128xf32>
    %mul3A_1071 = arith.constant 5.000000e-01 : f32
    %mul3A_1072 = vector.broadcast %mul3A_1071 : f32 to vector<1024x128xf32>
    %mul3A_1073 = arith.mulf %mul3A_1072, %tanh3A_1070 : vector<1024x128xf32>
    %add3A_1074 = arith.constant 5.000000e-01 : f32
    %add3A_1075 = vector.broadcast %add3A_1074 : f32 to vector<1024x128xf32>
    %add3A_1076 = arith.addf %mul3A_1073, %add3A_1075 : vector<1024x128xf32>
    %tanh3A_1077 = math.tanh %add3A_1069 : vector<1024x128xf32>
    %mul3A_1078 = arith.mulf %add3A_1076, %tanh3A_1077 : vector<1024x128xf32>
    %swap3A_1079 = arith.constant 6144 : index
    %swap3A_1080 = arith.constant 0 : index
    %swap3A_1081 = vector.load %arg9[%swap3A_1079, %swap3A_1080] : memref<16384x128xf32, #tpu.memory_space<vmem>>, vector<1024x128xf32>
    tpu.vector_store %arg9[%swap3A_1079, %swap3A_1080], %mul3A_1078 {strides = array<i32>} : memref<16384x128xf32, #tpu.memory_space<vmem>>, vector<1024x128xf32>,
    %swap3A_1082 = arith.constant 6144 : index
    %swap3A_1083 = arith.constant 0 : index
    %swap3A_1084 = vector.load %arg10[%swap3A_1082, %swap3A_1083] : memref<16384x128xf32, #tpu.memory_space<vmem>>, vector<1024x128xf32>
    tpu.vector_store %arg10[%swap3A_1082, %swap3A_1083], %add3A_1069 {strides = array<i32>} : memref<16384x128xf32, #tpu.memory_space<vmem>>, vector<1024x128xf32>,
    %convert_element_type3A_1085 = arith.truncf %mul3A_1078 : vector<1024x128xf32> to vector<1024x128xbf16>
    %dot_general3A_1086 = arith.constant dense<0.000000e+00> : vector<1024x5xf32>
    %dot_general3A_1087 = tpu.matmul %convert_element_type3A_1085, %convert_element_type3A_33, %dot_general3A_1086 {dimension_numbers = #tpu.dot_dimension_numbers<[1], [0], [0], [1], [0, 0, 1, 1], [], []>, transpose_lhs_hint = false} : vector<1024x128xbf16>, vector<128x5xbf16>, vector<1024x5xf32> -> vector<1024x5xf32>
    %add3A_1088 = vector.broadcast %get3A_36 : vector<1x5xf32> to vector<1024x5xf32>
    %add3A_1089 = arith.addf %dot_general3A_1087, %add3A_1088 : vector<1024x5xf32>
    %dma_wait3A_1090 = arith.constant 1 : i32
    %dma_wait3A_1091 = arith.constant 20479 : i32
    %dma_wait3A_1092 = arith.constant 0 : i32
    %dma_wait3A_1093 = tpu.memref_slice %arg8[%dma_wait3A_1091, %dma_wait3A_1092] : memref<65535x5xf32, #tpu.memory_space<hbm>> -> memref<1024x5xf32, #tpu.memory_space<hbm>>
    %dma_wait3A_1094 = arith.constant 0 : i32
    %dma_wait3A_1095 = arith.constant 0 : i32
    %dma_wait3A_1096 = tpu.memref_slice %arg13[%dma_wait3A_1090, %dma_wait3A_1094, %dma_wait3A_1095] : memref<4x2048x5xf32, #tpu.memory_space<vmem>> -> memref<1x1024x5xf32, #tpu.memory_space<vmem>>
    %dma_wait3A_1097 = tpu.memref_squeeze %dma_wait3A_1096 : memref<1x1024x5xf32, #tpu.memory_space<vmem>> -> memref<1024x5xf32, #tpu.memory_space<vmem>>
    tpu.wait_dma2 semaphore(%arg15 : memref<!tpu.dma_semaphore, #tpu.memory_space<semaphore_mem>>) src(%dma_wait3A_1097 : memref<1024x5xf32, #tpu.memory_space<vmem>>) dst(%dma_wait3A_1093 : memref<1024x5xf32, #tpu.memory_space<hbm>>)
    %swap3A_1098 = arith.constant 1 : index
    %swap3A_1099 = arith.constant 0 : index
    %swap3A_1100 = arith.constant 0 : index
    %swap3A_1101 = vector.load %arg13[%swap3A_1098, %swap3A_1099, %swap3A_1100] : memref<4x2048x5xf32, #tpu.memory_space<vmem>>, vector<1x1024x5xf32>
    %swap3A_1102 = vector.shape_cast %swap3A_1101 : vector<1x1024x5xf32> to vector<1024x5xf32>
    %swap3A_1103 = vector.shape_cast %add3A_1089 : vector<1024x5xf32> to vector<1x1024x5xf32>
    tpu.vector_store %arg13[%swap3A_1098, %swap3A_1099, %swap3A_1100], %swap3A_1103 {strides = array<i32>} : memref<4x2048x5xf32, #tpu.memory_space<vmem>>, vector<1x1024x5xf32>,
    %dma_start3A_1104 = arith.constant 1 : i32
    %dma_start3A_1105 = arith.constant 22527 : i32
    %dma_start3A_1106 = arith.constant 0 : i32
    %dma_start3A_1107 = tpu.memref_slice %arg8[%dma_start3A_1105, %dma_start3A_1106] : memref<65535x5xf32, #tpu.memory_space<hbm>> -> memref<1024x5xf32, #tpu.memory_space<hbm>>
    %dma_start3A_1108 = arith.constant 0 : i32
    %dma_start3A_1109 = arith.constant 0 : i32
    %dma_start3A_1110 = tpu.memref_slice %arg13[%dma_start3A_1104, %dma_start3A_1108, %dma_start3A_1109] : memref<4x2048x5xf32, #tpu.memory_space<vmem>> -> memref<1x1024x5xf32, #tpu.memory_space<vmem>>
    %dma_start3A_1111 = tpu.memref_squeeze %dma_start3A_1110 : memref<1x1024x5xf32, #tpu.memory_space<vmem>> -> memref<1024x5xf32, #tpu.memory_space<vmem>>
    tpu.enqueue_dma source(%dma_start3A_1111 : memref<1024x5xf32, #tpu.memory_space<vmem>>) target(%dma_start3A_1107 : memref<1024x5xf32, #tpu.memory_space<hbm>>) target_semaphore(%arg15 : memref<!tpu.dma_semaphore, #tpu.memory_space<semaphore_mem>>)
    %dma_wait3A_1112 = arith.constant 1 : i32
    %dma_wait3A_1113 = arith.constant 0 : i32
    %dma_wait3A_1114 = arith.constant 0 : i32
    %dma_wait3A_1115 = tpu.memref_slice %arg14[%dma_wait3A_1112, %dma_wait3A_1113, %dma_wait3A_1114] : memref<2x2048x128xf32, #tpu.memory_space<vmem>> -> memref<1x2048x128xf32, #tpu.memory_space<vmem>>
    %dma_wait3A_1116 = tpu.memref_squeeze %dma_wait3A_1115 : memref<1x2048x128xf32, #tpu.memory_space<vmem>> -> memref<2048x128xf32, #tpu.memory_space<vmem>>
    %dma_wait3A_1117 = arith.constant 14336 : i32
    %dma_wait3A_1118 = arith.constant 0 : i32
    %dma_wait3A_1119 = tpu.memref_slice %arg0[%dma_wait3A_1117, %dma_wait3A_1118] : memref<32768x128xf32, #tpu.memory_space<hbm>> -> memref<2048x128xf32, #tpu.memory_space<hbm>>
    tpu.wait_dma2 semaphore(%arg16 : memref<!tpu.dma_semaphore, #tpu.memory_space<semaphore_mem>>) src(%dma_wait3A_1119 : memref<2048x128xf32, #tpu.memory_space<hbm>>) dst(%dma_wait3A_1116 : memref<2048x128xf32, #tpu.memory_space<vmem>>)
    %get3A_1120 = arith.constant 1 : index
    %get3A_1121 = arith.constant 0 : index
    %get3A_1122 = arith.constant 0 : index
    %get3A_1123 = vector.load %arg14[%get3A_1120, %get3A_1121, %get3A_1122] : memref<2x2048x128xf32, #tpu.memory_space<vmem>>, vector<1x2048x128xf32>
    %get3A_1124 = vector.shape_cast %get3A_1123 : vector<1x2048x128xf32> to vector<2048x128xf32>
    %convert_element_type3A_1125 = arith.truncf %get3A_1124 : vector<2048x128xf32> to vector<2048x128xbf16>
    %dma_start3A_1126 = arith.constant 1 : i32
    %dma_start3A_1127 = arith.constant 0 : i32
    %dma_start3A_1128 = arith.constant 0 : i32
    %dma_start3A_1129 = tpu.memref_slice %arg14[%dma_start3A_1126, %dma_start3A_1127, %dma_start3A_1128] : memref<2x2048x128xf32, #tpu.memory_space<vmem>> -> memref<1x2048x128xf32, #tpu.memory_space<vmem>>
    %dma_start3A_1130 = tpu.memref_squeeze %dma_start3A_1129 : memref<1x2048x128xf32, #tpu.memory_space<vmem>> -> memref<2048x128xf32, #tpu.memory_space<vmem>>
    %dma_start3A_1131 = arith.constant 18432 : i32
    %dma_start3A_1132 = arith.constant 0 : i32
    %dma_start3A_1133 = tpu.memref_slice %arg0[%dma_start3A_1131, %dma_start3A_1132] : memref<32768x128xf32, #tpu.memory_space<hbm>> -> memref<2048x128xf32, #tpu.memory_space<hbm>>
    tpu.enqueue_dma source(%dma_start3A_1133 : memref<2048x128xf32, #tpu.memory_space<hbm>>) target(%dma_start3A_1130 : memref<2048x128xf32, #tpu.memory_space<vmem>>) target_semaphore(%arg16 : memref<!tpu.dma_semaphore, #tpu.memory_space<semaphore_mem>>)
    %dot_general3A_1134 = arith.constant dense<0.000000e+00> : vector<2048x384xf32>
    %dot_general3A_1135 = tpu.matmul %convert_element_type3A_1125, %convert_element_type3A, %dot_general3A_1134 {dimension_numbers = #tpu.dot_dimension_numbers<[1], [0], [0], [1], [0, 0, 1, 1], [], []>, transpose_lhs_hint = false} : vector<2048x128xbf16>, vector<128x384xbf16>, vector<2048x384xf32> -> vector<2048x384xf32>
    %add3A_1136 = vector.broadcast %mul3A_23 : vector<1x384xf32> to vector<2048x384xf32>
    %add3A_1137 = arith.addf %dot_general3A_1135, %add3A_1136 : vector<2048x384xf32>
    %slice3A_1138 = vector.extract_strided_slice %add3A_1137 {offsets = [0, 0], sizes = [2048, 128], strides = [1, 1]} : vector<2048x384xf32> to vector<2048x128xf32>
    %slice3A_1139 = vector.extract_strided_slice %add3A_1137 {offsets = [0, 128], sizes = [2048, 128], strides = [1, 1]} : vector<2048x384xf32> to vector<2048x128xf32>
    %slice3A_1140 = vector.extract_strided_slice %add3A_1137 {offsets = [0, 256], sizes = [2048, 128], strides = [1, 1]} : vector<2048x384xf32> to vector<2048x128xf32>
    %tanh3A_1141 = math.tanh %slice3A_1138 : vector<2048x128xf32>
    %mul3A_1142 = arith.constant 5.000000e-01 : f32
    %mul3A_1143 = vector.broadcast %mul3A_1142 : f32 to vector<2048x128xf32>
    %mul3A_1144 = arith.mulf %mul3A_1143, %tanh3A_1141 : vector<2048x128xf32>
    %add3A_1145 = arith.constant 5.000000e-01 : f32
    %add3A_1146 = vector.broadcast %add3A_1145 : f32 to vector<2048x128xf32>
    %add3A_1147 = arith.addf %mul3A_1144, %add3A_1146 : vector<2048x128xf32>
    %tanh3A_1148 = math.tanh %slice3A_1140 : vector<2048x128xf32>
    %mul3A_1149 = arith.mulf %add3A_1147, %tanh3A_1148 : vector<2048x128xf32>
    %add3A_1150 = arith.constant 0.000000e+00 : f32
    %add3A_1151 = vector.broadcast %add3A_1150 : f32 to vector<2048x128xf32>
    %add3A_1152 = arith.addf %mul3A_1149, %add3A_1151 : vector<2048x128xf32>
    %tanh3A_1153 = math.tanh %slice3A_1139 : vector<2048x128xf32>
    %mul3A_1154 = arith.constant 5.000000e-01 : f32
    %mul3A_1155 = vector.broadcast %mul3A_1154 : f32 to vector<2048x128xf32>
    %mul3A_1156 = arith.mulf %mul3A_1155, %tanh3A_1153 : vector<2048x128xf32>
    %add3A_1157 = arith.constant 5.000000e-01 : f32
    %add3A_1158 = vector.broadcast %add3A_1157 : f32 to vector<2048x128xf32>
    %add3A_1159 = arith.addf %mul3A_1156, %add3A_1158 : vector<2048x128xf32>
    %tanh3A_1160 = math.tanh %add3A_1152 : vector<2048x128xf32>
    %mul3A_1161 = arith.mulf %add3A_1159, %tanh3A_1160 : vector<2048x128xf32>
    %convert_element_type3A_1162 = arith.truncf %mul3A_1161 : vector<2048x128xf32> to vector<2048x128xbf16>
    %dot_general3A_1163 = arith.constant dense<0.000000e+00> : vector<2048x5xf32>
    %dot_general3A_1164 = tpu.matmul %convert_element_type3A_1162, %convert_element_type3A_33, %dot_general3A_1163 {dimension_numbers = #tpu.dot_dimension_numbers<[1], [0], [0], [1], [0, 0, 1, 1], [], []>, transpose_lhs_hint = false} : vector<2048x128xbf16>, vector<128x5xbf16>, vector<2048x5xf32> -> vector<2048x5xf32>
    %add3A_1165 = vector.broadcast %get3A_36 : vector<1x5xf32> to vector<2048x5xf32>
    %add3A_1166 = arith.addf %dot_general3A_1164, %add3A_1165 : vector<2048x5xf32>
    %dma_wait3A_1167 = arith.constant 2 : i32
    %dma_wait3A_1168 = arith.constant 43007 : i32
    %dma_wait3A_1169 = arith.constant 0 : i32
    %dma_wait3A_1170 = tpu.memref_slice %arg8[%dma_wait3A_1168, %dma_wait3A_1169] : memref<65535x5xf32, #tpu.memory_space<hbm>> -> memref<2048x5xf32, #tpu.memory_space<hbm>>
    %dma_wait3A_1171 = arith.constant 0 : i32
    %dma_wait3A_1172 = arith.constant 0 : i32
    %dma_wait3A_1173 = tpu.memref_slice %arg13[%dma_wait3A_1167, %dma_wait3A_1171, %dma_wait3A_1172] : memref<4x2048x5xf32, #tpu.memory_space<vmem>> -> memref<1x2048x5xf32, #tpu.memory_space<vmem>>
    %dma_wait3A_1174 = tpu.memref_squeeze %dma_wait3A_1173 : memref<1x2048x5xf32, #tpu.memory_space<vmem>> -> memref<2048x5xf32, #tpu.memory_space<vmem>>
    tpu.wait_dma2 semaphore(%arg15 : memref<!tpu.dma_semaphore, #tpu.memory_space<semaphore_mem>>) src(%dma_wait3A_1174 : memref<2048x5xf32, #tpu.memory_space<vmem>>) dst(%dma_wait3A_1170 : memref<2048x5xf32, #tpu.memory_space<hbm>>)
    %swap3A_1175 = arith.constant 2 : index
    %swap3A_1176 = arith.constant 0 : index
    %swap3A_1177 = arith.constant 0 : index
    %swap3A_1178 = vector.load %arg13[%swap3A_1175, %swap3A_1176, %swap3A_1177] : memref<4x2048x5xf32, #tpu.memory_space<vmem>>, vector<1x2048x5xf32>
    %swap3A_1179 = vector.shape_cast %swap3A_1178 : vector<1x2048x5xf32> to vector<2048x5xf32>
    %swap3A_1180 = vector.shape_cast %add3A_1166 : vector<2048x5xf32> to vector<1x2048x5xf32>
    tpu.vector_store %arg13[%swap3A_1175, %swap3A_1176, %swap3A_1177], %swap3A_1180 {strides = array<i32>} : memref<4x2048x5xf32, #tpu.memory_space<vmem>>, vector<1x2048x5xf32>,
    %dma_start3A_1181 = arith.constant 2 : i32
    %dma_start3A_1182 = arith.constant 47103 : i32
    %dma_start3A_1183 = arith.constant 0 : i32
    %dma_start3A_1184 = tpu.memref_slice %arg8[%dma_start3A_1182, %dma_start3A_1183] : memref<65535x5xf32, #tpu.memory_space<hbm>> -> memref<2048x5xf32, #tpu.memory_space<hbm>>
    %dma_start3A_1185 = arith.constant 0 : i32
    %dma_start3A_1186 = arith.constant 0 : i32
    %dma_start3A_1187 = tpu.memref_slice %arg13[%dma_start3A_1181, %dma_start3A_1185, %dma_start3A_1186] : memref<4x2048x5xf32, #tpu.memory_space<vmem>> -> memref<1x2048x5xf32, #tpu.memory_space<vmem>>
    %dma_start3A_1188 = tpu.memref_squeeze %dma_start3A_1187 : memref<1x2048x5xf32, #tpu.memory_space<vmem>> -> memref<2048x5xf32, #tpu.memory_space<vmem>>
    tpu.enqueue_dma source(%dma_start3A_1188 : memref<2048x5xf32, #tpu.memory_space<vmem>>) target(%dma_start3A_1184 : memref<2048x5xf32, #tpu.memory_space<hbm>>) target_semaphore(%arg15 : memref<!tpu.dma_semaphore, #tpu.memory_space<semaphore_mem>>)
    %reshape3A_1189 = vector.shape_cast %mul3A_1161 : vector<2048x128xf32> to vector<1024x256xf32>
    %reshape3A_1190 = vector.shape_cast %add3A_1152 : vector<2048x128xf32> to vector<1024x256xf32>
    %convert_element_type3A_1191 = arith.truncf %reshape3A_1189 : vector<1024x256xf32> to vector<1024x256xbf16>
    %dot_general3A_1192 = arith.constant dense<0.000000e+00> : vector<1024x256xf32>
    %dot_general3A_1193 = tpu.matmul %convert_element_type3A_1191, %convert_element_type3A_19, %dot_general3A_1192 {dimension_numbers = #tpu.dot_dimension_numbers<[1], [0], [0], [1], [0, 0, 1, 1], [], []>, transpose_lhs_hint = false} : vector<1024x256xbf16>, vector<256x256xbf16>, vector<1024x256xf32> -> vector<1024x256xf32>
    %add3A_1194 = vector.broadcast %mul3A_29 : vector<1x256xf32> to vector<1024x256xf32>
    %add3A_1195 = arith.addf %dot_general3A_1193, %add3A_1194 : vector<1024x256xf32>
    %tanh3A_1196 = math.tanh %add3A_1195 : vector<1024x256xf32>
    %mul3A_1197 = arith.constant 5.000000e-01 : f32
    %mul3A_1198 = vector.broadcast %mul3A_1197 : f32 to vector<1024x256xf32>
    %mul3A_1199 = arith.mulf %mul3A_1198, %tanh3A_1196 : vector<1024x256xf32>
    %add3A_1200 = arith.constant 5.000000e-01 : f32
    %add3A_1201 = vector.broadcast %add3A_1200 : f32 to vector<1024x256xf32>
    %add3A_1202 = arith.addf %mul3A_1199, %add3A_1201 : vector<1024x256xf32>
    %slice3A_1203 = vector.extract_strided_slice %add3A_1202 {offsets = [0, 0], sizes = [1024, 128], strides = [1, 1]} : vector<1024x256xf32> to vector<1024x128xf32>
    %slice3A_1204 = vector.extract_strided_slice %reshape3A_1190 {offsets = [0, 0], sizes = [1024, 128], strides = [1, 1]} : vector<1024x256xf32> to vector<1024x128xf32>
    %mul3A_1205 = arith.mulf %slice3A_1203, %slice3A_1204 : vector<1024x128xf32>
    %slice3A_1206 = vector.extract_strided_slice %add3A_1202 {offsets = [0, 128], sizes = [1024, 128], strides = [1, 1]} : vector<1024x256xf32> to vector<1024x128xf32>
    %slice3A_1207 = vector.extract_strided_slice %reshape3A_1190 {offsets = [0, 128], sizes = [1024, 128], strides = [1, 1]} : vector<1024x256xf32> to vector<1024x128xf32>
    %mul3A_1208 = arith.mulf %slice3A_1206, %slice3A_1207 : vector<1024x128xf32>
    %add3A_1209 = arith.addf %mul3A_1205, %mul3A_1208 : vector<1024x128xf32>
    %dot_general3A_1210 = arith.constant dense<0.000000e+00> : vector<1024x384xf32>
    %dot_general3A_1211 = tpu.matmul %convert_element_type3A_1191, %convert_element_type3A_12, %dot_general3A_1210 {dimension_numbers = #tpu.dot_dimension_numbers<[1], [0], [0], [1], [0, 0, 1, 1], [], []>, transpose_lhs_hint = false} : vector<1024x256xbf16>, vector<256x384xbf16>, vector<1024x384xf32> -> vector<1024x384xf32>
    %add3A_1212 = vector.broadcast %mul3A_23 : vector<1x384xf32> to vector<1024x384xf32>
    %add3A_1213 = arith.addf %dot_general3A_1211, %add3A_1212 : vector<1024x384xf32>
    %slice3A_1214 = vector.extract_strided_slice %add3A_1213 {offsets = [0, 0], sizes = [1024, 128], strides = [1, 1]} : vector<1024x384xf32> to vector<1024x128xf32>
    %slice3A_1215 = vector.extract_strided_slice %add3A_1213 {offsets = [0, 128], sizes = [1024, 128], strides = [1, 1]} : vector<1024x384xf32> to vector<1024x128xf32>
    %slice3A_1216 = vector.extract_strided_slice %add3A_1213 {offsets = [0, 256], sizes = [1024, 128], strides = [1, 1]} : vector<1024x384xf32> to vector<1024x128xf32>
    %tanh3A_1217 = math.tanh %slice3A_1214 : vector<1024x128xf32>
    %mul3A_1218 = arith.constant 5.000000e-01 : f32
    %mul3A_1219 = vector.broadcast %mul3A_1218 : f32 to vector<1024x128xf32>
    %mul3A_1220 = arith.mulf %mul3A_1219, %tanh3A_1217 : vector<1024x128xf32>
    %add3A_1221 = arith.constant 5.000000e-01 : f32
    %add3A_1222 = vector.broadcast %add3A_1221 : f32 to vector<1024x128xf32>
    %add3A_1223 = arith.addf %mul3A_1220, %add3A_1222 : vector<1024x128xf32>
    %tanh3A_1224 = math.tanh %slice3A_1216 : vector<1024x128xf32>
    %mul3A_1225 = arith.mulf %add3A_1223, %tanh3A_1224 : vector<1024x128xf32>
    %add3A_1226 = arith.addf %mul3A_1225, %add3A_1209 : vector<1024x128xf32>
    %tanh3A_1227 = math.tanh %slice3A_1215 : vector<1024x128xf32>
    %mul3A_1228 = arith.constant 5.000000e-01 : f32
    %mul3A_1229 = vector.broadcast %mul3A_1228 : f32 to vector<1024x128xf32>
    %mul3A_1230 = arith.mulf %mul3A_1229, %tanh3A_1227 : vector<1024x128xf32>
    %add3A_1231 = arith.constant 5.000000e-01 : f32
    %add3A_1232 = vector.broadcast %add3A_1231 : f32 to vector<1024x128xf32>
    %add3A_1233 = arith.addf %mul3A_1230, %add3A_1232 : vector<1024x128xf32>
    %tanh3A_1234 = math.tanh %add3A_1226 : vector<1024x128xf32>
    %mul3A_1235 = arith.mulf %add3A_1233, %tanh3A_1234 : vector<1024x128xf32>
    %swap3A_1236 = arith.constant 7168 : index
    %swap3A_1237 = arith.constant 0 : index
    %swap3A_1238 = vector.load %arg9[%swap3A_1236, %swap3A_1237] : memref<16384x128xf32, #tpu.memory_space<vmem>>, vector<1024x128xf32>
    tpu.vector_store %arg9[%swap3A_1236, %swap3A_1237], %mul3A_1235 {strides = array<i32>} : memref<16384x128xf32, #tpu.memory_space<vmem>>, vector<1024x128xf32>,
    %swap3A_1239 = arith.constant 7168 : index
    %swap3A_1240 = arith.constant 0 : index
    %swap3A_1241 = vector.load %arg10[%swap3A_1239, %swap3A_1240] : memref<16384x128xf32, #tpu.memory_space<vmem>>, vector<1024x128xf32>
    tpu.vector_store %arg10[%swap3A_1239, %swap3A_1240], %add3A_1226 {strides = array<i32>} : memref<16384x128xf32, #tpu.memory_space<vmem>>, vector<1024x128xf32>,
    %convert_element_type3A_1242 = arith.truncf %mul3A_1235 : vector<1024x128xf32> to vector<1024x128xbf16>
    %dot_general3A_1243 = arith.constant dense<0.000000e+00> : vector<1024x5xf32>
    %dot_general3A_1244 = tpu.matmul %convert_element_type3A_1242, %convert_element_type3A_33, %dot_general3A_1243 {dimension_numbers = #tpu.dot_dimension_numbers<[1], [0], [0], [1], [0, 0, 1, 1], [], []>, transpose_lhs_hint = false} : vector<1024x128xbf16>, vector<128x5xbf16>, vector<1024x5xf32> -> vector<1024x5xf32>
    %add3A_1245 = vector.broadcast %get3A_36 : vector<1x5xf32> to vector<1024x5xf32>
    %add3A_1246 = arith.addf %dot_general3A_1244, %add3A_1245 : vector<1024x5xf32>
    %dma_wait3A_1247 = arith.constant 3 : i32
    %dma_wait3A_1248 = arith.constant 21503 : i32
    %dma_wait3A_1249 = arith.constant 0 : i32
    %dma_wait3A_1250 = tpu.memref_slice %arg8[%dma_wait3A_1248, %dma_wait3A_1249] : memref<65535x5xf32, #tpu.memory_space<hbm>> -> memref<1024x5xf32, #tpu.memory_space<hbm>>
    %dma_wait3A_1251 = arith.constant 0 : i32
    %dma_wait3A_1252 = arith.constant 0 : i32
    %dma_wait3A_1253 = tpu.memref_slice %arg13[%dma_wait3A_1247, %dma_wait3A_1251, %dma_wait3A_1252] : memref<4x2048x5xf32, #tpu.memory_space<vmem>> -> memref<1x1024x5xf32, #tpu.memory_space<vmem>>
    %dma_wait3A_1254 = tpu.memref_squeeze %dma_wait3A_1253 : memref<1x1024x5xf32, #tpu.memory_space<vmem>> -> memref<1024x5xf32, #tpu.memory_space<vmem>>
    tpu.wait_dma2 semaphore(%arg15 : memref<!tpu.dma_semaphore, #tpu.memory_space<semaphore_mem>>) src(%dma_wait3A_1254 : memref<1024x5xf32, #tpu.memory_space<vmem>>) dst(%dma_wait3A_1250 : memref<1024x5xf32, #tpu.memory_space<hbm>>)
    %swap3A_1255 = arith.constant 3 : index
    %swap3A_1256 = arith.constant 0 : index
    %swap3A_1257 = arith.constant 0 : index
    %swap3A_1258 = vector.load %arg13[%swap3A_1255, %swap3A_1256, %swap3A_1257] : memref<4x2048x5xf32, #tpu.memory_space<vmem>>, vector<1x1024x5xf32>
    %swap3A_1259 = vector.shape_cast %swap3A_1258 : vector<1x1024x5xf32> to vector<1024x5xf32>
    %swap3A_1260 = vector.shape_cast %add3A_1246 : vector<1024x5xf32> to vector<1x1024x5xf32>
    tpu.vector_store %arg13[%swap3A_1255, %swap3A_1256, %swap3A_1257], %swap3A_1260 {strides = array<i32>} : memref<4x2048x5xf32, #tpu.memory_space<vmem>>, vector<1x1024x5xf32>,
    %dma_start3A_1261 = arith.constant 3 : i32
    %dma_start3A_1262 = arith.constant 23551 : i32
    %dma_start3A_1263 = arith.constant 0 : i32
    %dma_start3A_1264 = tpu.memref_slice %arg8[%dma_start3A_1262, %dma_start3A_1263] : memref<65535x5xf32, #tpu.memory_space<hbm>> -> memref<1024x5xf32, #tpu.memory_space<hbm>>
    %dma_start3A_1265 = arith.constant 0 : i32
    %dma_start3A_1266 = arith.constant 0 : i32
    %dma_start3A_1267 = tpu.memref_slice %arg13[%dma_start3A_1261, %dma_start3A_1265, %dma_start3A_1266] : memref<4x2048x5xf32, #tpu.memory_space<vmem>> -> memref<1x1024x5xf32, #tpu.memory_space<vmem>>
    %dma_start3A_1268 = tpu.memref_squeeze %dma_start3A_1267 : memref<1x1024x5xf32, #tpu.memory_space<vmem>> -> memref<1024x5xf32, #tpu.memory_space<vmem>>
    tpu.enqueue_dma source(%dma_start3A_1268 : memref<1024x5xf32, #tpu.memory_space<vmem>>) target(%dma_start3A_1264 : memref<1024x5xf32, #tpu.memory_space<hbm>>) target_semaphore(%arg15 : memref<!tpu.dma_semaphore, #tpu.memory_space<semaphore_mem>>)
    %dma_wait3A_1269 = arith.constant 0 : i32
    %dma_wait3A_1270 = arith.constant 0 : i32
    %dma_wait3A_1271 = arith.constant 0 : i32
    %dma_wait3A_1272 = tpu.memref_slice %arg14[%dma_wait3A_1269, %dma_wait3A_1270, %dma_wait3A_1271] : memref<2x2048x128xf32, #tpu.memory_space<vmem>> -> memref<1x2048x128xf32, #tpu.memory_space<vmem>>
    %dma_wait3A_1273 = tpu.memref_squeeze %dma_wait3A_1272 : memref<1x2048x128xf32, #tpu.memory_space<vmem>> -> memref<2048x128xf32, #tpu.memory_space<vmem>>
    %dma_wait3A_1274 = arith.constant 16384 : i32
    %dma_wait3A_1275 = arith.constant 0 : i32
    %dma_wait3A_1276 = tpu.memref_slice %arg0[%dma_wait3A_1274, %dma_wait3A_1275] : memref<32768x128xf32, #tpu.memory_space<hbm>> -> memref<2048x128xf32, #tpu.memory_space<hbm>>
    tpu.wait_dma2 semaphore(%arg16 : memref<!tpu.dma_semaphore, #tpu.memory_space<semaphore_mem>>) src(%dma_wait3A_1276 : memref<2048x128xf32, #tpu.memory_space<hbm>>) dst(%dma_wait3A_1273 : memref<2048x128xf32, #tpu.memory_space<vmem>>)
    %get3A_1277 = arith.constant 0 : index
    %get3A_1278 = arith.constant 0 : index
    %get3A_1279 = arith.constant 0 : index
    %get3A_1280 = vector.load %arg14[%get3A_1277, %get3A_1278, %get3A_1279] : memref<2x2048x128xf32, #tpu.memory_space<vmem>>, vector<1x2048x128xf32>
    %get3A_1281 = vector.shape_cast %get3A_1280 : vector<1x2048x128xf32> to vector<2048x128xf32>
    %convert_element_type3A_1282 = arith.truncf %get3A_1281 : vector<2048x128xf32> to vector<2048x128xbf16>
    %dma_start3A_1283 = arith.constant 0 : i32
    %dma_start3A_1284 = arith.constant 0 : i32
    %dma_start3A_1285 = arith.constant 0 : i32
    %dma_start3A_1286 = tpu.memref_slice %arg14[%dma_start3A_1283, %dma_start3A_1284, %dma_start3A_1285] : memref<2x2048x128xf32, #tpu.memory_space<vmem>> -> memref<1x2048x128xf32, #tpu.memory_space<vmem>>
    %dma_start3A_1287 = tpu.memref_squeeze %dma_start3A_1286 : memref<1x2048x128xf32, #tpu.memory_space<vmem>> -> memref<2048x128xf32, #tpu.memory_space<vmem>>
    %dma_start3A_1288 = arith.constant 20480 : i32
    %dma_start3A_1289 = arith.constant 0 : i32
    %dma_start3A_1290 = tpu.memref_slice %arg0[%dma_start3A_1288, %dma_start3A_1289] : memref<32768x128xf32, #tpu.memory_space<hbm>> -> memref<2048x128xf32, #tpu.memory_space<hbm>>
    tpu.enqueue_dma source(%dma_start3A_1290 : memref<2048x128xf32, #tpu.memory_space<hbm>>) target(%dma_start3A_1287 : memref<2048x128xf32, #tpu.memory_space<vmem>>) target_semaphore(%arg16 : memref<!tpu.dma_semaphore, #tpu.memory_space<semaphore_mem>>)
    %dot_general3A_1291 = arith.constant dense<0.000000e+00> : vector<2048x384xf32>
    %dot_general3A_1292 = tpu.matmul %convert_element_type3A_1282, %convert_element_type3A, %dot_general3A_1291 {dimension_numbers = #tpu.dot_dimension_numbers<[1], [0], [0], [1], [0, 0, 1, 1], [], []>, transpose_lhs_hint = false} : vector<2048x128xbf16>, vector<128x384xbf16>, vector<2048x384xf32> -> vector<2048x384xf32>
    %add3A_1293 = vector.broadcast %mul3A_23 : vector<1x384xf32> to vector<2048x384xf32>
    %add3A_1294 = arith.addf %dot_general3A_1292, %add3A_1293 : vector<2048x384xf32>
    %slice3A_1295 = vector.extract_strided_slice %add3A_1294 {offsets = [0, 0], sizes = [2048, 128], strides = [1, 1]} : vector<2048x384xf32> to vector<2048x128xf32>
    %slice3A_1296 = vector.extract_strided_slice %add3A_1294 {offsets = [0, 128], sizes = [2048, 128], strides = [1, 1]} : vector<2048x384xf32> to vector<2048x128xf32>
    %slice3A_1297 = vector.extract_strided_slice %add3A_1294 {offsets = [0, 256], sizes = [2048, 128], strides = [1, 1]} : vector<2048x384xf32> to vector<2048x128xf32>
    %tanh3A_1298 = math.tanh %slice3A_1295 : vector<2048x128xf32>
    %mul3A_1299 = arith.constant 5.000000e-01 : f32
    %mul3A_1300 = vector.broadcast %mul3A_1299 : f32 to vector<2048x128xf32>
    %mul3A_1301 = arith.mulf %mul3A_1300, %tanh3A_1298 : vector<2048x128xf32>
    %add3A_1302 = arith.constant 5.000000e-01 : f32
    %add3A_1303 = vector.broadcast %add3A_1302 : f32 to vector<2048x128xf32>
    %add3A_1304 = arith.addf %mul3A_1301, %add3A_1303 : vector<2048x128xf32>
    %tanh3A_1305 = math.tanh %slice3A_1297 : vector<2048x128xf32>
    %mul3A_1306 = arith.mulf %add3A_1304, %tanh3A_1305 : vector<2048x128xf32>
    %add3A_1307 = arith.constant 0.000000e+00 : f32
    %add3A_1308 = vector.broadcast %add3A_1307 : f32 to vector<2048x128xf32>
    %add3A_1309 = arith.addf %mul3A_1306, %add3A_1308 : vector<2048x128xf32>
    %tanh3A_1310 = math.tanh %slice3A_1296 : vector<2048x128xf32>
    %mul3A_1311 = arith.constant 5.000000e-01 : f32
    %mul3A_1312 = vector.broadcast %mul3A_1311 : f32 to vector<2048x128xf32>
    %mul3A_1313 = arith.mulf %mul3A_1312, %tanh3A_1310 : vector<2048x128xf32>
    %add3A_1314 = arith.constant 5.000000e-01 : f32
    %add3A_1315 = vector.broadcast %add3A_1314 : f32 to vector<2048x128xf32>
    %add3A_1316 = arith.addf %mul3A_1313, %add3A_1315 : vector<2048x128xf32>
    %tanh3A_1317 = math.tanh %add3A_1309 : vector<2048x128xf32>
    %mul3A_1318 = arith.mulf %add3A_1316, %tanh3A_1317 : vector<2048x128xf32>
    %convert_element_type3A_1319 = arith.truncf %mul3A_1318 : vector<2048x128xf32> to vector<2048x128xbf16>
    %dot_general3A_1320 = arith.constant dense<0.000000e+00> : vector<2048x5xf32>
    %dot_general3A_1321 = tpu.matmul %convert_element_type3A_1319, %convert_element_type3A_33, %dot_general3A_1320 {dimension_numbers = #tpu.dot_dimension_numbers<[1], [0], [0], [1], [0, 0, 1, 1], [], []>, transpose_lhs_hint = false} : vector<2048x128xbf16>, vector<128x5xbf16>, vector<2048x5xf32> -> vector<2048x5xf32>
    %add3A_1322 = vector.broadcast %get3A_36 : vector<1x5xf32> to vector<2048x5xf32>
    %add3A_1323 = arith.addf %dot_general3A_1321, %add3A_1322 : vector<2048x5xf32>
    %dma_wait3A_1324 = arith.constant 0 : i32
    %dma_wait3A_1325 = arith.constant 45055 : i32
    %dma_wait3A_1326 = arith.constant 0 : i32
    %dma_wait3A_1327 = tpu.memref_slice %arg8[%dma_wait3A_1325, %dma_wait3A_1326] : memref<65535x5xf32, #tpu.memory_space<hbm>> -> memref<2048x5xf32, #tpu.memory_space<hbm>>
    %dma_wait3A_1328 = arith.constant 0 : i32
    %dma_wait3A_1329 = arith.constant 0 : i32
    %dma_wait3A_1330 = tpu.memref_slice %arg13[%dma_wait3A_1324, %dma_wait3A_1328, %dma_wait3A_1329] : memref<4x2048x5xf32, #tpu.memory_space<vmem>> -> memref<1x2048x5xf32, #tpu.memory_space<vmem>>
    %dma_wait3A_1331 = tpu.memref_squeeze %dma_wait3A_1330 : memref<1x2048x5xf32, #tpu.memory_space<vmem>> -> memref<2048x5xf32, #tpu.memory_space<vmem>>
    tpu.wait_dma2 semaphore(%arg15 : memref<!tpu.dma_semaphore, #tpu.memory_space<semaphore_mem>>) src(%dma_wait3A_1331 : memref<2048x5xf32, #tpu.memory_space<vmem>>) dst(%dma_wait3A_1327 : memref<2048x5xf32, #tpu.memory_space<hbm>>)
    %swap3A_1332 = arith.constant 0 : index
    %swap3A_1333 = arith.constant 0 : index
    %swap3A_1334 = arith.constant 0 : index
    %swap3A_1335 = vector.load %arg13[%swap3A_1332, %swap3A_1333, %swap3A_1334] : memref<4x2048x5xf32, #tpu.memory_space<vmem>>, vector<1x2048x5xf32>
    %swap3A_1336 = vector.shape_cast %swap3A_1335 : vector<1x2048x5xf32> to vector<2048x5xf32>
    %swap3A_1337 = vector.shape_cast %add3A_1323 : vector<2048x5xf32> to vector<1x2048x5xf32>
    tpu.vector_store %arg13[%swap3A_1332, %swap3A_1333, %swap3A_1334], %swap3A_1337 {strides = array<i32>} : memref<4x2048x5xf32, #tpu.memory_space<vmem>>, vector<1x2048x5xf32>,
    %dma_start3A_1338 = arith.constant 0 : i32
    %dma_start3A_1339 = arith.constant 49151 : i32
    %dma_start3A_1340 = arith.constant 0 : i32
    %dma_start3A_1341 = tpu.memref_slice %arg8[%dma_start3A_1339, %dma_start3A_1340] : memref<65535x5xf32, #tpu.memory_space<hbm>> -> memref<2048x5xf32, #tpu.memory_space<hbm>>
    %dma_start3A_1342 = arith.constant 0 : i32
    %dma_start3A_1343 = arith.constant 0 : i32
    %dma_start3A_1344 = tpu.memref_slice %arg13[%dma_start3A_1338, %dma_start3A_1342, %dma_start3A_1343] : memref<4x2048x5xf32, #tpu.memory_space<vmem>> -> memref<1x2048x5xf32, #tpu.memory_space<vmem>>
    %dma_start3A_1345 = tpu.memref_squeeze %dma_start3A_1344 : memref<1x2048x5xf32, #tpu.memory_space<vmem>> -> memref<2048x5xf32, #tpu.memory_space<vmem>>
    tpu.enqueue_dma source(%dma_start3A_1345 : memref<2048x5xf32, #tpu.memory_space<vmem>>) target(%dma_start3A_1341 : memref<2048x5xf32, #tpu.memory_space<hbm>>) target_semaphore(%arg15 : memref<!tpu.dma_semaphore, #tpu.memory_space<semaphore_mem>>)
    %reshape3A_1346 = vector.shape_cast %mul3A_1318 : vector<2048x128xf32> to vector<1024x256xf32>
    %reshape3A_1347 = vector.shape_cast %add3A_1309 : vector<2048x128xf32> to vector<1024x256xf32>
    %convert_element_type3A_1348 = arith.truncf %reshape3A_1346 : vector<1024x256xf32> to vector<1024x256xbf16>
    %dot_general3A_1349 = arith.constant dense<0.000000e+00> : vector<1024x256xf32>
    %dot_general3A_1350 = tpu.matmul %convert_element_type3A_1348, %convert_element_type3A_19, %dot_general3A_1349 {dimension_numbers = #tpu.dot_dimension_numbers<[1], [0], [0], [1], [0, 0, 1, 1], [], []>, transpose_lhs_hint = false} : vector<1024x256xbf16>, vector<256x256xbf16>, vector<1024x256xf32> -> vector<1024x256xf32>
    %add3A_1351 = vector.broadcast %mul3A_29 : vector<1x256xf32> to vector<1024x256xf32>
    %add3A_1352 = arith.addf %dot_general3A_1350, %add3A_1351 : vector<1024x256xf32>
    %tanh3A_1353 = math.tanh %add3A_1352 : vector<1024x256xf32>
    %mul3A_1354 = arith.constant 5.000000e-01 : f32
    %mul3A_1355 = vector.broadcast %mul3A_1354 : f32 to vector<1024x256xf32>
    %mul3A_1356 = arith.mulf %mul3A_1355, %tanh3A_1353 : vector<1024x256xf32>
    %add3A_1357 = arith.constant 5.000000e-01 : f32
    %add3A_1358 = vector.broadcast %add3A_1357 : f32 to vector<1024x256xf32>
    %add3A_1359 = arith.addf %mul3A_1356, %add3A_1358 : vector<1024x256xf32>
    %slice3A_1360 = vector.extract_strided_slice %add3A_1359 {offsets = [0, 0], sizes = [1024, 128], strides = [1, 1]} : vector<1024x256xf32> to vector<1024x128xf32>
    %slice3A_1361 = vector.extract_strided_slice %reshape3A_1347 {offsets = [0, 0], sizes = [1024, 128], strides = [1, 1]} : vector<1024x256xf32> to vector<1024x128xf32>
    %mul3A_1362 = arith.mulf %slice3A_1360, %slice3A_1361 : vector<1024x128xf32>
    %slice3A_1363 = vector.extract_strided_slice %add3A_1359 {offsets = [0, 128], sizes = [1024, 128], strides = [1, 1]} : vector<1024x256xf32> to vector<1024x128xf32>
    %slice3A_1364 = vector.extract_strided_slice %reshape3A_1347 {offsets = [0, 128], sizes = [1024, 128], strides = [1, 1]} : vector<1024x256xf32> to vector<1024x128xf32>
    %mul3A_1365 = arith.mulf %slice3A_1363, %slice3A_1364 : vector<1024x128xf32>
    %add3A_1366 = arith.addf %mul3A_1362, %mul3A_1365 : vector<1024x128xf32>
    %dot_general3A_1367 = arith.constant dense<0.000000e+00> : vector<1024x384xf32>
    %dot_general3A_1368 = tpu.matmul %convert_element_type3A_1348, %convert_element_type3A_12, %dot_general3A_1367 {dimension_numbers = #tpu.dot_dimension_numbers<[1], [0], [0], [1], [0, 0, 1, 1], [], []>, transpose_lhs_hint = false} : vector<1024x256xbf16>, vector<256x384xbf16>, vector<1024x384xf32> -> vector<1024x384xf32>
    %add3A_1369 = vector.broadcast %mul3A_23 : vector<1x384xf32> to vector<1024x384xf32>
    %add3A_1370 = arith.addf %dot_general3A_1368, %add3A_1369 : vector<1024x384xf32>
    %slice3A_1371 = vector.extract_strided_slice %add3A_1370 {offsets = [0, 0], sizes = [1024, 128], strides = [1, 1]} : vector<1024x384xf32> to vector<1024x128xf32>
    %slice3A_1372 = vector.extract_strided_slice %add3A_1370 {offsets = [0, 128], sizes = [1024, 128], strides = [1, 1]} : vector<1024x384xf32> to vector<1024x128xf32>
    %slice3A_1373 = vector.extract_strided_slice %add3A_1370 {offsets = [0, 256], sizes = [1024, 128], strides = [1, 1]} : vector<1024x384xf32> to vector<1024x128xf32>
    %tanh3A_1374 = math.tanh %slice3A_1371 : vector<1024x128xf32>
    %mul3A_1375 = arith.constant 5.000000e-01 : f32
    %mul3A_1376 = vector.broadcast %mul3A_1375 : f32 to vector<1024x128xf32>
    %mul3A_1377 = arith.mulf %mul3A_1376, %tanh3A_1374 : vector<1024x128xf32>
    %add3A_1378 = arith.constant 5.000000e-01 : f32
    %add3A_1379 = vector.broadcast %add3A_1378 : f32 to vector<1024x128xf32>
    %add3A_1380 = arith.addf %mul3A_1377, %add3A_1379 : vector<1024x128xf32>
    %tanh3A_1381 = math.tanh %slice3A_1373 : vector<1024x128xf32>
    %mul3A_1382 = arith.mulf %add3A_1380, %tanh3A_1381 : vector<1024x128xf32>
    %add3A_1383 = arith.addf %mul3A_1382, %add3A_1366 : vector<1024x128xf32>
    %tanh3A_1384 = math.tanh %slice3A_1372 : vector<1024x128xf32>
    %mul3A_1385 = arith.constant 5.000000e-01 : f32
    %mul3A_1386 = vector.broadcast %mul3A_1385 : f32 to vector<1024x128xf32>
    %mul3A_1387 = arith.mulf %mul3A_1386, %tanh3A_1384 : vector<1024x128xf32>
    %add3A_1388 = arith.constant 5.000000e-01 : f32
    %add3A_1389 = vector.broadcast %add3A_1388 : f32 to vector<1024x128xf32>
    %add3A_1390 = arith.addf %mul3A_1387, %add3A_1389 : vector<1024x128xf32>
    %tanh3A_1391 = math.tanh %add3A_1383 : vector<1024x128xf32>
    %mul3A_1392 = arith.mulf %add3A_1390, %tanh3A_1391 : vector<1024x128xf32>
    %swap3A_1393 = arith.constant 8192 : index
    %swap3A_1394 = arith.constant 0 : index
    %swap3A_1395 = vector.load %arg9[%swap3A_1393, %swap3A_1394] : memref<16384x128xf32, #tpu.memory_space<vmem>>, vector<1024x128xf32>
    tpu.vector_store %arg9[%swap3A_1393, %swap3A_1394], %mul3A_1392 {strides = array<i32>} : memref<16384x128xf32, #tpu.memory_space<vmem>>, vector<1024x128xf32>,
    %swap3A_1396 = arith.constant 8192 : index
    %swap3A_1397 = arith.constant 0 : index
    %swap3A_1398 = vector.load %arg10[%swap3A_1396, %swap3A_1397] : memref<16384x128xf32, #tpu.memory_space<vmem>>, vector<1024x128xf32>
    tpu.vector_store %arg10[%swap3A_1396, %swap3A_1397], %add3A_1383 {strides = array<i32>} : memref<16384x128xf32, #tpu.memory_space<vmem>>, vector<1024x128xf32>,
    %convert_element_type3A_1399 = arith.truncf %mul3A_1392 : vector<1024x128xf32> to vector<1024x128xbf16>
    %dot_general3A_1400 = arith.constant dense<0.000000e+00> : vector<1024x5xf32>
    %dot_general3A_1401 = tpu.matmul %convert_element_type3A_1399, %convert_element_type3A_33, %dot_general3A_1400 {dimension_numbers = #tpu.dot_dimension_numbers<[1], [0], [0], [1], [0, 0, 1, 1], [], []>, transpose_lhs_hint = false} : vector<1024x128xbf16>, vector<128x5xbf16>, vector<1024x5xf32> -> vector<1024x5xf32>
    %add3A_1402 = vector.broadcast %get3A_36 : vector<1x5xf32> to vector<1024x5xf32>
    %add3A_1403 = arith.addf %dot_general3A_1401, %add3A_1402 : vector<1024x5xf32>
    %dma_wait3A_1404 = arith.constant 1 : i32
    %dma_wait3A_1405 = arith.constant 22527 : i32
    %dma_wait3A_1406 = arith.constant 0 : i32
    %dma_wait3A_1407 = tpu.memref_slice %arg8[%dma_wait3A_1405, %dma_wait3A_1406] : memref<65535x5xf32, #tpu.memory_space<hbm>> -> memref<1024x5xf32, #tpu.memory_space<hbm>>
    %dma_wait3A_1408 = arith.constant 0 : i32
    %dma_wait3A_1409 = arith.constant 0 : i32
    %dma_wait3A_1410 = tpu.memref_slice %arg13[%dma_wait3A_1404, %dma_wait3A_1408, %dma_wait3A_1409] : memref<4x2048x5xf32, #tpu.memory_space<vmem>> -> memref<1x1024x5xf32, #tpu.memory_space<vmem>>
    %dma_wait3A_1411 = tpu.memref_squeeze %dma_wait3A_1410 : memref<1x1024x5xf32, #tpu.memory_space<vmem>> -> memref<1024x5xf32, #tpu.memory_space<vmem>>
    tpu.wait_dma2 semaphore(%arg15 : memref<!tpu.dma_semaphore, #tpu.memory_space<semaphore_mem>>) src(%dma_wait3A_1411 : memref<1024x5xf32, #tpu.memory_space<vmem>>) dst(%dma_wait3A_1407 : memref<1024x5xf32, #tpu.memory_space<hbm>>)
    %swap3A_1412 = arith.constant 1 : index
    %swap3A_1413 = arith.constant 0 : index
    %swap3A_1414 = arith.constant 0 : index
    %swap3A_1415 = vector.load %arg13[%swap3A_1412, %swap3A_1413, %swap3A_1414] : memref<4x2048x5xf32, #tpu.memory_space<vmem>>, vector<1x1024x5xf32>
    %swap3A_1416 = vector.shape_cast %swap3A_1415 : vector<1x1024x5xf32> to vector<1024x5xf32>
    %swap3A_1417 = vector.shape_cast %add3A_1403 : vector<1024x5xf32> to vector<1x1024x5xf32>
    tpu.vector_store %arg13[%swap3A_1412, %swap3A_1413, %swap3A_1414], %swap3A_1417 {strides = array<i32>} : memref<4x2048x5xf32, #tpu.memory_space<vmem>>, vector<1x1024x5xf32>,
    %dma_start3A_1418 = arith.constant 1 : i32
    %dma_start3A_1419 = arith.constant 24575 : i32
    %dma_start3A_1420 = arith.constant 0 : i32
    %dma_start3A_1421 = tpu.memref_slice %arg8[%dma_start3A_1419, %dma_start3A_1420] : memref<65535x5xf32, #tpu.memory_space<hbm>> -> memref<1024x5xf32, #tpu.memory_space<hbm>>
    %dma_start3A_1422 = arith.constant 0 : i32
    %dma_start3A_1423 = arith.constant 0 : i32
    %dma_start3A_1424 = tpu.memref_slice %arg13[%dma_start3A_1418, %dma_start3A_1422, %dma_start3A_1423] : memref<4x2048x5xf32, #tpu.memory_space<vmem>> -> memref<1x1024x5xf32, #tpu.memory_space<vmem>>
    %dma_start3A_1425 = tpu.memref_squeeze %dma_start3A_1424 : memref<1x1024x5xf32, #tpu.memory_space<vmem>> -> memref<1024x5xf32, #tpu.memory_space<vmem>>
    tpu.enqueue_dma source(%dma_start3A_1425 : memref<1024x5xf32, #tpu.memory_space<vmem>>) target(%dma_start3A_1421 : memref<1024x5xf32, #tpu.memory_space<hbm>>) target_semaphore(%arg15 : memref<!tpu.dma_semaphore, #tpu.memory_space<semaphore_mem>>)
    %dma_wait3A_1426 = arith.constant 1 : i32
    %dma_wait3A_1427 = arith.constant 0 : i32
    %dma_wait3A_1428 = arith.constant 0 : i32
    %dma_wait3A_1429 = tpu.memref_slice %arg14[%dma_wait3A_1426, %dma_wait3A_1427, %dma_wait3A_1428] : memref<2x2048x128xf32, #tpu.memory_space<vmem>> -> memref<1x2048x128xf32, #tpu.memory_space<vmem>>
    %dma_wait3A_1430 = tpu.memref_squeeze %dma_wait3A_1429 : memref<1x2048x128xf32, #tpu.memory_space<vmem>> -> memref<2048x128xf32, #tpu.memory_space<vmem>>
    %dma_wait3A_1431 = arith.constant 18432 : i32
    %dma_wait3A_1432 = arith.constant 0 : i32
    %dma_wait3A_1433 = tpu.memref_slice %arg0[%dma_wait3A_1431, %dma_wait3A_1432] : memref<32768x128xf32, #tpu.memory_space<hbm>> -> memref<2048x128xf32, #tpu.memory_space<hbm>>
    tpu.wait_dma2 semaphore(%arg16 : memref<!tpu.dma_semaphore, #tpu.memory_space<semaphore_mem>>) src(%dma_wait3A_1433 : memref<2048x128xf32, #tpu.memory_space<hbm>>) dst(%dma_wait3A_1430 : memref<2048x128xf32, #tpu.memory_space<vmem>>)
    %get3A_1434 = arith.constant 1 : index
    %get3A_1435 = arith.constant 0 : index
    %get3A_1436 = arith.constant 0 : index
    %get3A_1437 = vector.load %arg14[%get3A_1434, %get3A_1435, %get3A_1436] : memref<2x2048x128xf32, #tpu.memory_space<vmem>>, vector<1x2048x128xf32>
    %get3A_1438 = vector.shape_cast %get3A_1437 : vector<1x2048x128xf32> to vector<2048x128xf32>
    %convert_element_type3A_1439 = arith.truncf %get3A_1438 : vector<2048x128xf32> to vector<2048x128xbf16>
    %dma_start3A_1440 = arith.constant 1 : i32
    %dma_start3A_1441 = arith.constant 0 : i32
    %dma_start3A_1442 = arith.constant 0 : i32
    %dma_start3A_1443 = tpu.memref_slice %arg14[%dma_start3A_1440, %dma_start3A_1441, %dma_start3A_1442] : memref<2x2048x128xf32, #tpu.memory_space<vmem>> -> memref<1x2048x128xf32, #tpu.memory_space<vmem>>
    %dma_start3A_1444 = tpu.memref_squeeze %dma_start3A_1443 : memref<1x2048x128xf32, #tpu.memory_space<vmem>> -> memref<2048x128xf32, #tpu.memory_space<vmem>>
    %dma_start3A_1445 = arith.constant 22528 : i32
    %dma_start3A_1446 = arith.constant 0 : i32
    %dma_start3A_1447 = tpu.memref_slice %arg0[%dma_start3A_1445, %dma_start3A_1446] : memref<32768x128xf32, #tpu.memory_space<hbm>> -> memref<2048x128xf32, #tpu.memory_space<hbm>>
    tpu.enqueue_dma source(%dma_start3A_1447 : memref<2048x128xf32, #tpu.memory_space<hbm>>) target(%dma_start3A_1444 : memref<2048x128xf32, #tpu.memory_space<vmem>>) target_semaphore(%arg16 : memref<!tpu.dma_semaphore, #tpu.memory_space<semaphore_mem>>)
    %dot_general3A_1448 = arith.constant dense<0.000000e+00> : vector<2048x384xf32>
    %dot_general3A_1449 = tpu.matmul %convert_element_type3A_1439, %convert_element_type3A, %dot_general3A_1448 {dimension_numbers = #tpu.dot_dimension_numbers<[1], [0], [0], [1], [0, 0, 1, 1], [], []>, transpose_lhs_hint = false} : vector<2048x128xbf16>, vector<128x384xbf16>, vector<2048x384xf32> -> vector<2048x384xf32>
    %add3A_1450 = vector.broadcast %mul3A_23 : vector<1x384xf32> to vector<2048x384xf32>
    %add3A_1451 = arith.addf %dot_general3A_1449, %add3A_1450 : vector<2048x384xf32>
    %slice3A_1452 = vector.extract_strided_slice %add3A_1451 {offsets = [0, 0], sizes = [2048, 128], strides = [1, 1]} : vector<2048x384xf32> to vector<2048x128xf32>
    %slice3A_1453 = vector.extract_strided_slice %add3A_1451 {offsets = [0, 128], sizes = [2048, 128], strides = [1, 1]} : vector<2048x384xf32> to vector<2048x128xf32>
    %slice3A_1454 = vector.extract_strided_slice %add3A_1451 {offsets = [0, 256], sizes = [2048, 128], strides = [1, 1]} : vector<2048x384xf32> to vector<2048x128xf32>
    %tanh3A_1455 = math.tanh %slice3A_1452 : vector<2048x128xf32>
    %mul3A_1456 = arith.constant 5.000000e-01 : f32
    %mul3A_1457 = vector.broadcast %mul3A_1456 : f32 to vector<2048x128xf32>
    %mul3A_1458 = arith.mulf %mul3A_1457, %tanh3A_1455 : vector<2048x128xf32>
    %add3A_1459 = arith.constant 5.000000e-01 : f32
    %add3A_1460 = vector.broadcast %add3A_1459 : f32 to vector<2048x128xf32>
    %add3A_1461 = arith.addf %mul3A_1458, %add3A_1460 : vector<2048x128xf32>
    %tanh3A_1462 = math.tanh %slice3A_1454 : vector<2048x128xf32>
    %mul3A_1463 = arith.mulf %add3A_1461, %tanh3A_1462 : vector<2048x128xf32>
    %add3A_1464 = arith.constant 0.000000e+00 : f32
    %add3A_1465 = vector.broadcast %add3A_1464 : f32 to vector<2048x128xf32>
    %add3A_1466 = arith.addf %mul3A_1463, %add3A_1465 : vector<2048x128xf32>
    %tanh3A_1467 = math.tanh %slice3A_1453 : vector<2048x128xf32>
    %mul3A_1468 = arith.constant 5.000000e-01 : f32
    %mul3A_1469 = vector.broadcast %mul3A_1468 : f32 to vector<2048x128xf32>
    %mul3A_1470 = arith.mulf %mul3A_1469, %tanh3A_1467 : vector<2048x128xf32>
    %add3A_1471 = arith.constant 5.000000e-01 : f32
    %add3A_1472 = vector.broadcast %add3A_1471 : f32 to vector<2048x128xf32>
    %add3A_1473 = arith.addf %mul3A_1470, %add3A_1472 : vector<2048x128xf32>
    %tanh3A_1474 = math.tanh %add3A_1466 : vector<2048x128xf32>
    %mul3A_1475 = arith.mulf %add3A_1473, %tanh3A_1474 : vector<2048x128xf32>
    %convert_element_type3A_1476 = arith.truncf %mul3A_1475 : vector<2048x128xf32> to vector<2048x128xbf16>
    %dot_general3A_1477 = arith.constant dense<0.000000e+00> : vector<2048x5xf32>
    %dot_general3A_1478 = tpu.matmul %convert_element_type3A_1476, %convert_element_type3A_33, %dot_general3A_1477 {dimension_numbers = #tpu.dot_dimension_numbers<[1], [0], [0], [1], [0, 0, 1, 1], [], []>, transpose_lhs_hint = false} : vector<2048x128xbf16>, vector<128x5xbf16>, vector<2048x5xf32> -> vector<2048x5xf32>
    %add3A_1479 = vector.broadcast %get3A_36 : vector<1x5xf32> to vector<2048x5xf32>
    %add3A_1480 = arith.addf %dot_general3A_1478, %add3A_1479 : vector<2048x5xf32>
    %dma_wait3A_1481 = arith.constant 2 : i32
    %dma_wait3A_1482 = arith.constant 47103 : i32
    %dma_wait3A_1483 = arith.constant 0 : i32
    %dma_wait3A_1484 = tpu.memref_slice %arg8[%dma_wait3A_1482, %dma_wait3A_1483] : memref<65535x5xf32, #tpu.memory_space<hbm>> -> memref<2048x5xf32, #tpu.memory_space<hbm>>
    %dma_wait3A_1485 = arith.constant 0 : i32
    %dma_wait3A_1486 = arith.constant 0 : i32
    %dma_wait3A_1487 = tpu.memref_slice %arg13[%dma_wait3A_1481, %dma_wait3A_1485, %dma_wait3A_1486] : memref<4x2048x5xf32, #tpu.memory_space<vmem>> -> memref<1x2048x5xf32, #tpu.memory_space<vmem>>
    %dma_wait3A_1488 = tpu.memref_squeeze %dma_wait3A_1487 : memref<1x2048x5xf32, #tpu.memory_space<vmem>> -> memref<2048x5xf32, #tpu.memory_space<vmem>>
    tpu.wait_dma2 semaphore(%arg15 : memref<!tpu.dma_semaphore, #tpu.memory_space<semaphore_mem>>) src(%dma_wait3A_1488 : memref<2048x5xf32, #tpu.memory_space<vmem>>) dst(%dma_wait3A_1484 : memref<2048x5xf32, #tpu.memory_space<hbm>>)
    %swap3A_1489 = arith.constant 2 : index
    %swap3A_1490 = arith.constant 0 : index
    %swap3A_1491 = arith.constant 0 : index
    %swap3A_1492 = vector.load %arg13[%swap3A_1489, %swap3A_1490, %swap3A_1491] : memref<4x2048x5xf32, #tpu.memory_space<vmem>>, vector<1x2048x5xf32>
    %swap3A_1493 = vector.shape_cast %swap3A_1492 : vector<1x2048x5xf32> to vector<2048x5xf32>
    %swap3A_1494 = vector.shape_cast %add3A_1480 : vector<2048x5xf32> to vector<1x2048x5xf32>
    tpu.vector_store %arg13[%swap3A_1489, %swap3A_1490, %swap3A_1491], %swap3A_1494 {strides = array<i32>} : memref<4x2048x5xf32, #tpu.memory_space<vmem>>, vector<1x2048x5xf32>,
    %dma_start3A_1495 = arith.constant 2 : i32
    %dma_start3A_1496 = arith.constant 51199 : i32
    %dma_start3A_1497 = arith.constant 0 : i32
    %dma_start3A_1498 = tpu.memref_slice %arg8[%dma_start3A_1496, %dma_start3A_1497] : memref<65535x5xf32, #tpu.memory_space<hbm>> -> memref<2048x5xf32, #tpu.memory_space<hbm>>
    %dma_start3A_1499 = arith.constant 0 : i32
    %dma_start3A_1500 = arith.constant 0 : i32
    %dma_start3A_1501 = tpu.memref_slice %arg13[%dma_start3A_1495, %dma_start3A_1499, %dma_start3A_1500] : memref<4x2048x5xf32, #tpu.memory_space<vmem>> -> memref<1x2048x5xf32, #tpu.memory_space<vmem>>
    %dma_start3A_1502 = tpu.memref_squeeze %dma_start3A_1501 : memref<1x2048x5xf32, #tpu.memory_space<vmem>> -> memref<2048x5xf32, #tpu.memory_space<vmem>>
    tpu.enqueue_dma source(%dma_start3A_1502 : memref<2048x5xf32, #tpu.memory_space<vmem>>) target(%dma_start3A_1498 : memref<2048x5xf32, #tpu.memory_space<hbm>>) target_semaphore(%arg15 : memref<!tpu.dma_semaphore, #tpu.memory_space<semaphore_mem>>)
    %reshape3A_1503 = vector.shape_cast %mul3A_1475 : vector<2048x128xf32> to vector<1024x256xf32>
    %reshape3A_1504 = vector.shape_cast %add3A_1466 : vector<2048x128xf32> to vector<1024x256xf32>
    %convert_element_type3A_1505 = arith.truncf %reshape3A_1503 : vector<1024x256xf32> to vector<1024x256xbf16>
    %dot_general3A_1506 = arith.constant dense<0.000000e+00> : vector<1024x256xf32>
    %dot_general3A_1507 = tpu.matmul %convert_element_type3A_1505, %convert_element_type3A_19, %dot_general3A_1506 {dimension_numbers = #tpu.dot_dimension_numbers<[1], [0], [0], [1], [0, 0, 1, 1], [], []>, transpose_lhs_hint = false} : vector<1024x256xbf16>, vector<256x256xbf16>, vector<1024x256xf32> -> vector<1024x256xf32>
    %add3A_1508 = vector.broadcast %mul3A_29 : vector<1x256xf32> to vector<1024x256xf32>
    %add3A_1509 = arith.addf %dot_general3A_1507, %add3A_1508 : vector<1024x256xf32>
    %tanh3A_1510 = math.tanh %add3A_1509 : vector<1024x256xf32>
    %mul3A_1511 = arith.constant 5.000000e-01 : f32
    %mul3A_1512 = vector.broadcast %mul3A_1511 : f32 to vector<1024x256xf32>
    %mul3A_1513 = arith.mulf %mul3A_1512, %tanh3A_1510 : vector<1024x256xf32>
    %add3A_1514 = arith.constant 5.000000e-01 : f32
    %add3A_1515 = vector.broadcast %add3A_1514 : f32 to vector<1024x256xf32>
    %add3A_1516 = arith.addf %mul3A_1513, %add3A_1515 : vector<1024x256xf32>
    %slice3A_1517 = vector.extract_strided_slice %add3A_1516 {offsets = [0, 0], sizes = [1024, 128], strides = [1, 1]} : vector<1024x256xf32> to vector<1024x128xf32>
    %slice3A_1518 = vector.extract_strided_slice %reshape3A_1504 {offsets = [0, 0], sizes = [1024, 128], strides = [1, 1]} : vector<1024x256xf32> to vector<1024x128xf32>
    %mul3A_1519 = arith.mulf %slice3A_1517, %slice3A_1518 : vector<1024x128xf32>
    %slice3A_1520 = vector.extract_strided_slice %add3A_1516 {offsets = [0, 128], sizes = [1024, 128], strides = [1, 1]} : vector<1024x256xf32> to vector<1024x128xf32>
    %slice3A_1521 = vector.extract_strided_slice %reshape3A_1504 {offsets = [0, 128], sizes = [1024, 128], strides = [1, 1]} : vector<1024x256xf32> to vector<1024x128xf32>
    %mul3A_1522 = arith.mulf %slice3A_1520, %slice3A_1521 : vector<1024x128xf32>
    %add3A_1523 = arith.addf %mul3A_1519, %mul3A_1522 : vector<1024x128xf32>
    %dot_general3A_1524 = arith.constant dense<0.000000e+00> : vector<1024x384xf32>
    %dot_general3A_1525 = tpu.matmul %convert_element_type3A_1505, %convert_element_type3A_12, %dot_general3A_1524 {dimension_numbers = #tpu.dot_dimension_numbers<[1], [0], [0], [1], [0, 0, 1, 1], [], []>, transpose_lhs_hint = false} : vector<1024x256xbf16>, vector<256x384xbf16>, vector<1024x384xf32> -> vector<1024x384xf32>
    %add3A_1526 = vector.broadcast %mul3A_23 : vector<1x384xf32> to vector<1024x384xf32>
    %add3A_1527 = arith.addf %dot_general3A_1525, %add3A_1526 : vector<1024x384xf32>
    %slice3A_1528 = vector.extract_strided_slice %add3A_1527 {offsets = [0, 0], sizes = [1024, 128], strides = [1, 1]} : vector<1024x384xf32> to vector<1024x128xf32>
    %slice3A_1529 = vector.extract_strided_slice %add3A_1527 {offsets = [0, 128], sizes = [1024, 128], strides = [1, 1]} : vector<1024x384xf32> to vector<1024x128xf32>
    %slice3A_1530 = vector.extract_strided_slice %add3A_1527 {offsets = [0, 256], sizes = [1024, 128], strides = [1, 1]} : vector<1024x384xf32> to vector<1024x128xf32>
    %tanh3A_1531 = math.tanh %slice3A_1528 : vector<1024x128xf32>
    %mul3A_1532 = arith.constant 5.000000e-01 : f32
    %mul3A_1533 = vector.broadcast %mul3A_1532 : f32 to vector<1024x128xf32>
    %mul3A_1534 = arith.mulf %mul3A_1533, %tanh3A_1531 : vector<1024x128xf32>
    %add3A_1535 = arith.constant 5.000000e-01 : f32
    %add3A_1536 = vector.broadcast %add3A_1535 : f32 to vector<1024x128xf32>
    %add3A_1537 = arith.addf %mul3A_1534, %add3A_1536 : vector<1024x128xf32>
    %tanh3A_1538 = math.tanh %slice3A_1530 : vector<1024x128xf32>
    %mul3A_1539 = arith.mulf %add3A_1537, %tanh3A_1538 : vector<1024x128xf32>
    %add3A_1540 = arith.addf %mul3A_1539, %add3A_1523 : vector<1024x128xf32>
    %tanh3A_1541 = math.tanh %slice3A_1529 : vector<1024x128xf32>
    %mul3A_1542 = arith.constant 5.000000e-01 : f32
    %mul3A_1543 = vector.broadcast %mul3A_1542 : f32 to vector<1024x128xf32>
    %mul3A_1544 = arith.mulf %mul3A_1543, %tanh3A_1541 : vector<1024x128xf32>
    %add3A_1545 = arith.constant 5.000000e-01 : f32
    %add3A_1546 = vector.broadcast %add3A_1545 : f32 to vector<1024x128xf32>
    %add3A_1547 = arith.addf %mul3A_1544, %add3A_1546 : vector<1024x128xf32>
    %tanh3A_1548 = math.tanh %add3A_1540 : vector<1024x128xf32>
    %mul3A_1549 = arith.mulf %add3A_1547, %tanh3A_1548 : vector<1024x128xf32>
    %swap3A_1550 = arith.constant 9216 : index
    %swap3A_1551 = arith.constant 0 : index
    %swap3A_1552 = vector.load %arg9[%swap3A_1550, %swap3A_1551] : memref<16384x128xf32, #tpu.memory_space<vmem>>, vector<1024x128xf32>
    tpu.vector_store %arg9[%swap3A_1550, %swap3A_1551], %mul3A_1549 {strides = array<i32>} : memref<16384x128xf32, #tpu.memory_space<vmem>>, vector<1024x128xf32>,
    %swap3A_1553 = arith.constant 9216 : index
    %swap3A_1554 = arith.constant 0 : index
    %swap3A_1555 = vector.load %arg10[%swap3A_1553, %swap3A_1554] : memref<16384x128xf32, #tpu.memory_space<vmem>>, vector<1024x128xf32>
    tpu.vector_store %arg10[%swap3A_1553, %swap3A_1554], %add3A_1540 {strides = array<i32>} : memref<16384x128xf32, #tpu.memory_space<vmem>>, vector<1024x128xf32>,
    %convert_element_type3A_1556 = arith.truncf %mul3A_1549 : vector<1024x128xf32> to vector<1024x128xbf16>
    %dot_general3A_1557 = arith.constant dense<0.000000e+00> : vector<1024x5xf32>
    %dot_general3A_1558 = tpu.matmul %convert_element_type3A_1556, %convert_element_type3A_33, %dot_general3A_1557 {dimension_numbers = #tpu.dot_dimension_numbers<[1], [0], [0], [1], [0, 0, 1, 1], [], []>, transpose_lhs_hint = false} : vector<1024x128xbf16>, vector<128x5xbf16>, vector<1024x5xf32> -> vector<1024x5xf32>
    %add3A_1559 = vector.broadcast %get3A_36 : vector<1x5xf32> to vector<1024x5xf32>
    %add3A_1560 = arith.addf %dot_general3A_1558, %add3A_1559 : vector<1024x5xf32>
    %dma_wait3A_1561 = arith.constant 3 : i32
    %dma_wait3A_1562 = arith.constant 23551 : i32
    %dma_wait3A_1563 = arith.constant 0 : i32
    %dma_wait3A_1564 = tpu.memref_slice %arg8[%dma_wait3A_1562, %dma_wait3A_1563] : memref<65535x5xf32, #tpu.memory_space<hbm>> -> memref<1024x5xf32, #tpu.memory_space<hbm>>
    %dma_wait3A_1565 = arith.constant 0 : i32
    %dma_wait3A_1566 = arith.constant 0 : i32
    %dma_wait3A_1567 = tpu.memref_slice %arg13[%dma_wait3A_1561, %dma_wait3A_1565, %dma_wait3A_1566] : memref<4x2048x5xf32, #tpu.memory_space<vmem>> -> memref<1x1024x5xf32, #tpu.memory_space<vmem>>
    %dma_wait3A_1568 = tpu.memref_squeeze %dma_wait3A_1567 : memref<1x1024x5xf32, #tpu.memory_space<vmem>> -> memref<1024x5xf32, #tpu.memory_space<vmem>>
    tpu.wait_dma2 semaphore(%arg15 : memref<!tpu.dma_semaphore, #tpu.memory_space<semaphore_mem>>) src(%dma_wait3A_1568 : memref<1024x5xf32, #tpu.memory_space<vmem>>) dst(%dma_wait3A_1564 : memref<1024x5xf32, #tpu.memory_space<hbm>>)
    %swap3A_1569 = arith.constant 3 : index
    %swap3A_1570 = arith.constant 0 : index
    %swap3A_1571 = arith.constant 0 : index
    %swap3A_1572 = vector.load %arg13[%swap3A_1569, %swap3A_1570, %swap3A_1571] : memref<4x2048x5xf32, #tpu.memory_space<vmem>>, vector<1x1024x5xf32>
    %swap3A_1573 = vector.shape_cast %swap3A_1572 : vector<1x1024x5xf32> to vector<1024x5xf32>
    %swap3A_1574 = vector.shape_cast %add3A_1560 : vector<1024x5xf32> to vector<1x1024x5xf32>
    tpu.vector_store %arg13[%swap3A_1569, %swap3A_1570, %swap3A_1571], %swap3A_1574 {strides = array<i32>} : memref<4x2048x5xf32, #tpu.memory_space<vmem>>, vector<1x1024x5xf32>,
    %dma_start3A_1575 = arith.constant 3 : i32
    %dma_start3A_1576 = arith.constant 25599 : i32
    %dma_start3A_1577 = arith.constant 0 : i32
    %dma_start3A_1578 = tpu.memref_slice %arg8[%dma_start3A_1576, %dma_start3A_1577] : memref<65535x5xf32, #tpu.memory_space<hbm>> -> memref<1024x5xf32, #tpu.memory_space<hbm>>
    %dma_start3A_1579 = arith.constant 0 : i32
    %dma_start3A_1580 = arith.constant 0 : i32
    %dma_start3A_1581 = tpu.memref_slice %arg13[%dma_start3A_1575, %dma_start3A_1579, %dma_start3A_1580] : memref<4x2048x5xf32, #tpu.memory_space<vmem>> -> memref<1x1024x5xf32, #tpu.memory_space<vmem>>
    %dma_start3A_1582 = tpu.memref_squeeze %dma_start3A_1581 : memref<1x1024x5xf32, #tpu.memory_space<vmem>> -> memref<1024x5xf32, #tpu.memory_space<vmem>>
    tpu.enqueue_dma source(%dma_start3A_1582 : memref<1024x5xf32, #tpu.memory_space<vmem>>) target(%dma_start3A_1578 : memref<1024x5xf32, #tpu.memory_space<hbm>>) target_semaphore(%arg15 : memref<!tpu.dma_semaphore, #tpu.memory_space<semaphore_mem>>)
    %dma_wait3A_1583 = arith.constant 0 : i32
    %dma_wait3A_1584 = arith.constant 0 : i32
    %dma_wait3A_1585 = arith.constant 0 : i32
    %dma_wait3A_1586 = tpu.memref_slice %arg14[%dma_wait3A_1583, %dma_wait3A_1584, %dma_wait3A_1585] : memref<2x2048x128xf32, #tpu.memory_space<vmem>> -> memref<1x2048x128xf32, #tpu.memory_space<vmem>>
    %dma_wait3A_1587 = tpu.memref_squeeze %dma_wait3A_1586 : memref<1x2048x128xf32, #tpu.memory_space<vmem>> -> memref<2048x128xf32, #tpu.memory_space<vmem>>
    %dma_wait3A_1588 = arith.constant 20480 : i32
    %dma_wait3A_1589 = arith.constant 0 : i32
    %dma_wait3A_1590 = tpu.memref_slice %arg0[%dma_wait3A_1588, %dma_wait3A_1589] : memref<32768x128xf32, #tpu.memory_space<hbm>> -> memref<2048x128xf32, #tpu.memory_space<hbm>>
    tpu.wait_dma2 semaphore(%arg16 : memref<!tpu.dma_semaphore, #tpu.memory_space<semaphore_mem>>) src(%dma_wait3A_1590 : memref<2048x128xf32, #tpu.memory_space<hbm>>) dst(%dma_wait3A_1587 : memref<2048x128xf32, #tpu.memory_space<vmem>>)
    %get3A_1591 = arith.constant 0 : index
    %get3A_1592 = arith.constant 0 : index
    %get3A_1593 = arith.constant 0 : index
    %get3A_1594 = vector.load %arg14[%get3A_1591, %get3A_1592, %get3A_1593] : memref<2x2048x128xf32, #tpu.memory_space<vmem>>, vector<1x2048x128xf32>
    %get3A_1595 = vector.shape_cast %get3A_1594 : vector<1x2048x128xf32> to vector<2048x128xf32>
    %convert_element_type3A_1596 = arith.truncf %get3A_1595 : vector<2048x128xf32> to vector<2048x128xbf16>
    %dma_start3A_1597 = arith.constant 0 : i32
    %dma_start3A_1598 = arith.constant 0 : i32
    %dma_start3A_1599 = arith.constant 0 : i32
    %dma_start3A_1600 = tpu.memref_slice %arg14[%dma_start3A_1597, %dma_start3A_1598, %dma_start3A_1599] : memref<2x2048x128xf32, #tpu.memory_space<vmem>> -> memref<1x2048x128xf32, #tpu.memory_space<vmem>>
    %dma_start3A_1601 = tpu.memref_squeeze %dma_start3A_1600 : memref<1x2048x128xf32, #tpu.memory_space<vmem>> -> memref<2048x128xf32, #tpu.memory_space<vmem>>
    %dma_start3A_1602 = arith.constant 24576 : i32
    %dma_start3A_1603 = arith.constant 0 : i32
    %dma_start3A_1604 = tpu.memref_slice %arg0[%dma_start3A_1602, %dma_start3A_1603] : memref<32768x128xf32, #tpu.memory_space<hbm>> -> memref<2048x128xf32, #tpu.memory_space<hbm>>
    tpu.enqueue_dma source(%dma_start3A_1604 : memref<2048x128xf32, #tpu.memory_space<hbm>>) target(%dma_start3A_1601 : memref<2048x128xf32, #tpu.memory_space<vmem>>) target_semaphore(%arg16 : memref<!tpu.dma_semaphore, #tpu.memory_space<semaphore_mem>>)
    %dot_general3A_1605 = arith.constant dense<0.000000e+00> : vector<2048x384xf32>
    %dot_general3A_1606 = tpu.matmul %convert_element_type3A_1596, %convert_element_type3A, %dot_general3A_1605 {dimension_numbers = #tpu.dot_dimension_numbers<[1], [0], [0], [1], [0, 0, 1, 1], [], []>, transpose_lhs_hint = false} : vector<2048x128xbf16>, vector<128x384xbf16>, vector<2048x384xf32> -> vector<2048x384xf32>
    %add3A_1607 = vector.broadcast %mul3A_23 : vector<1x384xf32> to vector<2048x384xf32>
    %add3A_1608 = arith.addf %dot_general3A_1606, %add3A_1607 : vector<2048x384xf32>
    %slice3A_1609 = vector.extract_strided_slice %add3A_1608 {offsets = [0, 0], sizes = [2048, 128], strides = [1, 1]} : vector<2048x384xf32> to vector<2048x128xf32>
    %slice3A_1610 = vector.extract_strided_slice %add3A_1608 {offsets = [0, 128], sizes = [2048, 128], strides = [1, 1]} : vector<2048x384xf32> to vector<2048x128xf32>
    %slice3A_1611 = vector.extract_strided_slice %add3A_1608 {offsets = [0, 256], sizes = [2048, 128], strides = [1, 1]} : vector<2048x384xf32> to vector<2048x128xf32>
    %tanh3A_1612 = math.tanh %slice3A_1609 : vector<2048x128xf32>
    %mul3A_1613 = arith.constant 5.000000e-01 : f32
    %mul3A_1614 = vector.broadcast %mul3A_1613 : f32 to vector<2048x128xf32>
    %mul3A_1615 = arith.mulf %mul3A_1614, %tanh3A_1612 : vector<2048x128xf32>
    %add3A_1616 = arith.constant 5.000000e-01 : f32
    %add3A_1617 = vector.broadcast %add3A_1616 : f32 to vector<2048x128xf32>
    %add3A_1618 = arith.addf %mul3A_1615, %add3A_1617 : vector<2048x128xf32>
    %tanh3A_1619 = math.tanh %slice3A_1611 : vector<2048x128xf32>
    %mul3A_1620 = arith.mulf %add3A_1618, %tanh3A_1619 : vector<2048x128xf32>
    %add3A_1621 = arith.constant 0.000000e+00 : f32
    %add3A_1622 = vector.broadcast %add3A_1621 : f32 to vector<2048x128xf32>
    %add3A_1623 = arith.addf %mul3A_1620, %add3A_1622 : vector<2048x128xf32>
    %tanh3A_1624 = math.tanh %slice3A_1610 : vector<2048x128xf32>
    %mul3A_1625 = arith.constant 5.000000e-01 : f32
    %mul3A_1626 = vector.broadcast %mul3A_1625 : f32 to vector<2048x128xf32>
    %mul3A_1627 = arith.mulf %mul3A_1626, %tanh3A_1624 : vector<2048x128xf32>
    %add3A_1628 = arith.constant 5.000000e-01 : f32
    %add3A_1629 = vector.broadcast %add3A_1628 : f32 to vector<2048x128xf32>
    %add3A_1630 = arith.addf %mul3A_1627, %add3A_1629 : vector<2048x128xf32>
    %tanh3A_1631 = math.tanh %add3A_1623 : vector<2048x128xf32>
    %mul3A_1632 = arith.mulf %add3A_1630, %tanh3A_1631 : vector<2048x128xf32>
    %convert_element_type3A_1633 = arith.truncf %mul3A_1632 : vector<2048x128xf32> to vector<2048x128xbf16>
    %dot_general3A_1634 = arith.constant dense<0.000000e+00> : vector<2048x5xf32>
    %dot_general3A_1635 = tpu.matmul %convert_element_type3A_1633, %convert_element_type3A_33, %dot_general3A_1634 {dimension_numbers = #tpu.dot_dimension_numbers<[1], [0], [0], [1], [0, 0, 1, 1], [], []>, transpose_lhs_hint = false} : vector<2048x128xbf16>, vector<128x5xbf16>, vector<2048x5xf32> -> vector<2048x5xf32>
    %add3A_1636 = vector.broadcast %get3A_36 : vector<1x5xf32> to vector<2048x5xf32>
    %add3A_1637 = arith.addf %dot_general3A_1635, %add3A_1636 : vector<2048x5xf32>
    %dma_wait3A_1638 = arith.constant 0 : i32
    %dma_wait3A_1639 = arith.constant 49151 : i32
    %dma_wait3A_1640 = arith.constant 0 : i32
    %dma_wait3A_1641 = tpu.memref_slice %arg8[%dma_wait3A_1639, %dma_wait3A_1640] : memref<65535x5xf32, #tpu.memory_space<hbm>> -> memref<2048x5xf32, #tpu.memory_space<hbm>>
    %dma_wait3A_1642 = arith.constant 0 : i32
    %dma_wait3A_1643 = arith.constant 0 : i32
    %dma_wait3A_1644 = tpu.memref_slice %arg13[%dma_wait3A_1638, %dma_wait3A_1642, %dma_wait3A_1643] : memref<4x2048x5xf32, #tpu.memory_space<vmem>> -> memref<1x2048x5xf32, #tpu.memory_space<vmem>>
    %dma_wait3A_1645 = tpu.memref_squeeze %dma_wait3A_1644 : memref<1x2048x5xf32, #tpu.memory_space<vmem>> -> memref<2048x5xf32, #tpu.memory_space<vmem>>
    tpu.wait_dma2 semaphore(%arg15 : memref<!tpu.dma_semaphore, #tpu.memory_space<semaphore_mem>>) src(%dma_wait3A_1645 : memref<2048x5xf32, #tpu.memory_space<vmem>>) dst(%dma_wait3A_1641 : memref<2048x5xf32, #tpu.memory_space<hbm>>)
    %swap3A_1646 = arith.constant 0 : index
    %swap3A_1647 = arith.constant 0 : index
    %swap3A_1648 = arith.constant 0 : index
    %swap3A_1649 = vector.load %arg13[%swap3A_1646, %swap3A_1647, %swap3A_1648] : memref<4x2048x5xf32, #tpu.memory_space<vmem>>, vector<1x2048x5xf32>
    %swap3A_1650 = vector.shape_cast %swap3A_1649 : vector<1x2048x5xf32> to vector<2048x5xf32>
    %swap3A_1651 = vector.shape_cast %add3A_1637 : vector<2048x5xf32> to vector<1x2048x5xf32>
    tpu.vector_store %arg13[%swap3A_1646, %swap3A_1647, %swap3A_1648], %swap3A_1651 {strides = array<i32>} : memref<4x2048x5xf32, #tpu.memory_space<vmem>>, vector<1x2048x5xf32>,
    %dma_start3A_1652 = arith.constant 0 : i32
    %dma_start3A_1653 = arith.constant 53247 : i32
    %dma_start3A_1654 = arith.constant 0 : i32
    %dma_start3A_1655 = tpu.memref_slice %arg8[%dma_start3A_1653, %dma_start3A_1654] : memref<65535x5xf32, #tpu.memory_space<hbm>> -> memref<2048x5xf32, #tpu.memory_space<hbm>>
    %dma_start3A_1656 = arith.constant 0 : i32
    %dma_start3A_1657 = arith.constant 0 : i32
    %dma_start3A_1658 = tpu.memref_slice %arg13[%dma_start3A_1652, %dma_start3A_1656, %dma_start3A_1657] : memref<4x2048x5xf32, #tpu.memory_space<vmem>> -> memref<1x2048x5xf32, #tpu.memory_space<vmem>>
    %dma_start3A_1659 = tpu.memref_squeeze %dma_start3A_1658 : memref<1x2048x5xf32, #tpu.memory_space<vmem>> -> memref<2048x5xf32, #tpu.memory_space<vmem>>
    tpu.enqueue_dma source(%dma_start3A_1659 : memref<2048x5xf32, #tpu.memory_space<vmem>>) target(%dma_start3A_1655 : memref<2048x5xf32, #tpu.memory_space<hbm>>) target_semaphore(%arg15 : memref<!tpu.dma_semaphore, #tpu.memory_space<semaphore_mem>>)
    %reshape3A_1660 = vector.shape_cast %mul3A_1632 : vector<2048x128xf32> to vector<1024x256xf32>
    %reshape3A_1661 = vector.shape_cast %add3A_1623 : vector<2048x128xf32> to vector<1024x256xf32>
    %convert_element_type3A_1662 = arith.truncf %reshape3A_1660 : vector<1024x256xf32> to vector<1024x256xbf16>
    %dot_general3A_1663 = arith.constant dense<0.000000e+00> : vector<1024x256xf32>
    %dot_general3A_1664 = tpu.matmul %convert_element_type3A_1662, %convert_element_type3A_19, %dot_general3A_1663 {dimension_numbers = #tpu.dot_dimension_numbers<[1], [0], [0], [1], [0, 0, 1, 1], [], []>, transpose_lhs_hint = false} : vector<1024x256xbf16>, vector<256x256xbf16>, vector<1024x256xf32> -> vector<1024x256xf32>
    %add3A_1665 = vector.broadcast %mul3A_29 : vector<1x256xf32> to vector<1024x256xf32>
    %add3A_1666 = arith.addf %dot_general3A_1664, %add3A_1665 : vector<1024x256xf32>
    %tanh3A_1667 = math.tanh %add3A_1666 : vector<1024x256xf32>
    %mul3A_1668 = arith.constant 5.000000e-01 : f32
    %mul3A_1669 = vector.broadcast %mul3A_1668 : f32 to vector<1024x256xf32>
    %mul3A_1670 = arith.mulf %mul3A_1669, %tanh3A_1667 : vector<1024x256xf32>
    %add3A_1671 = arith.constant 5.000000e-01 : f32
    %add3A_1672 = vector.broadcast %add3A_1671 : f32 to vector<1024x256xf32>
    %add3A_1673 = arith.addf %mul3A_1670, %add3A_1672 : vector<1024x256xf32>
    %slice3A_1674 = vector.extract_strided_slice %add3A_1673 {offsets = [0, 0], sizes = [1024, 128], strides = [1, 1]} : vector<1024x256xf32> to vector<1024x128xf32>
    %slice3A_1675 = vector.extract_strided_slice %reshape3A_1661 {offsets = [0, 0], sizes = [1024, 128], strides = [1, 1]} : vector<1024x256xf32> to vector<1024x128xf32>
    %mul3A_1676 = arith.mulf %slice3A_1674, %slice3A_1675 : vector<1024x128xf32>
    %slice3A_1677 = vector.extract_strided_slice %add3A_1673 {offsets = [0, 128], sizes = [1024, 128], strides = [1, 1]} : vector<1024x256xf32> to vector<1024x128xf32>
    %slice3A_1678 = vector.extract_strided_slice %reshape3A_1661 {offsets = [0, 128], sizes = [1024, 128], strides = [1, 1]} : vector<1024x256xf32> to vector<1024x128xf32>
    %mul3A_1679 = arith.mulf %slice3A_1677, %slice3A_1678 : vector<1024x128xf32>
    %add3A_1680 = arith.addf %mul3A_1676, %mul3A_1679 : vector<1024x128xf32>
    %dot_general3A_1681 = arith.constant dense<0.000000e+00> : vector<1024x384xf32>
    %dot_general3A_1682 = tpu.matmul %convert_element_type3A_1662, %convert_element_type3A_12, %dot_general3A_1681 {dimension_numbers = #tpu.dot_dimension_numbers<[1], [0], [0], [1], [0, 0, 1, 1], [], []>, transpose_lhs_hint = false} : vector<1024x256xbf16>, vector<256x384xbf16>, vector<1024x384xf32> -> vector<1024x384xf32>
    %add3A_1683 = vector.broadcast %mul3A_23 : vector<1x384xf32> to vector<1024x384xf32>
    %add3A_1684 = arith.addf %dot_general3A_1682, %add3A_1683 : vector<1024x384xf32>
    %slice3A_1685 = vector.extract_strided_slice %add3A_1684 {offsets = [0, 0], sizes = [1024, 128], strides = [1, 1]} : vector<1024x384xf32> to vector<1024x128xf32>
    %slice3A_1686 = vector.extract_strided_slice %add3A_1684 {offsets = [0, 128], sizes = [1024, 128], strides = [1, 1]} : vector<1024x384xf32> to vector<1024x128xf32>
    %slice3A_1687 = vector.extract_strided_slice %add3A_1684 {offsets = [0, 256], sizes = [1024, 128], strides = [1, 1]} : vector<1024x384xf32> to vector<1024x128xf32>
    %tanh3A_1688 = math.tanh %slice3A_1685 : vector<1024x128xf32>
    %mul3A_1689 = arith.constant 5.000000e-01 : f32
    %mul3A_1690 = vector.broadcast %mul3A_1689 : f32 to vector<1024x128xf32>
    %mul3A_1691 = arith.mulf %mul3A_1690, %tanh3A_1688 : vector<1024x128xf32>
    %add3A_1692 = arith.constant 5.000000e-01 : f32
    %add3A_1693 = vector.broadcast %add3A_1692 : f32 to vector<1024x128xf32>
    %add3A_1694 = arith.addf %mul3A_1691, %add3A_1693 : vector<1024x128xf32>
    %tanh3A_1695 = math.tanh %slice3A_1687 : vector<1024x128xf32>
    %mul3A_1696 = arith.mulf %add3A_1694, %tanh3A_1695 : vector<1024x128xf32>
    %add3A_1697 = arith.addf %mul3A_1696, %add3A_1680 : vector<1024x128xf32>
    %tanh3A_1698 = math.tanh %slice3A_1686 : vector<1024x128xf32>
    %mul3A_1699 = arith.constant 5.000000e-01 : f32
    %mul3A_1700 = vector.broadcast %mul3A_1699 : f32 to vector<1024x128xf32>
    %mul3A_1701 = arith.mulf %mul3A_1700, %tanh3A_1698 : vector<1024x128xf32>
    %add3A_1702 = arith.constant 5.000000e-01 : f32
    %add3A_1703 = vector.broadcast %add3A_1702 : f32 to vector<1024x128xf32>
    %add3A_1704 = arith.addf %mul3A_1701, %add3A_1703 : vector<1024x128xf32>
    %tanh3A_1705 = math.tanh %add3A_1697 : vector<1024x128xf32>
    %mul3A_1706 = arith.mulf %add3A_1704, %tanh3A_1705 : vector<1024x128xf32>
    %swap3A_1707 = arith.constant 10240 : index
    %swap3A_1708 = arith.constant 0 : index
    %swap3A_1709 = vector.load %arg9[%swap3A_1707, %swap3A_1708] : memref<16384x128xf32, #tpu.memory_space<vmem>>, vector<1024x128xf32>
    tpu.vector_store %arg9[%swap3A_1707, %swap3A_1708], %mul3A_1706 {strides = array<i32>} : memref<16384x128xf32, #tpu.memory_space<vmem>>, vector<1024x128xf32>,
    %swap3A_1710 = arith.constant 10240 : index
    %swap3A_1711 = arith.constant 0 : index
    %swap3A_1712 = vector.load %arg10[%swap3A_1710, %swap3A_1711] : memref<16384x128xf32, #tpu.memory_space<vmem>>, vector<1024x128xf32>
    tpu.vector_store %arg10[%swap3A_1710, %swap3A_1711], %add3A_1697 {strides = array<i32>} : memref<16384x128xf32, #tpu.memory_space<vmem>>, vector<1024x128xf32>,
    %convert_element_type3A_1713 = arith.truncf %mul3A_1706 : vector<1024x128xf32> to vector<1024x128xbf16>
    %dot_general3A_1714 = arith.constant dense<0.000000e+00> : vector<1024x5xf32>
    %dot_general3A_1715 = tpu.matmul %convert_element_type3A_1713, %convert_element_type3A_33, %dot_general3A_1714 {dimension_numbers = #tpu.dot_dimension_numbers<[1], [0], [0], [1], [0, 0, 1, 1], [], []>, transpose_lhs_hint = false} : vector<1024x128xbf16>, vector<128x5xbf16>, vector<1024x5xf32> -> vector<1024x5xf32>
    %add3A_1716 = vector.broadcast %get3A_36 : vector<1x5xf32> to vector<1024x5xf32>
    %add3A_1717 = arith.addf %dot_general3A_1715, %add3A_1716 : vector<1024x5xf32>
    %dma_wait3A_1718 = arith.constant 1 : i32
    %dma_wait3A_1719 = arith.constant 24575 : i32
    %dma_wait3A_1720 = arith.constant 0 : i32
    %dma_wait3A_1721 = tpu.memref_slice %arg8[%dma_wait3A_1719, %dma_wait3A_1720] : memref<65535x5xf32, #tpu.memory_space<hbm>> -> memref<1024x5xf32, #tpu.memory_space<hbm>>
    %dma_wait3A_1722 = arith.constant 0 : i32
    %dma_wait3A_1723 = arith.constant 0 : i32
    %dma_wait3A_1724 = tpu.memref_slice %arg13[%dma_wait3A_1718, %dma_wait3A_1722, %dma_wait3A_1723] : memref<4x2048x5xf32, #tpu.memory_space<vmem>> -> memref<1x1024x5xf32, #tpu.memory_space<vmem>>
    %dma_wait3A_1725 = tpu.memref_squeeze %dma_wait3A_1724 : memref<1x1024x5xf32, #tpu.memory_space<vmem>> -> memref<1024x5xf32, #tpu.memory_space<vmem>>
    tpu.wait_dma2 semaphore(%arg15 : memref<!tpu.dma_semaphore, #tpu.memory_space<semaphore_mem>>) src(%dma_wait3A_1725 : memref<1024x5xf32, #tpu.memory_space<vmem>>) dst(%dma_wait3A_1721 : memref<1024x5xf32, #tpu.memory_space<hbm>>)
    %swap3A_1726 = arith.constant 1 : index
    %swap3A_1727 = arith.constant 0 : index
    %swap3A_1728 = arith.constant 0 : index
    %swap3A_1729 = vector.load %arg13[%swap3A_1726, %swap3A_1727, %swap3A_1728] : memref<4x2048x5xf32, #tpu.memory_space<vmem>>, vector<1x1024x5xf32>
    %swap3A_1730 = vector.shape_cast %swap3A_1729 : vector<1x1024x5xf32> to vector<1024x5xf32>
    %swap3A_1731 = vector.shape_cast %add3A_1717 : vector<1024x5xf32> to vector<1x1024x5xf32>
    tpu.vector_store %arg13[%swap3A_1726, %swap3A_1727, %swap3A_1728], %swap3A_1731 {strides = array<i32>} : memref<4x2048x5xf32, #tpu.memory_space<vmem>>, vector<1x1024x5xf32>,
    %dma_start3A_1732 = arith.constant 1 : i32
    %dma_start3A_1733 = arith.constant 26623 : i32
    %dma_start3A_1734 = arith.constant 0 : i32
    %dma_start3A_1735 = tpu.memref_slice %arg8[%dma_start3A_1733, %dma_start3A_1734] : memref<65535x5xf32, #tpu.memory_space<hbm>> -> memref<1024x5xf32, #tpu.memory_space<hbm>>
    %dma_start3A_1736 = arith.constant 0 : i32
    %dma_start3A_1737 = arith.constant 0 : i32
    %dma_start3A_1738 = tpu.memref_slice %arg13[%dma_start3A_1732, %dma_start3A_1736, %dma_start3A_1737] : memref<4x2048x5xf32, #tpu.memory_space<vmem>> -> memref<1x1024x5xf32, #tpu.memory_space<vmem>>
    %dma_start3A_1739 = tpu.memref_squeeze %dma_start3A_1738 : memref<1x1024x5xf32, #tpu.memory_space<vmem>> -> memref<1024x5xf32, #tpu.memory_space<vmem>>
    tpu.enqueue_dma source(%dma_start3A_1739 : memref<1024x5xf32, #tpu.memory_space<vmem>>) target(%dma_start3A_1735 : memref<1024x5xf32, #tpu.memory_space<hbm>>) target_semaphore(%arg15 : memref<!tpu.dma_semaphore, #tpu.memory_space<semaphore_mem>>)
    %dma_wait3A_1740 = arith.constant 1 : i32
    %dma_wait3A_1741 = arith.constant 0 : i32
    %dma_wait3A_1742 = arith.constant 0 : i32
    %dma_wait3A_1743 = tpu.memref_slice %arg14[%dma_wait3A_1740, %dma_wait3A_1741, %dma_wait3A_1742] : memref<2x2048x128xf32, #tpu.memory_space<vmem>> -> memref<1x2048x128xf32, #tpu.memory_space<vmem>>
    %dma_wait3A_1744 = tpu.memref_squeeze %dma_wait3A_1743 : memref<1x2048x128xf32, #tpu.memory_space<vmem>> -> memref<2048x128xf32, #tpu.memory_space<vmem>>
    %dma_wait3A_1745 = arith.constant 22528 : i32
    %dma_wait3A_1746 = arith.constant 0 : i32
    %dma_wait3A_1747 = tpu.memref_slice %arg0[%dma_wait3A_1745, %dma_wait3A_1746] : memref<32768x128xf32, #tpu.memory_space<hbm>> -> memref<2048x128xf32, #tpu.memory_space<hbm>>
    tpu.wait_dma2 semaphore(%arg16 : memref<!tpu.dma_semaphore, #tpu.memory_space<semaphore_mem>>) src(%dma_wait3A_1747 : memref<2048x128xf32, #tpu.memory_space<hbm>>) dst(%dma_wait3A_1744 : memref<2048x128xf32, #tpu.memory_space<vmem>>)
    %get3A_1748 = arith.constant 1 : index
    %get3A_1749 = arith.constant 0 : index
    %get3A_1750 = arith.constant 0 : index
    %get3A_1751 = vector.load %arg14[%get3A_1748, %get3A_1749, %get3A_1750] : memref<2x2048x128xf32, #tpu.memory_space<vmem>>, vector<1x2048x128xf32>
    %get3A_1752 = vector.shape_cast %get3A_1751 : vector<1x2048x128xf32> to vector<2048x128xf32>
    %convert_element_type3A_1753 = arith.truncf %get3A_1752 : vector<2048x128xf32> to vector<2048x128xbf16>
    %dma_start3A_1754 = arith.constant 1 : i32
    %dma_start3A_1755 = arith.constant 0 : i32
    %dma_start3A_1756 = arith.constant 0 : i32
    %dma_start3A_1757 = tpu.memref_slice %arg14[%dma_start3A_1754, %dma_start3A_1755, %dma_start3A_1756] : memref<2x2048x128xf32, #tpu.memory_space<vmem>> -> memref<1x2048x128xf32, #tpu.memory_space<vmem>>
    %dma_start3A_1758 = tpu.memref_squeeze %dma_start3A_1757 : memref<1x2048x128xf32, #tpu.memory_space<vmem>> -> memref<2048x128xf32, #tpu.memory_space<vmem>>
    %dma_start3A_1759 = arith.constant 26624 : i32
    %dma_start3A_1760 = arith.constant 0 : i32
    %dma_start3A_1761 = tpu.memref_slice %arg0[%dma_start3A_1759, %dma_start3A_1760] : memref<32768x128xf32, #tpu.memory_space<hbm>> -> memref<2048x128xf32, #tpu.memory_space<hbm>>
    tpu.enqueue_dma source(%dma_start3A_1761 : memref<2048x128xf32, #tpu.memory_space<hbm>>) target(%dma_start3A_1758 : memref<2048x128xf32, #tpu.memory_space<vmem>>) target_semaphore(%arg16 : memref<!tpu.dma_semaphore, #tpu.memory_space<semaphore_mem>>)
    %dot_general3A_1762 = arith.constant dense<0.000000e+00> : vector<2048x384xf32>
    %dot_general3A_1763 = tpu.matmul %convert_element_type3A_1753, %convert_element_type3A, %dot_general3A_1762 {dimension_numbers = #tpu.dot_dimension_numbers<[1], [0], [0], [1], [0, 0, 1, 1], [], []>, transpose_lhs_hint = false} : vector<2048x128xbf16>, vector<128x384xbf16>, vector<2048x384xf32> -> vector<2048x384xf32>
    %add3A_1764 = vector.broadcast %mul3A_23 : vector<1x384xf32> to vector<2048x384xf32>
    %add3A_1765 = arith.addf %dot_general3A_1763, %add3A_1764 : vector<2048x384xf32>
    %slice3A_1766 = vector.extract_strided_slice %add3A_1765 {offsets = [0, 0], sizes = [2048, 128], strides = [1, 1]} : vector<2048x384xf32> to vector<2048x128xf32>
    %slice3A_1767 = vector.extract_strided_slice %add3A_1765 {offsets = [0, 128], sizes = [2048, 128], strides = [1, 1]} : vector<2048x384xf32> to vector<2048x128xf32>
    %slice3A_1768 = vector.extract_strided_slice %add3A_1765 {offsets = [0, 256], sizes = [2048, 128], strides = [1, 1]} : vector<2048x384xf32> to vector<2048x128xf32>
    %tanh3A_1769 = math.tanh %slice3A_1766 : vector<2048x128xf32>
    %mul3A_1770 = arith.constant 5.000000e-01 : f32
    %mul3A_1771 = vector.broadcast %mul3A_1770 : f32 to vector<2048x128xf32>
    %mul3A_1772 = arith.mulf %mul3A_1771, %tanh3A_1769 : vector<2048x128xf32>
    %add3A_1773 = arith.constant 5.000000e-01 : f32
    %add3A_1774 = vector.broadcast %add3A_1773 : f32 to vector<2048x128xf32>
    %add3A_1775 = arith.addf %mul3A_1772, %add3A_1774 : vector<2048x128xf32>
    %tanh3A_1776 = math.tanh %slice3A_1768 : vector<2048x128xf32>
    %mul3A_1777 = arith.mulf %add3A_1775, %tanh3A_1776 : vector<2048x128xf32>
    %add3A_1778 = arith.constant 0.000000e+00 : f32
    %add3A_1779 = vector.broadcast %add3A_1778 : f32 to vector<2048x128xf32>
    %add3A_1780 = arith.addf %mul3A_1777, %add3A_1779 : vector<2048x128xf32>
    %tanh3A_1781 = math.tanh %slice3A_1767 : vector<2048x128xf32>
    %mul3A_1782 = arith.constant 5.000000e-01 : f32
    %mul3A_1783 = vector.broadcast %mul3A_1782 : f32 to vector<2048x128xf32>
    %mul3A_1784 = arith.mulf %mul3A_1783, %tanh3A_1781 : vector<2048x128xf32>
    %add3A_1785 = arith.constant 5.000000e-01 : f32
    %add3A_1786 = vector.broadcast %add3A_1785 : f32 to vector<2048x128xf32>
    %add3A_1787 = arith.addf %mul3A_1784, %add3A_1786 : vector<2048x128xf32>
    %tanh3A_1788 = math.tanh %add3A_1780 : vector<2048x128xf32>
    %mul3A_1789 = arith.mulf %add3A_1787, %tanh3A_1788 : vector<2048x128xf32>
    %convert_element_type3A_1790 = arith.truncf %mul3A_1789 : vector<2048x128xf32> to vector<2048x128xbf16>
    %dot_general3A_1791 = arith.constant dense<0.000000e+00> : vector<2048x5xf32>
    %dot_general3A_1792 = tpu.matmul %convert_element_type3A_1790, %convert_element_type3A_33, %dot_general3A_1791 {dimension_numbers = #tpu.dot_dimension_numbers<[1], [0], [0], [1], [0, 0, 1, 1], [], []>, transpose_lhs_hint = false} : vector<2048x128xbf16>, vector<128x5xbf16>, vector<2048x5xf32> -> vector<2048x5xf32>
    %add3A_1793 = vector.broadcast %get3A_36 : vector<1x5xf32> to vector<2048x5xf32>
    %add3A_1794 = arith.addf %dot_general3A_1792, %add3A_1793 : vector<2048x5xf32>
    %dma_wait3A_1795 = arith.constant 2 : i32
    %dma_wait3A_1796 = arith.constant 51199 : i32
    %dma_wait3A_1797 = arith.constant 0 : i32
    %dma_wait3A_1798 = tpu.memref_slice %arg8[%dma_wait3A_1796, %dma_wait3A_1797] : memref<65535x5xf32, #tpu.memory_space<hbm>> -> memref<2048x5xf32, #tpu.memory_space<hbm>>
    %dma_wait3A_1799 = arith.constant 0 : i32
    %dma_wait3A_1800 = arith.constant 0 : i32
    %dma_wait3A_1801 = tpu.memref_slice %arg13[%dma_wait3A_1795, %dma_wait3A_1799, %dma_wait3A_1800] : memref<4x2048x5xf32, #tpu.memory_space<vmem>> -> memref<1x2048x5xf32, #tpu.memory_space<vmem>>
    %dma_wait3A_1802 = tpu.memref_squeeze %dma_wait3A_1801 : memref<1x2048x5xf32, #tpu.memory_space<vmem>> -> memref<2048x5xf32, #tpu.memory_space<vmem>>
    tpu.wait_dma2 semaphore(%arg15 : memref<!tpu.dma_semaphore, #tpu.memory_space<semaphore_mem>>) src(%dma_wait3A_1802 : memref<2048x5xf32, #tpu.memory_space<vmem>>) dst(%dma_wait3A_1798 : memref<2048x5xf32, #tpu.memory_space<hbm>>)
    %swap3A_1803 = arith.constant 2 : index
    %swap3A_1804 = arith.constant 0 : index
    %swap3A_1805 = arith.constant 0 : index
    %swap3A_1806 = vector.load %arg13[%swap3A_1803, %swap3A_1804, %swap3A_1805] : memref<4x2048x5xf32, #tpu.memory_space<vmem>>, vector<1x2048x5xf32>
    %swap3A_1807 = vector.shape_cast %swap3A_1806 : vector<1x2048x5xf32> to vector<2048x5xf32>
    %swap3A_1808 = vector.shape_cast %add3A_1794 : vector<2048x5xf32> to vector<1x2048x5xf32>
    tpu.vector_store %arg13[%swap3A_1803, %swap3A_1804, %swap3A_1805], %swap3A_1808 {strides = array<i32>} : memref<4x2048x5xf32, #tpu.memory_space<vmem>>, vector<1x2048x5xf32>,
    %dma_start3A_1809 = arith.constant 2 : i32
    %dma_start3A_1810 = arith.constant 55295 : i32
    %dma_start3A_1811 = arith.constant 0 : i32
    %dma_start3A_1812 = tpu.memref_slice %arg8[%dma_start3A_1810, %dma_start3A_1811] : memref<65535x5xf32, #tpu.memory_space<hbm>> -> memref<2048x5xf32, #tpu.memory_space<hbm>>
    %dma_start3A_1813 = arith.constant 0 : i32
    %dma_start3A_1814 = arith.constant 0 : i32
    %dma_start3A_1815 = tpu.memref_slice %arg13[%dma_start3A_1809, %dma_start3A_1813, %dma_start3A_1814] : memref<4x2048x5xf32, #tpu.memory_space<vmem>> -> memref<1x2048x5xf32, #tpu.memory_space<vmem>>
    %dma_start3A_1816 = tpu.memref_squeeze %dma_start3A_1815 : memref<1x2048x5xf32, #tpu.memory_space<vmem>> -> memref<2048x5xf32, #tpu.memory_space<vmem>>
    tpu.enqueue_dma source(%dma_start3A_1816 : memref<2048x5xf32, #tpu.memory_space<vmem>>) target(%dma_start3A_1812 : memref<2048x5xf32, #tpu.memory_space<hbm>>) target_semaphore(%arg15 : memref<!tpu.dma_semaphore, #tpu.memory_space<semaphore_mem>>)
    %reshape3A_1817 = vector.shape_cast %mul3A_1789 : vector<2048x128xf32> to vector<1024x256xf32>
    %reshape3A_1818 = vector.shape_cast %add3A_1780 : vector<2048x128xf32> to vector<1024x256xf32>
    %convert_element_type3A_1819 = arith.truncf %reshape3A_1817 : vector<1024x256xf32> to vector<1024x256xbf16>
    %dot_general3A_1820 = arith.constant dense<0.000000e+00> : vector<1024x256xf32>
    %dot_general3A_1821 = tpu.matmul %convert_element_type3A_1819, %convert_element_type3A_19, %dot_general3A_1820 {dimension_numbers = #tpu.dot_dimension_numbers<[1], [0], [0], [1], [0, 0, 1, 1], [], []>, transpose_lhs_hint = false} : vector<1024x256xbf16>, vector<256x256xbf16>, vector<1024x256xf32> -> vector<1024x256xf32>
    %add3A_1822 = vector.broadcast %mul3A_29 : vector<1x256xf32> to vector<1024x256xf32>
    %add3A_1823 = arith.addf %dot_general3A_1821, %add3A_1822 : vector<1024x256xf32>
    %tanh3A_1824 = math.tanh %add3A_1823 : vector<1024x256xf32>
    %mul3A_1825 = arith.constant 5.000000e-01 : f32
    %mul3A_1826 = vector.broadcast %mul3A_1825 : f32 to vector<1024x256xf32>
    %mul3A_1827 = arith.mulf %mul3A_1826, %tanh3A_1824 : vector<1024x256xf32>
    %add3A_1828 = arith.constant 5.000000e-01 : f32
    %add3A_1829 = vector.broadcast %add3A_1828 : f32 to vector<1024x256xf32>
    %add3A_1830 = arith.addf %mul3A_1827, %add3A_1829 : vector<1024x256xf32>
    %slice3A_1831 = vector.extract_strided_slice %add3A_1830 {offsets = [0, 0], sizes = [1024, 128], strides = [1, 1]} : vector<1024x256xf32> to vector<1024x128xf32>
    %slice3A_1832 = vector.extract_strided_slice %reshape3A_1818 {offsets = [0, 0], sizes = [1024, 128], strides = [1, 1]} : vector<1024x256xf32> to vector<1024x128xf32>
    %mul3A_1833 = arith.mulf %slice3A_1831, %slice3A_1832 : vector<1024x128xf32>
    %slice3A_1834 = vector.extract_strided_slice %add3A_1830 {offsets = [0, 128], sizes = [1024, 128], strides = [1, 1]} : vector<1024x256xf32> to vector<1024x128xf32>
    %slice3A_1835 = vector.extract_strided_slice %reshape3A_1818 {offsets = [0, 128], sizes = [1024, 128], strides = [1, 1]} : vector<1024x256xf32> to vector<1024x128xf32>
    %mul3A_1836 = arith.mulf %slice3A_1834, %slice3A_1835 : vector<1024x128xf32>
    %add3A_1837 = arith.addf %mul3A_1833, %mul3A_1836 : vector<1024x128xf32>
    %dot_general3A_1838 = arith.constant dense<0.000000e+00> : vector<1024x384xf32>
    %dot_general3A_1839 = tpu.matmul %convert_element_type3A_1819, %convert_element_type3A_12, %dot_general3A_1838 {dimension_numbers = #tpu.dot_dimension_numbers<[1], [0], [0], [1], [0, 0, 1, 1], [], []>, transpose_lhs_hint = false} : vector<1024x256xbf16>, vector<256x384xbf16>, vector<1024x384xf32> -> vector<1024x384xf32>
    %add3A_1840 = vector.broadcast %mul3A_23 : vector<1x384xf32> to vector<1024x384xf32>
    %add3A_1841 = arith.addf %dot_general3A_1839, %add3A_1840 : vector<1024x384xf32>
    %slice3A_1842 = vector.extract_strided_slice %add3A_1841 {offsets = [0, 0], sizes = [1024, 128], strides = [1, 1]} : vector<1024x384xf32> to vector<1024x128xf32>
    %slice3A_1843 = vector.extract_strided_slice %add3A_1841 {offsets = [0, 128], sizes = [1024, 128], strides = [1, 1]} : vector<1024x384xf32> to vector<1024x128xf32>
    %slice3A_1844 = vector.extract_strided_slice %add3A_1841 {offsets = [0, 256], sizes = [1024, 128], strides = [1, 1]} : vector<1024x384xf32> to vector<1024x128xf32>
    %tanh3A_1845 = math.tanh %slice3A_1842 : vector<1024x128xf32>
    %mul3A_1846 = arith.constant 5.000000e-01 : f32
    %mul3A_1847 = vector.broadcast %mul3A_1846 : f32 to vector<1024x128xf32>
    %mul3A_1848 = arith.mulf %mul3A_1847, %tanh3A_1845 : vector<1024x128xf32>
    %add3A_1849 = arith.constant 5.000000e-01 : f32
    %add3A_1850 = vector.broadcast %add3A_1849 : f32 to vector<1024x128xf32>
    %add3A_1851 = arith.addf %mul3A_1848, %add3A_1850 : vector<1024x128xf32>
    %tanh3A_1852 = math.tanh %slice3A_1844 : vector<1024x128xf32>
    %mul3A_1853 = arith.mulf %add3A_1851, %tanh3A_1852 : vector<1024x128xf32>
    %add3A_1854 = arith.addf %mul3A_1853, %add3A_1837 : vector<1024x128xf32>
    %tanh3A_1855 = math.tanh %slice3A_1843 : vector<1024x128xf32>
    %mul3A_1856 = arith.constant 5.000000e-01 : f32
    %mul3A_1857 = vector.broadcast %mul3A_1856 : f32 to vector<1024x128xf32>
    %mul3A_1858 = arith.mulf %mul3A_1857, %tanh3A_1855 : vector<1024x128xf32>
    %add3A_1859 = arith.constant 5.000000e-01 : f32
    %add3A_1860 = vector.broadcast %add3A_1859 : f32 to vector<1024x128xf32>
    %add3A_1861 = arith.addf %mul3A_1858, %add3A_1860 : vector<1024x128xf32>
    %tanh3A_1862 = math.tanh %add3A_1854 : vector<1024x128xf32>
    %mul3A_1863 = arith.mulf %add3A_1861, %tanh3A_1862 : vector<1024x128xf32>
    %swap3A_1864 = arith.constant 11264 : index
    %swap3A_1865 = arith.constant 0 : index
    %swap3A_1866 = vector.load %arg9[%swap3A_1864, %swap3A_1865] : memref<16384x128xf32, #tpu.memory_space<vmem>>, vector<1024x128xf32>
    tpu.vector_store %arg9[%swap3A_1864, %swap3A_1865], %mul3A_1863 {strides = array<i32>} : memref<16384x128xf32, #tpu.memory_space<vmem>>, vector<1024x128xf32>,
    %swap3A_1867 = arith.constant 11264 : index
    %swap3A_1868 = arith.constant 0 : index
    %swap3A_1869 = vector.load %arg10[%swap3A_1867, %swap3A_1868] : memref<16384x128xf32, #tpu.memory_space<vmem>>, vector<1024x128xf32>
    tpu.vector_store %arg10[%swap3A_1867, %swap3A_1868], %add3A_1854 {strides = array<i32>} : memref<16384x128xf32, #tpu.memory_space<vmem>>, vector<1024x128xf32>,
    %convert_element_type3A_1870 = arith.truncf %mul3A_1863 : vector<1024x128xf32> to vector<1024x128xbf16>
    %dot_general3A_1871 = arith.constant dense<0.000000e+00> : vector<1024x5xf32>
    %dot_general3A_1872 = tpu.matmul %convert_element_type3A_1870, %convert_element_type3A_33, %dot_general3A_1871 {dimension_numbers = #tpu.dot_dimension_numbers<[1], [0], [0], [1], [0, 0, 1, 1], [], []>, transpose_lhs_hint = false} : vector<1024x128xbf16>, vector<128x5xbf16>, vector<1024x5xf32> -> vector<1024x5xf32>
    %add3A_1873 = vector.broadcast %get3A_36 : vector<1x5xf32> to vector<1024x5xf32>
    %add3A_1874 = arith.addf %dot_general3A_1872, %add3A_1873 : vector<1024x5xf32>
    %dma_wait3A_1875 = arith.constant 3 : i32
    %dma_wait3A_1876 = arith.constant 25599 : i32
    %dma_wait3A_1877 = arith.constant 0 : i32
    %dma_wait3A_1878 = tpu.memref_slice %arg8[%dma_wait3A_1876, %dma_wait3A_1877] : memref<65535x5xf32, #tpu.memory_space<hbm>> -> memref<1024x5xf32, #tpu.memory_space<hbm>>
    %dma_wait3A_1879 = arith.constant 0 : i32
    %dma_wait3A_1880 = arith.constant 0 : i32
    %dma_wait3A_1881 = tpu.memref_slice %arg13[%dma_wait3A_1875, %dma_wait3A_1879, %dma_wait3A_1880] : memref<4x2048x5xf32, #tpu.memory_space<vmem>> -> memref<1x1024x5xf32, #tpu.memory_space<vmem>>
    %dma_wait3A_1882 = tpu.memref_squeeze %dma_wait3A_1881 : memref<1x1024x5xf32, #tpu.memory_space<vmem>> -> memref<1024x5xf32, #tpu.memory_space<vmem>>
    tpu.wait_dma2 semaphore(%arg15 : memref<!tpu.dma_semaphore, #tpu.memory_space<semaphore_mem>>) src(%dma_wait3A_1882 : memref<1024x5xf32, #tpu.memory_space<vmem>>) dst(%dma_wait3A_1878 : memref<1024x5xf32, #tpu.memory_space<hbm>>)
    %swap3A_1883 = arith.constant 3 : index
    %swap3A_1884 = arith.constant 0 : index
    %swap3A_1885 = arith.constant 0 : index
    %swap3A_1886 = vector.load %arg13[%swap3A_1883, %swap3A_1884, %swap3A_1885] : memref<4x2048x5xf32, #tpu.memory_space<vmem>>, vector<1x1024x5xf32>
    %swap3A_1887 = vector.shape_cast %swap3A_1886 : vector<1x1024x5xf32> to vector<1024x5xf32>
    %swap3A_1888 = vector.shape_cast %add3A_1874 : vector<1024x5xf32> to vector<1x1024x5xf32>
    tpu.vector_store %arg13[%swap3A_1883, %swap3A_1884, %swap3A_1885], %swap3A_1888 {strides = array<i32>} : memref<4x2048x5xf32, #tpu.memory_space<vmem>>, vector<1x1024x5xf32>,
    %dma_start3A_1889 = arith.constant 3 : i32
    %dma_start3A_1890 = arith.constant 27647 : i32
    %dma_start3A_1891 = arith.constant 0 : i32
    %dma_start3A_1892 = tpu.memref_slice %arg8[%dma_start3A_1890, %dma_start3A_1891] : memref<65535x5xf32, #tpu.memory_space<hbm>> -> memref<1024x5xf32, #tpu.memory_space<hbm>>
    %dma_start3A_1893 = arith.constant 0 : i32
    %dma_start3A_1894 = arith.constant 0 : i32
    %dma_start3A_1895 = tpu.memref_slice %arg13[%dma_start3A_1889, %dma_start3A_1893, %dma_start3A_1894] : memref<4x2048x5xf32, #tpu.memory_space<vmem>> -> memref<1x1024x5xf32, #tpu.memory_space<vmem>>
    %dma_start3A_1896 = tpu.memref_squeeze %dma_start3A_1895 : memref<1x1024x5xf32, #tpu.memory_space<vmem>> -> memref<1024x5xf32, #tpu.memory_space<vmem>>
    tpu.enqueue_dma source(%dma_start3A_1896 : memref<1024x5xf32, #tpu.memory_space<vmem>>) target(%dma_start3A_1892 : memref<1024x5xf32, #tpu.memory_space<hbm>>) target_semaphore(%arg15 : memref<!tpu.dma_semaphore, #tpu.memory_space<semaphore_mem>>)
    %dma_wait3A_1897 = arith.constant 0 : i32
    %dma_wait3A_1898 = arith.constant 0 : i32
    %dma_wait3A_1899 = arith.constant 0 : i32
    %dma_wait3A_1900 = tpu.memref_slice %arg14[%dma_wait3A_1897, %dma_wait3A_1898, %dma_wait3A_1899] : memref<2x2048x128xf32, #tpu.memory_space<vmem>> -> memref<1x2048x128xf32, #tpu.memory_space<vmem>>
    %dma_wait3A_1901 = tpu.memref_squeeze %dma_wait3A_1900 : memref<1x2048x128xf32, #tpu.memory_space<vmem>> -> memref<2048x128xf32, #tpu.memory_space<vmem>>
    %dma_wait3A_1902 = arith.constant 24576 : i32
    %dma_wait3A_1903 = arith.constant 0 : i32
    %dma_wait3A_1904 = tpu.memref_slice %arg0[%dma_wait3A_1902, %dma_wait3A_1903] : memref<32768x128xf32, #tpu.memory_space<hbm>> -> memref<2048x128xf32, #tpu.memory_space<hbm>>
    tpu.wait_dma2 semaphore(%arg16 : memref<!tpu.dma_semaphore, #tpu.memory_space<semaphore_mem>>) src(%dma_wait3A_1904 : memref<2048x128xf32, #tpu.memory_space<hbm>>) dst(%dma_wait3A_1901 : memref<2048x128xf32, #tpu.memory_space<vmem>>)
    %get3A_1905 = arith.constant 0 : index
    %get3A_1906 = arith.constant 0 : index
    %get3A_1907 = arith.constant 0 : index
    %get3A_1908 = vector.load %arg14[%get3A_1905, %get3A_1906, %get3A_1907] : memref<2x2048x128xf32, #tpu.memory_space<vmem>>, vector<1x2048x128xf32>
    %get3A_1909 = vector.shape_cast %get3A_1908 : vector<1x2048x128xf32> to vector<2048x128xf32>
    %convert_element_type3A_1910 = arith.truncf %get3A_1909 : vector<2048x128xf32> to vector<2048x128xbf16>
    %dma_start3A_1911 = arith.constant 0 : i32
    %dma_start3A_1912 = arith.constant 0 : i32
    %dma_start3A_1913 = arith.constant 0 : i32
    %dma_start3A_1914 = tpu.memref_slice %arg14[%dma_start3A_1911, %dma_start3A_1912, %dma_start3A_1913] : memref<2x2048x128xf32, #tpu.memory_space<vmem>> -> memref<1x2048x128xf32, #tpu.memory_space<vmem>>
    %dma_start3A_1915 = tpu.memref_squeeze %dma_start3A_1914 : memref<1x2048x128xf32, #tpu.memory_space<vmem>> -> memref<2048x128xf32, #tpu.memory_space<vmem>>
    %dma_start3A_1916 = arith.constant 28672 : i32
    %dma_start3A_1917 = arith.constant 0 : i32
    %dma_start3A_1918 = tpu.memref_slice %arg0[%dma_start3A_1916, %dma_start3A_1917] : memref<32768x128xf32, #tpu.memory_space<hbm>> -> memref<2048x128xf32, #tpu.memory_space<hbm>>
    tpu.enqueue_dma source(%dma_start3A_1918 : memref<2048x128xf32, #tpu.memory_space<hbm>>) target(%dma_start3A_1915 : memref<2048x128xf32, #tpu.memory_space<vmem>>) target_semaphore(%arg16 : memref<!tpu.dma_semaphore, #tpu.memory_space<semaphore_mem>>)
    %dot_general3A_1919 = arith.constant dense<0.000000e+00> : vector<2048x384xf32>
    %dot_general3A_1920 = tpu.matmul %convert_element_type3A_1910, %convert_element_type3A, %dot_general3A_1919 {dimension_numbers = #tpu.dot_dimension_numbers<[1], [0], [0], [1], [0, 0, 1, 1], [], []>, transpose_lhs_hint = false} : vector<2048x128xbf16>, vector<128x384xbf16>, vector<2048x384xf32> -> vector<2048x384xf32>
    %add3A_1921 = vector.broadcast %mul3A_23 : vector<1x384xf32> to vector<2048x384xf32>
    %add3A_1922 = arith.addf %dot_general3A_1920, %add3A_1921 : vector<2048x384xf32>
    %slice3A_1923 = vector.extract_strided_slice %add3A_1922 {offsets = [0, 0], sizes = [2048, 128], strides = [1, 1]} : vector<2048x384xf32> to vector<2048x128xf32>
    %slice3A_1924 = vector.extract_strided_slice %add3A_1922 {offsets = [0, 128], sizes = [2048, 128], strides = [1, 1]} : vector<2048x384xf32> to vector<2048x128xf32>
    %slice3A_1925 = vector.extract_strided_slice %add3A_1922 {offsets = [0, 256], sizes = [2048, 128], strides = [1, 1]} : vector<2048x384xf32> to vector<2048x128xf32>
    %tanh3A_1926 = math.tanh %slice3A_1923 : vector<2048x128xf32>
    %mul3A_1927 = arith.constant 5.000000e-01 : f32
    %mul3A_1928 = vector.broadcast %mul3A_1927 : f32 to vector<2048x128xf32>
    %mul3A_1929 = arith.mulf %mul3A_1928, %tanh3A_1926 : vector<2048x128xf32>
    %add3A_1930 = arith.constant 5.000000e-01 : f32
    %add3A_1931 = vector.broadcast %add3A_1930 : f32 to vector<2048x128xf32>
    %add3A_1932 = arith.addf %mul3A_1929, %add3A_1931 : vector<2048x128xf32>
    %tanh3A_1933 = math.tanh %slice3A_1925 : vector<2048x128xf32>
    %mul3A_1934 = arith.mulf %add3A_1932, %tanh3A_1933 : vector<2048x128xf32>
    %add3A_1935 = arith.constant 0.000000e+00 : f32
    %add3A_1936 = vector.broadcast %add3A_1935 : f32 to vector<2048x128xf32>
    %add3A_1937 = arith.addf %mul3A_1934, %add3A_1936 : vector<2048x128xf32>
    %tanh3A_1938 = math.tanh %slice3A_1924 : vector<2048x128xf32>
    %mul3A_1939 = arith.constant 5.000000e-01 : f32
    %mul3A_1940 = vector.broadcast %mul3A_1939 : f32 to vector<2048x128xf32>
    %mul3A_1941 = arith.mulf %mul3A_1940, %tanh3A_1938 : vector<2048x128xf32>
    %add3A_1942 = arith.constant 5.000000e-01 : f32
    %add3A_1943 = vector.broadcast %add3A_1942 : f32 to vector<2048x128xf32>
    %add3A_1944 = arith.addf %mul3A_1941, %add3A_1943 : vector<2048x128xf32>
    %tanh3A_1945 = math.tanh %add3A_1937 : vector<2048x128xf32>
    %mul3A_1946 = arith.mulf %add3A_1944, %tanh3A_1945 : vector<2048x128xf32>
    %convert_element_type3A_1947 = arith.truncf %mul3A_1946 : vector<2048x128xf32> to vector<2048x128xbf16>
    %dot_general3A_1948 = arith.constant dense<0.000000e+00> : vector<2048x5xf32>
    %dot_general3A_1949 = tpu.matmul %convert_element_type3A_1947, %convert_element_type3A_33, %dot_general3A_1948 {dimension_numbers = #tpu.dot_dimension_numbers<[1], [0], [0], [1], [0, 0, 1, 1], [], []>, transpose_lhs_hint = false} : vector<2048x128xbf16>, vector<128x5xbf16>, vector<2048x5xf32> -> vector<2048x5xf32>
    %add3A_1950 = vector.broadcast %get3A_36 : vector<1x5xf32> to vector<2048x5xf32>
    %add3A_1951 = arith.addf %dot_general3A_1949, %add3A_1950 : vector<2048x5xf32>
    %dma_wait3A_1952 = arith.constant 0 : i32
    %dma_wait3A_1953 = arith.constant 53247 : i32
    %dma_wait3A_1954 = arith.constant 0 : i32
    %dma_wait3A_1955 = tpu.memref_slice %arg8[%dma_wait3A_1953, %dma_wait3A_1954] : memref<65535x5xf32, #tpu.memory_space<hbm>> -> memref<2048x5xf32, #tpu.memory_space<hbm>>
    %dma_wait3A_1956 = arith.constant 0 : i32
    %dma_wait3A_1957 = arith.constant 0 : i32
    %dma_wait3A_1958 = tpu.memref_slice %arg13[%dma_wait3A_1952, %dma_wait3A_1956, %dma_wait3A_1957] : memref<4x2048x5xf32, #tpu.memory_space<vmem>> -> memref<1x2048x5xf32, #tpu.memory_space<vmem>>
    %dma_wait3A_1959 = tpu.memref_squeeze %dma_wait3A_1958 : memref<1x2048x5xf32, #tpu.memory_space<vmem>> -> memref<2048x5xf32, #tpu.memory_space<vmem>>
    tpu.wait_dma2 semaphore(%arg15 : memref<!tpu.dma_semaphore, #tpu.memory_space<semaphore_mem>>) src(%dma_wait3A_1959 : memref<2048x5xf32, #tpu.memory_space<vmem>>) dst(%dma_wait3A_1955 : memref<2048x5xf32, #tpu.memory_space<hbm>>)
    %swap3A_1960 = arith.constant 0 : index
    %swap3A_1961 = arith.constant 0 : index
    %swap3A_1962 = arith.constant 0 : index
    %swap3A_1963 = vector.load %arg13[%swap3A_1960, %swap3A_1961, %swap3A_1962] : memref<4x2048x5xf32, #tpu.memory_space<vmem>>, vector<1x2048x5xf32>
    %swap3A_1964 = vector.shape_cast %swap3A_1963 : vector<1x2048x5xf32> to vector<2048x5xf32>
    %swap3A_1965 = vector.shape_cast %add3A_1951 : vector<2048x5xf32> to vector<1x2048x5xf32>
    tpu.vector_store %arg13[%swap3A_1960, %swap3A_1961, %swap3A_1962], %swap3A_1965 {strides = array<i32>} : memref<4x2048x5xf32, #tpu.memory_space<vmem>>, vector<1x2048x5xf32>,
    %dma_start3A_1966 = arith.constant 0 : i32
    %dma_start3A_1967 = arith.constant 57343 : i32
    %dma_start3A_1968 = arith.constant 0 : i32
    %dma_start3A_1969 = tpu.memref_slice %arg8[%dma_start3A_1967, %dma_start3A_1968] : memref<65535x5xf32, #tpu.memory_space<hbm>> -> memref<2048x5xf32, #tpu.memory_space<hbm>>
    %dma_start3A_1970 = arith.constant 0 : i32
    %dma_start3A_1971 = arith.constant 0 : i32
    %dma_start3A_1972 = tpu.memref_slice %arg13[%dma_start3A_1966, %dma_start3A_1970, %dma_start3A_1971] : memref<4x2048x5xf32, #tpu.memory_space<vmem>> -> memref<1x2048x5xf32, #tpu.memory_space<vmem>>
    %dma_start3A_1973 = tpu.memref_squeeze %dma_start3A_1972 : memref<1x2048x5xf32, #tpu.memory_space<vmem>> -> memref<2048x5xf32, #tpu.memory_space<vmem>>
    tpu.enqueue_dma source(%dma_start3A_1973 : memref<2048x5xf32, #tpu.memory_space<vmem>>) target(%dma_start3A_1969 : memref<2048x5xf32, #tpu.memory_space<hbm>>) target_semaphore(%arg15 : memref<!tpu.dma_semaphore, #tpu.memory_space<semaphore_mem>>)
    %reshape3A_1974 = vector.shape_cast %mul3A_1946 : vector<2048x128xf32> to vector<1024x256xf32>
    %reshape3A_1975 = vector.shape_cast %add3A_1937 : vector<2048x128xf32> to vector<1024x256xf32>
    %convert_element_type3A_1976 = arith.truncf %reshape3A_1974 : vector<1024x256xf32> to vector<1024x256xbf16>
    %dot_general3A_1977 = arith.constant dense<0.000000e+00> : vector<1024x256xf32>
    %dot_general3A_1978 = tpu.matmul %convert_element_type3A_1976, %convert_element_type3A_19, %dot_general3A_1977 {dimension_numbers = #tpu.dot_dimension_numbers<[1], [0], [0], [1], [0, 0, 1, 1], [], []>, transpose_lhs_hint = false} : vector<1024x256xbf16>, vector<256x256xbf16>, vector<1024x256xf32> -> vector<1024x256xf32>
    %add3A_1979 = vector.broadcast %mul3A_29 : vector<1x256xf32> to vector<1024x256xf32>
    %add3A_1980 = arith.addf %dot_general3A_1978, %add3A_1979 : vector<1024x256xf32>
    %tanh3A_1981 = math.tanh %add3A_1980 : vector<1024x256xf32>
    %mul3A_1982 = arith.constant 5.000000e-01 : f32
    %mul3A_1983 = vector.broadcast %mul3A_1982 : f32 to vector<1024x256xf32>
    %mul3A_1984 = arith.mulf %mul3A_1983, %tanh3A_1981 : vector<1024x256xf32>
    %add3A_1985 = arith.constant 5.000000e-01 : f32
    %add3A_1986 = vector.broadcast %add3A_1985 : f32 to vector<1024x256xf32>
    %add3A_1987 = arith.addf %mul3A_1984, %add3A_1986 : vector<1024x256xf32>
    %slice3A_1988 = vector.extract_strided_slice %add3A_1987 {offsets = [0, 0], sizes = [1024, 128], strides = [1, 1]} : vector<1024x256xf32> to vector<1024x128xf32>
    %slice3A_1989 = vector.extract_strided_slice %reshape3A_1975 {offsets = [0, 0], sizes = [1024, 128], strides = [1, 1]} : vector<1024x256xf32> to vector<1024x128xf32>
    %mul3A_1990 = arith.mulf %slice3A_1988, %slice3A_1989 : vector<1024x128xf32>
    %slice3A_1991 = vector.extract_strided_slice %add3A_1987 {offsets = [0, 128], sizes = [1024, 128], strides = [1, 1]} : vector<1024x256xf32> to vector<1024x128xf32>
    %slice3A_1992 = vector.extract_strided_slice %reshape3A_1975 {offsets = [0, 128], sizes = [1024, 128], strides = [1, 1]} : vector<1024x256xf32> to vector<1024x128xf32>
    %mul3A_1993 = arith.mulf %slice3A_1991, %slice3A_1992 : vector<1024x128xf32>
    %add3A_1994 = arith.addf %mul3A_1990, %mul3A_1993 : vector<1024x128xf32>
    %dot_general3A_1995 = arith.constant dense<0.000000e+00> : vector<1024x384xf32>
    %dot_general3A_1996 = tpu.matmul %convert_element_type3A_1976, %convert_element_type3A_12, %dot_general3A_1995 {dimension_numbers = #tpu.dot_dimension_numbers<[1], [0], [0], [1], [0, 0, 1, 1], [], []>, transpose_lhs_hint = false} : vector<1024x256xbf16>, vector<256x384xbf16>, vector<1024x384xf32> -> vector<1024x384xf32>
    %add3A_1997 = vector.broadcast %mul3A_23 : vector<1x384xf32> to vector<1024x384xf32>
    %add3A_1998 = arith.addf %dot_general3A_1996, %add3A_1997 : vector<1024x384xf32>
    %slice3A_1999 = vector.extract_strided_slice %add3A_1998 {offsets = [0, 0], sizes = [1024, 128], strides = [1, 1]} : vector<1024x384xf32> to vector<1024x128xf32>
    %slice3A_2000 = vector.extract_strided_slice %add3A_1998 {offsets = [0, 128], sizes = [1024, 128], strides = [1, 1]} : vector<1024x384xf32> to vector<1024x128xf32>
    %slice3A_2001 = vector.extract_strided_slice %add3A_1998 {offsets = [0, 256], sizes = [1024, 128], strides = [1, 1]} : vector<1024x384xf32> to vector<1024x128xf32>
    %tanh3A_2002 = math.tanh %slice3A_1999 : vector<1024x128xf32>
    %mul3A_2003 = arith.constant 5.000000e-01 : f32
    %mul3A_2004 = vector.broadcast %mul3A_2003 : f32 to vector<1024x128xf32>
    %mul3A_2005 = arith.mulf %mul3A_2004, %tanh3A_2002 : vector<1024x128xf32>
    %add3A_2006 = arith.constant 5.000000e-01 : f32
    %add3A_2007 = vector.broadcast %add3A_2006 : f32 to vector<1024x128xf32>
    %add3A_2008 = arith.addf %mul3A_2005, %add3A_2007 : vector<1024x128xf32>
    %tanh3A_2009 = math.tanh %slice3A_2001 : vector<1024x128xf32>
    %mul3A_2010 = arith.mulf %add3A_2008, %tanh3A_2009 : vector<1024x128xf32>
    %add3A_2011 = arith.addf %mul3A_2010, %add3A_1994 : vector<1024x128xf32>
    %tanh3A_2012 = math.tanh %slice3A_2000 : vector<1024x128xf32>
    %mul3A_2013 = arith.constant 5.000000e-01 : f32
    %mul3A_2014 = vector.broadcast %mul3A_2013 : f32 to vector<1024x128xf32>
    %mul3A_2015 = arith.mulf %mul3A_2014, %tanh3A_2012 : vector<1024x128xf32>
    %add3A_2016 = arith.constant 5.000000e-01 : f32
    %add3A_2017 = vector.broadcast %add3A_2016 : f32 to vector<1024x128xf32>
    %add3A_2018 = arith.addf %mul3A_2015, %add3A_2017 : vector<1024x128xf32>
    %tanh3A_2019 = math.tanh %add3A_2011 : vector<1024x128xf32>
    %mul3A_2020 = arith.mulf %add3A_2018, %tanh3A_2019 : vector<1024x128xf32>
    %swap3A_2021 = arith.constant 12288 : index
    %swap3A_2022 = arith.constant 0 : index
    %swap3A_2023 = vector.load %arg9[%swap3A_2021, %swap3A_2022] : memref<16384x128xf32, #tpu.memory_space<vmem>>, vector<1024x128xf32>
    tpu.vector_store %arg9[%swap3A_2021, %swap3A_2022], %mul3A_2020 {strides = array<i32>} : memref<16384x128xf32, #tpu.memory_space<vmem>>, vector<1024x128xf32>,
    %swap3A_2024 = arith.constant 12288 : index
    %swap3A_2025 = arith.constant 0 : index
    %swap3A_2026 = vector.load %arg10[%swap3A_2024, %swap3A_2025] : memref<16384x128xf32, #tpu.memory_space<vmem>>, vector<1024x128xf32>
    tpu.vector_store %arg10[%swap3A_2024, %swap3A_2025], %add3A_2011 {strides = array<i32>} : memref<16384x128xf32, #tpu.memory_space<vmem>>, vector<1024x128xf32>,
    %convert_element_type3A_2027 = arith.truncf %mul3A_2020 : vector<1024x128xf32> to vector<1024x128xbf16>
    %dot_general3A_2028 = arith.constant dense<0.000000e+00> : vector<1024x5xf32>
    %dot_general3A_2029 = tpu.matmul %convert_element_type3A_2027, %convert_element_type3A_33, %dot_general3A_2028 {dimension_numbers = #tpu.dot_dimension_numbers<[1], [0], [0], [1], [0, 0, 1, 1], [], []>, transpose_lhs_hint = false} : vector<1024x128xbf16>, vector<128x5xbf16>, vector<1024x5xf32> -> vector<1024x5xf32>
    %add3A_2030 = vector.broadcast %get3A_36 : vector<1x5xf32> to vector<1024x5xf32>
    %add3A_2031 = arith.addf %dot_general3A_2029, %add3A_2030 : vector<1024x5xf32>
    %dma_wait3A_2032 = arith.constant 1 : i32
    %dma_wait3A_2033 = arith.constant 26623 : i32
    %dma_wait3A_2034 = arith.constant 0 : i32
    %dma_wait3A_2035 = tpu.memref_slice %arg8[%dma_wait3A_2033, %dma_wait3A_2034] : memref<65535x5xf32, #tpu.memory_space<hbm>> -> memref<1024x5xf32, #tpu.memory_space<hbm>>
    %dma_wait3A_2036 = arith.constant 0 : i32
    %dma_wait3A_2037 = arith.constant 0 : i32
    %dma_wait3A_2038 = tpu.memref_slice %arg13[%dma_wait3A_2032, %dma_wait3A_2036, %dma_wait3A_2037] : memref<4x2048x5xf32, #tpu.memory_space<vmem>> -> memref<1x1024x5xf32, #tpu.memory_space<vmem>>
    %dma_wait3A_2039 = tpu.memref_squeeze %dma_wait3A_2038 : memref<1x1024x5xf32, #tpu.memory_space<vmem>> -> memref<1024x5xf32, #tpu.memory_space<vmem>>
    tpu.wait_dma2 semaphore(%arg15 : memref<!tpu.dma_semaphore, #tpu.memory_space<semaphore_mem>>) src(%dma_wait3A_2039 : memref<1024x5xf32, #tpu.memory_space<vmem>>) dst(%dma_wait3A_2035 : memref<1024x5xf32, #tpu.memory_space<hbm>>)
    %swap3A_2040 = arith.constant 1 : index
    %swap3A_2041 = arith.constant 0 : index
    %swap3A_2042 = arith.constant 0 : index
    %swap3A_2043 = vector.load %arg13[%swap3A_2040, %swap3A_2041, %swap3A_2042] : memref<4x2048x5xf32, #tpu.memory_space<vmem>>, vector<1x1024x5xf32>
    %swap3A_2044 = vector.shape_cast %swap3A_2043 : vector<1x1024x5xf32> to vector<1024x5xf32>
    %swap3A_2045 = vector.shape_cast %add3A_2031 : vector<1024x5xf32> to vector<1x1024x5xf32>
    tpu.vector_store %arg13[%swap3A_2040, %swap3A_2041, %swap3A_2042], %swap3A_2045 {strides = array<i32>} : memref<4x2048x5xf32, #tpu.memory_space<vmem>>, vector<1x1024x5xf32>,
    %dma_start3A_2046 = arith.constant 1 : i32
    %dma_start3A_2047 = arith.constant 28671 : i32
    %dma_start3A_2048 = arith.constant 0 : i32
    %dma_start3A_2049 = tpu.memref_slice %arg8[%dma_start3A_2047, %dma_start3A_2048] : memref<65535x5xf32, #tpu.memory_space<hbm>> -> memref<1024x5xf32, #tpu.memory_space<hbm>>
    %dma_start3A_2050 = arith.constant 0 : i32
    %dma_start3A_2051 = arith.constant 0 : i32
    %dma_start3A_2052 = tpu.memref_slice %arg13[%dma_start3A_2046, %dma_start3A_2050, %dma_start3A_2051] : memref<4x2048x5xf32, #tpu.memory_space<vmem>> -> memref<1x1024x5xf32, #tpu.memory_space<vmem>>
    %dma_start3A_2053 = tpu.memref_squeeze %dma_start3A_2052 : memref<1x1024x5xf32, #tpu.memory_space<vmem>> -> memref<1024x5xf32, #tpu.memory_space<vmem>>
    tpu.enqueue_dma source(%dma_start3A_2053 : memref<1024x5xf32, #tpu.memory_space<vmem>>) target(%dma_start3A_2049 : memref<1024x5xf32, #tpu.memory_space<hbm>>) target_semaphore(%arg15 : memref<!tpu.dma_semaphore, #tpu.memory_space<semaphore_mem>>)
    %dma_wait3A_2054 = arith.constant 1 : i32
    %dma_wait3A_2055 = arith.constant 0 : i32
    %dma_wait3A_2056 = arith.constant 0 : i32
    %dma_wait3A_2057 = tpu.memref_slice %arg14[%dma_wait3A_2054, %dma_wait3A_2055, %dma_wait3A_2056] : memref<2x2048x128xf32, #tpu.memory_space<vmem>> -> memref<1x2048x128xf32, #tpu.memory_space<vmem>>
    %dma_wait3A_2058 = tpu.memref_squeeze %dma_wait3A_2057 : memref<1x2048x128xf32, #tpu.memory_space<vmem>> -> memref<2048x128xf32, #tpu.memory_space<vmem>>
    %dma_wait3A_2059 = arith.constant 26624 : i32
    %dma_wait3A_2060 = arith.constant 0 : i32
    %dma_wait3A_2061 = tpu.memref_slice %arg0[%dma_wait3A_2059, %dma_wait3A_2060] : memref<32768x128xf32, #tpu.memory_space<hbm>> -> memref<2048x128xf32, #tpu.memory_space<hbm>>
    tpu.wait_dma2 semaphore(%arg16 : memref<!tpu.dma_semaphore, #tpu.memory_space<semaphore_mem>>) src(%dma_wait3A_2061 : memref<2048x128xf32, #tpu.memory_space<hbm>>) dst(%dma_wait3A_2058 : memref<2048x128xf32, #tpu.memory_space<vmem>>)
    %get3A_2062 = arith.constant 1 : index
    %get3A_2063 = arith.constant 0 : index
    %get3A_2064 = arith.constant 0 : index
    %get3A_2065 = vector.load %arg14[%get3A_2062, %get3A_2063, %get3A_2064] : memref<2x2048x128xf32, #tpu.memory_space<vmem>>, vector<1x2048x128xf32>
    %get3A_2066 = vector.shape_cast %get3A_2065 : vector<1x2048x128xf32> to vector<2048x128xf32>
    %convert_element_type3A_2067 = arith.truncf %get3A_2066 : vector<2048x128xf32> to vector<2048x128xbf16>
    %dma_start3A_2068 = arith.constant 1 : i32
    %dma_start3A_2069 = arith.constant 0 : i32
    %dma_start3A_2070 = arith.constant 0 : i32
    %dma_start3A_2071 = tpu.memref_slice %arg14[%dma_start3A_2068, %dma_start3A_2069, %dma_start3A_2070] : memref<2x2048x128xf32, #tpu.memory_space<vmem>> -> memref<1x2048x128xf32, #tpu.memory_space<vmem>>
    %dma_start3A_2072 = tpu.memref_squeeze %dma_start3A_2071 : memref<1x2048x128xf32, #tpu.memory_space<vmem>> -> memref<2048x128xf32, #tpu.memory_space<vmem>>
    %dma_start3A_2073 = arith.constant 30720 : i32
    %dma_start3A_2074 = arith.constant 0 : i32
    %dma_start3A_2075 = tpu.memref_slice %arg0[%dma_start3A_2073, %dma_start3A_2074] : memref<32768x128xf32, #tpu.memory_space<hbm>> -> memref<2048x128xf32, #tpu.memory_space<hbm>>
    tpu.enqueue_dma source(%dma_start3A_2075 : memref<2048x128xf32, #tpu.memory_space<hbm>>) target(%dma_start3A_2072 : memref<2048x128xf32, #tpu.memory_space<vmem>>) target_semaphore(%arg16 : memref<!tpu.dma_semaphore, #tpu.memory_space<semaphore_mem>>)
    %dot_general3A_2076 = arith.constant dense<0.000000e+00> : vector<2048x384xf32>
    %dot_general3A_2077 = tpu.matmul %convert_element_type3A_2067, %convert_element_type3A, %dot_general3A_2076 {dimension_numbers = #tpu.dot_dimension_numbers<[1], [0], [0], [1], [0, 0, 1, 1], [], []>, transpose_lhs_hint = false} : vector<2048x128xbf16>, vector<128x384xbf16>, vector<2048x384xf32> -> vector<2048x384xf32>
    %add3A_2078 = vector.broadcast %mul3A_23 : vector<1x384xf32> to vector<2048x384xf32>
    %add3A_2079 = arith.addf %dot_general3A_2077, %add3A_2078 : vector<2048x384xf32>
    %slice3A_2080 = vector.extract_strided_slice %add3A_2079 {offsets = [0, 0], sizes = [2048, 128], strides = [1, 1]} : vector<2048x384xf32> to vector<2048x128xf32>
    %slice3A_2081 = vector.extract_strided_slice %add3A_2079 {offsets = [0, 128], sizes = [2048, 128], strides = [1, 1]} : vector<2048x384xf32> to vector<2048x128xf32>
    %slice3A_2082 = vector.extract_strided_slice %add3A_2079 {offsets = [0, 256], sizes = [2048, 128], strides = [1, 1]} : vector<2048x384xf32> to vector<2048x128xf32>
    %tanh3A_2083 = math.tanh %slice3A_2080 : vector<2048x128xf32>
    %mul3A_2084 = arith.constant 5.000000e-01 : f32
    %mul3A_2085 = vector.broadcast %mul3A_2084 : f32 to vector<2048x128xf32>
    %mul3A_2086 = arith.mulf %mul3A_2085, %tanh3A_2083 : vector<2048x128xf32>
    %add3A_2087 = arith.constant 5.000000e-01 : f32
    %add3A_2088 = vector.broadcast %add3A_2087 : f32 to vector<2048x128xf32>
    %add3A_2089 = arith.addf %mul3A_2086, %add3A_2088 : vector<2048x128xf32>
    %tanh3A_2090 = math.tanh %slice3A_2082 : vector<2048x128xf32>
    %mul3A_2091 = arith.mulf %add3A_2089, %tanh3A_2090 : vector<2048x128xf32>
    %add3A_2092 = arith.constant 0.000000e+00 : f32
    %add3A_2093 = vector.broadcast %add3A_2092 : f32 to vector<2048x128xf32>
    %add3A_2094 = arith.addf %mul3A_2091, %add3A_2093 : vector<2048x128xf32>
    %tanh3A_2095 = math.tanh %slice3A_2081 : vector<2048x128xf32>
    %mul3A_2096 = arith.constant 5.000000e-01 : f32
    %mul3A_2097 = vector.broadcast %mul3A_2096 : f32 to vector<2048x128xf32>
    %mul3A_2098 = arith.mulf %mul3A_2097, %tanh3A_2095 : vector<2048x128xf32>
    %add3A_2099 = arith.constant 5.000000e-01 : f32
    %add3A_2100 = vector.broadcast %add3A_2099 : f32 to vector<2048x128xf32>
    %add3A_2101 = arith.addf %mul3A_2098, %add3A_2100 : vector<2048x128xf32>
    %tanh3A_2102 = math.tanh %add3A_2094 : vector<2048x128xf32>
    %mul3A_2103 = arith.mulf %add3A_2101, %tanh3A_2102 : vector<2048x128xf32>
    %convert_element_type3A_2104 = arith.truncf %mul3A_2103 : vector<2048x128xf32> to vector<2048x128xbf16>
    %dot_general3A_2105 = arith.constant dense<0.000000e+00> : vector<2048x5xf32>
    %dot_general3A_2106 = tpu.matmul %convert_element_type3A_2104, %convert_element_type3A_33, %dot_general3A_2105 {dimension_numbers = #tpu.dot_dimension_numbers<[1], [0], [0], [1], [0, 0, 1, 1], [], []>, transpose_lhs_hint = false} : vector<2048x128xbf16>, vector<128x5xbf16>, vector<2048x5xf32> -> vector<2048x5xf32>
    %add3A_2107 = vector.broadcast %get3A_36 : vector<1x5xf32> to vector<2048x5xf32>
    %add3A_2108 = arith.addf %dot_general3A_2106, %add3A_2107 : vector<2048x5xf32>
    %dma_wait3A_2109 = arith.constant 2 : i32
    %dma_wait3A_2110 = arith.constant 55295 : i32
    %dma_wait3A_2111 = arith.constant 0 : i32
    %dma_wait3A_2112 = tpu.memref_slice %arg8[%dma_wait3A_2110, %dma_wait3A_2111] : memref<65535x5xf32, #tpu.memory_space<hbm>> -> memref<2048x5xf32, #tpu.memory_space<hbm>>
    %dma_wait3A_2113 = arith.constant 0 : i32
    %dma_wait3A_2114 = arith.constant 0 : i32
    %dma_wait3A_2115 = tpu.memref_slice %arg13[%dma_wait3A_2109, %dma_wait3A_2113, %dma_wait3A_2114] : memref<4x2048x5xf32, #tpu.memory_space<vmem>> -> memref<1x2048x5xf32, #tpu.memory_space<vmem>>
    %dma_wait3A_2116 = tpu.memref_squeeze %dma_wait3A_2115 : memref<1x2048x5xf32, #tpu.memory_space<vmem>> -> memref<2048x5xf32, #tpu.memory_space<vmem>>
    tpu.wait_dma2 semaphore(%arg15 : memref<!tpu.dma_semaphore, #tpu.memory_space<semaphore_mem>>) src(%dma_wait3A_2116 : memref<2048x5xf32, #tpu.memory_space<vmem>>) dst(%dma_wait3A_2112 : memref<2048x5xf32, #tpu.memory_space<hbm>>)
    %swap3A_2117 = arith.constant 2 : index
    %swap3A_2118 = arith.constant 0 : index
    %swap3A_2119 = arith.constant 0 : index
    %swap3A_2120 = vector.load %arg13[%swap3A_2117, %swap3A_2118, %swap3A_2119] : memref<4x2048x5xf32, #tpu.memory_space<vmem>>, vector<1x2048x5xf32>
    %swap3A_2121 = vector.shape_cast %swap3A_2120 : vector<1x2048x5xf32> to vector<2048x5xf32>
    %swap3A_2122 = vector.shape_cast %add3A_2108 : vector<2048x5xf32> to vector<1x2048x5xf32>
    tpu.vector_store %arg13[%swap3A_2117, %swap3A_2118, %swap3A_2119], %swap3A_2122 {strides = array<i32>} : memref<4x2048x5xf32, #tpu.memory_space<vmem>>, vector<1x2048x5xf32>,
    %dma_start3A_2123 = arith.constant 2 : i32
    %dma_start3A_2124 = arith.constant 59391 : i32
    %dma_start3A_2125 = arith.constant 0 : i32
    %dma_start3A_2126 = tpu.memref_slice %arg8[%dma_start3A_2124, %dma_start3A_2125] : memref<65535x5xf32, #tpu.memory_space<hbm>> -> memref<2048x5xf32, #tpu.memory_space<hbm>>
    %dma_start3A_2127 = arith.constant 0 : i32
    %dma_start3A_2128 = arith.constant 0 : i32
    %dma_start3A_2129 = tpu.memref_slice %arg13[%dma_start3A_2123, %dma_start3A_2127, %dma_start3A_2128] : memref<4x2048x5xf32, #tpu.memory_space<vmem>> -> memref<1x2048x5xf32, #tpu.memory_space<vmem>>
    %dma_start3A_2130 = tpu.memref_squeeze %dma_start3A_2129 : memref<1x2048x5xf32, #tpu.memory_space<vmem>> -> memref<2048x5xf32, #tpu.memory_space<vmem>>
    tpu.enqueue_dma source(%dma_start3A_2130 : memref<2048x5xf32, #tpu.memory_space<vmem>>) target(%dma_start3A_2126 : memref<2048x5xf32, #tpu.memory_space<hbm>>) target_semaphore(%arg15 : memref<!tpu.dma_semaphore, #tpu.memory_space<semaphore_mem>>)
    %reshape3A_2131 = vector.shape_cast %mul3A_2103 : vector<2048x128xf32> to vector<1024x256xf32>
    %reshape3A_2132 = vector.shape_cast %add3A_2094 : vector<2048x128xf32> to vector<1024x256xf32>
    %convert_element_type3A_2133 = arith.truncf %reshape3A_2131 : vector<1024x256xf32> to vector<1024x256xbf16>
    %dot_general3A_2134 = arith.constant dense<0.000000e+00> : vector<1024x256xf32>
    %dot_general3A_2135 = tpu.matmul %convert_element_type3A_2133, %convert_element_type3A_19, %dot_general3A_2134 {dimension_numbers = #tpu.dot_dimension_numbers<[1], [0], [0], [1], [0, 0, 1, 1], [], []>, transpose_lhs_hint = false} : vector<1024x256xbf16>, vector<256x256xbf16>, vector<1024x256xf32> -> vector<1024x256xf32>
    %add3A_2136 = vector.broadcast %mul3A_29 : vector<1x256xf32> to vector<1024x256xf32>
    %add3A_2137 = arith.addf %dot_general3A_2135, %add3A_2136 : vector<1024x256xf32>
    %tanh3A_2138 = math.tanh %add3A_2137 : vector<1024x256xf32>
    %mul3A_2139 = arith.constant 5.000000e-01 : f32
    %mul3A_2140 = vector.broadcast %mul3A_2139 : f32 to vector<1024x256xf32>
    %mul3A_2141 = arith.mulf %mul3A_2140, %tanh3A_2138 : vector<1024x256xf32>
    %add3A_2142 = arith.constant 5.000000e-01 : f32
    %add3A_2143 = vector.broadcast %add3A_2142 : f32 to vector<1024x256xf32>
    %add3A_2144 = arith.addf %mul3A_2141, %add3A_2143 : vector<1024x256xf32>
    %slice3A_2145 = vector.extract_strided_slice %add3A_2144 {offsets = [0, 0], sizes = [1024, 128], strides = [1, 1]} : vector<1024x256xf32> to vector<1024x128xf32>
    %slice3A_2146 = vector.extract_strided_slice %reshape3A_2132 {offsets = [0, 0], sizes = [1024, 128], strides = [1, 1]} : vector<1024x256xf32> to vector<1024x128xf32>
    %mul3A_2147 = arith.mulf %slice3A_2145, %slice3A_2146 : vector<1024x128xf32>
    %slice3A_2148 = vector.extract_strided_slice %add3A_2144 {offsets = [0, 128], sizes = [1024, 128], strides = [1, 1]} : vector<1024x256xf32> to vector<1024x128xf32>
    %slice3A_2149 = vector.extract_strided_slice %reshape3A_2132 {offsets = [0, 128], sizes = [1024, 128], strides = [1, 1]} : vector<1024x256xf32> to vector<1024x128xf32>
    %mul3A_2150 = arith.mulf %slice3A_2148, %slice3A_2149 : vector<1024x128xf32>
    %add3A_2151 = arith.addf %mul3A_2147, %mul3A_2150 : vector<1024x128xf32>
    %dot_general3A_2152 = arith.constant dense<0.000000e+00> : vector<1024x384xf32>
    %dot_general3A_2153 = tpu.matmul %convert_element_type3A_2133, %convert_element_type3A_12, %dot_general3A_2152 {dimension_numbers = #tpu.dot_dimension_numbers<[1], [0], [0], [1], [0, 0, 1, 1], [], []>, transpose_lhs_hint = false} : vector<1024x256xbf16>, vector<256x384xbf16>, vector<1024x384xf32> -> vector<1024x384xf32>
    %add3A_2154 = vector.broadcast %mul3A_23 : vector<1x384xf32> to vector<1024x384xf32>
    %add3A_2155 = arith.addf %dot_general3A_2153, %add3A_2154 : vector<1024x384xf32>
    %slice3A_2156 = vector.extract_strided_slice %add3A_2155 {offsets = [0, 0], sizes = [1024, 128], strides = [1, 1]} : vector<1024x384xf32> to vector<1024x128xf32>
    %slice3A_2157 = vector.extract_strided_slice %add3A_2155 {offsets = [0, 128], sizes = [1024, 128], strides = [1, 1]} : vector<1024x384xf32> to vector<1024x128xf32>
    %slice3A_2158 = vector.extract_strided_slice %add3A_2155 {offsets = [0, 256], sizes = [1024, 128], strides = [1, 1]} : vector<1024x384xf32> to vector<1024x128xf32>
    %tanh3A_2159 = math.tanh %slice3A_2156 : vector<1024x128xf32>
    %mul3A_2160 = arith.constant 5.000000e-01 : f32
    %mul3A_2161 = vector.broadcast %mul3A_2160 : f32 to vector<1024x128xf32>
    %mul3A_2162 = arith.mulf %mul3A_2161, %tanh3A_2159 : vector<1024x128xf32>
    %add3A_2163 = arith.constant 5.000000e-01 : f32
    %add3A_2164 = vector.broadcast %add3A_2163 : f32 to vector<1024x128xf32>
    %add3A_2165 = arith.addf %mul3A_2162, %add3A_2164 : vector<1024x128xf32>
    %tanh3A_2166 = math.tanh %slice3A_2158 : vector<1024x128xf32>
    %mul3A_2167 = arith.mulf %add3A_2165, %tanh3A_2166 : vector<1024x128xf32>
    %add3A_2168 = arith.addf %mul3A_2167, %add3A_2151 : vector<1024x128xf32>
    %tanh3A_2169 = math.tanh %slice3A_2157 : vector<1024x128xf32>
    %mul3A_2170 = arith.constant 5.000000e-01 : f32
    %mul3A_2171 = vector.broadcast %mul3A_2170 : f32 to vector<1024x128xf32>
    %mul3A_2172 = arith.mulf %mul3A_2171, %tanh3A_2169 : vector<1024x128xf32>
    %add3A_2173 = arith.constant 5.000000e-01 : f32
    %add3A_2174 = vector.broadcast %add3A_2173 : f32 to vector<1024x128xf32>
    %add3A_2175 = arith.addf %mul3A_2172, %add3A_2174 : vector<1024x128xf32>
    %tanh3A_2176 = math.tanh %add3A_2168 : vector<1024x128xf32>
    %mul3A_2177 = arith.mulf %add3A_2175, %tanh3A_2176 : vector<1024x128xf32>
    %swap3A_2178 = arith.constant 13312 : index
    %swap3A_2179 = arith.constant 0 : index
    %swap3A_2180 = vector.load %arg9[%swap3A_2178, %swap3A_2179] : memref<16384x128xf32, #tpu.memory_space<vmem>>, vector<1024x128xf32>
    tpu.vector_store %arg9[%swap3A_2178, %swap3A_2179], %mul3A_2177 {strides = array<i32>} : memref<16384x128xf32, #tpu.memory_space<vmem>>, vector<1024x128xf32>,
    %swap3A_2181 = arith.constant 13312 : index
    %swap3A_2182 = arith.constant 0 : index
    %swap3A_2183 = vector.load %arg10[%swap3A_2181, %swap3A_2182] : memref<16384x128xf32, #tpu.memory_space<vmem>>, vector<1024x128xf32>
    tpu.vector_store %arg10[%swap3A_2181, %swap3A_2182], %add3A_2168 {strides = array<i32>} : memref<16384x128xf32, #tpu.memory_space<vmem>>, vector<1024x128xf32>,
    %convert_element_type3A_2184 = arith.truncf %mul3A_2177 : vector<1024x128xf32> to vector<1024x128xbf16>
    %dot_general3A_2185 = arith.constant dense<0.000000e+00> : vector<1024x5xf32>
    %dot_general3A_2186 = tpu.matmul %convert_element_type3A_2184, %convert_element_type3A_33, %dot_general3A_2185 {dimension_numbers = #tpu.dot_dimension_numbers<[1], [0], [0], [1], [0, 0, 1, 1], [], []>, transpose_lhs_hint = false} : vector<1024x128xbf16>, vector<128x5xbf16>, vector<1024x5xf32> -> vector<1024x5xf32>
    %add3A_2187 = vector.broadcast %get3A_36 : vector<1x5xf32> to vector<1024x5xf32>
    %add3A_2188 = arith.addf %dot_general3A_2186, %add3A_2187 : vector<1024x5xf32>
    %dma_wait3A_2189 = arith.constant 3 : i32
    %dma_wait3A_2190 = arith.constant 27647 : i32
    %dma_wait3A_2191 = arith.constant 0 : i32
    %dma_wait3A_2192 = tpu.memref_slice %arg8[%dma_wait3A_2190, %dma_wait3A_2191] : memref<65535x5xf32, #tpu.memory_space<hbm>> -> memref<1024x5xf32, #tpu.memory_space<hbm>>
    %dma_wait3A_2193 = arith.constant 0 : i32
    %dma_wait3A_2194 = arith.constant 0 : i32
    %dma_wait3A_2195 = tpu.memref_slice %arg13[%dma_wait3A_2189, %dma_wait3A_2193, %dma_wait3A_2194] : memref<4x2048x5xf32, #tpu.memory_space<vmem>> -> memref<1x1024x5xf32, #tpu.memory_space<vmem>>
    %dma_wait3A_2196 = tpu.memref_squeeze %dma_wait3A_2195 : memref<1x1024x5xf32, #tpu.memory_space<vmem>> -> memref<1024x5xf32, #tpu.memory_space<vmem>>
    tpu.wait_dma2 semaphore(%arg15 : memref<!tpu.dma_semaphore, #tpu.memory_space<semaphore_mem>>) src(%dma_wait3A_2196 : memref<1024x5xf32, #tpu.memory_space<vmem>>) dst(%dma_wait3A_2192 : memref<1024x5xf32, #tpu.memory_space<hbm>>)
    %swap3A_2197 = arith.constant 3 : index
    %swap3A_2198 = arith.constant 0 : index
    %swap3A_2199 = arith.constant 0 : index
    %swap3A_2200 = vector.load %arg13[%swap3A_2197, %swap3A_2198, %swap3A_2199] : memref<4x2048x5xf32, #tpu.memory_space<vmem>>, vector<1x1024x5xf32>
    %swap3A_2201 = vector.shape_cast %swap3A_2200 : vector<1x1024x5xf32> to vector<1024x5xf32>
    %swap3A_2202 = vector.shape_cast %add3A_2188 : vector<1024x5xf32> to vector<1x1024x5xf32>
    tpu.vector_store %arg13[%swap3A_2197, %swap3A_2198, %swap3A_2199], %swap3A_2202 {strides = array<i32>} : memref<4x2048x5xf32, #tpu.memory_space<vmem>>, vector<1x1024x5xf32>,
    %dma_start3A_2203 = arith.constant 3 : i32
    %dma_start3A_2204 = arith.constant 29695 : i32
    %dma_start3A_2205 = arith.constant 0 : i32
    %dma_start3A_2206 = tpu.memref_slice %arg8[%dma_start3A_2204, %dma_start3A_2205] : memref<65535x5xf32, #tpu.memory_space<hbm>> -> memref<1024x5xf32, #tpu.memory_space<hbm>>
    %dma_start3A_2207 = arith.constant 0 : i32
    %dma_start3A_2208 = arith.constant 0 : i32
    %dma_start3A_2209 = tpu.memref_slice %arg13[%dma_start3A_2203, %dma_start3A_2207, %dma_start3A_2208] : memref<4x2048x5xf32, #tpu.memory_space<vmem>> -> memref<1x1024x5xf32, #tpu.memory_space<vmem>>
    %dma_start3A_2210 = tpu.memref_squeeze %dma_start3A_2209 : memref<1x1024x5xf32, #tpu.memory_space<vmem>> -> memref<1024x5xf32, #tpu.memory_space<vmem>>
    tpu.enqueue_dma source(%dma_start3A_2210 : memref<1024x5xf32, #tpu.memory_space<vmem>>) target(%dma_start3A_2206 : memref<1024x5xf32, #tpu.memory_space<hbm>>) target_semaphore(%arg15 : memref<!tpu.dma_semaphore, #tpu.memory_space<semaphore_mem>>)
    %dma_wait3A_2211 = arith.constant 0 : i32
    %dma_wait3A_2212 = arith.constant 0 : i32
    %dma_wait3A_2213 = arith.constant 0 : i32
    %dma_wait3A_2214 = tpu.memref_slice %arg14[%dma_wait3A_2211, %dma_wait3A_2212, %dma_wait3A_2213] : memref<2x2048x128xf32, #tpu.memory_space<vmem>> -> memref<1x2048x128xf32, #tpu.memory_space<vmem>>
    %dma_wait3A_2215 = tpu.memref_squeeze %dma_wait3A_2214 : memref<1x2048x128xf32, #tpu.memory_space<vmem>> -> memref<2048x128xf32, #tpu.memory_space<vmem>>
    %dma_wait3A_2216 = arith.constant 28672 : i32
    %dma_wait3A_2217 = arith.constant 0 : i32
    %dma_wait3A_2218 = tpu.memref_slice %arg0[%dma_wait3A_2216, %dma_wait3A_2217] : memref<32768x128xf32, #tpu.memory_space<hbm>> -> memref<2048x128xf32, #tpu.memory_space<hbm>>
    tpu.wait_dma2 semaphore(%arg16 : memref<!tpu.dma_semaphore, #tpu.memory_space<semaphore_mem>>) src(%dma_wait3A_2218 : memref<2048x128xf32, #tpu.memory_space<hbm>>) dst(%dma_wait3A_2215 : memref<2048x128xf32, #tpu.memory_space<vmem>>)
    %get3A_2219 = arith.constant 0 : index
    %get3A_2220 = arith.constant 0 : index
    %get3A_2221 = arith.constant 0 : index
    %get3A_2222 = vector.load %arg14[%get3A_2219, %get3A_2220, %get3A_2221] : memref<2x2048x128xf32, #tpu.memory_space<vmem>>, vector<1x2048x128xf32>
    %get3A_2223 = vector.shape_cast %get3A_2222 : vector<1x2048x128xf32> to vector<2048x128xf32>
    %convert_element_type3A_2224 = arith.truncf %get3A_2223 : vector<2048x128xf32> to vector<2048x128xbf16>
    %dot_general3A_2225 = arith.constant dense<0.000000e+00> : vector<2048x384xf32>
    %dot_general3A_2226 = tpu.matmul %convert_element_type3A_2224, %convert_element_type3A, %dot_general3A_2225 {dimension_numbers = #tpu.dot_dimension_numbers<[1], [0], [0], [1], [0, 0, 1, 1], [], []>, transpose_lhs_hint = false} : vector<2048x128xbf16>, vector<128x384xbf16>, vector<2048x384xf32> -> vector<2048x384xf32>
    %add3A_2227 = vector.broadcast %mul3A_23 : vector<1x384xf32> to vector<2048x384xf32>
    %add3A_2228 = arith.addf %dot_general3A_2226, %add3A_2227 : vector<2048x384xf32>
    %slice3A_2229 = vector.extract_strided_slice %add3A_2228 {offsets = [0, 0], sizes = [2048, 128], strides = [1, 1]} : vector<2048x384xf32> to vector<2048x128xf32>
    %slice3A_2230 = vector.extract_strided_slice %add3A_2228 {offsets = [0, 128], sizes = [2048, 128], strides = [1, 1]} : vector<2048x384xf32> to vector<2048x128xf32>
    %slice3A_2231 = vector.extract_strided_slice %add3A_2228 {offsets = [0, 256], sizes = [2048, 128], strides = [1, 1]} : vector<2048x384xf32> to vector<2048x128xf32>
    %tanh3A_2232 = math.tanh %slice3A_2229 : vector<2048x128xf32>
    %mul3A_2233 = arith.constant 5.000000e-01 : f32
    %mul3A_2234 = vector.broadcast %mul3A_2233 : f32 to vector<2048x128xf32>
    %mul3A_2235 = arith.mulf %mul3A_2234, %tanh3A_2232 : vector<2048x128xf32>
    %add3A_2236 = arith.constant 5.000000e-01 : f32
    %add3A_2237 = vector.broadcast %add3A_2236 : f32 to vector<2048x128xf32>
    %add3A_2238 = arith.addf %mul3A_2235, %add3A_2237 : vector<2048x128xf32>
    %tanh3A_2239 = math.tanh %slice3A_2231 : vector<2048x128xf32>
    %mul3A_2240 = arith.mulf %add3A_2238, %tanh3A_2239 : vector<2048x128xf32>
    %add3A_2241 = arith.constant 0.000000e+00 : f32
    %add3A_2242 = vector.broadcast %add3A_2241 : f32 to vector<2048x128xf32>
    %add3A_2243 = arith.addf %mul3A_2240, %add3A_2242 : vector<2048x128xf32>
    %tanh3A_2244 = math.tanh %slice3A_2230 : vector<2048x128xf32>
    %mul3A_2245 = arith.constant 5.000000e-01 : f32
    %mul3A_2246 = vector.broadcast %mul3A_2245 : f32 to vector<2048x128xf32>
    %mul3A_2247 = arith.mulf %mul3A_2246, %tanh3A_2244 : vector<2048x128xf32>
    %add3A_2248 = arith.constant 5.000000e-01 : f32
    %add3A_2249 = vector.broadcast %add3A_2248 : f32 to vector<2048x128xf32>
    %add3A_2250 = arith.addf %mul3A_2247, %add3A_2249 : vector<2048x128xf32>
    %tanh3A_2251 = math.tanh %add3A_2243 : vector<2048x128xf32>
    %mul3A_2252 = arith.mulf %add3A_2250, %tanh3A_2251 : vector<2048x128xf32>
    %convert_element_type3A_2253 = arith.truncf %mul3A_2252 : vector<2048x128xf32> to vector<2048x128xbf16>
    %dot_general3A_2254 = arith.constant dense<0.000000e+00> : vector<2048x5xf32>
    %dot_general3A_2255 = tpu.matmul %convert_element_type3A_2253, %convert_element_type3A_33, %dot_general3A_2254 {dimension_numbers = #tpu.dot_dimension_numbers<[1], [0], [0], [1], [0, 0, 1, 1], [], []>, transpose_lhs_hint = false} : vector<2048x128xbf16>, vector<128x5xbf16>, vector<2048x5xf32> -> vector<2048x5xf32>
    %add3A_2256 = vector.broadcast %get3A_36 : vector<1x5xf32> to vector<2048x5xf32>
    %add3A_2257 = arith.addf %dot_general3A_2255, %add3A_2256 : vector<2048x5xf32>
    %dma_wait3A_2258 = arith.constant 0 : i32
    %dma_wait3A_2259 = arith.constant 57343 : i32
    %dma_wait3A_2260 = arith.constant 0 : i32
    %dma_wait3A_2261 = tpu.memref_slice %arg8[%dma_wait3A_2259, %dma_wait3A_2260] : memref<65535x5xf32, #tpu.memory_space<hbm>> -> memref<2048x5xf32, #tpu.memory_space<hbm>>
    %dma_wait3A_2262 = arith.constant 0 : i32
    %dma_wait3A_2263 = arith.constant 0 : i32
    %dma_wait3A_2264 = tpu.memref_slice %arg13[%dma_wait3A_2258, %dma_wait3A_2262, %dma_wait3A_2263] : memref<4x2048x5xf32, #tpu.memory_space<vmem>> -> memref<1x2048x5xf32, #tpu.memory_space<vmem>>
    %dma_wait3A_2265 = tpu.memref_squeeze %dma_wait3A_2264 : memref<1x2048x5xf32, #tpu.memory_space<vmem>> -> memref<2048x5xf32, #tpu.memory_space<vmem>>
    tpu.wait_dma2 semaphore(%arg15 : memref<!tpu.dma_semaphore, #tpu.memory_space<semaphore_mem>>) src(%dma_wait3A_2265 : memref<2048x5xf32, #tpu.memory_space<vmem>>) dst(%dma_wait3A_2261 : memref<2048x5xf32, #tpu.memory_space<hbm>>)
    %swap3A_2266 = arith.constant 0 : index
    %swap3A_2267 = arith.constant 0 : index
    %swap3A_2268 = arith.constant 0 : index
    %swap3A_2269 = vector.load %arg13[%swap3A_2266, %swap3A_2267, %swap3A_2268] : memref<4x2048x5xf32, #tpu.memory_space<vmem>>, vector<1x2048x5xf32>
    %swap3A_2270 = vector.shape_cast %swap3A_2269 : vector<1x2048x5xf32> to vector<2048x5xf32>
    %swap3A_2271 = vector.shape_cast %add3A_2257 : vector<2048x5xf32> to vector<1x2048x5xf32>
    tpu.vector_store %arg13[%swap3A_2266, %swap3A_2267, %swap3A_2268], %swap3A_2271 {strides = array<i32>} : memref<4x2048x5xf32, #tpu.memory_space<vmem>>, vector<1x2048x5xf32>,
    %dma_start3A_2272 = arith.constant 0 : i32
    %dma_start3A_2273 = arith.constant 61439 : i32
    %dma_start3A_2274 = arith.constant 0 : i32
    %dma_start3A_2275 = tpu.memref_slice %arg8[%dma_start3A_2273, %dma_start3A_2274] : memref<65535x5xf32, #tpu.memory_space<hbm>> -> memref<2048x5xf32, #tpu.memory_space<hbm>>
    %dma_start3A_2276 = arith.constant 0 : i32
    %dma_start3A_2277 = arith.constant 0 : i32
    %dma_start3A_2278 = tpu.memref_slice %arg13[%dma_start3A_2272, %dma_start3A_2276, %dma_start3A_2277] : memref<4x2048x5xf32, #tpu.memory_space<vmem>> -> memref<1x2048x5xf32, #tpu.memory_space<vmem>>
    %dma_start3A_2279 = tpu.memref_squeeze %dma_start3A_2278 : memref<1x2048x5xf32, #tpu.memory_space<vmem>> -> memref<2048x5xf32, #tpu.memory_space<vmem>>
    tpu.enqueue_dma source(%dma_start3A_2279 : memref<2048x5xf32, #tpu.memory_space<vmem>>) target(%dma_start3A_2275 : memref<2048x5xf32, #tpu.memory_space<hbm>>) target_semaphore(%arg15 : memref<!tpu.dma_semaphore, #tpu.memory_space<semaphore_mem>>)
    %reshape3A_2280 = vector.shape_cast %mul3A_2252 : vector<2048x128xf32> to vector<1024x256xf32>
    %reshape3A_2281 = vector.shape_cast %add3A_2243 : vector<2048x128xf32> to vector<1024x256xf32>
    %convert_element_type3A_2282 = arith.truncf %reshape3A_2280 : vector<1024x256xf32> to vector<1024x256xbf16>
    %dot_general3A_2283 = arith.constant dense<0.000000e+00> : vector<1024x256xf32>
    %dot_general3A_2284 = tpu.matmul %convert_element_type3A_2282, %convert_element_type3A_19, %dot_general3A_2283 {dimension_numbers = #tpu.dot_dimension_numbers<[1], [0], [0], [1], [0, 0, 1, 1], [], []>, transpose_lhs_hint = false} : vector<1024x256xbf16>, vector<256x256xbf16>, vector<1024x256xf32> -> vector<1024x256xf32>
    %add3A_2285 = vector.broadcast %mul3A_29 : vector<1x256xf32> to vector<1024x256xf32>
    %add3A_2286 = arith.addf %dot_general3A_2284, %add3A_2285 : vector<1024x256xf32>
    %tanh3A_2287 = math.tanh %add3A_2286 : vector<1024x256xf32>
    %mul3A_2288 = arith.constant 5.000000e-01 : f32
    %mul3A_2289 = vector.broadcast %mul3A_2288 : f32 to vector<1024x256xf32>
    %mul3A_2290 = arith.mulf %mul3A_2289, %tanh3A_2287 : vector<1024x256xf32>
    %add3A_2291 = arith.constant 5.000000e-01 : f32
    %add3A_2292 = vector.broadcast %add3A_2291 : f32 to vector<1024x256xf32>
    %add3A_2293 = arith.addf %mul3A_2290, %add3A_2292 : vector<1024x256xf32>
    %slice3A_2294 = vector.extract_strided_slice %add3A_2293 {offsets = [0, 0], sizes = [1024, 128], strides = [1, 1]} : vector<1024x256xf32> to vector<1024x128xf32>
    %slice3A_2295 = vector.extract_strided_slice %reshape3A_2281 {offsets = [0, 0], sizes = [1024, 128], strides = [1, 1]} : vector<1024x256xf32> to vector<1024x128xf32>
    %mul3A_2296 = arith.mulf %slice3A_2294, %slice3A_2295 : vector<1024x128xf32>
    %slice3A_2297 = vector.extract_strided_slice %add3A_2293 {offsets = [0, 128], sizes = [1024, 128], strides = [1, 1]} : vector<1024x256xf32> to vector<1024x128xf32>
    %slice3A_2298 = vector.extract_strided_slice %reshape3A_2281 {offsets = [0, 128], sizes = [1024, 128], strides = [1, 1]} : vector<1024x256xf32> to vector<1024x128xf32>
    %mul3A_2299 = arith.mulf %slice3A_2297, %slice3A_2298 : vector<1024x128xf32>
    %add3A_2300 = arith.addf %mul3A_2296, %mul3A_2299 : vector<1024x128xf32>
    %dot_general3A_2301 = arith.constant dense<0.000000e+00> : vector<1024x384xf32>
    %dot_general3A_2302 = tpu.matmul %convert_element_type3A_2282, %convert_element_type3A_12, %dot_general3A_2301 {dimension_numbers = #tpu.dot_dimension_numbers<[1], [0], [0], [1], [0, 0, 1, 1], [], []>, transpose_lhs_hint = false} : vector<1024x256xbf16>, vector<256x384xbf16>, vector<1024x384xf32> -> vector<1024x384xf32>
    %add3A_2303 = vector.broadcast %mul3A_23 : vector<1x384xf32> to vector<1024x384xf32>
    %add3A_2304 = arith.addf %dot_general3A_2302, %add3A_2303 : vector<1024x384xf32>
    %slice3A_2305 = vector.extract_strided_slice %add3A_2304 {offsets = [0, 0], sizes = [1024, 128], strides = [1, 1]} : vector<1024x384xf32> to vector<1024x128xf32>
    %slice3A_2306 = vector.extract_strided_slice %add3A_2304 {offsets = [0, 128], sizes = [1024, 128], strides = [1, 1]} : vector<1024x384xf32> to vector<1024x128xf32>
    %slice3A_2307 = vector.extract_strided_slice %add3A_2304 {offsets = [0, 256], sizes = [1024, 128], strides = [1, 1]} : vector<1024x384xf32> to vector<1024x128xf32>
    %tanh3A_2308 = math.tanh %slice3A_2305 : vector<1024x128xf32>
    %mul3A_2309 = arith.constant 5.000000e-01 : f32
    %mul3A_2310 = vector.broadcast %mul3A_2309 : f32 to vector<1024x128xf32>
    %mul3A_2311 = arith.mulf %mul3A_2310, %tanh3A_2308 : vector<1024x128xf32>
    %add3A_2312 = arith.constant 5.000000e-01 : f32
    %add3A_2313 = vector.broadcast %add3A_2312 : f32 to vector<1024x128xf32>
    %add3A_2314 = arith.addf %mul3A_2311, %add3A_2313 : vector<1024x128xf32>
    %tanh3A_2315 = math.tanh %slice3A_2307 : vector<1024x128xf32>
    %mul3A_2316 = arith.mulf %add3A_2314, %tanh3A_2315 : vector<1024x128xf32>
    %add3A_2317 = arith.addf %mul3A_2316, %add3A_2300 : vector<1024x128xf32>
    %tanh3A_2318 = math.tanh %slice3A_2306 : vector<1024x128xf32>
    %mul3A_2319 = arith.constant 5.000000e-01 : f32
    %mul3A_2320 = vector.broadcast %mul3A_2319 : f32 to vector<1024x128xf32>
    %mul3A_2321 = arith.mulf %mul3A_2320, %tanh3A_2318 : vector<1024x128xf32>
    %add3A_2322 = arith.constant 5.000000e-01 : f32
    %add3A_2323 = vector.broadcast %add3A_2322 : f32 to vector<1024x128xf32>
    %add3A_2324 = arith.addf %mul3A_2321, %add3A_2323 : vector<1024x128xf32>
    %tanh3A_2325 = math.tanh %add3A_2317 : vector<1024x128xf32>
    %mul3A_2326 = arith.mulf %add3A_2324, %tanh3A_2325 : vector<1024x128xf32>
    %swap3A_2327 = arith.constant 14336 : index
    %swap3A_2328 = arith.constant 0 : index
    %swap3A_2329 = vector.load %arg9[%swap3A_2327, %swap3A_2328] : memref<16384x128xf32, #tpu.memory_space<vmem>>, vector<1024x128xf32>
    tpu.vector_store %arg9[%swap3A_2327, %swap3A_2328], %mul3A_2326 {strides = array<i32>} : memref<16384x128xf32, #tpu.memory_space<vmem>>, vector<1024x128xf32>,
    %swap3A_2330 = arith.constant 14336 : index
    %swap3A_2331 = arith.constant 0 : index
    %swap3A_2332 = vector.load %arg10[%swap3A_2330, %swap3A_2331] : memref<16384x128xf32, #tpu.memory_space<vmem>>, vector<1024x128xf32>
    tpu.vector_store %arg10[%swap3A_2330, %swap3A_2331], %add3A_2317 {strides = array<i32>} : memref<16384x128xf32, #tpu.memory_space<vmem>>, vector<1024x128xf32>,
    %convert_element_type3A_2333 = arith.truncf %mul3A_2326 : vector<1024x128xf32> to vector<1024x128xbf16>
    %dot_general3A_2334 = arith.constant dense<0.000000e+00> : vector<1024x5xf32>
    %dot_general3A_2335 = tpu.matmul %convert_element_type3A_2333, %convert_element_type3A_33, %dot_general3A_2334 {dimension_numbers = #tpu.dot_dimension_numbers<[1], [0], [0], [1], [0, 0, 1, 1], [], []>, transpose_lhs_hint = false} : vector<1024x128xbf16>, vector<128x5xbf16>, vector<1024x5xf32> -> vector<1024x5xf32>
    %add3A_2336 = vector.broadcast %get3A_36 : vector<1x5xf32> to vector<1024x5xf32>
    %add3A_2337 = arith.addf %dot_general3A_2335, %add3A_2336 : vector<1024x5xf32>
    %dma_wait3A_2338 = arith.constant 1 : i32
    %dma_wait3A_2339 = arith.constant 28671 : i32
    %dma_wait3A_2340 = arith.constant 0 : i32
    %dma_wait3A_2341 = tpu.memref_slice %arg8[%dma_wait3A_2339, %dma_wait3A_2340] : memref<65535x5xf32, #tpu.memory_space<hbm>> -> memref<1024x5xf32, #tpu.memory_space<hbm>>
    %dma_wait3A_2342 = arith.constant 0 : i32
    %dma_wait3A_2343 = arith.constant 0 : i32
    %dma_wait3A_2344 = tpu.memref_slice %arg13[%dma_wait3A_2338, %dma_wait3A_2342, %dma_wait3A_2343] : memref<4x2048x5xf32, #tpu.memory_space<vmem>> -> memref<1x1024x5xf32, #tpu.memory_space<vmem>>
    %dma_wait3A_2345 = tpu.memref_squeeze %dma_wait3A_2344 : memref<1x1024x5xf32, #tpu.memory_space<vmem>> -> memref<1024x5xf32, #tpu.memory_space<vmem>>
    tpu.wait_dma2 semaphore(%arg15 : memref<!tpu.dma_semaphore, #tpu.memory_space<semaphore_mem>>) src(%dma_wait3A_2345 : memref<1024x5xf32, #tpu.memory_space<vmem>>) dst(%dma_wait3A_2341 : memref<1024x5xf32, #tpu.memory_space<hbm>>)
    %swap3A_2346 = arith.constant 1 : index
    %swap3A_2347 = arith.constant 0 : index
    %swap3A_2348 = arith.constant 0 : index
    %swap3A_2349 = vector.load %arg13[%swap3A_2346, %swap3A_2347, %swap3A_2348] : memref<4x2048x5xf32, #tpu.memory_space<vmem>>, vector<1x1024x5xf32>
    %swap3A_2350 = vector.shape_cast %swap3A_2349 : vector<1x1024x5xf32> to vector<1024x5xf32>
    %swap3A_2351 = vector.shape_cast %add3A_2337 : vector<1024x5xf32> to vector<1x1024x5xf32>
    tpu.vector_store %arg13[%swap3A_2346, %swap3A_2347, %swap3A_2348], %swap3A_2351 {strides = array<i32>} : memref<4x2048x5xf32, #tpu.memory_space<vmem>>, vector<1x1024x5xf32>,
    %dma_start3A_2352 = arith.constant 1 : i32
    %dma_start3A_2353 = arith.constant 30719 : i32
    %dma_start3A_2354 = arith.constant 0 : i32
    %dma_start3A_2355 = tpu.memref_slice %arg8[%dma_start3A_2353, %dma_start3A_2354] : memref<65535x5xf32, #tpu.memory_space<hbm>> -> memref<1024x5xf32, #tpu.memory_space<hbm>>
    %dma_start3A_2356 = arith.constant 0 : i32
    %dma_start3A_2357 = arith.constant 0 : i32
    %dma_start3A_2358 = tpu.memref_slice %arg13[%dma_start3A_2352, %dma_start3A_2356, %dma_start3A_2357] : memref<4x2048x5xf32, #tpu.memory_space<vmem>> -> memref<1x1024x5xf32, #tpu.memory_space<vmem>>
    %dma_start3A_2359 = tpu.memref_squeeze %dma_start3A_2358 : memref<1x1024x5xf32, #tpu.memory_space<vmem>> -> memref<1024x5xf32, #tpu.memory_space<vmem>>
    tpu.enqueue_dma source(%dma_start3A_2359 : memref<1024x5xf32, #tpu.memory_space<vmem>>) target(%dma_start3A_2355 : memref<1024x5xf32, #tpu.memory_space<hbm>>) target_semaphore(%arg15 : memref<!tpu.dma_semaphore, #tpu.memory_space<semaphore_mem>>)
    %dma_wait3A_2360 = arith.constant 1 : i32
    %dma_wait3A_2361 = arith.constant 0 : i32
    %dma_wait3A_2362 = arith.constant 0 : i32
    %dma_wait3A_2363 = tpu.memref_slice %arg14[%dma_wait3A_2360, %dma_wait3A_2361, %dma_wait3A_2362] : memref<2x2048x128xf32, #tpu.memory_space<vmem>> -> memref<1x2048x128xf32, #tpu.memory_space<vmem>>
    %dma_wait3A_2364 = tpu.memref_squeeze %dma_wait3A_2363 : memref<1x2048x128xf32, #tpu.memory_space<vmem>> -> memref<2048x128xf32, #tpu.memory_space<vmem>>
    %dma_wait3A_2365 = arith.constant 30720 : i32
    %dma_wait3A_2366 = arith.constant 0 : i32
    %dma_wait3A_2367 = tpu.memref_slice %arg0[%dma_wait3A_2365, %dma_wait3A_2366] : memref<32768x128xf32, #tpu.memory_space<hbm>> -> memref<2048x128xf32, #tpu.memory_space<hbm>>
    tpu.wait_dma2 semaphore(%arg16 : memref<!tpu.dma_semaphore, #tpu.memory_space<semaphore_mem>>) src(%dma_wait3A_2367 : memref<2048x128xf32, #tpu.memory_space<hbm>>) dst(%dma_wait3A_2364 : memref<2048x128xf32, #tpu.memory_space<vmem>>)
    %get3A_2368 = arith.constant 1 : index
    %get3A_2369 = arith.constant 0 : index
    %get3A_2370 = arith.constant 0 : index
    %get3A_2371 = vector.load %arg14[%get3A_2368, %get3A_2369, %get3A_2370] : memref<2x2048x128xf32, #tpu.memory_space<vmem>>, vector<1x2048x128xf32>
    %get3A_2372 = vector.shape_cast %get3A_2371 : vector<1x2048x128xf32> to vector<2048x128xf32>
    %convert_element_type3A_2373 = arith.truncf %get3A_2372 : vector<2048x128xf32> to vector<2048x128xbf16>
    %dot_general3A_2374 = arith.constant dense<0.000000e+00> : vector<2048x384xf32>
    %dot_general3A_2375 = tpu.matmul %convert_element_type3A_2373, %convert_element_type3A, %dot_general3A_2374 {dimension_numbers = #tpu.dot_dimension_numbers<[1], [0], [0], [1], [0, 0, 1, 1], [], []>, transpose_lhs_hint = false} : vector<2048x128xbf16>, vector<128x384xbf16>, vector<2048x384xf32> -> vector<2048x384xf32>
    %add3A_2376 = vector.broadcast %mul3A_23 : vector<1x384xf32> to vector<2048x384xf32>
    %add3A_2377 = arith.addf %dot_general3A_2375, %add3A_2376 : vector<2048x384xf32>
    %slice3A_2378 = vector.extract_strided_slice %add3A_2377 {offsets = [0, 0], sizes = [2048, 128], strides = [1, 1]} : vector<2048x384xf32> to vector<2048x128xf32>
    %slice3A_2379 = vector.extract_strided_slice %add3A_2377 {offsets = [0, 128], sizes = [2048, 128], strides = [1, 1]} : vector<2048x384xf32> to vector<2048x128xf32>
    %slice3A_2380 = vector.extract_strided_slice %add3A_2377 {offsets = [0, 256], sizes = [2048, 128], strides = [1, 1]} : vector<2048x384xf32> to vector<2048x128xf32>
    %tanh3A_2381 = math.tanh %slice3A_2378 : vector<2048x128xf32>
    %mul3A_2382 = arith.constant 5.000000e-01 : f32
    %mul3A_2383 = vector.broadcast %mul3A_2382 : f32 to vector<2048x128xf32>
    %mul3A_2384 = arith.mulf %mul3A_2383, %tanh3A_2381 : vector<2048x128xf32>
    %add3A_2385 = arith.constant 5.000000e-01 : f32
    %add3A_2386 = vector.broadcast %add3A_2385 : f32 to vector<2048x128xf32>
    %add3A_2387 = arith.addf %mul3A_2384, %add3A_2386 : vector<2048x128xf32>
    %tanh3A_2388 = math.tanh %slice3A_2380 : vector<2048x128xf32>
    %mul3A_2389 = arith.mulf %add3A_2387, %tanh3A_2388 : vector<2048x128xf32>
    %add3A_2390 = arith.constant 0.000000e+00 : f32
    %add3A_2391 = vector.broadcast %add3A_2390 : f32 to vector<2048x128xf32>
    %add3A_2392 = arith.addf %mul3A_2389, %add3A_2391 : vector<2048x128xf32>
    %tanh3A_2393 = math.tanh %slice3A_2379 : vector<2048x128xf32>
    %mul3A_2394 = arith.constant 5.000000e-01 : f32
    %mul3A_2395 = vector.broadcast %mul3A_2394 : f32 to vector<2048x128xf32>
    %mul3A_2396 = arith.mulf %mul3A_2395, %tanh3A_2393 : vector<2048x128xf32>
    %add3A_2397 = arith.constant 5.000000e-01 : f32
    %add3A_2398 = vector.broadcast %add3A_2397 : f32 to vector<2048x128xf32>
    %add3A_2399 = arith.addf %mul3A_2396, %add3A_2398 : vector<2048x128xf32>
    %tanh3A_2400 = math.tanh %add3A_2392 : vector<2048x128xf32>
    %mul3A_2401 = arith.mulf %add3A_2399, %tanh3A_2400 : vector<2048x128xf32>
    %convert_element_type3A_2402 = arith.truncf %mul3A_2401 : vector<2048x128xf32> to vector<2048x128xbf16>
    %dot_general3A_2403 = arith.constant dense<0.000000e+00> : vector<2048x5xf32>
    %dot_general3A_2404 = tpu.matmul %convert_element_type3A_2402, %convert_element_type3A_33, %dot_general3A_2403 {dimension_numbers = #tpu.dot_dimension_numbers<[1], [0], [0], [1], [0, 0, 1, 1], [], []>, transpose_lhs_hint = false} : vector<2048x128xbf16>, vector<128x5xbf16>, vector<2048x5xf32> -> vector<2048x5xf32>
    %add3A_2405 = vector.broadcast %get3A_36 : vector<1x5xf32> to vector<2048x5xf32>
    %add3A_2406 = arith.addf %dot_general3A_2404, %add3A_2405 : vector<2048x5xf32>
    %dma_wait3A_2407 = arith.constant 2 : i32
    %dma_wait3A_2408 = arith.constant 59391 : i32
    %dma_wait3A_2409 = arith.constant 0 : i32
    %dma_wait3A_2410 = tpu.memref_slice %arg8[%dma_wait3A_2408, %dma_wait3A_2409] : memref<65535x5xf32, #tpu.memory_space<hbm>> -> memref<2048x5xf32, #tpu.memory_space<hbm>>
    %dma_wait3A_2411 = arith.constant 0 : i32
    %dma_wait3A_2412 = arith.constant 0 : i32
    %dma_wait3A_2413 = tpu.memref_slice %arg13[%dma_wait3A_2407, %dma_wait3A_2411, %dma_wait3A_2412] : memref<4x2048x5xf32, #tpu.memory_space<vmem>> -> memref<1x2048x5xf32, #tpu.memory_space<vmem>>
    %dma_wait3A_2414 = tpu.memref_squeeze %dma_wait3A_2413 : memref<1x2048x5xf32, #tpu.memory_space<vmem>> -> memref<2048x5xf32, #tpu.memory_space<vmem>>
    tpu.wait_dma2 semaphore(%arg15 : memref<!tpu.dma_semaphore, #tpu.memory_space<semaphore_mem>>) src(%dma_wait3A_2414 : memref<2048x5xf32, #tpu.memory_space<vmem>>) dst(%dma_wait3A_2410 : memref<2048x5xf32, #tpu.memory_space<hbm>>)
    %swap3A_2415 = arith.constant 2 : index
    %swap3A_2416 = arith.constant 0 : index
    %swap3A_2417 = arith.constant 0 : index
    %swap3A_2418 = vector.load %arg13[%swap3A_2415, %swap3A_2416, %swap3A_2417] : memref<4x2048x5xf32, #tpu.memory_space<vmem>>, vector<1x2048x5xf32>
    %swap3A_2419 = vector.shape_cast %swap3A_2418 : vector<1x2048x5xf32> to vector<2048x5xf32>
    %swap3A_2420 = vector.shape_cast %add3A_2406 : vector<2048x5xf32> to vector<1x2048x5xf32>
    tpu.vector_store %arg13[%swap3A_2415, %swap3A_2416, %swap3A_2417], %swap3A_2420 {strides = array<i32>} : memref<4x2048x5xf32, #tpu.memory_space<vmem>>, vector<1x2048x5xf32>,
    %dma_start3A_2421 = arith.constant 2 : i32
    %dma_start3A_2422 = arith.constant 63487 : i32
    %dma_start3A_2423 = arith.constant 0 : i32
    %dma_start3A_2424 = tpu.memref_slice %arg8[%dma_start3A_2422, %dma_start3A_2423] : memref<65535x5xf32, #tpu.memory_space<hbm>> -> memref<2048x5xf32, #tpu.memory_space<hbm>>
    %dma_start3A_2425 = arith.constant 0 : i32
    %dma_start3A_2426 = arith.constant 0 : i32
    %dma_start3A_2427 = tpu.memref_slice %arg13[%dma_start3A_2421, %dma_start3A_2425, %dma_start3A_2426] : memref<4x2048x5xf32, #tpu.memory_space<vmem>> -> memref<1x2048x5xf32, #tpu.memory_space<vmem>>
    %dma_start3A_2428 = tpu.memref_squeeze %dma_start3A_2427 : memref<1x2048x5xf32, #tpu.memory_space<vmem>> -> memref<2048x5xf32, #tpu.memory_space<vmem>>
    tpu.enqueue_dma source(%dma_start3A_2428 : memref<2048x5xf32, #tpu.memory_space<vmem>>) target(%dma_start3A_2424 : memref<2048x5xf32, #tpu.memory_space<hbm>>) target_semaphore(%arg15 : memref<!tpu.dma_semaphore, #tpu.memory_space<semaphore_mem>>)
    %reshape3A_2429 = vector.shape_cast %mul3A_2401 : vector<2048x128xf32> to vector<1024x256xf32>
    %reshape3A_2430 = vector.shape_cast %add3A_2392 : vector<2048x128xf32> to vector<1024x256xf32>
    %convert_element_type3A_2431 = arith.truncf %reshape3A_2429 : vector<1024x256xf32> to vector<1024x256xbf16>
    %dot_general3A_2432 = arith.constant dense<0.000000e+00> : vector<1024x256xf32>
    %dot_general3A_2433 = tpu.matmul %convert_element_type3A_2431, %convert_element_type3A_19, %dot_general3A_2432 {dimension_numbers = #tpu.dot_dimension_numbers<[1], [0], [0], [1], [0, 0, 1, 1], [], []>, transpose_lhs_hint = false} : vector<1024x256xbf16>, vector<256x256xbf16>, vector<1024x256xf32> -> vector<1024x256xf32>
    %add3A_2434 = vector.broadcast %mul3A_29 : vector<1x256xf32> to vector<1024x256xf32>
    %add3A_2435 = arith.addf %dot_general3A_2433, %add3A_2434 : vector<1024x256xf32>
    %tanh3A_2436 = math.tanh %add3A_2435 : vector<1024x256xf32>
    %mul3A_2437 = arith.constant 5.000000e-01 : f32
    %mul3A_2438 = vector.broadcast %mul3A_2437 : f32 to vector<1024x256xf32>
    %mul3A_2439 = arith.mulf %mul3A_2438, %tanh3A_2436 : vector<1024x256xf32>
    %add3A_2440 = arith.constant 5.000000e-01 : f32
    %add3A_2441 = vector.broadcast %add3A_2440 : f32 to vector<1024x256xf32>
    %add3A_2442 = arith.addf %mul3A_2439, %add3A_2441 : vector<1024x256xf32>
    %slice3A_2443 = vector.extract_strided_slice %add3A_2442 {offsets = [0, 0], sizes = [1024, 128], strides = [1, 1]} : vector<1024x256xf32> to vector<1024x128xf32>
    %slice3A_2444 = vector.extract_strided_slice %reshape3A_2430 {offsets = [0, 0], sizes = [1024, 128], strides = [1, 1]} : vector<1024x256xf32> to vector<1024x128xf32>
    %mul3A_2445 = arith.mulf %slice3A_2443, %slice3A_2444 : vector<1024x128xf32>
    %slice3A_2446 = vector.extract_strided_slice %add3A_2442 {offsets = [0, 128], sizes = [1024, 128], strides = [1, 1]} : vector<1024x256xf32> to vector<1024x128xf32>
    %slice3A_2447 = vector.extract_strided_slice %reshape3A_2430 {offsets = [0, 128], sizes = [1024, 128], strides = [1, 1]} : vector<1024x256xf32> to vector<1024x128xf32>
    %mul3A_2448 = arith.mulf %slice3A_2446, %slice3A_2447 : vector<1024x128xf32>
    %add3A_2449 = arith.addf %mul3A_2445, %mul3A_2448 : vector<1024x128xf32>
    %dot_general3A_2450 = arith.constant dense<0.000000e+00> : vector<1024x384xf32>
    %dot_general3A_2451 = tpu.matmul %convert_element_type3A_2431, %convert_element_type3A_12, %dot_general3A_2450 {dimension_numbers = #tpu.dot_dimension_numbers<[1], [0], [0], [1], [0, 0, 1, 1], [], []>, transpose_lhs_hint = false} : vector<1024x256xbf16>, vector<256x384xbf16>, vector<1024x384xf32> -> vector<1024x384xf32>
    %add3A_2452 = vector.broadcast %mul3A_23 : vector<1x384xf32> to vector<1024x384xf32>
    %add3A_2453 = arith.addf %dot_general3A_2451, %add3A_2452 : vector<1024x384xf32>
    %slice3A_2454 = vector.extract_strided_slice %add3A_2453 {offsets = [0, 0], sizes = [1024, 128], strides = [1, 1]} : vector<1024x384xf32> to vector<1024x128xf32>
    %slice3A_2455 = vector.extract_strided_slice %add3A_2453 {offsets = [0, 128], sizes = [1024, 128], strides = [1, 1]} : vector<1024x384xf32> to vector<1024x128xf32>
    %slice3A_2456 = vector.extract_strided_slice %add3A_2453 {offsets = [0, 256], sizes = [1024, 128], strides = [1, 1]} : vector<1024x384xf32> to vector<1024x128xf32>
    %tanh3A_2457 = math.tanh %slice3A_2454 : vector<1024x128xf32>
    %mul3A_2458 = arith.constant 5.000000e-01 : f32
    %mul3A_2459 = vector.broadcast %mul3A_2458 : f32 to vector<1024x128xf32>
    %mul3A_2460 = arith.mulf %mul3A_2459, %tanh3A_2457 : vector<1024x128xf32>
    %add3A_2461 = arith.constant 5.000000e-01 : f32
    %add3A_2462 = vector.broadcast %add3A_2461 : f32 to vector<1024x128xf32>
    %add3A_2463 = arith.addf %mul3A_2460, %add3A_2462 : vector<1024x128xf32>
    %tanh3A_2464 = math.tanh %slice3A_2456 : vector<1024x128xf32>
    %mul3A_2465 = arith.mulf %add3A_2463, %tanh3A_2464 : vector<1024x128xf32>
    %add3A_2466 = arith.addf %mul3A_2465, %add3A_2449 : vector<1024x128xf32>
    %tanh3A_2467 = math.tanh %slice3A_2455 : vector<1024x128xf32>
    %mul3A_2468 = arith.constant 5.000000e-01 : f32
    %mul3A_2469 = vector.broadcast %mul3A_2468 : f32 to vector<1024x128xf32>
    %mul3A_2470 = arith.mulf %mul3A_2469, %tanh3A_2467 : vector<1024x128xf32>
    %add3A_2471 = arith.constant 5.000000e-01 : f32
    %add3A_2472 = vector.broadcast %add3A_2471 : f32 to vector<1024x128xf32>
    %add3A_2473 = arith.addf %mul3A_2470, %add3A_2472 : vector<1024x128xf32>
    %tanh3A_2474 = math.tanh %add3A_2466 : vector<1024x128xf32>
    %mul3A_2475 = arith.mulf %add3A_2473, %tanh3A_2474 : vector<1024x128xf32>
    %swap3A_2476 = arith.constant 15360 : index
    %swap3A_2477 = arith.constant 0 : index
    %swap3A_2478 = vector.load %arg9[%swap3A_2476, %swap3A_2477] : memref<16384x128xf32, #tpu.memory_space<vmem>>, vector<1024x128xf32>
    tpu.vector_store %arg9[%swap3A_2476, %swap3A_2477], %mul3A_2475 {strides = array<i32>} : memref<16384x128xf32, #tpu.memory_space<vmem>>, vector<1024x128xf32>,
    %swap3A_2479 = arith.constant 15360 : index
    %swap3A_2480 = arith.constant 0 : index
    %swap3A_2481 = vector.load %arg10[%swap3A_2479, %swap3A_2480] : memref<16384x128xf32, #tpu.memory_space<vmem>>, vector<1024x128xf32>
    tpu.vector_store %arg10[%swap3A_2479, %swap3A_2480], %add3A_2466 {strides = array<i32>} : memref<16384x128xf32, #tpu.memory_space<vmem>>, vector<1024x128xf32>,
    %convert_element_type3A_2482 = arith.truncf %mul3A_2475 : vector<1024x128xf32> to vector<1024x128xbf16>
    %dot_general3A_2483 = arith.constant dense<0.000000e+00> : vector<1024x5xf32>
    %dot_general3A_2484 = tpu.matmul %convert_element_type3A_2482, %convert_element_type3A_33, %dot_general3A_2483 {dimension_numbers = #tpu.dot_dimension_numbers<[1], [0], [0], [1], [0, 0, 1, 1], [], []>, transpose_lhs_hint = false} : vector<1024x128xbf16>, vector<128x5xbf16>, vector<1024x5xf32> -> vector<1024x5xf32>
    %add3A_2485 = vector.broadcast %get3A_36 : vector<1x5xf32> to vector<1024x5xf32>
    %add3A_2486 = arith.addf %dot_general3A_2484, %add3A_2485 : vector<1024x5xf32>
    %dma_wait3A_2487 = arith.constant 3 : i32
    %dma_wait3A_2488 = arith.constant 29695 : i32
    %dma_wait3A_2489 = arith.constant 0 : i32
    %dma_wait3A_2490 = tpu.memref_slice %arg8[%dma_wait3A_2488, %dma_wait3A_2489] : memref<65535x5xf32, #tpu.memory_space<hbm>> -> memref<1024x5xf32, #tpu.memory_space<hbm>>
    %dma_wait3A_2491 = arith.constant 0 : i32
    %dma_wait3A_2492 = arith.constant 0 : i32
    %dma_wait3A_2493 = tpu.memref_slice %arg13[%dma_wait3A_2487, %dma_wait3A_2491, %dma_wait3A_2492] : memref<4x2048x5xf32, #tpu.memory_space<vmem>> -> memref<1x1024x5xf32, #tpu.memory_space<vmem>>
    %dma_wait3A_2494 = tpu.memref_squeeze %dma_wait3A_2493 : memref<1x1024x5xf32, #tpu.memory_space<vmem>> -> memref<1024x5xf32, #tpu.memory_space<vmem>>
    tpu.wait_dma2 semaphore(%arg15 : memref<!tpu.dma_semaphore, #tpu.memory_space<semaphore_mem>>) src(%dma_wait3A_2494 : memref<1024x5xf32, #tpu.memory_space<vmem>>) dst(%dma_wait3A_2490 : memref<1024x5xf32, #tpu.memory_space<hbm>>)
    %swap3A_2495 = arith.constant 3 : index
    %swap3A_2496 = arith.constant 0 : index
    %swap3A_2497 = arith.constant 0 : index
    %swap3A_2498 = vector.load %arg13[%swap3A_2495, %swap3A_2496, %swap3A_2497] : memref<4x2048x5xf32, #tpu.memory_space<vmem>>, vector<1x1024x5xf32>
    %swap3A_2499 = vector.shape_cast %swap3A_2498 : vector<1x1024x5xf32> to vector<1024x5xf32>
    %swap3A_2500 = vector.shape_cast %add3A_2486 : vector<1024x5xf32> to vector<1x1024x5xf32>
    tpu.vector_store %arg13[%swap3A_2495, %swap3A_2496, %swap3A_2497], %swap3A_2500 {strides = array<i32>} : memref<4x2048x5xf32, #tpu.memory_space<vmem>>, vector<1x1024x5xf32>,
    %dma_start3A_2501 = arith.constant 3 : i32
    %dma_start3A_2502 = arith.constant 31743 : i32
    %dma_start3A_2503 = arith.constant 0 : i32
    %dma_start3A_2504 = tpu.memref_slice %arg8[%dma_start3A_2502, %dma_start3A_2503] : memref<65535x5xf32, #tpu.memory_space<hbm>> -> memref<1024x5xf32, #tpu.memory_space<hbm>>
    %dma_start3A_2505 = arith.constant 0 : i32
    %dma_start3A_2506 = arith.constant 0 : i32
    %dma_start3A_2507 = tpu.memref_slice %arg13[%dma_start3A_2501, %dma_start3A_2505, %dma_start3A_2506] : memref<4x2048x5xf32, #tpu.memory_space<vmem>> -> memref<1x1024x5xf32, #tpu.memory_space<vmem>>
    %dma_start3A_2508 = tpu.memref_squeeze %dma_start3A_2507 : memref<1x1024x5xf32, #tpu.memory_space<vmem>> -> memref<1024x5xf32, #tpu.memory_space<vmem>>
    tpu.enqueue_dma source(%dma_start3A_2508 : memref<1024x5xf32, #tpu.memory_space<vmem>>) target(%dma_start3A_2504 : memref<1024x5xf32, #tpu.memory_space<hbm>>) target_semaphore(%arg15 : memref<!tpu.dma_semaphore, #tpu.memory_space<semaphore_mem>>)
    %get3A_2509 = arith.constant 0 : index
    %get3A_2510 = arith.constant 0 : index
    %get3A_2511 = vector.load %arg9[%get3A_2509, %get3A_2510] : memref<16384x128xf32, #tpu.memory_space<vmem>>, vector<4096x128xf32>
    %get3A_2512 = arith.constant 0 : index
    %get3A_2513 = arith.constant 0 : index
    %get3A_2514 = vector.load %arg10[%get3A_2512, %get3A_2513] : memref<16384x128xf32, #tpu.memory_space<vmem>>, vector<4096x128xf32>
    %reshape3A_2515 = vector.shape_cast %get3A_2511 : vector<4096x128xf32> to vector<2048x256xf32>
    %reshape3A_2516 = vector.shape_cast %get3A_2514 : vector<4096x128xf32> to vector<2048x256xf32>
    %convert_element_type3A_2517 = arith.truncf %reshape3A_2515 : vector<2048x256xf32> to vector<2048x256xbf16>
    %dot_general3A_2518 = arith.constant dense<0.000000e+00> : vector<2048x256xf32>
    %dot_general3A_2519 = tpu.matmul %convert_element_type3A_2517, %convert_element_type3A_19, %dot_general3A_2518 {dimension_numbers = #tpu.dot_dimension_numbers<[1], [0], [0], [1], [0, 0, 1, 1], [], []>, transpose_lhs_hint = false} : vector<2048x256xbf16>, vector<256x256xbf16>, vector<2048x256xf32> -> vector<2048x256xf32>
    %add3A_2520 = vector.broadcast %mul3A_29 : vector<1x256xf32> to vector<2048x256xf32>
    %add3A_2521 = arith.addf %dot_general3A_2519, %add3A_2520 : vector<2048x256xf32>
    %tanh3A_2522 = math.tanh %add3A_2521 : vector<2048x256xf32>
    %mul3A_2523 = arith.constant 5.000000e-01 : f32
    %mul3A_2524 = vector.broadcast %mul3A_2523 : f32 to vector<2048x256xf32>
    %mul3A_2525 = arith.mulf %mul3A_2524, %tanh3A_2522 : vector<2048x256xf32>
    %add3A_2526 = arith.constant 5.000000e-01 : f32
    %add3A_2527 = vector.broadcast %add3A_2526 : f32 to vector<2048x256xf32>
    %add3A_2528 = arith.addf %mul3A_2525, %add3A_2527 : vector<2048x256xf32>
    %slice3A_2529 = vector.extract_strided_slice %add3A_2528 {offsets = [0, 0], sizes = [2048, 128], strides = [1, 1]} : vector<2048x256xf32> to vector<2048x128xf32>
    %slice3A_2530 = vector.extract_strided_slice %reshape3A_2516 {offsets = [0, 0], sizes = [2048, 128], strides = [1, 1]} : vector<2048x256xf32> to vector<2048x128xf32>
    %mul3A_2531 = arith.mulf %slice3A_2529, %slice3A_2530 : vector<2048x128xf32>
    %slice3A_2532 = vector.extract_strided_slice %add3A_2528 {offsets = [0, 128], sizes = [2048, 128], strides = [1, 1]} : vector<2048x256xf32> to vector<2048x128xf32>
    %slice3A_2533 = vector.extract_strided_slice %reshape3A_2516 {offsets = [0, 128], sizes = [2048, 128], strides = [1, 1]} : vector<2048x256xf32> to vector<2048x128xf32>
    %mul3A_2534 = arith.mulf %slice3A_2532, %slice3A_2533 : vector<2048x128xf32>
    %add3A_2535 = arith.addf %mul3A_2531, %mul3A_2534 : vector<2048x128xf32>
    %dot_general3A_2536 = arith.constant dense<0.000000e+00> : vector<2048x384xf32>
    %dot_general3A_2537 = tpu.matmul %convert_element_type3A_2517, %convert_element_type3A_12, %dot_general3A_2536 {dimension_numbers = #tpu.dot_dimension_numbers<[1], [0], [0], [1], [0, 0, 1, 1], [], []>, transpose_lhs_hint = false} : vector<2048x256xbf16>, vector<256x384xbf16>, vector<2048x384xf32> -> vector<2048x384xf32>
    %add3A_2538 = vector.broadcast %mul3A_23 : vector<1x384xf32> to vector<2048x384xf32>
    %add3A_2539 = arith.addf %dot_general3A_2537, %add3A_2538 : vector<2048x384xf32>
    %slice3A_2540 = vector.extract_strided_slice %add3A_2539 {offsets = [0, 0], sizes = [2048, 128], strides = [1, 1]} : vector<2048x384xf32> to vector<2048x128xf32>
    %slice3A_2541 = vector.extract_strided_slice %add3A_2539 {offsets = [0, 128], sizes = [2048, 128], strides = [1, 1]} : vector<2048x384xf32> to vector<2048x128xf32>
    %slice3A_2542 = vector.extract_strided_slice %add3A_2539 {offsets = [0, 256], sizes = [2048, 128], strides = [1, 1]} : vector<2048x384xf32> to vector<2048x128xf32>
    %tanh3A_2543 = math.tanh %slice3A_2540 : vector<2048x128xf32>
    %mul3A_2544 = arith.constant 5.000000e-01 : f32
    %mul3A_2545 = vector.broadcast %mul3A_2544 : f32 to vector<2048x128xf32>
    %mul3A_2546 = arith.mulf %mul3A_2545, %tanh3A_2543 : vector<2048x128xf32>
    %add3A_2547 = arith.constant 5.000000e-01 : f32
    %add3A_2548 = vector.broadcast %add3A_2547 : f32 to vector<2048x128xf32>
    %add3A_2549 = arith.addf %mul3A_2546, %add3A_2548 : vector<2048x128xf32>
    %tanh3A_2550 = math.tanh %slice3A_2542 : vector<2048x128xf32>
    %mul3A_2551 = arith.mulf %add3A_2549, %tanh3A_2550 : vector<2048x128xf32>
    %add3A_2552 = arith.addf %mul3A_2551, %add3A_2535 : vector<2048x128xf32>
    %tanh3A_2553 = math.tanh %slice3A_2541 : vector<2048x128xf32>
    %mul3A_2554 = arith.constant 5.000000e-01 : f32
    %mul3A_2555 = vector.broadcast %mul3A_2554 : f32 to vector<2048x128xf32>
    %mul3A_2556 = arith.mulf %mul3A_2555, %tanh3A_2553 : vector<2048x128xf32>
    %add3A_2557 = arith.constant 5.000000e-01 : f32
    %add3A_2558 = vector.broadcast %add3A_2557 : f32 to vector<2048x128xf32>
    %add3A_2559 = arith.addf %mul3A_2556, %add3A_2558 : vector<2048x128xf32>
    %tanh3A_2560 = math.tanh %add3A_2552 : vector<2048x128xf32>
    %mul3A_2561 = arith.mulf %add3A_2559, %tanh3A_2560 : vector<2048x128xf32>
    %swap3A_2562 = arith.constant 0 : index
    %swap3A_2563 = arith.constant 0 : index
    %swap3A_2564 = vector.load %arg11[%swap3A_2562, %swap3A_2563] : memref<8192x128xf32, #tpu.memory_space<vmem>>, vector<2048x128xf32>
    tpu.vector_store %arg11[%swap3A_2562, %swap3A_2563], %mul3A_2561 {strides = array<i32>} : memref<8192x128xf32, #tpu.memory_space<vmem>>, vector<2048x128xf32>,
    %swap3A_2565 = arith.constant 0 : index
    %swap3A_2566 = arith.constant 0 : index
    %swap3A_2567 = vector.load %arg12[%swap3A_2565, %swap3A_2566] : memref<8192x128xf32, #tpu.memory_space<vmem>>, vector<2048x128xf32>
    tpu.vector_store %arg12[%swap3A_2565, %swap3A_2566], %add3A_2552 {strides = array<i32>} : memref<8192x128xf32, #tpu.memory_space<vmem>>, vector<2048x128xf32>,
    %convert_element_type3A_2568 = arith.truncf %mul3A_2561 : vector<2048x128xf32> to vector<2048x128xbf16>
    %dot_general3A_2569 = arith.constant dense<0.000000e+00> : vector<2048x5xf32>
    %dot_general3A_2570 = tpu.matmul %convert_element_type3A_2568, %convert_element_type3A_33, %dot_general3A_2569 {dimension_numbers = #tpu.dot_dimension_numbers<[1], [0], [0], [1], [0, 0, 1, 1], [], []>, transpose_lhs_hint = false} : vector<2048x128xbf16>, vector<128x5xbf16>, vector<2048x5xf32> -> vector<2048x5xf32>
    %add3A_2571 = vector.broadcast %get3A_36 : vector<1x5xf32> to vector<2048x5xf32>
    %add3A_2572 = arith.addf %dot_general3A_2570, %add3A_2571 : vector<2048x5xf32>
    %dma_wait3A_2573 = arith.constant 0 : i32
    %dma_wait3A_2574 = arith.constant 61439 : i32
    %dma_wait3A_2575 = arith.constant 0 : i32
    %dma_wait3A_2576 = tpu.memref_slice %arg8[%dma_wait3A_2574, %dma_wait3A_2575] : memref<65535x5xf32, #tpu.memory_space<hbm>> -> memref<2048x5xf32, #tpu.memory_space<hbm>>
    %dma_wait3A_2577 = arith.constant 0 : i32
    %dma_wait3A_2578 = arith.constant 0 : i32
    %dma_wait3A_2579 = tpu.memref_slice %arg13[%dma_wait3A_2573, %dma_wait3A_2577, %dma_wait3A_2578] : memref<4x2048x5xf32, #tpu.memory_space<vmem>> -> memref<1x2048x5xf32, #tpu.memory_space<vmem>>
    %dma_wait3A_2580 = tpu.memref_squeeze %dma_wait3A_2579 : memref<1x2048x5xf32, #tpu.memory_space<vmem>> -> memref<2048x5xf32, #tpu.memory_space<vmem>>
    tpu.wait_dma2 semaphore(%arg15 : memref<!tpu.dma_semaphore, #tpu.memory_space<semaphore_mem>>) src(%dma_wait3A_2580 : memref<2048x5xf32, #tpu.memory_space<vmem>>) dst(%dma_wait3A_2576 : memref<2048x5xf32, #tpu.memory_space<hbm>>)
    %swap3A_2581 = arith.constant 0 : index
    %swap3A_2582 = arith.constant 0 : index
    %swap3A_2583 = arith.constant 0 : index
    %swap3A_2584 = vector.load %arg13[%swap3A_2581, %swap3A_2582, %swap3A_2583] : memref<4x2048x5xf32, #tpu.memory_space<vmem>>, vector<1x2048x5xf32>
    %swap3A_2585 = vector.shape_cast %swap3A_2584 : vector<1x2048x5xf32> to vector<2048x5xf32>
    %swap3A_2586 = vector.shape_cast %add3A_2572 : vector<2048x5xf32> to vector<1x2048x5xf32>
    tpu.vector_store %arg13[%swap3A_2581, %swap3A_2582, %swap3A_2583], %swap3A_2586 {strides = array<i32>} : memref<4x2048x5xf32, #tpu.memory_space<vmem>>, vector<1x2048x5xf32>,
    %dma_start3A_2587 = arith.constant 0 : i32
    %dma_start3A_2588 = arith.constant 8191 : i32
    %dma_start3A_2589 = arith.constant 0 : i32
    %dma_start3A_2590 = tpu.memref_slice %arg8[%dma_start3A_2588, %dma_start3A_2589] : memref<65535x5xf32, #tpu.memory_space<hbm>> -> memref<2048x5xf32, #tpu.memory_space<hbm>>
    %dma_start3A_2591 = arith.constant 0 : i32
    %dma_start3A_2592 = arith.constant 0 : i32
    %dma_start3A_2593 = tpu.memref_slice %arg13[%dma_start3A_2587, %dma_start3A_2591, %dma_start3A_2592] : memref<4x2048x5xf32, #tpu.memory_space<vmem>> -> memref<1x2048x5xf32, #tpu.memory_space<vmem>>
    %dma_start3A_2594 = tpu.memref_squeeze %dma_start3A_2593 : memref<1x2048x5xf32, #tpu.memory_space<vmem>> -> memref<2048x5xf32, #tpu.memory_space<vmem>>
    tpu.enqueue_dma source(%dma_start3A_2594 : memref<2048x5xf32, #tpu.memory_space<vmem>>) target(%dma_start3A_2590 : memref<2048x5xf32, #tpu.memory_space<hbm>>) target_semaphore(%arg15 : memref<!tpu.dma_semaphore, #tpu.memory_space<semaphore_mem>>)
    %get3A_2595 = arith.constant 4096 : index
    %get3A_2596 = arith.constant 0 : index
    %get3A_2597 = vector.load %arg9[%get3A_2595, %get3A_2596] : memref<16384x128xf32, #tpu.memory_space<vmem>>, vector<4096x128xf32>
    %get3A_2598 = arith.constant 4096 : index
    %get3A_2599 = arith.constant 0 : index
    %get3A_2600 = vector.load %arg10[%get3A_2598, %get3A_2599] : memref<16384x128xf32, #tpu.memory_space<vmem>>, vector<4096x128xf32>
    %reshape3A_2601 = vector.shape_cast %get3A_2597 : vector<4096x128xf32> to vector<2048x256xf32>
    %reshape3A_2602 = vector.shape_cast %get3A_2600 : vector<4096x128xf32> to vector<2048x256xf32>
    %convert_element_type3A_2603 = arith.truncf %reshape3A_2601 : vector<2048x256xf32> to vector<2048x256xbf16>
    %dot_general3A_2604 = arith.constant dense<0.000000e+00> : vector<2048x256xf32>
    %dot_general3A_2605 = tpu.matmul %convert_element_type3A_2603, %convert_element_type3A_19, %dot_general3A_2604 {dimension_numbers = #tpu.dot_dimension_numbers<[1], [0], [0], [1], [0, 0, 1, 1], [], []>, transpose_lhs_hint = false} : vector<2048x256xbf16>, vector<256x256xbf16>, vector<2048x256xf32> -> vector<2048x256xf32>
    %add3A_2606 = vector.broadcast %mul3A_29 : vector<1x256xf32> to vector<2048x256xf32>
    %add3A_2607 = arith.addf %dot_general3A_2605, %add3A_2606 : vector<2048x256xf32>
    %tanh3A_2608 = math.tanh %add3A_2607 : vector<2048x256xf32>
    %mul3A_2609 = arith.constant 5.000000e-01 : f32
    %mul3A_2610 = vector.broadcast %mul3A_2609 : f32 to vector<2048x256xf32>
    %mul3A_2611 = arith.mulf %mul3A_2610, %tanh3A_2608 : vector<2048x256xf32>
    %add3A_2612 = arith.constant 5.000000e-01 : f32
    %add3A_2613 = vector.broadcast %add3A_2612 : f32 to vector<2048x256xf32>
    %add3A_2614 = arith.addf %mul3A_2611, %add3A_2613 : vector<2048x256xf32>
    %slice3A_2615 = vector.extract_strided_slice %add3A_2614 {offsets = [0, 0], sizes = [2048, 128], strides = [1, 1]} : vector<2048x256xf32> to vector<2048x128xf32>
    %slice3A_2616 = vector.extract_strided_slice %reshape3A_2602 {offsets = [0, 0], sizes = [2048, 128], strides = [1, 1]} : vector<2048x256xf32> to vector<2048x128xf32>
    %mul3A_2617 = arith.mulf %slice3A_2615, %slice3A_2616 : vector<2048x128xf32>
    %slice3A_2618 = vector.extract_strided_slice %add3A_2614 {offsets = [0, 128], sizes = [2048, 128], strides = [1, 1]} : vector<2048x256xf32> to vector<2048x128xf32>
    %slice3A_2619 = vector.extract_strided_slice %reshape3A_2602 {offsets = [0, 128], sizes = [2048, 128], strides = [1, 1]} : vector<2048x256xf32> to vector<2048x128xf32>
    %mul3A_2620 = arith.mulf %slice3A_2618, %slice3A_2619 : vector<2048x128xf32>
    %add3A_2621 = arith.addf %mul3A_2617, %mul3A_2620 : vector<2048x128xf32>
    %dot_general3A_2622 = arith.constant dense<0.000000e+00> : vector<2048x384xf32>
    %dot_general3A_2623 = tpu.matmul %convert_element_type3A_2603, %convert_element_type3A_12, %dot_general3A_2622 {dimension_numbers = #tpu.dot_dimension_numbers<[1], [0], [0], [1], [0, 0, 1, 1], [], []>, transpose_lhs_hint = false} : vector<2048x256xbf16>, vector<256x384xbf16>, vector<2048x384xf32> -> vector<2048x384xf32>
    %add3A_2624 = vector.broadcast %mul3A_23 : vector<1x384xf32> to vector<2048x384xf32>
    %add3A_2625 = arith.addf %dot_general3A_2623, %add3A_2624 : vector<2048x384xf32>
    %slice3A_2626 = vector.extract_strided_slice %add3A_2625 {offsets = [0, 0], sizes = [2048, 128], strides = [1, 1]} : vector<2048x384xf32> to vector<2048x128xf32>
    %slice3A_2627 = vector.extract_strided_slice %add3A_2625 {offsets = [0, 128], sizes = [2048, 128], strides = [1, 1]} : vector<2048x384xf32> to vector<2048x128xf32>
    %slice3A_2628 = vector.extract_strided_slice %add3A_2625 {offsets = [0, 256], sizes = [2048, 128], strides = [1, 1]} : vector<2048x384xf32> to vector<2048x128xf32>
    %tanh3A_2629 = math.tanh %slice3A_2626 : vector<2048x128xf32>
    %mul3A_2630 = arith.constant 5.000000e-01 : f32
    %mul3A_2631 = vector.broadcast %mul3A_2630 : f32 to vector<2048x128xf32>
    %mul3A_2632 = arith.mulf %mul3A_2631, %tanh3A_2629 : vector<2048x128xf32>
    %add3A_2633 = arith.constant 5.000000e-01 : f32
    %add3A_2634 = vector.broadcast %add3A_2633 : f32 to vector<2048x128xf32>
    %add3A_2635 = arith.addf %mul3A_2632, %add3A_2634 : vector<2048x128xf32>
    %tanh3A_2636 = math.tanh %slice3A_2628 : vector<2048x128xf32>
    %mul3A_2637 = arith.mulf %add3A_2635, %tanh3A_2636 : vector<2048x128xf32>
    %add3A_2638 = arith.addf %mul3A_2637, %add3A_2621 : vector<2048x128xf32>
    %tanh3A_2639 = math.tanh %slice3A_2627 : vector<2048x128xf32>
    %mul3A_2640 = arith.constant 5.000000e-01 : f32
    %mul3A_2641 = vector.broadcast %mul3A_2640 : f32 to vector<2048x128xf32>
    %mul3A_2642 = arith.mulf %mul3A_2641, %tanh3A_2639 : vector<2048x128xf32>
    %add3A_2643 = arith.constant 5.000000e-01 : f32
    %add3A_2644 = vector.broadcast %add3A_2643 : f32 to vector<2048x128xf32>
    %add3A_2645 = arith.addf %mul3A_2642, %add3A_2644 : vector<2048x128xf32>
    %tanh3A_2646 = math.tanh %add3A_2638 : vector<2048x128xf32>
    %mul3A_2647 = arith.mulf %add3A_2645, %tanh3A_2646 : vector<2048x128xf32>
    %swap3A_2648 = arith.constant 2048 : index
    %swap3A_2649 = arith.constant 0 : index
    %swap3A_2650 = vector.load %arg11[%swap3A_2648, %swap3A_2649] : memref<8192x128xf32, #tpu.memory_space<vmem>>, vector<2048x128xf32>
    tpu.vector_store %arg11[%swap3A_2648, %swap3A_2649], %mul3A_2647 {strides = array<i32>} : memref<8192x128xf32, #tpu.memory_space<vmem>>, vector<2048x128xf32>,
    %swap3A_2651 = arith.constant 2048 : index
    %swap3A_2652 = arith.constant 0 : index
    %swap3A_2653 = vector.load %arg12[%swap3A_2651, %swap3A_2652] : memref<8192x128xf32, #tpu.memory_space<vmem>>, vector<2048x128xf32>
    tpu.vector_store %arg12[%swap3A_2651, %swap3A_2652], %add3A_2638 {strides = array<i32>} : memref<8192x128xf32, #tpu.memory_space<vmem>>, vector<2048x128xf32>,
    %convert_element_type3A_2654 = arith.truncf %mul3A_2647 : vector<2048x128xf32> to vector<2048x128xbf16>
    %dot_general3A_2655 = arith.constant dense<0.000000e+00> : vector<2048x5xf32>
    %dot_general3A_2656 = tpu.matmul %convert_element_type3A_2654, %convert_element_type3A_33, %dot_general3A_2655 {dimension_numbers = #tpu.dot_dimension_numbers<[1], [0], [0], [1], [0, 0, 1, 1], [], []>, transpose_lhs_hint = false} : vector<2048x128xbf16>, vector<128x5xbf16>, vector<2048x5xf32> -> vector<2048x5xf32>
    %add3A_2657 = vector.broadcast %get3A_36 : vector<1x5xf32> to vector<2048x5xf32>
    %add3A_2658 = arith.addf %dot_general3A_2656, %add3A_2657 : vector<2048x5xf32>
    %dma_wait3A_2659 = arith.constant 1 : i32
    %dma_wait3A_2660 = arith.constant 30719 : i32
    %dma_wait3A_2661 = arith.constant 0 : i32
    %dma_wait3A_2662 = tpu.memref_slice %arg8[%dma_wait3A_2660, %dma_wait3A_2661] : memref<65535x5xf32, #tpu.memory_space<hbm>> -> memref<1024x5xf32, #tpu.memory_space<hbm>>
    %dma_wait3A_2663 = arith.constant 0 : i32
    %dma_wait3A_2664 = arith.constant 0 : i32
    %dma_wait3A_2665 = tpu.memref_slice %arg13[%dma_wait3A_2659, %dma_wait3A_2663, %dma_wait3A_2664] : memref<4x2048x5xf32, #tpu.memory_space<vmem>> -> memref<1x1024x5xf32, #tpu.memory_space<vmem>>
    %dma_wait3A_2666 = tpu.memref_squeeze %dma_wait3A_2665 : memref<1x1024x5xf32, #tpu.memory_space<vmem>> -> memref<1024x5xf32, #tpu.memory_space<vmem>>
    tpu.wait_dma2 semaphore(%arg15 : memref<!tpu.dma_semaphore, #tpu.memory_space<semaphore_mem>>) src(%dma_wait3A_2666 : memref<1024x5xf32, #tpu.memory_space<vmem>>) dst(%dma_wait3A_2662 : memref<1024x5xf32, #tpu.memory_space<hbm>>)
    %swap3A_2667 = arith.constant 1 : index
    %swap3A_2668 = arith.constant 0 : index
    %swap3A_2669 = arith.constant 0 : index
    %swap3A_2670 = vector.load %arg13[%swap3A_2667, %swap3A_2668, %swap3A_2669] : memref<4x2048x5xf32, #tpu.memory_space<vmem>>, vector<1x2048x5xf32>
    %swap3A_2671 = vector.shape_cast %swap3A_2670 : vector<1x2048x5xf32> to vector<2048x5xf32>
    %swap3A_2672 = vector.shape_cast %add3A_2658 : vector<2048x5xf32> to vector<1x2048x5xf32>
    tpu.vector_store %arg13[%swap3A_2667, %swap3A_2668, %swap3A_2669], %swap3A_2672 {strides = array<i32>} : memref<4x2048x5xf32, #tpu.memory_space<vmem>>, vector<1x2048x5xf32>,
    %dma_start3A_2673 = arith.constant 1 : i32
    %dma_start3A_2674 = arith.constant 10239 : i32
    %dma_start3A_2675 = arith.constant 0 : i32
    %dma_start3A_2676 = tpu.memref_slice %arg8[%dma_start3A_2674, %dma_start3A_2675] : memref<65535x5xf32, #tpu.memory_space<hbm>> -> memref<2048x5xf32, #tpu.memory_space<hbm>>
    %dma_start3A_2677 = arith.constant 0 : i32
    %dma_start3A_2678 = arith.constant 0 : i32
    %dma_start3A_2679 = tpu.memref_slice %arg13[%dma_start3A_2673, %dma_start3A_2677, %dma_start3A_2678] : memref<4x2048x5xf32, #tpu.memory_space<vmem>> -> memref<1x2048x5xf32, #tpu.memory_space<vmem>>
    %dma_start3A_2680 = tpu.memref_squeeze %dma_start3A_2679 : memref<1x2048x5xf32, #tpu.memory_space<vmem>> -> memref<2048x5xf32, #tpu.memory_space<vmem>>
    tpu.enqueue_dma source(%dma_start3A_2680 : memref<2048x5xf32, #tpu.memory_space<vmem>>) target(%dma_start3A_2676 : memref<2048x5xf32, #tpu.memory_space<hbm>>) target_semaphore(%arg15 : memref<!tpu.dma_semaphore, #tpu.memory_space<semaphore_mem>>)
    %get3A_2681 = arith.constant 8192 : index
    %get3A_2682 = arith.constant 0 : index
    %get3A_2683 = vector.load %arg9[%get3A_2681, %get3A_2682] : memref<16384x128xf32, #tpu.memory_space<vmem>>, vector<4096x128xf32>
    %get3A_2684 = arith.constant 8192 : index
    %get3A_2685 = arith.constant 0 : index
    %get3A_2686 = vector.load %arg10[%get3A_2684, %get3A_2685] : memref<16384x128xf32, #tpu.memory_space<vmem>>, vector<4096x128xf32>
    %reshape3A_2687 = vector.shape_cast %get3A_2683 : vector<4096x128xf32> to vector<2048x256xf32>
    %reshape3A_2688 = vector.shape_cast %get3A_2686 : vector<4096x128xf32> to vector<2048x256xf32>
    %convert_element_type3A_2689 = arith.truncf %reshape3A_2687 : vector<2048x256xf32> to vector<2048x256xbf16>
    %dot_general3A_2690 = arith.constant dense<0.000000e+00> : vector<2048x256xf32>
    %dot_general3A_2691 = tpu.matmul %convert_element_type3A_2689, %convert_element_type3A_19, %dot_general3A_2690 {dimension_numbers = #tpu.dot_dimension_numbers<[1], [0], [0], [1], [0, 0, 1, 1], [], []>, transpose_lhs_hint = false} : vector<2048x256xbf16>, vector<256x256xbf16>, vector<2048x256xf32> -> vector<2048x256xf32>
    %add3A_2692 = vector.broadcast %mul3A_29 : vector<1x256xf32> to vector<2048x256xf32>
    %add3A_2693 = arith.addf %dot_general3A_2691, %add3A_2692 : vector<2048x256xf32>
    %tanh3A_2694 = math.tanh %add3A_2693 : vector<2048x256xf32>
    %mul3A_2695 = arith.constant 5.000000e-01 : f32
    %mul3A_2696 = vector.broadcast %mul3A_2695 : f32 to vector<2048x256xf32>
    %mul3A_2697 = arith.mulf %mul3A_2696, %tanh3A_2694 : vector<2048x256xf32>
    %add3A_2698 = arith.constant 5.000000e-01 : f32
    %add3A_2699 = vector.broadcast %add3A_2698 : f32 to vector<2048x256xf32>
    %add3A_2700 = arith.addf %mul3A_2697, %add3A_2699 : vector<2048x256xf32>
    %slice3A_2701 = vector.extract_strided_slice %add3A_2700 {offsets = [0, 0], sizes = [2048, 128], strides = [1, 1]} : vector<2048x256xf32> to vector<2048x128xf32>
    %slice3A_2702 = vector.extract_strided_slice %reshape3A_2688 {offsets = [0, 0], sizes = [2048, 128], strides = [1, 1]} : vector<2048x256xf32> to vector<2048x128xf32>
    %mul3A_2703 = arith.mulf %slice3A_2701, %slice3A_2702 : vector<2048x128xf32>
    %slice3A_2704 = vector.extract_strided_slice %add3A_2700 {offsets = [0, 128], sizes = [2048, 128], strides = [1, 1]} : vector<2048x256xf32> to vector<2048x128xf32>
    %slice3A_2705 = vector.extract_strided_slice %reshape3A_2688 {offsets = [0, 128], sizes = [2048, 128], strides = [1, 1]} : vector<2048x256xf32> to vector<2048x128xf32>
    %mul3A_2706 = arith.mulf %slice3A_2704, %slice3A_2705 : vector<2048x128xf32>
    %add3A_2707 = arith.addf %mul3A_2703, %mul3A_2706 : vector<2048x128xf32>
    %dot_general3A_2708 = arith.constant dense<0.000000e+00> : vector<2048x384xf32>
    %dot_general3A_2709 = tpu.matmul %convert_element_type3A_2689, %convert_element_type3A_12, %dot_general3A_2708 {dimension_numbers = #tpu.dot_dimension_numbers<[1], [0], [0], [1], [0, 0, 1, 1], [], []>, transpose_lhs_hint = false} : vector<2048x256xbf16>, vector<256x384xbf16>, vector<2048x384xf32> -> vector<2048x384xf32>
    %add3A_2710 = vector.broadcast %mul3A_23 : vector<1x384xf32> to vector<2048x384xf32>
    %add3A_2711 = arith.addf %dot_general3A_2709, %add3A_2710 : vector<2048x384xf32>
    %slice3A_2712 = vector.extract_strided_slice %add3A_2711 {offsets = [0, 0], sizes = [2048, 128], strides = [1, 1]} : vector<2048x384xf32> to vector<2048x128xf32>
    %slice3A_2713 = vector.extract_strided_slice %add3A_2711 {offsets = [0, 128], sizes = [2048, 128], strides = [1, 1]} : vector<2048x384xf32> to vector<2048x128xf32>
    %slice3A_2714 = vector.extract_strided_slice %add3A_2711 {offsets = [0, 256], sizes = [2048, 128], strides = [1, 1]} : vector<2048x384xf32> to vector<2048x128xf32>
    %tanh3A_2715 = math.tanh %slice3A_2712 : vector<2048x128xf32>
    %mul3A_2716 = arith.constant 5.000000e-01 : f32
    %mul3A_2717 = vector.broadcast %mul3A_2716 : f32 to vector<2048x128xf32>
    %mul3A_2718 = arith.mulf %mul3A_2717, %tanh3A_2715 : vector<2048x128xf32>
    %add3A_2719 = arith.constant 5.000000e-01 : f32
    %add3A_2720 = vector.broadcast %add3A_2719 : f32 to vector<2048x128xf32>
    %add3A_2721 = arith.addf %mul3A_2718, %add3A_2720 : vector<2048x128xf32>
    %tanh3A_2722 = math.tanh %slice3A_2714 : vector<2048x128xf32>
    %mul3A_2723 = arith.mulf %add3A_2721, %tanh3A_2722 : vector<2048x128xf32>
    %add3A_2724 = arith.addf %mul3A_2723, %add3A_2707 : vector<2048x128xf32>
    %tanh3A_2725 = math.tanh %slice3A_2713 : vector<2048x128xf32>
    %mul3A_2726 = arith.constant 5.000000e-01 : f32
    %mul3A_2727 = vector.broadcast %mul3A_2726 : f32 to vector<2048x128xf32>
    %mul3A_2728 = arith.mulf %mul3A_2727, %tanh3A_2725 : vector<2048x128xf32>
    %add3A_2729 = arith.constant 5.000000e-01 : f32
    %add3A_2730 = vector.broadcast %add3A_2729 : f32 to vector<2048x128xf32>
    %add3A_2731 = arith.addf %mul3A_2728, %add3A_2730 : vector<2048x128xf32>
    %tanh3A_2732 = math.tanh %add3A_2724 : vector<2048x128xf32>
    %mul3A_2733 = arith.mulf %add3A_2731, %tanh3A_2732 : vector<2048x128xf32>
    %swap3A_2734 = arith.constant 4096 : index
    %swap3A_2735 = arith.constant 0 : index
    %swap3A_2736 = vector.load %arg11[%swap3A_2734, %swap3A_2735] : memref<8192x128xf32, #tpu.memory_space<vmem>>, vector<2048x128xf32>
    tpu.vector_store %arg11[%swap3A_2734, %swap3A_2735], %mul3A_2733 {strides = array<i32>} : memref<8192x128xf32, #tpu.memory_space<vmem>>, vector<2048x128xf32>,
    %swap3A_2737 = arith.constant 4096 : index
    %swap3A_2738 = arith.constant 0 : index
    %swap3A_2739 = vector.load %arg12[%swap3A_2737, %swap3A_2738] : memref<8192x128xf32, #tpu.memory_space<vmem>>, vector<2048x128xf32>
    tpu.vector_store %arg12[%swap3A_2737, %swap3A_2738], %add3A_2724 {strides = array<i32>} : memref<8192x128xf32, #tpu.memory_space<vmem>>, vector<2048x128xf32>,
    %convert_element_type3A_2740 = arith.truncf %mul3A_2733 : vector<2048x128xf32> to vector<2048x128xbf16>
    %dot_general3A_2741 = arith.constant dense<0.000000e+00> : vector<2048x5xf32>
    %dot_general3A_2742 = tpu.matmul %convert_element_type3A_2740, %convert_element_type3A_33, %dot_general3A_2741 {dimension_numbers = #tpu.dot_dimension_numbers<[1], [0], [0], [1], [0, 0, 1, 1], [], []>, transpose_lhs_hint = false} : vector<2048x128xbf16>, vector<128x5xbf16>, vector<2048x5xf32> -> vector<2048x5xf32>
    %add3A_2743 = vector.broadcast %get3A_36 : vector<1x5xf32> to vector<2048x5xf32>
    %add3A_2744 = arith.addf %dot_general3A_2742, %add3A_2743 : vector<2048x5xf32>
    %dma_wait3A_2745 = arith.constant 2 : i32
    %dma_wait3A_2746 = arith.constant 63487 : i32
    %dma_wait3A_2747 = arith.constant 0 : i32
    %dma_wait3A_2748 = tpu.memref_slice %arg8[%dma_wait3A_2746, %dma_wait3A_2747] : memref<65535x5xf32, #tpu.memory_space<hbm>> -> memref<2048x5xf32, #tpu.memory_space<hbm>>
    %dma_wait3A_2749 = arith.constant 0 : i32
    %dma_wait3A_2750 = arith.constant 0 : i32
    %dma_wait3A_2751 = tpu.memref_slice %arg13[%dma_wait3A_2745, %dma_wait3A_2749, %dma_wait3A_2750] : memref<4x2048x5xf32, #tpu.memory_space<vmem>> -> memref<1x2048x5xf32, #tpu.memory_space<vmem>>
    %dma_wait3A_2752 = tpu.memref_squeeze %dma_wait3A_2751 : memref<1x2048x5xf32, #tpu.memory_space<vmem>> -> memref<2048x5xf32, #tpu.memory_space<vmem>>
    tpu.wait_dma2 semaphore(%arg15 : memref<!tpu.dma_semaphore, #tpu.memory_space<semaphore_mem>>) src(%dma_wait3A_2752 : memref<2048x5xf32, #tpu.memory_space<vmem>>) dst(%dma_wait3A_2748 : memref<2048x5xf32, #tpu.memory_space<hbm>>)
    %swap3A_2753 = arith.constant 2 : index
    %swap3A_2754 = arith.constant 0 : index
    %swap3A_2755 = arith.constant 0 : index
    %swap3A_2756 = vector.load %arg13[%swap3A_2753, %swap3A_2754, %swap3A_2755] : memref<4x2048x5xf32, #tpu.memory_space<vmem>>, vector<1x2048x5xf32>
    %swap3A_2757 = vector.shape_cast %swap3A_2756 : vector<1x2048x5xf32> to vector<2048x5xf32>
    %swap3A_2758 = vector.shape_cast %add3A_2744 : vector<2048x5xf32> to vector<1x2048x5xf32>
    tpu.vector_store %arg13[%swap3A_2753, %swap3A_2754, %swap3A_2755], %swap3A_2758 {strides = array<i32>} : memref<4x2048x5xf32, #tpu.memory_space<vmem>>, vector<1x2048x5xf32>,
    %dma_start3A_2759 = arith.constant 2 : i32
    %dma_start3A_2760 = arith.constant 12287 : i32
    %dma_start3A_2761 = arith.constant 0 : i32
    %dma_start3A_2762 = tpu.memref_slice %arg8[%dma_start3A_2760, %dma_start3A_2761] : memref<65535x5xf32, #tpu.memory_space<hbm>> -> memref<2048x5xf32, #tpu.memory_space<hbm>>
    %dma_start3A_2763 = arith.constant 0 : i32
    %dma_start3A_2764 = arith.constant 0 : i32
    %dma_start3A_2765 = tpu.memref_slice %arg13[%dma_start3A_2759, %dma_start3A_2763, %dma_start3A_2764] : memref<4x2048x5xf32, #tpu.memory_space<vmem>> -> memref<1x2048x5xf32, #tpu.memory_space<vmem>>
    %dma_start3A_2766 = tpu.memref_squeeze %dma_start3A_2765 : memref<1x2048x5xf32, #tpu.memory_space<vmem>> -> memref<2048x5xf32, #tpu.memory_space<vmem>>
    tpu.enqueue_dma source(%dma_start3A_2766 : memref<2048x5xf32, #tpu.memory_space<vmem>>) target(%dma_start3A_2762 : memref<2048x5xf32, #tpu.memory_space<hbm>>) target_semaphore(%arg15 : memref<!tpu.dma_semaphore, #tpu.memory_space<semaphore_mem>>)
    %get3A_2767 = arith.constant 12288 : index
    %get3A_2768 = arith.constant 0 : index
    %get3A_2769 = vector.load %arg9[%get3A_2767, %get3A_2768] : memref<16384x128xf32, #tpu.memory_space<vmem>>, vector<4096x128xf32>
    %get3A_2770 = arith.constant 12288 : index
    %get3A_2771 = arith.constant 0 : index
    %get3A_2772 = vector.load %arg10[%get3A_2770, %get3A_2771] : memref<16384x128xf32, #tpu.memory_space<vmem>>, vector<4096x128xf32>
    %reshape3A_2773 = vector.shape_cast %get3A_2769 : vector<4096x128xf32> to vector<2048x256xf32>
    %reshape3A_2774 = vector.shape_cast %get3A_2772 : vector<4096x128xf32> to vector<2048x256xf32>
    %convert_element_type3A_2775 = arith.truncf %reshape3A_2773 : vector<2048x256xf32> to vector<2048x256xbf16>
    %dot_general3A_2776 = arith.constant dense<0.000000e+00> : vector<2048x256xf32>
    %dot_general3A_2777 = tpu.matmul %convert_element_type3A_2775, %convert_element_type3A_19, %dot_general3A_2776 {dimension_numbers = #tpu.dot_dimension_numbers<[1], [0], [0], [1], [0, 0, 1, 1], [], []>, transpose_lhs_hint = false} : vector<2048x256xbf16>, vector<256x256xbf16>, vector<2048x256xf32> -> vector<2048x256xf32>
    %add3A_2778 = vector.broadcast %mul3A_29 : vector<1x256xf32> to vector<2048x256xf32>
    %add3A_2779 = arith.addf %dot_general3A_2777, %add3A_2778 : vector<2048x256xf32>
    %tanh3A_2780 = math.tanh %add3A_2779 : vector<2048x256xf32>
    %mul3A_2781 = arith.constant 5.000000e-01 : f32
    %mul3A_2782 = vector.broadcast %mul3A_2781 : f32 to vector<2048x256xf32>
    %mul3A_2783 = arith.mulf %mul3A_2782, %tanh3A_2780 : vector<2048x256xf32>
    %add3A_2784 = arith.constant 5.000000e-01 : f32
    %add3A_2785 = vector.broadcast %add3A_2784 : f32 to vector<2048x256xf32>
    %add3A_2786 = arith.addf %mul3A_2783, %add3A_2785 : vector<2048x256xf32>
    %slice3A_2787 = vector.extract_strided_slice %add3A_2786 {offsets = [0, 0], sizes = [2048, 128], strides = [1, 1]} : vector<2048x256xf32> to vector<2048x128xf32>
    %slice3A_2788 = vector.extract_strided_slice %reshape3A_2774 {offsets = [0, 0], sizes = [2048, 128], strides = [1, 1]} : vector<2048x256xf32> to vector<2048x128xf32>
    %mul3A_2789 = arith.mulf %slice3A_2787, %slice3A_2788 : vector<2048x128xf32>
    %slice3A_2790 = vector.extract_strided_slice %add3A_2786 {offsets = [0, 128], sizes = [2048, 128], strides = [1, 1]} : vector<2048x256xf32> to vector<2048x128xf32>
    %slice3A_2791 = vector.extract_strided_slice %reshape3A_2774 {offsets = [0, 128], sizes = [2048, 128], strides = [1, 1]} : vector<2048x256xf32> to vector<2048x128xf32>
    %mul3A_2792 = arith.mulf %slice3A_2790, %slice3A_2791 : vector<2048x128xf32>
    %add3A_2793 = arith.addf %mul3A_2789, %mul3A_2792 : vector<2048x128xf32>
    %dot_general3A_2794 = arith.constant dense<0.000000e+00> : vector<2048x384xf32>
    %dot_general3A_2795 = tpu.matmul %convert_element_type3A_2775, %convert_element_type3A_12, %dot_general3A_2794 {dimension_numbers = #tpu.dot_dimension_numbers<[1], [0], [0], [1], [0, 0, 1, 1], [], []>, transpose_lhs_hint = false} : vector<2048x256xbf16>, vector<256x384xbf16>, vector<2048x384xf32> -> vector<2048x384xf32>
    %add3A_2796 = vector.broadcast %mul3A_23 : vector<1x384xf32> to vector<2048x384xf32>
    %add3A_2797 = arith.addf %dot_general3A_2795, %add3A_2796 : vector<2048x384xf32>
    %slice3A_2798 = vector.extract_strided_slice %add3A_2797 {offsets = [0, 0], sizes = [2048, 128], strides = [1, 1]} : vector<2048x384xf32> to vector<2048x128xf32>
    %slice3A_2799 = vector.extract_strided_slice %add3A_2797 {offsets = [0, 128], sizes = [2048, 128], strides = [1, 1]} : vector<2048x384xf32> to vector<2048x128xf32>
    %slice3A_2800 = vector.extract_strided_slice %add3A_2797 {offsets = [0, 256], sizes = [2048, 128], strides = [1, 1]} : vector<2048x384xf32> to vector<2048x128xf32>
    %tanh3A_2801 = math.tanh %slice3A_2798 : vector<2048x128xf32>
    %mul3A_2802 = arith.constant 5.000000e-01 : f32
    %mul3A_2803 = vector.broadcast %mul3A_2802 : f32 to vector<2048x128xf32>
    %mul3A_2804 = arith.mulf %mul3A_2803, %tanh3A_2801 : vector<2048x128xf32>
    %add3A_2805 = arith.constant 5.000000e-01 : f32
    %add3A_2806 = vector.broadcast %add3A_2805 : f32 to vector<2048x128xf32>
    %add3A_2807 = arith.addf %mul3A_2804, %add3A_2806 : vector<2048x128xf32>
    %tanh3A_2808 = math.tanh %slice3A_2800 : vector<2048x128xf32>
    %mul3A_2809 = arith.mulf %add3A_2807, %tanh3A_2808 : vector<2048x128xf32>
    %add3A_2810 = arith.addf %mul3A_2809, %add3A_2793 : vector<2048x128xf32>
    %tanh3A_2811 = math.tanh %slice3A_2799 : vector<2048x128xf32>
    %mul3A_2812 = arith.constant 5.000000e-01 : f32
    %mul3A_2813 = vector.broadcast %mul3A_2812 : f32 to vector<2048x128xf32>
    %mul3A_2814 = arith.mulf %mul3A_2813, %tanh3A_2811 : vector<2048x128xf32>
    %add3A_2815 = arith.constant 5.000000e-01 : f32
    %add3A_2816 = vector.broadcast %add3A_2815 : f32 to vector<2048x128xf32>
    %add3A_2817 = arith.addf %mul3A_2814, %add3A_2816 : vector<2048x128xf32>
    %tanh3A_2818 = math.tanh %add3A_2810 : vector<2048x128xf32>
    %mul3A_2819 = arith.mulf %add3A_2817, %tanh3A_2818 : vector<2048x128xf32>
    %swap3A_2820 = arith.constant 6144 : index
    %swap3A_2821 = arith.constant 0 : index
    %swap3A_2822 = vector.load %arg11[%swap3A_2820, %swap3A_2821] : memref<8192x128xf32, #tpu.memory_space<vmem>>, vector<2048x128xf32>
    tpu.vector_store %arg11[%swap3A_2820, %swap3A_2821], %mul3A_2819 {strides = array<i32>} : memref<8192x128xf32, #tpu.memory_space<vmem>>, vector<2048x128xf32>,
    %swap3A_2823 = arith.constant 6144 : index
    %swap3A_2824 = arith.constant 0 : index
    %swap3A_2825 = vector.load %arg12[%swap3A_2823, %swap3A_2824] : memref<8192x128xf32, #tpu.memory_space<vmem>>, vector<2048x128xf32>
    tpu.vector_store %arg12[%swap3A_2823, %swap3A_2824], %add3A_2810 {strides = array<i32>} : memref<8192x128xf32, #tpu.memory_space<vmem>>, vector<2048x128xf32>,
    %convert_element_type3A_2826 = arith.truncf %mul3A_2819 : vector<2048x128xf32> to vector<2048x128xbf16>
    %dot_general3A_2827 = arith.constant dense<0.000000e+00> : vector<2048x5xf32>
    %dot_general3A_2828 = tpu.matmul %convert_element_type3A_2826, %convert_element_type3A_33, %dot_general3A_2827 {dimension_numbers = #tpu.dot_dimension_numbers<[1], [0], [0], [1], [0, 0, 1, 1], [], []>, transpose_lhs_hint = false} : vector<2048x128xbf16>, vector<128x5xbf16>, vector<2048x5xf32> -> vector<2048x5xf32>
    %add3A_2829 = vector.broadcast %get3A_36 : vector<1x5xf32> to vector<2048x5xf32>
    %add3A_2830 = arith.addf %dot_general3A_2828, %add3A_2829 : vector<2048x5xf32>
    %dma_wait3A_2831 = arith.constant 3 : i32
    %dma_wait3A_2832 = arith.constant 31743 : i32
    %dma_wait3A_2833 = arith.constant 0 : i32
    %dma_wait3A_2834 = tpu.memref_slice %arg8[%dma_wait3A_2832, %dma_wait3A_2833] : memref<65535x5xf32, #tpu.memory_space<hbm>> -> memref<1024x5xf32, #tpu.memory_space<hbm>>
    %dma_wait3A_2835 = arith.constant 0 : i32
    %dma_wait3A_2836 = arith.constant 0 : i32
    %dma_wait3A_2837 = tpu.memref_slice %arg13[%dma_wait3A_2831, %dma_wait3A_2835, %dma_wait3A_2836] : memref<4x2048x5xf32, #tpu.memory_space<vmem>> -> memref<1x1024x5xf32, #tpu.memory_space<vmem>>
    %dma_wait3A_2838 = tpu.memref_squeeze %dma_wait3A_2837 : memref<1x1024x5xf32, #tpu.memory_space<vmem>> -> memref<1024x5xf32, #tpu.memory_space<vmem>>
    tpu.wait_dma2 semaphore(%arg15 : memref<!tpu.dma_semaphore, #tpu.memory_space<semaphore_mem>>) src(%dma_wait3A_2838 : memref<1024x5xf32, #tpu.memory_space<vmem>>) dst(%dma_wait3A_2834 : memref<1024x5xf32, #tpu.memory_space<hbm>>)
    %swap3A_2839 = arith.constant 3 : index
    %swap3A_2840 = arith.constant 0 : index
    %swap3A_2841 = arith.constant 0 : index
    %swap3A_2842 = vector.load %arg13[%swap3A_2839, %swap3A_2840, %swap3A_2841] : memref<4x2048x5xf32, #tpu.memory_space<vmem>>, vector<1x2048x5xf32>
    %swap3A_2843 = vector.shape_cast %swap3A_2842 : vector<1x2048x5xf32> to vector<2048x5xf32>
    %swap3A_2844 = vector.shape_cast %add3A_2830 : vector<2048x5xf32> to vector<1x2048x5xf32>
    tpu.vector_store %arg13[%swap3A_2839, %swap3A_2840, %swap3A_2841], %swap3A_2844 {strides = array<i32>} : memref<4x2048x5xf32, #tpu.memory_space<vmem>>, vector<1x2048x5xf32>,
    %dma_start3A_2845 = arith.constant 3 : i32
    %dma_start3A_2846 = arith.constant 14335 : i32
    %dma_start3A_2847 = arith.constant 0 : i32
    %dma_start3A_2848 = tpu.memref_slice %arg8[%dma_start3A_2846, %dma_start3A_2847] : memref<65535x5xf32, #tpu.memory_space<hbm>> -> memref<2048x5xf32, #tpu.memory_space<hbm>>
    %dma_start3A_2849 = arith.constant 0 : i32
    %dma_start3A_2850 = arith.constant 0 : i32
    %dma_start3A_2851 = tpu.memref_slice %arg13[%dma_start3A_2845, %dma_start3A_2849, %dma_start3A_2850] : memref<4x2048x5xf32, #tpu.memory_space<vmem>> -> memref<1x2048x5xf32, #tpu.memory_space<vmem>>
    %dma_start3A_2852 = tpu.memref_squeeze %dma_start3A_2851 : memref<1x2048x5xf32, #tpu.memory_space<vmem>> -> memref<2048x5xf32, #tpu.memory_space<vmem>>
    tpu.enqueue_dma source(%dma_start3A_2852 : memref<2048x5xf32, #tpu.memory_space<vmem>>) target(%dma_start3A_2848 : memref<2048x5xf32, #tpu.memory_space<hbm>>) target_semaphore(%arg15 : memref<!tpu.dma_semaphore, #tpu.memory_space<semaphore_mem>>)
    %get3A_2853 = arith.constant 0 : index
    %get3A_2854 = arith.constant 0 : index
    %get3A_2855 = vector.load %arg11[%get3A_2853, %get3A_2854] : memref<8192x128xf32, #tpu.memory_space<vmem>>, vector<4096x128xf32>
    %get3A_2856 = arith.constant 0 : index
    %get3A_2857 = arith.constant 0 : index
    %get3A_2858 = vector.load %arg12[%get3A_2856, %get3A_2857] : memref<8192x128xf32, #tpu.memory_space<vmem>>, vector<4096x128xf32>
    %reshape3A_2859 = vector.shape_cast %get3A_2855 : vector<4096x128xf32> to vector<2048x256xf32>
    %reshape3A_2860 = vector.shape_cast %get3A_2858 : vector<4096x128xf32> to vector<2048x256xf32>
    %convert_element_type3A_2861 = arith.truncf %reshape3A_2859 : vector<2048x256xf32> to vector<2048x256xbf16>
    %dot_general3A_2862 = arith.constant dense<0.000000e+00> : vector<2048x256xf32>
    %dot_general3A_2863 = tpu.matmul %convert_element_type3A_2861, %convert_element_type3A_19, %dot_general3A_2862 {dimension_numbers = #tpu.dot_dimension_numbers<[1], [0], [0], [1], [0, 0, 1, 1], [], []>, transpose_lhs_hint = false} : vector<2048x256xbf16>, vector<256x256xbf16>, vector<2048x256xf32> -> vector<2048x256xf32>
    %add3A_2864 = vector.broadcast %mul3A_29 : vector<1x256xf32> to vector<2048x256xf32>
    %add3A_2865 = arith.addf %dot_general3A_2863, %add3A_2864 : vector<2048x256xf32>
    %tanh3A_2866 = math.tanh %add3A_2865 : vector<2048x256xf32>
    %mul3A_2867 = arith.constant 5.000000e-01 : f32
    %mul3A_2868 = vector.broadcast %mul3A_2867 : f32 to vector<2048x256xf32>
    %mul3A_2869 = arith.mulf %mul3A_2868, %tanh3A_2866 : vector<2048x256xf32>
    %add3A_2870 = arith.constant 5.000000e-01 : f32
    %add3A_2871 = vector.broadcast %add3A_2870 : f32 to vector<2048x256xf32>
    %add3A_2872 = arith.addf %mul3A_2869, %add3A_2871 : vector<2048x256xf32>
    %slice3A_2873 = vector.extract_strided_slice %add3A_2872 {offsets = [0, 0], sizes = [2048, 128], strides = [1, 1]} : vector<2048x256xf32> to vector<2048x128xf32>
    %slice3A_2874 = vector.extract_strided_slice %reshape3A_2860 {offsets = [0, 0], sizes = [2048, 128], strides = [1, 1]} : vector<2048x256xf32> to vector<2048x128xf32>
    %mul3A_2875 = arith.mulf %slice3A_2873, %slice3A_2874 : vector<2048x128xf32>
    %slice3A_2876 = vector.extract_strided_slice %add3A_2872 {offsets = [0, 128], sizes = [2048, 128], strides = [1, 1]} : vector<2048x256xf32> to vector<2048x128xf32>
    %slice3A_2877 = vector.extract_strided_slice %reshape3A_2860 {offsets = [0, 128], sizes = [2048, 128], strides = [1, 1]} : vector<2048x256xf32> to vector<2048x128xf32>
    %mul3A_2878 = arith.mulf %slice3A_2876, %slice3A_2877 : vector<2048x128xf32>
    %add3A_2879 = arith.addf %mul3A_2875, %mul3A_2878 : vector<2048x128xf32>
    %dot_general3A_2880 = arith.constant dense<0.000000e+00> : vector<2048x384xf32>
    %dot_general3A_2881 = tpu.matmul %convert_element_type3A_2861, %convert_element_type3A_12, %dot_general3A_2880 {dimension_numbers = #tpu.dot_dimension_numbers<[1], [0], [0], [1], [0, 0, 1, 1], [], []>, transpose_lhs_hint = false} : vector<2048x256xbf16>, vector<256x384xbf16>, vector<2048x384xf32> -> vector<2048x384xf32>
    %add3A_2882 = vector.broadcast %mul3A_23 : vector<1x384xf32> to vector<2048x384xf32>
    %add3A_2883 = arith.addf %dot_general3A_2881, %add3A_2882 : vector<2048x384xf32>
    %slice3A_2884 = vector.extract_strided_slice %add3A_2883 {offsets = [0, 0], sizes = [2048, 128], strides = [1, 1]} : vector<2048x384xf32> to vector<2048x128xf32>
    %slice3A_2885 = vector.extract_strided_slice %add3A_2883 {offsets = [0, 128], sizes = [2048, 128], strides = [1, 1]} : vector<2048x384xf32> to vector<2048x128xf32>
    %slice3A_2886 = vector.extract_strided_slice %add3A_2883 {offsets = [0, 256], sizes = [2048, 128], strides = [1, 1]} : vector<2048x384xf32> to vector<2048x128xf32>
    %tanh3A_2887 = math.tanh %slice3A_2884 : vector<2048x128xf32>
    %mul3A_2888 = arith.constant 5.000000e-01 : f32
    %mul3A_2889 = vector.broadcast %mul3A_2888 : f32 to vector<2048x128xf32>
    %mul3A_2890 = arith.mulf %mul3A_2889, %tanh3A_2887 : vector<2048x128xf32>
    %add3A_2891 = arith.constant 5.000000e-01 : f32
    %add3A_2892 = vector.broadcast %add3A_2891 : f32 to vector<2048x128xf32>
    %add3A_2893 = arith.addf %mul3A_2890, %add3A_2892 : vector<2048x128xf32>
    %tanh3A_2894 = math.tanh %slice3A_2886 : vector<2048x128xf32>
    %mul3A_2895 = arith.mulf %add3A_2893, %tanh3A_2894 : vector<2048x128xf32>
    %add3A_2896 = arith.addf %mul3A_2895, %add3A_2879 : vector<2048x128xf32>
    %tanh3A_2897 = math.tanh %slice3A_2885 : vector<2048x128xf32>
    %mul3A_2898 = arith.constant 5.000000e-01 : f32
    %mul3A_2899 = vector.broadcast %mul3A_2898 : f32 to vector<2048x128xf32>
    %mul3A_2900 = arith.mulf %mul3A_2899, %tanh3A_2897 : vector<2048x128xf32>
    %add3A_2901 = arith.constant 5.000000e-01 : f32
    %add3A_2902 = vector.broadcast %add3A_2901 : f32 to vector<2048x128xf32>
    %add3A_2903 = arith.addf %mul3A_2900, %add3A_2902 : vector<2048x128xf32>
    %tanh3A_2904 = math.tanh %add3A_2896 : vector<2048x128xf32>
    %mul3A_2905 = arith.mulf %add3A_2903, %tanh3A_2904 : vector<2048x128xf32>
    %swap3A_2906 = arith.constant 0 : index
    %swap3A_2907 = arith.constant 0 : index
    %swap3A_2908 = vector.load %arg9[%swap3A_2906, %swap3A_2907] : memref<16384x128xf32, #tpu.memory_space<vmem>>, vector<2048x128xf32>
    tpu.vector_store %arg9[%swap3A_2906, %swap3A_2907], %mul3A_2905 {strides = array<i32>} : memref<16384x128xf32, #tpu.memory_space<vmem>>, vector<2048x128xf32>,
    %swap3A_2909 = arith.constant 0 : index
    %swap3A_2910 = arith.constant 0 : index
    %swap3A_2911 = vector.load %arg10[%swap3A_2909, %swap3A_2910] : memref<16384x128xf32, #tpu.memory_space<vmem>>, vector<2048x128xf32>
    tpu.vector_store %arg10[%swap3A_2909, %swap3A_2910], %add3A_2896 {strides = array<i32>} : memref<16384x128xf32, #tpu.memory_space<vmem>>, vector<2048x128xf32>,
    %convert_element_type3A_2912 = arith.truncf %mul3A_2905 : vector<2048x128xf32> to vector<2048x128xbf16>
    %dot_general3A_2913 = arith.constant dense<0.000000e+00> : vector<2048x5xf32>
    %dot_general3A_2914 = tpu.matmul %convert_element_type3A_2912, %convert_element_type3A_33, %dot_general3A_2913 {dimension_numbers = #tpu.dot_dimension_numbers<[1], [0], [0], [1], [0, 0, 1, 1], [], []>, transpose_lhs_hint = false} : vector<2048x128xbf16>, vector<128x5xbf16>, vector<2048x5xf32> -> vector<2048x5xf32>
    %add3A_2915 = vector.broadcast %get3A_36 : vector<1x5xf32> to vector<2048x5xf32>
    %add3A_2916 = arith.addf %dot_general3A_2914, %add3A_2915 : vector<2048x5xf32>
    %dma_wait3A_2917 = arith.constant 0 : i32
    %dma_wait3A_2918 = arith.constant 8191 : i32
    %dma_wait3A_2919 = arith.constant 0 : i32
    %dma_wait3A_2920 = tpu.memref_slice %arg8[%dma_wait3A_2918, %dma_wait3A_2919] : memref<65535x5xf32, #tpu.memory_space<hbm>> -> memref<2048x5xf32, #tpu.memory_space<hbm>>
    %dma_wait3A_2921 = arith.constant 0 : i32
    %dma_wait3A_2922 = arith.constant 0 : i32
    %dma_wait3A_2923 = tpu.memref_slice %arg13[%dma_wait3A_2917, %dma_wait3A_2921, %dma_wait3A_2922] : memref<4x2048x5xf32, #tpu.memory_space<vmem>> -> memref<1x2048x5xf32, #tpu.memory_space<vmem>>
    %dma_wait3A_2924 = tpu.memref_squeeze %dma_wait3A_2923 : memref<1x2048x5xf32, #tpu.memory_space<vmem>> -> memref<2048x5xf32, #tpu.memory_space<vmem>>
    tpu.wait_dma2 semaphore(%arg15 : memref<!tpu.dma_semaphore, #tpu.memory_space<semaphore_mem>>) src(%dma_wait3A_2924 : memref<2048x5xf32, #tpu.memory_space<vmem>>) dst(%dma_wait3A_2920 : memref<2048x5xf32, #tpu.memory_space<hbm>>)
    %swap3A_2925 = arith.constant 0 : index
    %swap3A_2926 = arith.constant 0 : index
    %swap3A_2927 = arith.constant 0 : index
    %swap3A_2928 = vector.load %arg13[%swap3A_2925, %swap3A_2926, %swap3A_2927] : memref<4x2048x5xf32, #tpu.memory_space<vmem>>, vector<1x2048x5xf32>
    %swap3A_2929 = vector.shape_cast %swap3A_2928 : vector<1x2048x5xf32> to vector<2048x5xf32>
    %swap3A_2930 = vector.shape_cast %add3A_2916 : vector<2048x5xf32> to vector<1x2048x5xf32>
    tpu.vector_store %arg13[%swap3A_2925, %swap3A_2926, %swap3A_2927], %swap3A_2930 {strides = array<i32>} : memref<4x2048x5xf32, #tpu.memory_space<vmem>>, vector<1x2048x5xf32>,
    %dma_start3A_2931 = arith.constant 0 : i32
    %dma_start3A_2932 = arith.constant 4095 : i32
    %dma_start3A_2933 = arith.constant 0 : i32
    %dma_start3A_2934 = tpu.memref_slice %arg8[%dma_start3A_2932, %dma_start3A_2933] : memref<65535x5xf32, #tpu.memory_space<hbm>> -> memref<2048x5xf32, #tpu.memory_space<hbm>>
    %dma_start3A_2935 = arith.constant 0 : i32
    %dma_start3A_2936 = arith.constant 0 : i32
    %dma_start3A_2937 = tpu.memref_slice %arg13[%dma_start3A_2931, %dma_start3A_2935, %dma_start3A_2936] : memref<4x2048x5xf32, #tpu.memory_space<vmem>> -> memref<1x2048x5xf32, #tpu.memory_space<vmem>>
    %dma_start3A_2938 = tpu.memref_squeeze %dma_start3A_2937 : memref<1x2048x5xf32, #tpu.memory_space<vmem>> -> memref<2048x5xf32, #tpu.memory_space<vmem>>
    tpu.enqueue_dma source(%dma_start3A_2938 : memref<2048x5xf32, #tpu.memory_space<vmem>>) target(%dma_start3A_2934 : memref<2048x5xf32, #tpu.memory_space<hbm>>) target_semaphore(%arg15 : memref<!tpu.dma_semaphore, #tpu.memory_space<semaphore_mem>>)
    %get3A_2939 = arith.constant 4096 : index
    %get3A_2940 = arith.constant 0 : index
    %get3A_2941 = vector.load %arg11[%get3A_2939, %get3A_2940] : memref<8192x128xf32, #tpu.memory_space<vmem>>, vector<4096x128xf32>
    %get3A_2942 = arith.constant 4096 : index
    %get3A_2943 = arith.constant 0 : index
    %get3A_2944 = vector.load %arg12[%get3A_2942, %get3A_2943] : memref<8192x128xf32, #tpu.memory_space<vmem>>, vector<4096x128xf32>
    %reshape3A_2945 = vector.shape_cast %get3A_2941 : vector<4096x128xf32> to vector<2048x256xf32>
    %reshape3A_2946 = vector.shape_cast %get3A_2944 : vector<4096x128xf32> to vector<2048x256xf32>
    %convert_element_type3A_2947 = arith.truncf %reshape3A_2945 : vector<2048x256xf32> to vector<2048x256xbf16>
    %dot_general3A_2948 = arith.constant dense<0.000000e+00> : vector<2048x256xf32>
    %dot_general3A_2949 = tpu.matmul %convert_element_type3A_2947, %convert_element_type3A_19, %dot_general3A_2948 {dimension_numbers = #tpu.dot_dimension_numbers<[1], [0], [0], [1], [0, 0, 1, 1], [], []>, transpose_lhs_hint = false} : vector<2048x256xbf16>, vector<256x256xbf16>, vector<2048x256xf32> -> vector<2048x256xf32>
    %add3A_2950 = vector.broadcast %mul3A_29 : vector<1x256xf32> to vector<2048x256xf32>
    %add3A_2951 = arith.addf %dot_general3A_2949, %add3A_2950 : vector<2048x256xf32>
    %tanh3A_2952 = math.tanh %add3A_2951 : vector<2048x256xf32>
    %mul3A_2953 = arith.constant 5.000000e-01 : f32
    %mul3A_2954 = vector.broadcast %mul3A_2953 : f32 to vector<2048x256xf32>
    %mul3A_2955 = arith.mulf %mul3A_2954, %tanh3A_2952 : vector<2048x256xf32>
    %add3A_2956 = arith.constant 5.000000e-01 : f32
    %add3A_2957 = vector.broadcast %add3A_2956 : f32 to vector<2048x256xf32>
    %add3A_2958 = arith.addf %mul3A_2955, %add3A_2957 : vector<2048x256xf32>
    %slice3A_2959 = vector.extract_strided_slice %add3A_2958 {offsets = [0, 0], sizes = [2048, 128], strides = [1, 1]} : vector<2048x256xf32> to vector<2048x128xf32>
    %slice3A_2960 = vector.extract_strided_slice %reshape3A_2946 {offsets = [0, 0], sizes = [2048, 128], strides = [1, 1]} : vector<2048x256xf32> to vector<2048x128xf32>
    %mul3A_2961 = arith.mulf %slice3A_2959, %slice3A_2960 : vector<2048x128xf32>
    %slice3A_2962 = vector.extract_strided_slice %add3A_2958 {offsets = [0, 128], sizes = [2048, 128], strides = [1, 1]} : vector<2048x256xf32> to vector<2048x128xf32>
    %slice3A_2963 = vector.extract_strided_slice %reshape3A_2946 {offsets = [0, 128], sizes = [2048, 128], strides = [1, 1]} : vector<2048x256xf32> to vector<2048x128xf32>
    %mul3A_2964 = arith.mulf %slice3A_2962, %slice3A_2963 : vector<2048x128xf32>
    %add3A_2965 = arith.addf %mul3A_2961, %mul3A_2964 : vector<2048x128xf32>
    %dot_general3A_2966 = arith.constant dense<0.000000e+00> : vector<2048x384xf32>
    %dot_general3A_2967 = tpu.matmul %convert_element_type3A_2947, %convert_element_type3A_12, %dot_general3A_2966 {dimension_numbers = #tpu.dot_dimension_numbers<[1], [0], [0], [1], [0, 0, 1, 1], [], []>, transpose_lhs_hint = false} : vector<2048x256xbf16>, vector<256x384xbf16>, vector<2048x384xf32> -> vector<2048x384xf32>
    %add3A_2968 = vector.broadcast %mul3A_23 : vector<1x384xf32> to vector<2048x384xf32>
    %add3A_2969 = arith.addf %dot_general3A_2967, %add3A_2968 : vector<2048x384xf32>
    %slice3A_2970 = vector.extract_strided_slice %add3A_2969 {offsets = [0, 0], sizes = [2048, 128], strides = [1, 1]} : vector<2048x384xf32> to vector<2048x128xf32>
    %slice3A_2971 = vector.extract_strided_slice %add3A_2969 {offsets = [0, 128], sizes = [2048, 128], strides = [1, 1]} : vector<2048x384xf32> to vector<2048x128xf32>
    %slice3A_2972 = vector.extract_strided_slice %add3A_2969 {offsets = [0, 256], sizes = [2048, 128], strides = [1, 1]} : vector<2048x384xf32> to vector<2048x128xf32>
    %tanh3A_2973 = math.tanh %slice3A_2970 : vector<2048x128xf32>
    %mul3A_2974 = arith.constant 5.000000e-01 : f32
    %mul3A_2975 = vector.broadcast %mul3A_2974 : f32 to vector<2048x128xf32>
    %mul3A_2976 = arith.mulf %mul3A_2975, %tanh3A_2973 : vector<2048x128xf32>
    %add3A_2977 = arith.constant 5.000000e-01 : f32
    %add3A_2978 = vector.broadcast %add3A_2977 : f32 to vector<2048x128xf32>
    %add3A_2979 = arith.addf %mul3A_2976, %add3A_2978 : vector<2048x128xf32>
    %tanh3A_2980 = math.tanh %slice3A_2972 : vector<2048x128xf32>
    %mul3A_2981 = arith.mulf %add3A_2979, %tanh3A_2980 : vector<2048x128xf32>
    %add3A_2982 = arith.addf %mul3A_2981, %add3A_2965 : vector<2048x128xf32>
    %tanh3A_2983 = math.tanh %slice3A_2971 : vector<2048x128xf32>
    %mul3A_2984 = arith.constant 5.000000e-01 : f32
    %mul3A_2985 = vector.broadcast %mul3A_2984 : f32 to vector<2048x128xf32>
    %mul3A_2986 = arith.mulf %mul3A_2985, %tanh3A_2983 : vector<2048x128xf32>
    %add3A_2987 = arith.constant 5.000000e-01 : f32
    %add3A_2988 = vector.broadcast %add3A_2987 : f32 to vector<2048x128xf32>
    %add3A_2989 = arith.addf %mul3A_2986, %add3A_2988 : vector<2048x128xf32>
    %tanh3A_2990 = math.tanh %add3A_2982 : vector<2048x128xf32>
    %mul3A_2991 = arith.mulf %add3A_2989, %tanh3A_2990 : vector<2048x128xf32>
    %swap3A_2992 = arith.constant 2048 : index
    %swap3A_2993 = arith.constant 0 : index
    %swap3A_2994 = vector.load %arg9[%swap3A_2992, %swap3A_2993] : memref<16384x128xf32, #tpu.memory_space<vmem>>, vector<2048x128xf32>
    tpu.vector_store %arg9[%swap3A_2992, %swap3A_2993], %mul3A_2991 {strides = array<i32>} : memref<16384x128xf32, #tpu.memory_space<vmem>>, vector<2048x128xf32>,
    %swap3A_2995 = arith.constant 2048 : index
    %swap3A_2996 = arith.constant 0 : index
    %swap3A_2997 = vector.load %arg10[%swap3A_2995, %swap3A_2996] : memref<16384x128xf32, #tpu.memory_space<vmem>>, vector<2048x128xf32>
    tpu.vector_store %arg10[%swap3A_2995, %swap3A_2996], %add3A_2982 {strides = array<i32>} : memref<16384x128xf32, #tpu.memory_space<vmem>>, vector<2048x128xf32>,
    %convert_element_type3A_2998 = arith.truncf %mul3A_2991 : vector<2048x128xf32> to vector<2048x128xbf16>
    %dot_general3A_2999 = arith.constant dense<0.000000e+00> : vector<2048x5xf32>
    %dot_general3A_3000 = tpu.matmul %convert_element_type3A_2998, %convert_element_type3A_33, %dot_general3A_2999 {dimension_numbers = #tpu.dot_dimension_numbers<[1], [0], [0], [1], [0, 0, 1, 1], [], []>, transpose_lhs_hint = false} : vector<2048x128xbf16>, vector<128x5xbf16>, vector<2048x5xf32> -> vector<2048x5xf32>
    %add3A_3001 = vector.broadcast %get3A_36 : vector<1x5xf32> to vector<2048x5xf32>
    %add3A_3002 = arith.addf %dot_general3A_3000, %add3A_3001 : vector<2048x5xf32>
    %dma_wait3A_3003 = arith.constant 1 : i32
    %dma_wait3A_3004 = arith.constant 10239 : i32
    %dma_wait3A_3005 = arith.constant 0 : i32
    %dma_wait3A_3006 = tpu.memref_slice %arg8[%dma_wait3A_3004, %dma_wait3A_3005] : memref<65535x5xf32, #tpu.memory_space<hbm>> -> memref<2048x5xf32, #tpu.memory_space<hbm>>
    %dma_wait3A_3007 = arith.constant 0 : i32
    %dma_wait3A_3008 = arith.constant 0 : i32
    %dma_wait3A_3009 = tpu.memref_slice %arg13[%dma_wait3A_3003, %dma_wait3A_3007, %dma_wait3A_3008] : memref<4x2048x5xf32, #tpu.memory_space<vmem>> -> memref<1x2048x5xf32, #tpu.memory_space<vmem>>
    %dma_wait3A_3010 = tpu.memref_squeeze %dma_wait3A_3009 : memref<1x2048x5xf32, #tpu.memory_space<vmem>> -> memref<2048x5xf32, #tpu.memory_space<vmem>>
    tpu.wait_dma2 semaphore(%arg15 : memref<!tpu.dma_semaphore, #tpu.memory_space<semaphore_mem>>) src(%dma_wait3A_3010 : memref<2048x5xf32, #tpu.memory_space<vmem>>) dst(%dma_wait3A_3006 : memref<2048x5xf32, #tpu.memory_space<hbm>>)
    %swap3A_3011 = arith.constant 1 : index
    %swap3A_3012 = arith.constant 0 : index
    %swap3A_3013 = arith.constant 0 : index
    %swap3A_3014 = vector.load %arg13[%swap3A_3011, %swap3A_3012, %swap3A_3013] : memref<4x2048x5xf32, #tpu.memory_space<vmem>>, vector<1x2048x5xf32>
    %swap3A_3015 = vector.shape_cast %swap3A_3014 : vector<1x2048x5xf32> to vector<2048x5xf32>
    %swap3A_3016 = vector.shape_cast %add3A_3002 : vector<2048x5xf32> to vector<1x2048x5xf32>
    tpu.vector_store %arg13[%swap3A_3011, %swap3A_3012, %swap3A_3013], %swap3A_3016 {strides = array<i32>} : memref<4x2048x5xf32, #tpu.memory_space<vmem>>, vector<1x2048x5xf32>,
    %dma_start3A_3017 = arith.constant 1 : i32
    %dma_start3A_3018 = arith.constant 6143 : i32
    %dma_start3A_3019 = arith.constant 0 : i32
    %dma_start3A_3020 = tpu.memref_slice %arg8[%dma_start3A_3018, %dma_start3A_3019] : memref<65535x5xf32, #tpu.memory_space<hbm>> -> memref<2048x5xf32, #tpu.memory_space<hbm>>
    %dma_start3A_3021 = arith.constant 0 : i32
    %dma_start3A_3022 = arith.constant 0 : i32
    %dma_start3A_3023 = tpu.memref_slice %arg13[%dma_start3A_3017, %dma_start3A_3021, %dma_start3A_3022] : memref<4x2048x5xf32, #tpu.memory_space<vmem>> -> memref<1x2048x5xf32, #tpu.memory_space<vmem>>
    %dma_start3A_3024 = tpu.memref_squeeze %dma_start3A_3023 : memref<1x2048x5xf32, #tpu.memory_space<vmem>> -> memref<2048x5xf32, #tpu.memory_space<vmem>>
    tpu.enqueue_dma source(%dma_start3A_3024 : memref<2048x5xf32, #tpu.memory_space<vmem>>) target(%dma_start3A_3020 : memref<2048x5xf32, #tpu.memory_space<hbm>>) target_semaphore(%arg15 : memref<!tpu.dma_semaphore, #tpu.memory_space<semaphore_mem>>)
    %get3A_3025 = arith.constant 0 : index
    %get3A_3026 = arith.constant 0 : index
    %get3A_3027 = vector.load %arg9[%get3A_3025, %get3A_3026] : memref<16384x128xf32, #tpu.memory_space<vmem>>, vector<4096x128xf32>
    %get3A_3028 = arith.constant 0 : index
    %get3A_3029 = arith.constant 0 : index
    %get3A_3030 = vector.load %arg10[%get3A_3028, %get3A_3029] : memref<16384x128xf32, #tpu.memory_space<vmem>>, vector<4096x128xf32>
    %reshape3A_3031 = vector.shape_cast %get3A_3027 : vector<4096x128xf32> to vector<2048x256xf32>
    %reshape3A_3032 = vector.shape_cast %get3A_3030 : vector<4096x128xf32> to vector<2048x256xf32>
    %convert_element_type3A_3033 = arith.truncf %reshape3A_3031 : vector<2048x256xf32> to vector<2048x256xbf16>
    %dot_general3A_3034 = arith.constant dense<0.000000e+00> : vector<2048x256xf32>
    %dot_general3A_3035 = tpu.matmul %convert_element_type3A_3033, %convert_element_type3A_19, %dot_general3A_3034 {dimension_numbers = #tpu.dot_dimension_numbers<[1], [0], [0], [1], [0, 0, 1, 1], [], []>, transpose_lhs_hint = false} : vector<2048x256xbf16>, vector<256x256xbf16>, vector<2048x256xf32> -> vector<2048x256xf32>
    %add3A_3036 = vector.broadcast %mul3A_29 : vector<1x256xf32> to vector<2048x256xf32>
    %add3A_3037 = arith.addf %dot_general3A_3035, %add3A_3036 : vector<2048x256xf32>
    %tanh3A_3038 = math.tanh %add3A_3037 : vector<2048x256xf32>
    %mul3A_3039 = arith.constant 5.000000e-01 : f32
    %mul3A_3040 = vector.broadcast %mul3A_3039 : f32 to vector<2048x256xf32>
    %mul3A_3041 = arith.mulf %mul3A_3040, %tanh3A_3038 : vector<2048x256xf32>
    %add3A_3042 = arith.constant 5.000000e-01 : f32
    %add3A_3043 = vector.broadcast %add3A_3042 : f32 to vector<2048x256xf32>
    %add3A_3044 = arith.addf %mul3A_3041, %add3A_3043 : vector<2048x256xf32>
    %slice3A_3045 = vector.extract_strided_slice %add3A_3044 {offsets = [0, 0], sizes = [2048, 128], strides = [1, 1]} : vector<2048x256xf32> to vector<2048x128xf32>
    %slice3A_3046 = vector.extract_strided_slice %reshape3A_3032 {offsets = [0, 0], sizes = [2048, 128], strides = [1, 1]} : vector<2048x256xf32> to vector<2048x128xf32>
    %mul3A_3047 = arith.mulf %slice3A_3045, %slice3A_3046 : vector<2048x128xf32>
    %slice3A_3048 = vector.extract_strided_slice %add3A_3044 {offsets = [0, 128], sizes = [2048, 128], strides = [1, 1]} : vector<2048x256xf32> to vector<2048x128xf32>
    %slice3A_3049 = vector.extract_strided_slice %reshape3A_3032 {offsets = [0, 128], sizes = [2048, 128], strides = [1, 1]} : vector<2048x256xf32> to vector<2048x128xf32>
    %mul3A_3050 = arith.mulf %slice3A_3048, %slice3A_3049 : vector<2048x128xf32>
    %add3A_3051 = arith.addf %mul3A_3047, %mul3A_3050 : vector<2048x128xf32>
    %dot_general3A_3052 = arith.constant dense<0.000000e+00> : vector<2048x384xf32>
    %dot_general3A_3053 = tpu.matmul %convert_element_type3A_3033, %convert_element_type3A_12, %dot_general3A_3052 {dimension_numbers = #tpu.dot_dimension_numbers<[1], [0], [0], [1], [0, 0, 1, 1], [], []>, transpose_lhs_hint = false} : vector<2048x256xbf16>, vector<256x384xbf16>, vector<2048x384xf32> -> vector<2048x384xf32>
    %add3A_3054 = vector.broadcast %mul3A_23 : vector<1x384xf32> to vector<2048x384xf32>
    %add3A_3055 = arith.addf %dot_general3A_3053, %add3A_3054 : vector<2048x384xf32>
    %slice3A_3056 = vector.extract_strided_slice %add3A_3055 {offsets = [0, 0], sizes = [2048, 128], strides = [1, 1]} : vector<2048x384xf32> to vector<2048x128xf32>
    %slice3A_3057 = vector.extract_strided_slice %add3A_3055 {offsets = [0, 128], sizes = [2048, 128], strides = [1, 1]} : vector<2048x384xf32> to vector<2048x128xf32>
    %slice3A_3058 = vector.extract_strided_slice %add3A_3055 {offsets = [0, 256], sizes = [2048, 128], strides = [1, 1]} : vector<2048x384xf32> to vector<2048x128xf32>
    %tanh3A_3059 = math.tanh %slice3A_3056 : vector<2048x128xf32>
    %mul3A_3060 = arith.constant 5.000000e-01 : f32
    %mul3A_3061 = vector.broadcast %mul3A_3060 : f32 to vector<2048x128xf32>
    %mul3A_3062 = arith.mulf %mul3A_3061, %tanh3A_3059 : vector<2048x128xf32>
    %add3A_3063 = arith.constant 5.000000e-01 : f32
    %add3A_3064 = vector.broadcast %add3A_3063 : f32 to vector<2048x128xf32>
    %add3A_3065 = arith.addf %mul3A_3062, %add3A_3064 : vector<2048x128xf32>
    %tanh3A_3066 = math.tanh %slice3A_3058 : vector<2048x128xf32>
    %mul3A_3067 = arith.mulf %add3A_3065, %tanh3A_3066 : vector<2048x128xf32>
    %add3A_3068 = arith.addf %mul3A_3067, %add3A_3051 : vector<2048x128xf32>
    %tanh3A_3069 = math.tanh %slice3A_3057 : vector<2048x128xf32>
    %mul3A_3070 = arith.constant 5.000000e-01 : f32
    %mul3A_3071 = vector.broadcast %mul3A_3070 : f32 to vector<2048x128xf32>
    %mul3A_3072 = arith.mulf %mul3A_3071, %tanh3A_3069 : vector<2048x128xf32>
    %add3A_3073 = arith.constant 5.000000e-01 : f32
    %add3A_3074 = vector.broadcast %add3A_3073 : f32 to vector<2048x128xf32>
    %add3A_3075 = arith.addf %mul3A_3072, %add3A_3074 : vector<2048x128xf32>
    %tanh3A_3076 = math.tanh %add3A_3068 : vector<2048x128xf32>
    %mul3A_3077 = arith.mulf %add3A_3075, %tanh3A_3076 : vector<2048x128xf32>
    %swap3A_3078 = arith.constant 0 : index
    %swap3A_3079 = arith.constant 0 : index
    %swap3A_3080 = vector.load %arg11[%swap3A_3078, %swap3A_3079] : memref<8192x128xf32, #tpu.memory_space<vmem>>, vector<2048x128xf32>
    tpu.vector_store %arg11[%swap3A_3078, %swap3A_3079], %mul3A_3077 {strides = array<i32>} : memref<8192x128xf32, #tpu.memory_space<vmem>>, vector<2048x128xf32>,
    %swap3A_3081 = arith.constant 0 : index
    %swap3A_3082 = arith.constant 0 : index
    %swap3A_3083 = vector.load %arg12[%swap3A_3081, %swap3A_3082] : memref<8192x128xf32, #tpu.memory_space<vmem>>, vector<2048x128xf32>
    tpu.vector_store %arg12[%swap3A_3081, %swap3A_3082], %add3A_3068 {strides = array<i32>} : memref<8192x128xf32, #tpu.memory_space<vmem>>, vector<2048x128xf32>,
    %convert_element_type3A_3084 = arith.truncf %mul3A_3077 : vector<2048x128xf32> to vector<2048x128xbf16>
    %dot_general3A_3085 = arith.constant dense<0.000000e+00> : vector<2048x5xf32>
    %dot_general3A_3086 = tpu.matmul %convert_element_type3A_3084, %convert_element_type3A_33, %dot_general3A_3085 {dimension_numbers = #tpu.dot_dimension_numbers<[1], [0], [0], [1], [0, 0, 1, 1], [], []>, transpose_lhs_hint = false} : vector<2048x128xbf16>, vector<128x5xbf16>, vector<2048x5xf32> -> vector<2048x5xf32>
    %add3A_3087 = vector.broadcast %get3A_36 : vector<1x5xf32> to vector<2048x5xf32>
    %add3A_3088 = arith.addf %dot_general3A_3086, %add3A_3087 : vector<2048x5xf32>
    %dma_wait3A_3089 = arith.constant 2 : i32
    %dma_wait3A_3090 = arith.constant 12287 : i32
    %dma_wait3A_3091 = arith.constant 0 : i32
    %dma_wait3A_3092 = tpu.memref_slice %arg8[%dma_wait3A_3090, %dma_wait3A_3091] : memref<65535x5xf32, #tpu.memory_space<hbm>> -> memref<2048x5xf32, #tpu.memory_space<hbm>>
    %dma_wait3A_3093 = arith.constant 0 : i32
    %dma_wait3A_3094 = arith.constant 0 : i32
    %dma_wait3A_3095 = tpu.memref_slice %arg13[%dma_wait3A_3089, %dma_wait3A_3093, %dma_wait3A_3094] : memref<4x2048x5xf32, #tpu.memory_space<vmem>> -> memref<1x2048x5xf32, #tpu.memory_space<vmem>>
    %dma_wait3A_3096 = tpu.memref_squeeze %dma_wait3A_3095 : memref<1x2048x5xf32, #tpu.memory_space<vmem>> -> memref<2048x5xf32, #tpu.memory_space<vmem>>
    tpu.wait_dma2 semaphore(%arg15 : memref<!tpu.dma_semaphore, #tpu.memory_space<semaphore_mem>>) src(%dma_wait3A_3096 : memref<2048x5xf32, #tpu.memory_space<vmem>>) dst(%dma_wait3A_3092 : memref<2048x5xf32, #tpu.memory_space<hbm>>)
    %swap3A_3097 = arith.constant 2 : index
    %swap3A_3098 = arith.constant 0 : index
    %swap3A_3099 = arith.constant 0 : index
    %swap3A_3100 = vector.load %arg13[%swap3A_3097, %swap3A_3098, %swap3A_3099] : memref<4x2048x5xf32, #tpu.memory_space<vmem>>, vector<1x2048x5xf32>
    %swap3A_3101 = vector.shape_cast %swap3A_3100 : vector<1x2048x5xf32> to vector<2048x5xf32>
    %swap3A_3102 = vector.shape_cast %add3A_3088 : vector<2048x5xf32> to vector<1x2048x5xf32>
    tpu.vector_store %arg13[%swap3A_3097, %swap3A_3098, %swap3A_3099], %swap3A_3102 {strides = array<i32>} : memref<4x2048x5xf32, #tpu.memory_space<vmem>>, vector<1x2048x5xf32>,
    %dma_start3A_3103 = arith.constant 2 : i32
    %dma_start3A_3104 = arith.constant 2047 : i32
    %dma_start3A_3105 = arith.constant 0 : i32
    %dma_start3A_3106 = tpu.memref_slice %arg8[%dma_start3A_3104, %dma_start3A_3105] : memref<65535x5xf32, #tpu.memory_space<hbm>> -> memref<2048x5xf32, #tpu.memory_space<hbm>>
    %dma_start3A_3107 = arith.constant 0 : i32
    %dma_start3A_3108 = arith.constant 0 : i32
    %dma_start3A_3109 = tpu.memref_slice %arg13[%dma_start3A_3103, %dma_start3A_3107, %dma_start3A_3108] : memref<4x2048x5xf32, #tpu.memory_space<vmem>> -> memref<1x2048x5xf32, #tpu.memory_space<vmem>>
    %dma_start3A_3110 = tpu.memref_squeeze %dma_start3A_3109 : memref<1x2048x5xf32, #tpu.memory_space<vmem>> -> memref<2048x5xf32, #tpu.memory_space<vmem>>
    tpu.enqueue_dma source(%dma_start3A_3110 : memref<2048x5xf32, #tpu.memory_space<vmem>>) target(%dma_start3A_3106 : memref<2048x5xf32, #tpu.memory_space<hbm>>) target_semaphore(%arg15 : memref<!tpu.dma_semaphore, #tpu.memory_space<semaphore_mem>>)
    %get3A_3111 = arith.constant 0 : index
    %get3A_3112 = arith.constant 0 : index
    %get3A_3113 = vector.load %arg11[%get3A_3111, %get3A_3112] : memref<8192x128xf32, #tpu.memory_space<vmem>>, vector<2048x128xf32>
    %get3A_3114 = arith.constant 0 : index
    %get3A_3115 = arith.constant 0 : index
    %get3A_3116 = vector.load %arg12[%get3A_3114, %get3A_3115] : memref<8192x128xf32, #tpu.memory_space<vmem>>, vector<2048x128xf32>
    %reshape3A_3117 = vector.shape_cast %get3A_3113 : vector<2048x128xf32> to vector<1024x256xf32>
    %reshape3A_3118 = vector.shape_cast %get3A_3116 : vector<2048x128xf32> to vector<1024x256xf32>
    %convert_element_type3A_3119 = arith.truncf %reshape3A_3117 : vector<1024x256xf32> to vector<1024x256xbf16>
    %dot_general3A_3120 = arith.constant dense<0.000000e+00> : vector<1024x256xf32>
    %dot_general3A_3121 = tpu.matmul %convert_element_type3A_3119, %convert_element_type3A_19, %dot_general3A_3120 {dimension_numbers = #tpu.dot_dimension_numbers<[1], [0], [0], [1], [0, 0, 1, 1], [], []>, transpose_lhs_hint = false} : vector<1024x256xbf16>, vector<256x256xbf16>, vector<1024x256xf32> -> vector<1024x256xf32>
    %add3A_3122 = vector.broadcast %mul3A_29 : vector<1x256xf32> to vector<1024x256xf32>
    %add3A_3123 = arith.addf %dot_general3A_3121, %add3A_3122 : vector<1024x256xf32>
    %tanh3A_3124 = math.tanh %add3A_3123 : vector<1024x256xf32>
    %mul3A_3125 = arith.constant 5.000000e-01 : f32
    %mul3A_3126 = vector.broadcast %mul3A_3125 : f32 to vector<1024x256xf32>
    %mul3A_3127 = arith.mulf %mul3A_3126, %tanh3A_3124 : vector<1024x256xf32>
    %add3A_3128 = arith.constant 5.000000e-01 : f32
    %add3A_3129 = vector.broadcast %add3A_3128 : f32 to vector<1024x256xf32>
    %add3A_3130 = arith.addf %mul3A_3127, %add3A_3129 : vector<1024x256xf32>
    %slice3A_3131 = vector.extract_strided_slice %add3A_3130 {offsets = [0, 0], sizes = [1024, 128], strides = [1, 1]} : vector<1024x256xf32> to vector<1024x128xf32>
    %slice3A_3132 = vector.extract_strided_slice %reshape3A_3118 {offsets = [0, 0], sizes = [1024, 128], strides = [1, 1]} : vector<1024x256xf32> to vector<1024x128xf32>
    %mul3A_3133 = arith.mulf %slice3A_3131, %slice3A_3132 : vector<1024x128xf32>
    %slice3A_3134 = vector.extract_strided_slice %add3A_3130 {offsets = [0, 128], sizes = [1024, 128], strides = [1, 1]} : vector<1024x256xf32> to vector<1024x128xf32>
    %slice3A_3135 = vector.extract_strided_slice %reshape3A_3118 {offsets = [0, 128], sizes = [1024, 128], strides = [1, 1]} : vector<1024x256xf32> to vector<1024x128xf32>
    %mul3A_3136 = arith.mulf %slice3A_3134, %slice3A_3135 : vector<1024x128xf32>
    %add3A_3137 = arith.addf %mul3A_3133, %mul3A_3136 : vector<1024x128xf32>
    %dot_general3A_3138 = arith.constant dense<0.000000e+00> : vector<1024x384xf32>
    %dot_general3A_3139 = tpu.matmul %convert_element_type3A_3119, %convert_element_type3A_12, %dot_general3A_3138 {dimension_numbers = #tpu.dot_dimension_numbers<[1], [0], [0], [1], [0, 0, 1, 1], [], []>, transpose_lhs_hint = false} : vector<1024x256xbf16>, vector<256x384xbf16>, vector<1024x384xf32> -> vector<1024x384xf32>
    %add3A_3140 = vector.broadcast %mul3A_23 : vector<1x384xf32> to vector<1024x384xf32>
    %add3A_3141 = arith.addf %dot_general3A_3139, %add3A_3140 : vector<1024x384xf32>
    %slice3A_3142 = vector.extract_strided_slice %add3A_3141 {offsets = [0, 0], sizes = [1024, 128], strides = [1, 1]} : vector<1024x384xf32> to vector<1024x128xf32>
    %slice3A_3143 = vector.extract_strided_slice %add3A_3141 {offsets = [0, 128], sizes = [1024, 128], strides = [1, 1]} : vector<1024x384xf32> to vector<1024x128xf32>
    %slice3A_3144 = vector.extract_strided_slice %add3A_3141 {offsets = [0, 256], sizes = [1024, 128], strides = [1, 1]} : vector<1024x384xf32> to vector<1024x128xf32>
    %tanh3A_3145 = math.tanh %slice3A_3142 : vector<1024x128xf32>
    %mul3A_3146 = arith.constant 5.000000e-01 : f32
    %mul3A_3147 = vector.broadcast %mul3A_3146 : f32 to vector<1024x128xf32>
    %mul3A_3148 = arith.mulf %mul3A_3147, %tanh3A_3145 : vector<1024x128xf32>
    %add3A_3149 = arith.constant 5.000000e-01 : f32
    %add3A_3150 = vector.broadcast %add3A_3149 : f32 to vector<1024x128xf32>
    %add3A_3151 = arith.addf %mul3A_3148, %add3A_3150 : vector<1024x128xf32>
    %tanh3A_3152 = math.tanh %slice3A_3144 : vector<1024x128xf32>
    %mul3A_3153 = arith.mulf %add3A_3151, %tanh3A_3152 : vector<1024x128xf32>
    %add3A_3154 = arith.addf %mul3A_3153, %add3A_3137 : vector<1024x128xf32>
    %tanh3A_3155 = math.tanh %slice3A_3143 : vector<1024x128xf32>
    %mul3A_3156 = arith.constant 5.000000e-01 : f32
    %mul3A_3157 = vector.broadcast %mul3A_3156 : f32 to vector<1024x128xf32>
    %mul3A_3158 = arith.mulf %mul3A_3157, %tanh3A_3155 : vector<1024x128xf32>
    %add3A_3159 = arith.constant 5.000000e-01 : f32
    %add3A_3160 = vector.broadcast %add3A_3159 : f32 to vector<1024x128xf32>
    %add3A_3161 = arith.addf %mul3A_3158, %add3A_3160 : vector<1024x128xf32>
    %tanh3A_3162 = math.tanh %add3A_3154 : vector<1024x128xf32>
    %mul3A_3163 = arith.mulf %add3A_3161, %tanh3A_3162 : vector<1024x128xf32>
    %swap3A_3164 = arith.constant 0 : index
    %swap3A_3165 = arith.constant 0 : index
    %swap3A_3166 = vector.load %arg9[%swap3A_3164, %swap3A_3165] : memref<16384x128xf32, #tpu.memory_space<vmem>>, vector<1024x128xf32>
    tpu.vector_store %arg9[%swap3A_3164, %swap3A_3165], %mul3A_3163 {strides = array<i32>} : memref<16384x128xf32, #tpu.memory_space<vmem>>, vector<1024x128xf32>,
    %swap3A_3167 = arith.constant 0 : index
    %swap3A_3168 = arith.constant 0 : index
    %swap3A_3169 = vector.load %arg10[%swap3A_3167, %swap3A_3168] : memref<16384x128xf32, #tpu.memory_space<vmem>>, vector<1024x128xf32>
    tpu.vector_store %arg10[%swap3A_3167, %swap3A_3168], %add3A_3154 {strides = array<i32>} : memref<16384x128xf32, #tpu.memory_space<vmem>>, vector<1024x128xf32>,
    %convert_element_type3A_3170 = arith.truncf %mul3A_3163 : vector<1024x128xf32> to vector<1024x128xbf16>
    %dot_general3A_3171 = arith.constant dense<0.000000e+00> : vector<1024x5xf32>
    %dot_general3A_3172 = tpu.matmul %convert_element_type3A_3170, %convert_element_type3A_33, %dot_general3A_3171 {dimension_numbers = #tpu.dot_dimension_numbers<[1], [0], [0], [1], [0, 0, 1, 1], [], []>, transpose_lhs_hint = false} : vector<1024x128xbf16>, vector<128x5xbf16>, vector<1024x5xf32> -> vector<1024x5xf32>
    %add3A_3173 = vector.broadcast %get3A_36 : vector<1x5xf32> to vector<1024x5xf32>
    %add3A_3174 = arith.addf %dot_general3A_3172, %add3A_3173 : vector<1024x5xf32>
    %dma_wait3A_3175 = arith.constant 3 : i32
    %dma_wait3A_3176 = arith.constant 14335 : i32
    %dma_wait3A_3177 = arith.constant 0 : i32
    %dma_wait3A_3178 = tpu.memref_slice %arg8[%dma_wait3A_3176, %dma_wait3A_3177] : memref<65535x5xf32, #tpu.memory_space<hbm>> -> memref<2048x5xf32, #tpu.memory_space<hbm>>
    %dma_wait3A_3179 = arith.constant 0 : i32
    %dma_wait3A_3180 = arith.constant 0 : i32
    %dma_wait3A_3181 = tpu.memref_slice %arg13[%dma_wait3A_3175, %dma_wait3A_3179, %dma_wait3A_3180] : memref<4x2048x5xf32, #tpu.memory_space<vmem>> -> memref<1x2048x5xf32, #tpu.memory_space<vmem>>
    %dma_wait3A_3182 = tpu.memref_squeeze %dma_wait3A_3181 : memref<1x2048x5xf32, #tpu.memory_space<vmem>> -> memref<2048x5xf32, #tpu.memory_space<vmem>>
    tpu.wait_dma2 semaphore(%arg15 : memref<!tpu.dma_semaphore, #tpu.memory_space<semaphore_mem>>) src(%dma_wait3A_3182 : memref<2048x5xf32, #tpu.memory_space<vmem>>) dst(%dma_wait3A_3178 : memref<2048x5xf32, #tpu.memory_space<hbm>>)
    %swap3A_3183 = arith.constant 3 : index
    %swap3A_3184 = arith.constant 0 : index
    %swap3A_3185 = arith.constant 0 : index
    %swap3A_3186 = vector.load %arg13[%swap3A_3183, %swap3A_3184, %swap3A_3185] : memref<4x2048x5xf32, #tpu.memory_space<vmem>>, vector<1x1024x5xf32>
    %swap3A_3187 = vector.shape_cast %swap3A_3186 : vector<1x1024x5xf32> to vector<1024x5xf32>
    %swap3A_3188 = vector.shape_cast %add3A_3174 : vector<1024x5xf32> to vector<1x1024x5xf32>
    tpu.vector_store %arg13[%swap3A_3183, %swap3A_3184, %swap3A_3185], %swap3A_3188 {strides = array<i32>} : memref<4x2048x5xf32, #tpu.memory_space<vmem>>, vector<1x1024x5xf32>,
    %dma_start3A_3189 = arith.constant 3 : i32
    %dma_start3A_3190 = arith.constant 1023 : i32
    %dma_start3A_3191 = arith.constant 0 : i32
    %dma_start3A_3192 = tpu.memref_slice %arg8[%dma_start3A_3190, %dma_start3A_3191] : memref<65535x5xf32, #tpu.memory_space<hbm>> -> memref<1024x5xf32, #tpu.memory_space<hbm>>
    %dma_start3A_3193 = arith.constant 0 : i32
    %dma_start3A_3194 = arith.constant 0 : i32
    %dma_start3A_3195 = tpu.memref_slice %arg13[%dma_start3A_3189, %dma_start3A_3193, %dma_start3A_3194] : memref<4x2048x5xf32, #tpu.memory_space<vmem>> -> memref<1x1024x5xf32, #tpu.memory_space<vmem>>
    %dma_start3A_3196 = tpu.memref_squeeze %dma_start3A_3195 : memref<1x1024x5xf32, #tpu.memory_space<vmem>> -> memref<1024x5xf32, #tpu.memory_space<vmem>>
    tpu.enqueue_dma source(%dma_start3A_3196 : memref<1024x5xf32, #tpu.memory_space<vmem>>) target(%dma_start3A_3192 : memref<1024x5xf32, #tpu.memory_space<hbm>>) target_semaphore(%arg15 : memref<!tpu.dma_semaphore, #tpu.memory_space<semaphore_mem>>)
    %get3A_3197 = arith.constant 0 : index
    %get3A_3198 = arith.constant 0 : index
    %get3A_3199 = vector.load %arg9[%get3A_3197, %get3A_3198] : memref<16384x128xf32, #tpu.memory_space<vmem>>, vector<1024x128xf32>
    %get3A_3200 = arith.constant 0 : index
    %get3A_3201 = arith.constant 0 : index
    %get3A_3202 = vector.load %arg10[%get3A_3200, %get3A_3201] : memref<16384x128xf32, #tpu.memory_space<vmem>>, vector<1024x128xf32>
    %reshape3A_3203 = vector.shape_cast %get3A_3199 : vector<1024x128xf32> to vector<512x256xf32>
    %reshape3A_3204 = vector.shape_cast %get3A_3202 : vector<1024x128xf32> to vector<512x256xf32>
    %convert_element_type3A_3205 = arith.truncf %reshape3A_3203 : vector<512x256xf32> to vector<512x256xbf16>
    %dot_general3A_3206 = arith.constant dense<0.000000e+00> : vector<512x256xf32>
    %dot_general3A_3207 = tpu.matmul %convert_element_type3A_3205, %convert_element_type3A_19, %dot_general3A_3206 {dimension_numbers = #tpu.dot_dimension_numbers<[1], [0], [0], [1], [0, 0, 1, 1], [], []>, transpose_lhs_hint = false} : vector<512x256xbf16>, vector<256x256xbf16>, vector<512x256xf32> -> vector<512x256xf32>
    %add3A_3208 = vector.broadcast %mul3A_29 : vector<1x256xf32> to vector<512x256xf32>
    %add3A_3209 = arith.addf %dot_general3A_3207, %add3A_3208 : vector<512x256xf32>
    %tanh3A_3210 = math.tanh %add3A_3209 : vector<512x256xf32>
    %mul3A_3211 = arith.constant 5.000000e-01 : f32
    %mul3A_3212 = vector.broadcast %mul3A_3211 : f32 to vector<512x256xf32>
    %mul3A_3213 = arith.mulf %mul3A_3212, %tanh3A_3210 : vector<512x256xf32>
    %add3A_3214 = arith.constant 5.000000e-01 : f32
    %add3A_3215 = vector.broadcast %add3A_3214 : f32 to vector<512x256xf32>
    %add3A_3216 = arith.addf %mul3A_3213, %add3A_3215 : vector<512x256xf32>
    %slice3A_3217 = vector.extract_strided_slice %add3A_3216 {offsets = [0, 0], sizes = [512, 128], strides = [1, 1]} : vector<512x256xf32> to vector<512x128xf32>
    %slice3A_3218 = vector.extract_strided_slice %reshape3A_3204 {offsets = [0, 0], sizes = [512, 128], strides = [1, 1]} : vector<512x256xf32> to vector<512x128xf32>
    %mul3A_3219 = arith.mulf %slice3A_3217, %slice3A_3218 : vector<512x128xf32>
    %slice3A_3220 = vector.extract_strided_slice %add3A_3216 {offsets = [0, 128], sizes = [512, 128], strides = [1, 1]} : vector<512x256xf32> to vector<512x128xf32>
    %slice3A_3221 = vector.extract_strided_slice %reshape3A_3204 {offsets = [0, 128], sizes = [512, 128], strides = [1, 1]} : vector<512x256xf32> to vector<512x128xf32>
    %mul3A_3222 = arith.mulf %slice3A_3220, %slice3A_3221 : vector<512x128xf32>
    %add3A_3223 = arith.addf %mul3A_3219, %mul3A_3222 : vector<512x128xf32>
    %dot_general3A_3224 = arith.constant dense<0.000000e+00> : vector<512x384xf32>
    %dot_general3A_3225 = tpu.matmul %convert_element_type3A_3205, %convert_element_type3A_12, %dot_general3A_3224 {dimension_numbers = #tpu.dot_dimension_numbers<[1], [0], [0], [1], [0, 0, 1, 1], [], []>, transpose_lhs_hint = false} : vector<512x256xbf16>, vector<256x384xbf16>, vector<512x384xf32> -> vector<512x384xf32>
    %add3A_3226 = vector.broadcast %mul3A_23 : vector<1x384xf32> to vector<512x384xf32>
    %add3A_3227 = arith.addf %dot_general3A_3225, %add3A_3226 : vector<512x384xf32>
    %slice3A_3228 = vector.extract_strided_slice %add3A_3227 {offsets = [0, 0], sizes = [512, 128], strides = [1, 1]} : vector<512x384xf32> to vector<512x128xf32>
    %slice3A_3229 = vector.extract_strided_slice %add3A_3227 {offsets = [0, 128], sizes = [512, 128], strides = [1, 1]} : vector<512x384xf32> to vector<512x128xf32>
    %slice3A_3230 = vector.extract_strided_slice %add3A_3227 {offsets = [0, 256], sizes = [512, 128], strides = [1, 1]} : vector<512x384xf32> to vector<512x128xf32>
    %tanh3A_3231 = math.tanh %slice3A_3228 : vector<512x128xf32>
    %mul3A_3232 = arith.constant 5.000000e-01 : f32
    %mul3A_3233 = vector.broadcast %mul3A_3232 : f32 to vector<512x128xf32>
    %mul3A_3234 = arith.mulf %mul3A_3233, %tanh3A_3231 : vector<512x128xf32>
    %add3A_3235 = arith.constant 5.000000e-01 : f32
    %add3A_3236 = vector.broadcast %add3A_3235 : f32 to vector<512x128xf32>
    %add3A_3237 = arith.addf %mul3A_3234, %add3A_3236 : vector<512x128xf32>
    %tanh3A_3238 = math.tanh %slice3A_3230 : vector<512x128xf32>
    %mul3A_3239 = arith.mulf %add3A_3237, %tanh3A_3238 : vector<512x128xf32>
    %add3A_3240 = arith.addf %mul3A_3239, %add3A_3223 : vector<512x128xf32>
    %tanh3A_3241 = math.tanh %slice3A_3229 : vector<512x128xf32>
    %mul3A_3242 = arith.constant 5.000000e-01 : f32
    %mul3A_3243 = vector.broadcast %mul3A_3242 : f32 to vector<512x128xf32>
    %mul3A_3244 = arith.mulf %mul3A_3243, %tanh3A_3241 : vector<512x128xf32>
    %add3A_3245 = arith.constant 5.000000e-01 : f32
    %add3A_3246 = vector.broadcast %add3A_3245 : f32 to vector<512x128xf32>
    %add3A_3247 = arith.addf %mul3A_3244, %add3A_3246 : vector<512x128xf32>
    %tanh3A_3248 = math.tanh %add3A_3240 : vector<512x128xf32>
    %mul3A_3249 = arith.mulf %add3A_3247, %tanh3A_3248 : vector<512x128xf32>
    %swap3A_3250 = arith.constant 0 : index
    %swap3A_3251 = arith.constant 0 : index
    %swap3A_3252 = vector.load %arg11[%swap3A_3250, %swap3A_3251] : memref<8192x128xf32, #tpu.memory_space<vmem>>, vector<512x128xf32>
    tpu.vector_store %arg11[%swap3A_3250, %swap3A_3251], %mul3A_3249 {strides = array<i32>} : memref<8192x128xf32, #tpu.memory_space<vmem>>, vector<512x128xf32>,
    %swap3A_3253 = arith.constant 0 : index
    %swap3A_3254 = arith.constant 0 : index
    %swap3A_3255 = vector.load %arg12[%swap3A_3253, %swap3A_3254] : memref<8192x128xf32, #tpu.memory_space<vmem>>, vector<512x128xf32>
    tpu.vector_store %arg12[%swap3A_3253, %swap3A_3254], %add3A_3240 {strides = array<i32>} : memref<8192x128xf32, #tpu.memory_space<vmem>>, vector<512x128xf32>,
    %convert_element_type3A_3256 = arith.truncf %mul3A_3249 : vector<512x128xf32> to vector<512x128xbf16>
    %dot_general3A_3257 = arith.constant dense<0.000000e+00> : vector<512x5xf32>
    %dot_general3A_3258 = tpu.matmul %convert_element_type3A_3256, %convert_element_type3A_33, %dot_general3A_3257 {dimension_numbers = #tpu.dot_dimension_numbers<[1], [0], [0], [1], [0, 0, 1, 1], [], []>, transpose_lhs_hint = false} : vector<512x128xbf16>, vector<128x5xbf16>, vector<512x5xf32> -> vector<512x5xf32>
    %add3A_3259 = vector.broadcast %get3A_36 : vector<1x5xf32> to vector<512x5xf32>
    %add3A_3260 = arith.addf %dot_general3A_3258, %add3A_3259 : vector<512x5xf32>
    %dma_wait3A_3261 = arith.constant 0 : i32
    %dma_wait3A_3262 = arith.constant 4095 : i32
    %dma_wait3A_3263 = arith.constant 0 : i32
    %dma_wait3A_3264 = tpu.memref_slice %arg8[%dma_wait3A_3262, %dma_wait3A_3263] : memref<65535x5xf32, #tpu.memory_space<hbm>> -> memref<2048x5xf32, #tpu.memory_space<hbm>>
    %dma_wait3A_3265 = arith.constant 0 : i32
    %dma_wait3A_3266 = arith.constant 0 : i32
    %dma_wait3A_3267 = tpu.memref_slice %arg13[%dma_wait3A_3261, %dma_wait3A_3265, %dma_wait3A_3266] : memref<4x2048x5xf32, #tpu.memory_space<vmem>> -> memref<1x2048x5xf32, #tpu.memory_space<vmem>>
    %dma_wait3A_3268 = tpu.memref_squeeze %dma_wait3A_3267 : memref<1x2048x5xf32, #tpu.memory_space<vmem>> -> memref<2048x5xf32, #tpu.memory_space<vmem>>
    tpu.wait_dma2 semaphore(%arg15 : memref<!tpu.dma_semaphore, #tpu.memory_space<semaphore_mem>>) src(%dma_wait3A_3268 : memref<2048x5xf32, #tpu.memory_space<vmem>>) dst(%dma_wait3A_3264 : memref<2048x5xf32, #tpu.memory_space<hbm>>)
    %swap3A_3269 = arith.constant 0 : index
    %swap3A_3270 = arith.constant 0 : index
    %swap3A_3271 = arith.constant 0 : index
    %swap3A_3272 = vector.load %arg13[%swap3A_3269, %swap3A_3270, %swap3A_3271] : memref<4x2048x5xf32, #tpu.memory_space<vmem>>, vector<1x512x5xf32>
    %swap3A_3273 = vector.shape_cast %swap3A_3272 : vector<1x512x5xf32> to vector<512x5xf32>
    %swap3A_3274 = vector.shape_cast %add3A_3260 : vector<512x5xf32> to vector<1x512x5xf32>
    tpu.vector_store %arg13[%swap3A_3269, %swap3A_3270, %swap3A_3271], %swap3A_3274 {strides = array<i32>} : memref<4x2048x5xf32, #tpu.memory_space<vmem>>, vector<1x512x5xf32>,
    %dma_start3A_3275 = arith.constant 0 : i32
    %dma_start3A_3276 = arith.constant 511 : i32
    %dma_start3A_3277 = arith.constant 0 : i32
    %dma_start3A_3278 = tpu.memref_slice %arg8[%dma_start3A_3276, %dma_start3A_3277] : memref<65535x5xf32, #tpu.memory_space<hbm>> -> memref<512x5xf32, #tpu.memory_space<hbm>>
    %dma_start3A_3279 = arith.constant 0 : i32
    %dma_start3A_3280 = arith.constant 0 : i32
    %dma_start3A_3281 = tpu.memref_slice %arg13[%dma_start3A_3275, %dma_start3A_3279, %dma_start3A_3280] : memref<4x2048x5xf32, #tpu.memory_space<vmem>> -> memref<1x512x5xf32, #tpu.memory_space<vmem>>
    %dma_start3A_3282 = tpu.memref_squeeze %dma_start3A_3281 : memref<1x512x5xf32, #tpu.memory_space<vmem>> -> memref<512x5xf32, #tpu.memory_space<vmem>>
    tpu.enqueue_dma source(%dma_start3A_3282 : memref<512x5xf32, #tpu.memory_space<vmem>>) target(%dma_start3A_3278 : memref<512x5xf32, #tpu.memory_space<hbm>>) target_semaphore(%arg15 : memref<!tpu.dma_semaphore, #tpu.memory_space<semaphore_mem>>)
    %get3A_3283 = arith.constant 0 : index
    %get3A_3284 = arith.constant 0 : index
    %get3A_3285 = vector.load %arg11[%get3A_3283, %get3A_3284] : memref<8192x128xf32, #tpu.memory_space<vmem>>, vector<512x128xf32>
    %get3A_3286 = arith.constant 0 : index
    %get3A_3287 = arith.constant 0 : index
    %get3A_3288 = vector.load %arg12[%get3A_3286, %get3A_3287] : memref<8192x128xf32, #tpu.memory_space<vmem>>, vector<512x128xf32>
    %reshape3A_3289 = vector.shape_cast %get3A_3285 : vector<512x128xf32> to vector<256x256xf32>
    %reshape3A_3290 = vector.shape_cast %get3A_3288 : vector<512x128xf32> to vector<256x256xf32>
    %convert_element_type3A_3291 = arith.truncf %reshape3A_3289 : vector<256x256xf32> to vector<256x256xbf16>
    %dot_general3A_3292 = arith.constant dense<0.000000e+00> : vector<256x256xf32>
    %dot_general3A_3293 = tpu.matmul %convert_element_type3A_3291, %convert_element_type3A_19, %dot_general3A_3292 {dimension_numbers = #tpu.dot_dimension_numbers<[1], [0], [0], [1], [0, 0, 1, 1], [], []>, transpose_lhs_hint = false} : vector<256x256xbf16>, vector<256x256xbf16>, vector<256x256xf32> -> vector<256x256xf32>
    %add3A_3294 = vector.broadcast %mul3A_29 : vector<1x256xf32> to vector<256x256xf32>
    %add3A_3295 = arith.addf %dot_general3A_3293, %add3A_3294 : vector<256x256xf32>
    %tanh3A_3296 = math.tanh %add3A_3295 : vector<256x256xf32>
    %mul3A_3297 = arith.constant 5.000000e-01 : f32
    %mul3A_3298 = vector.broadcast %mul3A_3297 : f32 to vector<256x256xf32>
    %mul3A_3299 = arith.mulf %mul3A_3298, %tanh3A_3296 : vector<256x256xf32>
    %add3A_3300 = arith.constant 5.000000e-01 : f32
    %add3A_3301 = vector.broadcast %add3A_3300 : f32 to vector<256x256xf32>
    %add3A_3302 = arith.addf %mul3A_3299, %add3A_3301 : vector<256x256xf32>
    %slice3A_3303 = vector.extract_strided_slice %add3A_3302 {offsets = [0, 0], sizes = [256, 128], strides = [1, 1]} : vector<256x256xf32> to vector<256x128xf32>
    %slice3A_3304 = vector.extract_strided_slice %reshape3A_3290 {offsets = [0, 0], sizes = [256, 128], strides = [1, 1]} : vector<256x256xf32> to vector<256x128xf32>
    %mul3A_3305 = arith.mulf %slice3A_3303, %slice3A_3304 : vector<256x128xf32>
    %slice3A_3306 = vector.extract_strided_slice %add3A_3302 {offsets = [0, 128], sizes = [256, 128], strides = [1, 1]} : vector<256x256xf32> to vector<256x128xf32>
    %slice3A_3307 = vector.extract_strided_slice %reshape3A_3290 {offsets = [0, 128], sizes = [256, 128], strides = [1, 1]} : vector<256x256xf32> to vector<256x128xf32>
    %mul3A_3308 = arith.mulf %slice3A_3306, %slice3A_3307 : vector<256x128xf32>
    %add3A_3309 = arith.addf %mul3A_3305, %mul3A_3308 : vector<256x128xf32>
    %dot_general3A_3310 = arith.constant dense<0.000000e+00> : vector<256x384xf32>
    %dot_general3A_3311 = tpu.matmul %convert_element_type3A_3291, %convert_element_type3A_12, %dot_general3A_3310 {dimension_numbers = #tpu.dot_dimension_numbers<[1], [0], [0], [1], [0, 0, 1, 1], [], []>, transpose_lhs_hint = false} : vector<256x256xbf16>, vector<256x384xbf16>, vector<256x384xf32> -> vector<256x384xf32>
    %add3A_3312 = vector.broadcast %mul3A_23 : vector<1x384xf32> to vector<256x384xf32>
    %add3A_3313 = arith.addf %dot_general3A_3311, %add3A_3312 : vector<256x384xf32>
    %slice3A_3314 = vector.extract_strided_slice %add3A_3313 {offsets = [0, 0], sizes = [256, 128], strides = [1, 1]} : vector<256x384xf32> to vector<256x128xf32>
    %slice3A_3315 = vector.extract_strided_slice %add3A_3313 {offsets = [0, 128], sizes = [256, 128], strides = [1, 1]} : vector<256x384xf32> to vector<256x128xf32>
    %slice3A_3316 = vector.extract_strided_slice %add3A_3313 {offsets = [0, 256], sizes = [256, 128], strides = [1, 1]} : vector<256x384xf32> to vector<256x128xf32>
    %tanh3A_3317 = math.tanh %slice3A_3314 : vector<256x128xf32>
    %mul3A_3318 = arith.constant 5.000000e-01 : f32
    %mul3A_3319 = vector.broadcast %mul3A_3318 : f32 to vector<256x128xf32>
    %mul3A_3320 = arith.mulf %mul3A_3319, %tanh3A_3317 : vector<256x128xf32>
    %add3A_3321 = arith.constant 5.000000e-01 : f32
    %add3A_3322 = vector.broadcast %add3A_3321 : f32 to vector<256x128xf32>
    %add3A_3323 = arith.addf %mul3A_3320, %add3A_3322 : vector<256x128xf32>
    %tanh3A_3324 = math.tanh %slice3A_3316 : vector<256x128xf32>
    %mul3A_3325 = arith.mulf %add3A_3323, %tanh3A_3324 : vector<256x128xf32>
    %add3A_3326 = arith.addf %mul3A_3325, %add3A_3309 : vector<256x128xf32>
    %tanh3A_3327 = math.tanh %slice3A_3315 : vector<256x128xf32>
    %mul3A_3328 = arith.constant 5.000000e-01 : f32
    %mul3A_3329 = vector.broadcast %mul3A_3328 : f32 to vector<256x128xf32>
    %mul3A_3330 = arith.mulf %mul3A_3329, %tanh3A_3327 : vector<256x128xf32>
    %add3A_3331 = arith.constant 5.000000e-01 : f32
    %add3A_3332 = vector.broadcast %add3A_3331 : f32 to vector<256x128xf32>
    %add3A_3333 = arith.addf %mul3A_3330, %add3A_3332 : vector<256x128xf32>
    %tanh3A_3334 = math.tanh %add3A_3326 : vector<256x128xf32>
    %mul3A_3335 = arith.mulf %add3A_3333, %tanh3A_3334 : vector<256x128xf32>
    %swap3A_3336 = arith.constant 0 : index
    %swap3A_3337 = arith.constant 0 : index
    %swap3A_3338 = vector.load %arg9[%swap3A_3336, %swap3A_3337] : memref<16384x128xf32, #tpu.memory_space<vmem>>, vector<256x128xf32>
    tpu.vector_store %arg9[%swap3A_3336, %swap3A_3337], %mul3A_3335 {strides = array<i32>} : memref<16384x128xf32, #tpu.memory_space<vmem>>, vector<256x128xf32>,
    %swap3A_3339 = arith.constant 0 : index
    %swap3A_3340 = arith.constant 0 : index
    %swap3A_3341 = vector.load %arg10[%swap3A_3339, %swap3A_3340] : memref<16384x128xf32, #tpu.memory_space<vmem>>, vector<256x128xf32>
    tpu.vector_store %arg10[%swap3A_3339, %swap3A_3340], %add3A_3326 {strides = array<i32>} : memref<16384x128xf32, #tpu.memory_space<vmem>>, vector<256x128xf32>,
    %convert_element_type3A_3342 = arith.truncf %mul3A_3335 : vector<256x128xf32> to vector<256x128xbf16>
    %dot_general3A_3343 = arith.constant dense<0.000000e+00> : vector<256x5xf32>
    %dot_general3A_3344 = tpu.matmul %convert_element_type3A_3342, %convert_element_type3A_33, %dot_general3A_3343 {dimension_numbers = #tpu.dot_dimension_numbers<[1], [0], [0], [1], [0, 0, 1, 1], [], []>, transpose_lhs_hint = false} : vector<256x128xbf16>, vector<128x5xbf16>, vector<256x5xf32> -> vector<256x5xf32>
    %add3A_3345 = vector.broadcast %get3A_36 : vector<1x5xf32> to vector<256x5xf32>
    %add3A_3346 = arith.addf %dot_general3A_3344, %add3A_3345 : vector<256x5xf32>
    %dma_wait3A_3347 = arith.constant 1 : i32
    %dma_wait3A_3348 = arith.constant 6143 : i32
    %dma_wait3A_3349 = arith.constant 0 : i32
    %dma_wait3A_3350 = tpu.memref_slice %arg8[%dma_wait3A_3348, %dma_wait3A_3349] : memref<65535x5xf32, #tpu.memory_space<hbm>> -> memref<2048x5xf32, #tpu.memory_space<hbm>>
    %dma_wait3A_3351 = arith.constant 0 : i32
    %dma_wait3A_3352 = arith.constant 0 : i32
    %dma_wait3A_3353 = tpu.memref_slice %arg13[%dma_wait3A_3347, %dma_wait3A_3351, %dma_wait3A_3352] : memref<4x2048x5xf32, #tpu.memory_space<vmem>> -> memref<1x2048x5xf32, #tpu.memory_space<vmem>>
    %dma_wait3A_3354 = tpu.memref_squeeze %dma_wait3A_3353 : memref<1x2048x5xf32, #tpu.memory_space<vmem>> -> memref<2048x5xf32, #tpu.memory_space<vmem>>
    tpu.wait_dma2 semaphore(%arg15 : memref<!tpu.dma_semaphore, #tpu.memory_space<semaphore_mem>>) src(%dma_wait3A_3354 : memref<2048x5xf32, #tpu.memory_space<vmem>>) dst(%dma_wait3A_3350 : memref<2048x5xf32, #tpu.memory_space<hbm>>)
    %swap3A_3355 = arith.constant 1 : index
    %swap3A_3356 = arith.constant 0 : index
    %swap3A_3357 = arith.constant 0 : index
    %swap3A_3358 = vector.load %arg13[%swap3A_3355, %swap3A_3356, %swap3A_3357] : memref<4x2048x5xf32, #tpu.memory_space<vmem>>, vector<1x256x5xf32>
    %swap3A_3359 = vector.shape_cast %swap3A_3358 : vector<1x256x5xf32> to vector<256x5xf32>
    %swap3A_3360 = vector.shape_cast %add3A_3346 : vector<256x5xf32> to vector<1x256x5xf32>
    tpu.vector_store %arg13[%swap3A_3355, %swap3A_3356, %swap3A_3357], %swap3A_3360 {strides = array<i32>} : memref<4x2048x5xf32, #tpu.memory_space<vmem>>, vector<1x256x5xf32>,
    %dma_start3A_3361 = arith.constant 1 : i32
    %dma_start3A_3362 = arith.constant 255 : i32
    %dma_start3A_3363 = arith.constant 0 : i32
    %dma_start3A_3364 = tpu.memref_slice %arg8[%dma_start3A_3362, %dma_start3A_3363] : memref<65535x5xf32, #tpu.memory_space<hbm>> -> memref<256x5xf32, #tpu.memory_space<hbm>>
    %dma_start3A_3365 = arith.constant 0 : i32
    %dma_start3A_3366 = arith.constant 0 : i32
    %dma_start3A_3367 = tpu.memref_slice %arg13[%dma_start3A_3361, %dma_start3A_3365, %dma_start3A_3366] : memref<4x2048x5xf32, #tpu.memory_space<vmem>> -> memref<1x256x5xf32, #tpu.memory_space<vmem>>
    %dma_start3A_3368 = tpu.memref_squeeze %dma_start3A_3367 : memref<1x256x5xf32, #tpu.memory_space<vmem>> -> memref<256x5xf32, #tpu.memory_space<vmem>>
    tpu.enqueue_dma source(%dma_start3A_3368 : memref<256x5xf32, #tpu.memory_space<vmem>>) target(%dma_start3A_3364 : memref<256x5xf32, #tpu.memory_space<hbm>>) target_semaphore(%arg15 : memref<!tpu.dma_semaphore, #tpu.memory_space<semaphore_mem>>)
    %get3A_3369 = arith.constant 0 : index
    %get3A_3370 = arith.constant 0 : index
    %get3A_3371 = vector.load %arg9[%get3A_3369, %get3A_3370] : memref<16384x128xf32, #tpu.memory_space<vmem>>, vector<256x128xf32>
    %get3A_3372 = arith.constant 0 : index
    %get3A_3373 = arith.constant 0 : index
    %get3A_3374 = vector.load %arg10[%get3A_3372, %get3A_3373] : memref<16384x128xf32, #tpu.memory_space<vmem>>, vector<256x128xf32>
    %reshape3A_3375 = vector.shape_cast %get3A_3371 : vector<256x128xf32> to vector<128x256xf32>
    %reshape3A_3376 = vector.shape_cast %get3A_3374 : vector<256x128xf32> to vector<128x256xf32>
    %convert_element_type3A_3377 = arith.truncf %reshape3A_3375 : vector<128x256xf32> to vector<128x256xbf16>
    %dot_general3A_3378 = arith.constant dense<0.000000e+00> : vector<128x256xf32>
    %dot_general3A_3379 = tpu.matmul %convert_element_type3A_3377, %convert_element_type3A_19, %dot_general3A_3378 {dimension_numbers = #tpu.dot_dimension_numbers<[1], [0], [0], [1], [0, 0, 1, 1], [], []>, transpose_lhs_hint = false} : vector<128x256xbf16>, vector<256x256xbf16>, vector<128x256xf32> -> vector<128x256xf32>
    %add3A_3380 = vector.broadcast %mul3A_29 : vector<1x256xf32> to vector<128x256xf32>
    %add3A_3381 = arith.addf %dot_general3A_3379, %add3A_3380 : vector<128x256xf32>
    %tanh3A_3382 = math.tanh %add3A_3381 : vector<128x256xf32>
    %mul3A_3383 = arith.constant 5.000000e-01 : f32
    %mul3A_3384 = vector.broadcast %mul3A_3383 : f32 to vector<128x256xf32>
    %mul3A_3385 = arith.mulf %mul3A_3384, %tanh3A_3382 : vector<128x256xf32>
    %add3A_3386 = arith.constant 5.000000e-01 : f32
    %add3A_3387 = vector.broadcast %add3A_3386 : f32 to vector<128x256xf32>
    %add3A_3388 = arith.addf %mul3A_3385, %add3A_3387 : vector<128x256xf32>
    %slice3A_3389 = vector.extract_strided_slice %add3A_3388 {offsets = [0, 0], sizes = [128, 128], strides = [1, 1]} : vector<128x256xf32> to vector<128x128xf32>
    %slice3A_3390 = vector.extract_strided_slice %reshape3A_3376 {offsets = [0, 0], sizes = [128, 128], strides = [1, 1]} : vector<128x256xf32> to vector<128x128xf32>
    %mul3A_3391 = arith.mulf %slice3A_3389, %slice3A_3390 : vector<128x128xf32>
    %slice3A_3392 = vector.extract_strided_slice %add3A_3388 {offsets = [0, 128], sizes = [128, 128], strides = [1, 1]} : vector<128x256xf32> to vector<128x128xf32>
    %slice3A_3393 = vector.extract_strided_slice %reshape3A_3376 {offsets = [0, 128], sizes = [128, 128], strides = [1, 1]} : vector<128x256xf32> to vector<128x128xf32>
    %mul3A_3394 = arith.mulf %slice3A_3392, %slice3A_3393 : vector<128x128xf32>
    %add3A_3395 = arith.addf %mul3A_3391, %mul3A_3394 : vector<128x128xf32>
    %dot_general3A_3396 = arith.constant dense<0.000000e+00> : vector<128x384xf32>
    %dot_general3A_3397 = tpu.matmul %convert_element_type3A_3377, %convert_element_type3A_12, %dot_general3A_3396 {dimension_numbers = #tpu.dot_dimension_numbers<[1], [0], [0], [1], [0, 0, 1, 1], [], []>, transpose_lhs_hint = false} : vector<128x256xbf16>, vector<256x384xbf16>, vector<128x384xf32> -> vector<128x384xf32>
    %add3A_3398 = vector.broadcast %mul3A_23 : vector<1x384xf32> to vector<128x384xf32>
    %add3A_3399 = arith.addf %dot_general3A_3397, %add3A_3398 : vector<128x384xf32>
    %slice3A_3400 = vector.extract_strided_slice %add3A_3399 {offsets = [0, 0], sizes = [128, 128], strides = [1, 1]} : vector<128x384xf32> to vector<128x128xf32>
    %slice3A_3401 = vector.extract_strided_slice %add3A_3399 {offsets = [0, 128], sizes = [128, 128], strides = [1, 1]} : vector<128x384xf32> to vector<128x128xf32>
    %slice3A_3402 = vector.extract_strided_slice %add3A_3399 {offsets = [0, 256], sizes = [128, 128], strides = [1, 1]} : vector<128x384xf32> to vector<128x128xf32>
    %tanh3A_3403 = math.tanh %slice3A_3400 : vector<128x128xf32>
    %mul3A_3404 = arith.constant 5.000000e-01 : f32
    %mul3A_3405 = vector.broadcast %mul3A_3404 : f32 to vector<128x128xf32>
    %mul3A_3406 = arith.mulf %mul3A_3405, %tanh3A_3403 : vector<128x128xf32>
    %add3A_3407 = arith.constant 5.000000e-01 : f32
    %add3A_3408 = vector.broadcast %add3A_3407 : f32 to vector<128x128xf32>
    %add3A_3409 = arith.addf %mul3A_3406, %add3A_3408 : vector<128x128xf32>
    %tanh3A_3410 = math.tanh %slice3A_3402 : vector<128x128xf32>
    %mul3A_3411 = arith.mulf %add3A_3409, %tanh3A_3410 : vector<128x128xf32>
    %add3A_3412 = arith.addf %mul3A_3411, %add3A_3395 : vector<128x128xf32>
    %tanh3A_3413 = math.tanh %slice3A_3401 : vector<128x128xf32>
    %mul3A_3414 = arith.constant 5.000000e-01 : f32
    %mul3A_3415 = vector.broadcast %mul3A_3414 : f32 to vector<128x128xf32>
    %mul3A_3416 = arith.mulf %mul3A_3415, %tanh3A_3413 : vector<128x128xf32>
    %add3A_3417 = arith.constant 5.000000e-01 : f32
    %add3A_3418 = vector.broadcast %add3A_3417 : f32 to vector<128x128xf32>
    %add3A_3419 = arith.addf %mul3A_3416, %add3A_3418 : vector<128x128xf32>
    %tanh3A_3420 = math.tanh %add3A_3412 : vector<128x128xf32>
    %mul3A_3421 = arith.mulf %add3A_3419, %tanh3A_3420 : vector<128x128xf32>
    %swap3A_3422 = arith.constant 0 : index
    %swap3A_3423 = arith.constant 0 : index
    %swap3A_3424 = vector.load %arg11[%swap3A_3422, %swap3A_3423] : memref<8192x128xf32, #tpu.memory_space<vmem>>, vector<128x128xf32>
    tpu.vector_store %arg11[%swap3A_3422, %swap3A_3423], %mul3A_3421 {strides = array<i32>} : memref<8192x128xf32, #tpu.memory_space<vmem>>, vector<128x128xf32>,
    %swap3A_3425 = arith.constant 0 : index
    %swap3A_3426 = arith.constant 0 : index
    %swap3A_3427 = vector.load %arg12[%swap3A_3425, %swap3A_3426] : memref<8192x128xf32, #tpu.memory_space<vmem>>, vector<128x128xf32>
    tpu.vector_store %arg12[%swap3A_3425, %swap3A_3426], %add3A_3412 {strides = array<i32>} : memref<8192x128xf32, #tpu.memory_space<vmem>>, vector<128x128xf32>,
    %convert_element_type3A_3428 = arith.truncf %mul3A_3421 : vector<128x128xf32> to vector<128x128xbf16>
    %dot_general3A_3429 = arith.constant dense<0.000000e+00> : vector<128x5xf32>
    %dot_general3A_3430 = tpu.matmul %convert_element_type3A_3428, %convert_element_type3A_33, %dot_general3A_3429 {dimension_numbers = #tpu.dot_dimension_numbers<[1], [0], [0], [1], [0, 0, 1, 1], [], []>, transpose_lhs_hint = false} : vector<128x128xbf16>, vector<128x5xbf16>, vector<128x5xf32> -> vector<128x5xf32>
    %add3A_3431 = vector.broadcast %get3A_36 : vector<1x5xf32> to vector<128x5xf32>
    %add3A_3432 = arith.addf %dot_general3A_3430, %add3A_3431 : vector<128x5xf32>
    %dma_wait3A_3433 = arith.constant 2 : i32
    %dma_wait3A_3434 = arith.constant 2047 : i32
    %dma_wait3A_3435 = arith.constant 0 : i32
    %dma_wait3A_3436 = tpu.memref_slice %arg8[%dma_wait3A_3434, %dma_wait3A_3435] : memref<65535x5xf32, #tpu.memory_space<hbm>> -> memref<2048x5xf32, #tpu.memory_space<hbm>>
    %dma_wait3A_3437 = arith.constant 0 : i32
    %dma_wait3A_3438 = arith.constant 0 : i32
    %dma_wait3A_3439 = tpu.memref_slice %arg13[%dma_wait3A_3433, %dma_wait3A_3437, %dma_wait3A_3438] : memref<4x2048x5xf32, #tpu.memory_space<vmem>> -> memref<1x2048x5xf32, #tpu.memory_space<vmem>>
    %dma_wait3A_3440 = tpu.memref_squeeze %dma_wait3A_3439 : memref<1x2048x5xf32, #tpu.memory_space<vmem>> -> memref<2048x5xf32, #tpu.memory_space<vmem>>
    tpu.wait_dma2 semaphore(%arg15 : memref<!tpu.dma_semaphore, #tpu.memory_space<semaphore_mem>>) src(%dma_wait3A_3440 : memref<2048x5xf32, #tpu.memory_space<vmem>>) dst(%dma_wait3A_3436 : memref<2048x5xf32, #tpu.memory_space<hbm>>)
    %swap3A_3441 = arith.constant 2 : index
    %swap3A_3442 = arith.constant 0 : index
    %swap3A_3443 = arith.constant 0 : index
    %swap3A_3444 = vector.load %arg13[%swap3A_3441, %swap3A_3442, %swap3A_3443] : memref<4x2048x5xf32, #tpu.memory_space<vmem>>, vector<1x128x5xf32>
    %swap3A_3445 = vector.shape_cast %swap3A_3444 : vector<1x128x5xf32> to vector<128x5xf32>
    %swap3A_3446 = vector.shape_cast %add3A_3432 : vector<128x5xf32> to vector<1x128x5xf32>
    tpu.vector_store %arg13[%swap3A_3441, %swap3A_3442, %swap3A_3443], %swap3A_3446 {strides = array<i32>} : memref<4x2048x5xf32, #tpu.memory_space<vmem>>, vector<1x128x5xf32>,
    %dma_start3A_3447 = arith.constant 2 : i32
    %dma_start3A_3448 = arith.constant 127 : i32
    %dma_start3A_3449 = arith.constant 0 : i32
    %dma_start3A_3450 = tpu.memref_slice %arg8[%dma_start3A_3448, %dma_start3A_3449] : memref<65535x5xf32, #tpu.memory_space<hbm>> -> memref<128x5xf32, #tpu.memory_space<hbm>>
    %dma_start3A_3451 = arith.constant 0 : i32
    %dma_start3A_3452 = arith.constant 0 : i32
    %dma_start3A_3453 = tpu.memref_slice %arg13[%dma_start3A_3447, %dma_start3A_3451, %dma_start3A_3452] : memref<4x2048x5xf32, #tpu.memory_space<vmem>> -> memref<1x128x5xf32, #tpu.memory_space<vmem>>
    %dma_start3A_3454 = tpu.memref_squeeze %dma_start3A_3453 : memref<1x128x5xf32, #tpu.memory_space<vmem>> -> memref<128x5xf32, #tpu.memory_space<vmem>>
    tpu.enqueue_dma source(%dma_start3A_3454 : memref<128x5xf32, #tpu.memory_space<vmem>>) target(%dma_start3A_3450 : memref<128x5xf32, #tpu.memory_space<hbm>>) target_semaphore(%arg15 : memref<!tpu.dma_semaphore, #tpu.memory_space<semaphore_mem>>)
    %get3A_3455 = arith.constant 0 : index
    %get3A_3456 = arith.constant 0 : index
    %get3A_3457 = vector.load %arg11[%get3A_3455, %get3A_3456] : memref<8192x128xf32, #tpu.memory_space<vmem>>, vector<128x128xf32>
    %get3A_3458 = arith.constant 0 : index
    %get3A_3459 = arith.constant 0 : index
    %get3A_3460 = vector.load %arg12[%get3A_3458, %get3A_3459] : memref<8192x128xf32, #tpu.memory_space<vmem>>, vector<128x128xf32>
    %reshape3A_3461 = vector.shape_cast %get3A_3457 : vector<128x128xf32> to vector<64x256xf32>
    %reshape3A_3462 = vector.shape_cast %get3A_3460 : vector<128x128xf32> to vector<64x256xf32>
    %convert_element_type3A_3463 = arith.truncf %reshape3A_3461 : vector<64x256xf32> to vector<64x256xbf16>
    %dot_general3A_3464 = arith.constant dense<0.000000e+00> : vector<64x256xf32>
    %dot_general3A_3465 = tpu.matmul %convert_element_type3A_3463, %convert_element_type3A_19, %dot_general3A_3464 {dimension_numbers = #tpu.dot_dimension_numbers<[1], [0], [0], [1], [0, 0, 1, 1], [], []>, transpose_lhs_hint = false} : vector<64x256xbf16>, vector<256x256xbf16>, vector<64x256xf32> -> vector<64x256xf32>
    %add3A_3466 = vector.broadcast %mul3A_29 : vector<1x256xf32> to vector<64x256xf32>
    %add3A_3467 = arith.addf %dot_general3A_3465, %add3A_3466 : vector<64x256xf32>
    %tanh3A_3468 = math.tanh %add3A_3467 : vector<64x256xf32>
    %mul3A_3469 = arith.constant 5.000000e-01 : f32
    %mul3A_3470 = vector.broadcast %mul3A_3469 : f32 to vector<64x256xf32>
    %mul3A_3471 = arith.mulf %mul3A_3470, %tanh3A_3468 : vector<64x256xf32>
    %add3A_3472 = arith.constant 5.000000e-01 : f32
    %add3A_3473 = vector.broadcast %add3A_3472 : f32 to vector<64x256xf32>
    %add3A_3474 = arith.addf %mul3A_3471, %add3A_3473 : vector<64x256xf32>
    %slice3A_3475 = vector.extract_strided_slice %add3A_3474 {offsets = [0, 0], sizes = [64, 128], strides = [1, 1]} : vector<64x256xf32> to vector<64x128xf32>
    %slice3A_3476 = vector.extract_strided_slice %reshape3A_3462 {offsets = [0, 0], sizes = [64, 128], strides = [1, 1]} : vector<64x256xf32> to vector<64x128xf32>
    %mul3A_3477 = arith.mulf %slice3A_3475, %slice3A_3476 : vector<64x128xf32>
    %slice3A_3478 = vector.extract_strided_slice %add3A_3474 {offsets = [0, 128], sizes = [64, 128], strides = [1, 1]} : vector<64x256xf32> to vector<64x128xf32>
    %slice3A_3479 = vector.extract_strided_slice %reshape3A_3462 {offsets = [0, 128], sizes = [64, 128], strides = [1, 1]} : vector<64x256xf32> to vector<64x128xf32>
    %mul3A_3480 = arith.mulf %slice3A_3478, %slice3A_3479 : vector<64x128xf32>
    %add3A_3481 = arith.addf %mul3A_3477, %mul3A_3480 : vector<64x128xf32>
    %dot_general3A_3482 = arith.constant dense<0.000000e+00> : vector<64x384xf32>
    %dot_general3A_3483 = tpu.matmul %convert_element_type3A_3463, %convert_element_type3A_12, %dot_general3A_3482 {dimension_numbers = #tpu.dot_dimension_numbers<[1], [0], [0], [1], [0, 0, 1, 1], [], []>, transpose_lhs_hint = false} : vector<64x256xbf16>, vector<256x384xbf16>, vector<64x384xf32> -> vector<64x384xf32>
    %add3A_3484 = vector.broadcast %mul3A_23 : vector<1x384xf32> to vector<64x384xf32>
    %add3A_3485 = arith.addf %dot_general3A_3483, %add3A_3484 : vector<64x384xf32>
    %slice3A_3486 = vector.extract_strided_slice %add3A_3485 {offsets = [0, 0], sizes = [64, 128], strides = [1, 1]} : vector<64x384xf32> to vector<64x128xf32>
    %slice3A_3487 = vector.extract_strided_slice %add3A_3485 {offsets = [0, 128], sizes = [64, 128], strides = [1, 1]} : vector<64x384xf32> to vector<64x128xf32>
    %slice3A_3488 = vector.extract_strided_slice %add3A_3485 {offsets = [0, 256], sizes = [64, 128], strides = [1, 1]} : vector<64x384xf32> to vector<64x128xf32>
    %tanh3A_3489 = math.tanh %slice3A_3486 : vector<64x128xf32>
    %mul3A_3490 = arith.constant 5.000000e-01 : f32
    %mul3A_3491 = vector.broadcast %mul3A_3490 : f32 to vector<64x128xf32>
    %mul3A_3492 = arith.mulf %mul3A_3491, %tanh3A_3489 : vector<64x128xf32>
    %add3A_3493 = arith.constant 5.000000e-01 : f32
    %add3A_3494 = vector.broadcast %add3A_3493 : f32 to vector<64x128xf32>
    %add3A_3495 = arith.addf %mul3A_3492, %add3A_3494 : vector<64x128xf32>
    %tanh3A_3496 = math.tanh %slice3A_3488 : vector<64x128xf32>
    %mul3A_3497 = arith.mulf %add3A_3495, %tanh3A_3496 : vector<64x128xf32>
    %add3A_3498 = arith.addf %mul3A_3497, %add3A_3481 : vector<64x128xf32>
    %tanh3A_3499 = math.tanh %slice3A_3487 : vector<64x128xf32>
    %mul3A_3500 = arith.constant 5.000000e-01 : f32
    %mul3A_3501 = vector.broadcast %mul3A_3500 : f32 to vector<64x128xf32>
    %mul3A_3502 = arith.mulf %mul3A_3501, %tanh3A_3499 : vector<64x128xf32>
    %add3A_3503 = arith.constant 5.000000e-01 : f32
    %add3A_3504 = vector.broadcast %add3A_3503 : f32 to vector<64x128xf32>
    %add3A_3505 = arith.addf %mul3A_3502, %add3A_3504 : vector<64x128xf32>
    %tanh3A_3506 = math.tanh %add3A_3498 : vector<64x128xf32>
    %mul3A_3507 = arith.mulf %add3A_3505, %tanh3A_3506 : vector<64x128xf32>
    %swap3A_3508 = arith.constant 0 : index
    %swap3A_3509 = arith.constant 0 : index
    %swap3A_3510 = vector.load %arg9[%swap3A_3508, %swap3A_3509] : memref<16384x128xf32, #tpu.memory_space<vmem>>, vector<64x128xf32>
    tpu.vector_store %arg9[%swap3A_3508, %swap3A_3509], %mul3A_3507 {strides = array<i32>} : memref<16384x128xf32, #tpu.memory_space<vmem>>, vector<64x128xf32>,
    %swap3A_3511 = arith.constant 0 : index
    %swap3A_3512 = arith.constant 0 : index
    %swap3A_3513 = vector.load %arg10[%swap3A_3511, %swap3A_3512] : memref<16384x128xf32, #tpu.memory_space<vmem>>, vector<64x128xf32>
    tpu.vector_store %arg10[%swap3A_3511, %swap3A_3512], %add3A_3498 {strides = array<i32>} : memref<16384x128xf32, #tpu.memory_space<vmem>>, vector<64x128xf32>,
    %convert_element_type3A_3514 = arith.truncf %mul3A_3507 : vector<64x128xf32> to vector<64x128xbf16>
    %dot_general3A_3515 = arith.constant dense<0.000000e+00> : vector<64x5xf32>
    %dot_general3A_3516 = tpu.matmul %convert_element_type3A_3514, %convert_element_type3A_33, %dot_general3A_3515 {dimension_numbers = #tpu.dot_dimension_numbers<[1], [0], [0], [1], [0, 0, 1, 1], [], []>, transpose_lhs_hint = false} : vector<64x128xbf16>, vector<128x5xbf16>, vector<64x5xf32> -> vector<64x5xf32>
    %add3A_3517 = vector.broadcast %get3A_36 : vector<1x5xf32> to vector<64x5xf32>
    %add3A_3518 = arith.addf %dot_general3A_3516, %add3A_3517 : vector<64x5xf32>
    %dma_wait3A_3519 = arith.constant 3 : i32
    %dma_wait3A_3520 = arith.constant 1023 : i32
    %dma_wait3A_3521 = arith.constant 0 : i32
    %dma_wait3A_3522 = tpu.memref_slice %arg8[%dma_wait3A_3520, %dma_wait3A_3521] : memref<65535x5xf32, #tpu.memory_space<hbm>> -> memref<1024x5xf32, #tpu.memory_space<hbm>>
    %dma_wait3A_3523 = arith.constant 0 : i32
    %dma_wait3A_3524 = arith.constant 0 : i32
    %dma_wait3A_3525 = tpu.memref_slice %arg13[%dma_wait3A_3519, %dma_wait3A_3523, %dma_wait3A_3524] : memref<4x2048x5xf32, #tpu.memory_space<vmem>> -> memref<1x1024x5xf32, #tpu.memory_space<vmem>>
    %dma_wait3A_3526 = tpu.memref_squeeze %dma_wait3A_3525 : memref<1x1024x5xf32, #tpu.memory_space<vmem>> -> memref<1024x5xf32, #tpu.memory_space<vmem>>
    tpu.wait_dma2 semaphore(%arg15 : memref<!tpu.dma_semaphore, #tpu.memory_space<semaphore_mem>>) src(%dma_wait3A_3526 : memref<1024x5xf32, #tpu.memory_space<vmem>>) dst(%dma_wait3A_3522 : memref<1024x5xf32, #tpu.memory_space<hbm>>)
    %swap3A_3527 = arith.constant 3 : index
    %swap3A_3528 = arith.constant 0 : index
    %swap3A_3529 = arith.constant 0 : index
    %swap3A_3530 = vector.load %arg13[%swap3A_3527, %swap3A_3528, %swap3A_3529] : memref<4x2048x5xf32, #tpu.memory_space<vmem>>, vector<1x64x5xf32>
    %swap3A_3531 = vector.shape_cast %swap3A_3530 : vector<1x64x5xf32> to vector<64x5xf32>
    %swap3A_3532 = vector.shape_cast %add3A_3518 : vector<64x5xf32> to vector<1x64x5xf32>
    tpu.vector_store %arg13[%swap3A_3527, %swap3A_3528, %swap3A_3529], %swap3A_3532 {strides = array<i32>} : memref<4x2048x5xf32, #tpu.memory_space<vmem>>, vector<1x64x5xf32>,
    %dma_start3A_3533 = arith.constant 3 : i32
    %dma_start3A_3534 = arith.constant 63 : i32
    %dma_start3A_3535 = arith.constant 0 : i32
    %dma_start3A_3536 = tpu.memref_slice %arg8[%dma_start3A_3534, %dma_start3A_3535] : memref<65535x5xf32, #tpu.memory_space<hbm>> -> memref<64x5xf32, #tpu.memory_space<hbm>>
    %dma_start3A_3537 = arith.constant 0 : i32
    %dma_start3A_3538 = arith.constant 0 : i32
    %dma_start3A_3539 = tpu.memref_slice %arg13[%dma_start3A_3533, %dma_start3A_3537, %dma_start3A_3538] : memref<4x2048x5xf32, #tpu.memory_space<vmem>> -> memref<1x64x5xf32, #tpu.memory_space<vmem>>
    %dma_start3A_3540 = tpu.memref_squeeze %dma_start3A_3539 : memref<1x64x5xf32, #tpu.memory_space<vmem>> -> memref<64x5xf32, #tpu.memory_space<vmem>>
    tpu.enqueue_dma source(%dma_start3A_3540 : memref<64x5xf32, #tpu.memory_space<vmem>>) target(%dma_start3A_3536 : memref<64x5xf32, #tpu.memory_space<hbm>>) target_semaphore(%arg15 : memref<!tpu.dma_semaphore, #tpu.memory_space<semaphore_mem>>)
    %get3A_3541 = arith.constant 0 : index
    %get3A_3542 = arith.constant 0 : index
    %get3A_3543 = vector.load %arg9[%get3A_3541, %get3A_3542] : memref<16384x128xf32, #tpu.memory_space<vmem>>, vector<64x128xf32>
    %get3A_3544 = arith.constant 0 : index
    %get3A_3545 = arith.constant 0 : index
    %get3A_3546 = vector.load %arg10[%get3A_3544, %get3A_3545] : memref<16384x128xf32, #tpu.memory_space<vmem>>, vector<64x128xf32>
    %reshape3A_3547 = vector.shape_cast %get3A_3543 : vector<64x128xf32> to vector<32x256xf32>
    %reshape3A_3548 = vector.shape_cast %get3A_3546 : vector<64x128xf32> to vector<32x256xf32>
    %convert_element_type3A_3549 = arith.truncf %reshape3A_3547 : vector<32x256xf32> to vector<32x256xbf16>
    %dot_general3A_3550 = arith.constant dense<0.000000e+00> : vector<32x256xf32>
    %dot_general3A_3551 = tpu.matmul %convert_element_type3A_3549, %convert_element_type3A_19, %dot_general3A_3550 {dimension_numbers = #tpu.dot_dimension_numbers<[1], [0], [0], [1], [0, 0, 1, 1], [], []>, transpose_lhs_hint = false} : vector<32x256xbf16>, vector<256x256xbf16>, vector<32x256xf32> -> vector<32x256xf32>
    %add3A_3552 = vector.broadcast %mul3A_29 : vector<1x256xf32> to vector<32x256xf32>
    %add3A_3553 = arith.addf %dot_general3A_3551, %add3A_3552 : vector<32x256xf32>
    %tanh3A_3554 = math.tanh %add3A_3553 : vector<32x256xf32>
    %mul3A_3555 = arith.constant 5.000000e-01 : f32
    %mul3A_3556 = vector.broadcast %mul3A_3555 : f32 to vector<32x256xf32>
    %mul3A_3557 = arith.mulf %mul3A_3556, %tanh3A_3554 : vector<32x256xf32>
    %add3A_3558 = arith.constant 5.000000e-01 : f32
    %add3A_3559 = vector.broadcast %add3A_3558 : f32 to vector<32x256xf32>
    %add3A_3560 = arith.addf %mul3A_3557, %add3A_3559 : vector<32x256xf32>
    %slice3A_3561 = vector.extract_strided_slice %add3A_3560 {offsets = [0, 0], sizes = [32, 128], strides = [1, 1]} : vector<32x256xf32> to vector<32x128xf32>
    %slice3A_3562 = vector.extract_strided_slice %reshape3A_3548 {offsets = [0, 0], sizes = [32, 128], strides = [1, 1]} : vector<32x256xf32> to vector<32x128xf32>
    %mul3A_3563 = arith.mulf %slice3A_3561, %slice3A_3562 : vector<32x128xf32>
    %slice3A_3564 = vector.extract_strided_slice %add3A_3560 {offsets = [0, 128], sizes = [32, 128], strides = [1, 1]} : vector<32x256xf32> to vector<32x128xf32>
    %slice3A_3565 = vector.extract_strided_slice %reshape3A_3548 {offsets = [0, 128], sizes = [32, 128], strides = [1, 1]} : vector<32x256xf32> to vector<32x128xf32>
    %mul3A_3566 = arith.mulf %slice3A_3564, %slice3A_3565 : vector<32x128xf32>
    %add3A_3567 = arith.addf %mul3A_3563, %mul3A_3566 : vector<32x128xf32>
    %dot_general3A_3568 = arith.constant dense<0.000000e+00> : vector<32x384xf32>
    %dot_general3A_3569 = tpu.matmul %convert_element_type3A_3549, %convert_element_type3A_12, %dot_general3A_3568 {dimension_numbers = #tpu.dot_dimension_numbers<[1], [0], [0], [1], [0, 0, 1, 1], [], []>, transpose_lhs_hint = false} : vector<32x256xbf16>, vector<256x384xbf16>, vector<32x384xf32> -> vector<32x384xf32>
    %add3A_3570 = vector.broadcast %mul3A_23 : vector<1x384xf32> to vector<32x384xf32>
    %add3A_3571 = arith.addf %dot_general3A_3569, %add3A_3570 : vector<32x384xf32>
    %slice3A_3572 = vector.extract_strided_slice %add3A_3571 {offsets = [0, 0], sizes = [32, 128], strides = [1, 1]} : vector<32x384xf32> to vector<32x128xf32>
    %slice3A_3573 = vector.extract_strided_slice %add3A_3571 {offsets = [0, 128], sizes = [32, 128], strides = [1, 1]} : vector<32x384xf32> to vector<32x128xf32>
    %slice3A_3574 = vector.extract_strided_slice %add3A_3571 {offsets = [0, 256], sizes = [32, 128], strides = [1, 1]} : vector<32x384xf32> to vector<32x128xf32>
    %tanh3A_3575 = math.tanh %slice3A_3572 : vector<32x128xf32>
    %mul3A_3576 = arith.constant 5.000000e-01 : f32
    %mul3A_3577 = vector.broadcast %mul3A_3576 : f32 to vector<32x128xf32>
    %mul3A_3578 = arith.mulf %mul3A_3577, %tanh3A_3575 : vector<32x128xf32>
    %add3A_3579 = arith.constant 5.000000e-01 : f32
    %add3A_3580 = vector.broadcast %add3A_3579 : f32 to vector<32x128xf32>
    %add3A_3581 = arith.addf %mul3A_3578, %add3A_3580 : vector<32x128xf32>
    %tanh3A_3582 = math.tanh %slice3A_3574 : vector<32x128xf32>
    %mul3A_3583 = arith.mulf %add3A_3581, %tanh3A_3582 : vector<32x128xf32>
    %add3A_3584 = arith.addf %mul3A_3583, %add3A_3567 : vector<32x128xf32>
    %tanh3A_3585 = math.tanh %slice3A_3573 : vector<32x128xf32>
    %mul3A_3586 = arith.constant 5.000000e-01 : f32
    %mul3A_3587 = vector.broadcast %mul3A_3586 : f32 to vector<32x128xf32>
    %mul3A_3588 = arith.mulf %mul3A_3587, %tanh3A_3585 : vector<32x128xf32>
    %add3A_3589 = arith.constant 5.000000e-01 : f32
    %add3A_3590 = vector.broadcast %add3A_3589 : f32 to vector<32x128xf32>
    %add3A_3591 = arith.addf %mul3A_3588, %add3A_3590 : vector<32x128xf32>
    %tanh3A_3592 = math.tanh %add3A_3584 : vector<32x128xf32>
    %mul3A_3593 = arith.mulf %add3A_3591, %tanh3A_3592 : vector<32x128xf32>
    %swap3A_3594 = arith.constant 0 : index
    %swap3A_3595 = arith.constant 0 : index
    %swap3A_3596 = vector.load %arg11[%swap3A_3594, %swap3A_3595] : memref<8192x128xf32, #tpu.memory_space<vmem>>, vector<32x128xf32>
    tpu.vector_store %arg11[%swap3A_3594, %swap3A_3595], %mul3A_3593 {strides = array<i32>} : memref<8192x128xf32, #tpu.memory_space<vmem>>, vector<32x128xf32>,
    %swap3A_3597 = arith.constant 0 : index
    %swap3A_3598 = arith.constant 0 : index
    %swap3A_3599 = vector.load %arg12[%swap3A_3597, %swap3A_3598] : memref<8192x128xf32, #tpu.memory_space<vmem>>, vector<32x128xf32>
    tpu.vector_store %arg12[%swap3A_3597, %swap3A_3598], %add3A_3584 {strides = array<i32>} : memref<8192x128xf32, #tpu.memory_space<vmem>>, vector<32x128xf32>,
    %convert_element_type3A_3600 = arith.truncf %mul3A_3593 : vector<32x128xf32> to vector<32x128xbf16>
    %dot_general3A_3601 = arith.constant dense<0.000000e+00> : vector<32x5xf32>
    %dot_general3A_3602 = tpu.matmul %convert_element_type3A_3600, %convert_element_type3A_33, %dot_general3A_3601 {dimension_numbers = #tpu.dot_dimension_numbers<[1], [0], [0], [1], [0, 0, 1, 1], [], []>, transpose_lhs_hint = false} : vector<32x128xbf16>, vector<128x5xbf16>, vector<32x5xf32> -> vector<32x5xf32>
    %add3A_3603 = vector.broadcast %get3A_36 : vector<1x5xf32> to vector<32x5xf32>
    %add3A_3604 = arith.addf %dot_general3A_3602, %add3A_3603 : vector<32x5xf32>
    %dma_wait3A_3605 = arith.constant 0 : i32
    %dma_wait3A_3606 = arith.constant 511 : i32
    %dma_wait3A_3607 = arith.constant 0 : i32
    %dma_wait3A_3608 = tpu.memref_slice %arg8[%dma_wait3A_3606, %dma_wait3A_3607] : memref<65535x5xf32, #tpu.memory_space<hbm>> -> memref<512x5xf32, #tpu.memory_space<hbm>>
    %dma_wait3A_3609 = arith.constant 0 : i32
    %dma_wait3A_3610 = arith.constant 0 : i32
    %dma_wait3A_3611 = tpu.memref_slice %arg13[%dma_wait3A_3605, %dma_wait3A_3609, %dma_wait3A_3610] : memref<4x2048x5xf32, #tpu.memory_space<vmem>> -> memref<1x512x5xf32, #tpu.memory_space<vmem>>
    %dma_wait3A_3612 = tpu.memref_squeeze %dma_wait3A_3611 : memref<1x512x5xf32, #tpu.memory_space<vmem>> -> memref<512x5xf32, #tpu.memory_space<vmem>>
    tpu.wait_dma2 semaphore(%arg15 : memref<!tpu.dma_semaphore, #tpu.memory_space<semaphore_mem>>) src(%dma_wait3A_3612 : memref<512x5xf32, #tpu.memory_space<vmem>>) dst(%dma_wait3A_3608 : memref<512x5xf32, #tpu.memory_space<hbm>>)
    %swap3A_3613 = arith.constant 0 : index
    %swap3A_3614 = arith.constant 0 : index
    %swap3A_3615 = arith.constant 0 : index
    %swap3A_3616 = vector.load %arg13[%swap3A_3613, %swap3A_3614, %swap3A_3615] : memref<4x2048x5xf32, #tpu.memory_space<vmem>>, vector<1x32x5xf32>
    %swap3A_3617 = vector.shape_cast %swap3A_3616 : vector<1x32x5xf32> to vector<32x5xf32>
    %swap3A_3618 = vector.shape_cast %add3A_3604 : vector<32x5xf32> to vector<1x32x5xf32>
    tpu.vector_store %arg13[%swap3A_3613, %swap3A_3614, %swap3A_3615], %swap3A_3618 {strides = array<i32>} : memref<4x2048x5xf32, #tpu.memory_space<vmem>>, vector<1x32x5xf32>,
    %dma_start3A_3619 = arith.constant 0 : i32
    %dma_start3A_3620 = arith.constant 31 : i32
    %dma_start3A_3621 = arith.constant 0 : i32
    %dma_start3A_3622 = tpu.memref_slice %arg8[%dma_start3A_3620, %dma_start3A_3621] : memref<65535x5xf32, #tpu.memory_space<hbm>> -> memref<32x5xf32, #tpu.memory_space<hbm>>
    %dma_start3A_3623 = arith.constant 0 : i32
    %dma_start3A_3624 = arith.constant 0 : i32
    %dma_start3A_3625 = tpu.memref_slice %arg13[%dma_start3A_3619, %dma_start3A_3623, %dma_start3A_3624] : memref<4x2048x5xf32, #tpu.memory_space<vmem>> -> memref<1x32x5xf32, #tpu.memory_space<vmem>>
    %dma_start3A_3626 = tpu.memref_squeeze %dma_start3A_3625 : memref<1x32x5xf32, #tpu.memory_space<vmem>> -> memref<32x5xf32, #tpu.memory_space<vmem>>
    tpu.enqueue_dma source(%dma_start3A_3626 : memref<32x5xf32, #tpu.memory_space<vmem>>) target(%dma_start3A_3622 : memref<32x5xf32, #tpu.memory_space<hbm>>) target_semaphore(%arg15 : memref<!tpu.dma_semaphore, #tpu.memory_space<semaphore_mem>>)
    %get3A_3627 = arith.constant 0 : index
    %get3A_3628 = arith.constant 0 : index
    %get3A_3629 = vector.load %arg11[%get3A_3627, %get3A_3628] : memref<8192x128xf32, #tpu.memory_space<vmem>>, vector<32x128xf32>
    %get3A_3630 = arith.constant 0 : index
    %get3A_3631 = arith.constant 0 : index
    %get3A_3632 = vector.load %arg12[%get3A_3630, %get3A_3631] : memref<8192x128xf32, #tpu.memory_space<vmem>>, vector<32x128xf32>
    %reshape3A_3633 = vector.shape_cast %get3A_3629 : vector<32x128xf32> to vector<16x256xf32>
    %reshape3A_3634 = vector.shape_cast %get3A_3632 : vector<32x128xf32> to vector<16x256xf32>
    %convert_element_type3A_3635 = arith.truncf %reshape3A_3633 : vector<16x256xf32> to vector<16x256xbf16>
    %dot_general3A_3636 = arith.constant dense<0.000000e+00> : vector<16x256xf32>
    %dot_general3A_3637 = tpu.matmul %convert_element_type3A_3635, %convert_element_type3A_19, %dot_general3A_3636 {dimension_numbers = #tpu.dot_dimension_numbers<[1], [0], [0], [1], [0, 0, 1, 1], [], []>, transpose_lhs_hint = false} : vector<16x256xbf16>, vector<256x256xbf16>, vector<16x256xf32> -> vector<16x256xf32>
    %add3A_3638 = vector.broadcast %mul3A_29 : vector<1x256xf32> to vector<16x256xf32>
    %add3A_3639 = arith.addf %dot_general3A_3637, %add3A_3638 : vector<16x256xf32>
    %tanh3A_3640 = math.tanh %add3A_3639 : vector<16x256xf32>
    %mul3A_3641 = arith.constant 5.000000e-01 : f32
    %mul3A_3642 = vector.broadcast %mul3A_3641 : f32 to vector<16x256xf32>
    %mul3A_3643 = arith.mulf %mul3A_3642, %tanh3A_3640 : vector<16x256xf32>
    %add3A_3644 = arith.constant 5.000000e-01 : f32
    %add3A_3645 = vector.broadcast %add3A_3644 : f32 to vector<16x256xf32>
    %add3A_3646 = arith.addf %mul3A_3643, %add3A_3645 : vector<16x256xf32>
    %slice3A_3647 = vector.extract_strided_slice %add3A_3646 {offsets = [0, 0], sizes = [16, 128], strides = [1, 1]} : vector<16x256xf32> to vector<16x128xf32>
    %slice3A_3648 = vector.extract_strided_slice %reshape3A_3634 {offsets = [0, 0], sizes = [16, 128], strides = [1, 1]} : vector<16x256xf32> to vector<16x128xf32>
    %mul3A_3649 = arith.mulf %slice3A_3647, %slice3A_3648 : vector<16x128xf32>
    %slice3A_3650 = vector.extract_strided_slice %add3A_3646 {offsets = [0, 128], sizes = [16, 128], strides = [1, 1]} : vector<16x256xf32> to vector<16x128xf32>
    %slice3A_3651 = vector.extract_strided_slice %reshape3A_3634 {offsets = [0, 128], sizes = [16, 128], strides = [1, 1]} : vector<16x256xf32> to vector<16x128xf32>
    %mul3A_3652 = arith.mulf %slice3A_3650, %slice3A_3651 : vector<16x128xf32>
    %add3A_3653 = arith.addf %mul3A_3649, %mul3A_3652 : vector<16x128xf32>
    %dot_general3A_3654 = arith.constant dense<0.000000e+00> : vector<16x384xf32>
    %dot_general3A_3655 = tpu.matmul %convert_element_type3A_3635, %convert_element_type3A_12, %dot_general3A_3654 {dimension_numbers = #tpu.dot_dimension_numbers<[1], [0], [0], [1], [0, 0, 1, 1], [], []>, transpose_lhs_hint = false} : vector<16x256xbf16>, vector<256x384xbf16>, vector<16x384xf32> -> vector<16x384xf32>
    %add3A_3656 = vector.broadcast %mul3A_23 : vector<1x384xf32> to vector<16x384xf32>
    %add3A_3657 = arith.addf %dot_general3A_3655, %add3A_3656 : vector<16x384xf32>
    %slice3A_3658 = vector.extract_strided_slice %add3A_3657 {offsets = [0, 0], sizes = [16, 128], strides = [1, 1]} : vector<16x384xf32> to vector<16x128xf32>
    %slice3A_3659 = vector.extract_strided_slice %add3A_3657 {offsets = [0, 128], sizes = [16, 128], strides = [1, 1]} : vector<16x384xf32> to vector<16x128xf32>
    %slice3A_3660 = vector.extract_strided_slice %add3A_3657 {offsets = [0, 256], sizes = [16, 128], strides = [1, 1]} : vector<16x384xf32> to vector<16x128xf32>
    %tanh3A_3661 = math.tanh %slice3A_3658 : vector<16x128xf32>
    %mul3A_3662 = arith.constant 5.000000e-01 : f32
    %mul3A_3663 = vector.broadcast %mul3A_3662 : f32 to vector<16x128xf32>
    %mul3A_3664 = arith.mulf %mul3A_3663, %tanh3A_3661 : vector<16x128xf32>
    %add3A_3665 = arith.constant 5.000000e-01 : f32
    %add3A_3666 = vector.broadcast %add3A_3665 : f32 to vector<16x128xf32>
    %add3A_3667 = arith.addf %mul3A_3664, %add3A_3666 : vector<16x128xf32>
    %tanh3A_3668 = math.tanh %slice3A_3660 : vector<16x128xf32>
    %mul3A_3669 = arith.mulf %add3A_3667, %tanh3A_3668 : vector<16x128xf32>
    %add3A_3670 = arith.addf %mul3A_3669, %add3A_3653 : vector<16x128xf32>
    %tanh3A_3671 = math.tanh %slice3A_3659 : vector<16x128xf32>
    %mul3A_3672 = arith.constant 5.000000e-01 : f32
    %mul3A_3673 = vector.broadcast %mul3A_3672 : f32 to vector<16x128xf32>
    %mul3A_3674 = arith.mulf %mul3A_3673, %tanh3A_3671 : vector<16x128xf32>
    %add3A_3675 = arith.constant 5.000000e-01 : f32
    %add3A_3676 = vector.broadcast %add3A_3675 : f32 to vector<16x128xf32>
    %add3A_3677 = arith.addf %mul3A_3674, %add3A_3676 : vector<16x128xf32>
    %tanh3A_3678 = math.tanh %add3A_3670 : vector<16x128xf32>
    %mul3A_3679 = arith.mulf %add3A_3677, %tanh3A_3678 : vector<16x128xf32>
    %swap3A_3680 = arith.constant 0 : index
    %swap3A_3681 = arith.constant 0 : index
    %swap3A_3682 = vector.load %arg9[%swap3A_3680, %swap3A_3681] : memref<16384x128xf32, #tpu.memory_space<vmem>>, vector<16x128xf32>
    tpu.vector_store %arg9[%swap3A_3680, %swap3A_3681], %mul3A_3679 {strides = array<i32>} : memref<16384x128xf32, #tpu.memory_space<vmem>>, vector<16x128xf32>,
    %swap3A_3683 = arith.constant 0 : index
    %swap3A_3684 = arith.constant 0 : index
    %swap3A_3685 = vector.load %arg10[%swap3A_3683, %swap3A_3684] : memref<16384x128xf32, #tpu.memory_space<vmem>>, vector<16x128xf32>
    tpu.vector_store %arg10[%swap3A_3683, %swap3A_3684], %add3A_3670 {strides = array<i32>} : memref<16384x128xf32, #tpu.memory_space<vmem>>, vector<16x128xf32>,
    %convert_element_type3A_3686 = arith.truncf %mul3A_3679 : vector<16x128xf32> to vector<16x128xbf16>
    %dot_general3A_3687 = arith.constant dense<0.000000e+00> : vector<16x5xf32>
    %dot_general3A_3688 = tpu.matmul %convert_element_type3A_3686, %convert_element_type3A_33, %dot_general3A_3687 {dimension_numbers = #tpu.dot_dimension_numbers<[1], [0], [0], [1], [0, 0, 1, 1], [], []>, transpose_lhs_hint = false} : vector<16x128xbf16>, vector<128x5xbf16>, vector<16x5xf32> -> vector<16x5xf32>
    %add3A_3689 = vector.broadcast %get3A_36 : vector<1x5xf32> to vector<16x5xf32>
    %add3A_3690 = arith.addf %dot_general3A_3688, %add3A_3689 : vector<16x5xf32>
    %dma_wait3A_3691 = arith.constant 1 : i32
    %dma_wait3A_3692 = arith.constant 255 : i32
    %dma_wait3A_3693 = arith.constant 0 : i32
    %dma_wait3A_3694 = tpu.memref_slice %arg8[%dma_wait3A_3692, %dma_wait3A_3693] : memref<65535x5xf32, #tpu.memory_space<hbm>> -> memref<256x5xf32, #tpu.memory_space<hbm>>
    %dma_wait3A_3695 = arith.constant 0 : i32
    %dma_wait3A_3696 = arith.constant 0 : i32
    %dma_wait3A_3697 = tpu.memref_slice %arg13[%dma_wait3A_3691, %dma_wait3A_3695, %dma_wait3A_3696] : memref<4x2048x5xf32, #tpu.memory_space<vmem>> -> memref<1x256x5xf32, #tpu.memory_space<vmem>>
    %dma_wait3A_3698 = tpu.memref_squeeze %dma_wait3A_3697 : memref<1x256x5xf32, #tpu.memory_space<vmem>> -> memref<256x5xf32, #tpu.memory_space<vmem>>
    tpu.wait_dma2 semaphore(%arg15 : memref<!tpu.dma_semaphore, #tpu.memory_space<semaphore_mem>>) src(%dma_wait3A_3698 : memref<256x5xf32, #tpu.memory_space<vmem>>) dst(%dma_wait3A_3694 : memref<256x5xf32, #tpu.memory_space<hbm>>)
    %swap3A_3699 = arith.constant 1 : index
    %swap3A_3700 = arith.constant 0 : index
    %swap3A_3701 = arith.constant 0 : index
    %swap3A_3702 = vector.load %arg13[%swap3A_3699, %swap3A_3700, %swap3A_3701] : memref<4x2048x5xf32, #tpu.memory_space<vmem>>, vector<1x16x5xf32>
    %swap3A_3703 = vector.shape_cast %swap3A_3702 : vector<1x16x5xf32> to vector<16x5xf32>
    %swap3A_3704 = vector.shape_cast %add3A_3690 : vector<16x5xf32> to vector<1x16x5xf32>
    tpu.vector_store %arg13[%swap3A_3699, %swap3A_3700, %swap3A_3701], %swap3A_3704 {strides = array<i32>} : memref<4x2048x5xf32, #tpu.memory_space<vmem>>, vector<1x16x5xf32>,
    %dma_start3A_3705 = arith.constant 1 : i32
    %dma_start3A_3706 = arith.constant 15 : i32
    %dma_start3A_3707 = arith.constant 0 : i32
    %dma_start3A_3708 = tpu.memref_slice %arg8[%dma_start3A_3706, %dma_start3A_3707] : memref<65535x5xf32, #tpu.memory_space<hbm>> -> memref<16x5xf32, #tpu.memory_space<hbm>>
    %dma_start3A_3709 = arith.constant 0 : i32
    %dma_start3A_3710 = arith.constant 0 : i32
    %dma_start3A_3711 = tpu.memref_slice %arg13[%dma_start3A_3705, %dma_start3A_3709, %dma_start3A_3710] : memref<4x2048x5xf32, #tpu.memory_space<vmem>> -> memref<1x16x5xf32, #tpu.memory_space<vmem>>
    %dma_start3A_3712 = tpu.memref_squeeze %dma_start3A_3711 : memref<1x16x5xf32, #tpu.memory_space<vmem>> -> memref<16x5xf32, #tpu.memory_space<vmem>>
    tpu.enqueue_dma source(%dma_start3A_3712 : memref<16x5xf32, #tpu.memory_space<vmem>>) target(%dma_start3A_3708 : memref<16x5xf32, #tpu.memory_space<hbm>>) target_semaphore(%arg15 : memref<!tpu.dma_semaphore, #tpu.memory_space<semaphore_mem>>)
    %get3A_3713 = arith.constant 0 : index
    %get3A_3714 = arith.constant 0 : index
    %get3A_3715 = vector.load %arg9[%get3A_3713, %get3A_3714] : memref<16384x128xf32, #tpu.memory_space<vmem>>, vector<16x128xf32>
    %get3A_3716 = arith.constant 0 : index
    %get3A_3717 = arith.constant 0 : index
    %get3A_3718 = vector.load %arg10[%get3A_3716, %get3A_3717] : memref<16384x128xf32, #tpu.memory_space<vmem>>, vector<16x128xf32>
    %reshape3A_3719 = vector.shape_cast %get3A_3715 : vector<16x128xf32> to vector<8x256xf32>
    %reshape3A_3720 = vector.shape_cast %get3A_3718 : vector<16x128xf32> to vector<8x256xf32>
    %convert_element_type3A_3721 = arith.truncf %reshape3A_3719 : vector<8x256xf32> to vector<8x256xbf16>
    %dot_general3A_3722 = arith.constant dense<0.000000e+00> : vector<8x256xf32>
    %dot_general3A_3723 = tpu.matmul %convert_element_type3A_3721, %convert_element_type3A_19, %dot_general3A_3722 {dimension_numbers = #tpu.dot_dimension_numbers<[1], [0], [0], [1], [0, 0, 1, 1], [], []>, transpose_lhs_hint = false} : vector<8x256xbf16>, vector<256x256xbf16>, vector<8x256xf32> -> vector<8x256xf32>
    %add3A_3724 = vector.broadcast %mul3A_29 : vector<1x256xf32> to vector<8x256xf32>
    %add3A_3725 = arith.addf %dot_general3A_3723, %add3A_3724 : vector<8x256xf32>
    %tanh3A_3726 = math.tanh %add3A_3725 : vector<8x256xf32>
    %mul3A_3727 = arith.constant 5.000000e-01 : f32
    %mul3A_3728 = vector.broadcast %mul3A_3727 : f32 to vector<8x256xf32>
    %mul3A_3729 = arith.mulf %mul3A_3728, %tanh3A_3726 : vector<8x256xf32>
    %add3A_3730 = arith.constant 5.000000e-01 : f32
    %add3A_3731 = vector.broadcast %add3A_3730 : f32 to vector<8x256xf32>
    %add3A_3732 = arith.addf %mul3A_3729, %add3A_3731 : vector<8x256xf32>
    %slice3A_3733 = vector.extract_strided_slice %add3A_3732 {offsets = [0, 0], sizes = [8, 128], strides = [1, 1]} : vector<8x256xf32> to vector<8x128xf32>
    %slice3A_3734 = vector.extract_strided_slice %reshape3A_3720 {offsets = [0, 0], sizes = [8, 128], strides = [1, 1]} : vector<8x256xf32> to vector<8x128xf32>
    %mul3A_3735 = arith.mulf %slice3A_3733, %slice3A_3734 : vector<8x128xf32>
    %slice3A_3736 = vector.extract_strided_slice %add3A_3732 {offsets = [0, 128], sizes = [8, 128], strides = [1, 1]} : vector<8x256xf32> to vector<8x128xf32>
    %slice3A_3737 = vector.extract_strided_slice %reshape3A_3720 {offsets = [0, 128], sizes = [8, 128], strides = [1, 1]} : vector<8x256xf32> to vector<8x128xf32>
    %mul3A_3738 = arith.mulf %slice3A_3736, %slice3A_3737 : vector<8x128xf32>
    %add3A_3739 = arith.addf %mul3A_3735, %mul3A_3738 : vector<8x128xf32>
    %dot_general3A_3740 = arith.constant dense<0.000000e+00> : vector<8x384xf32>
    %dot_general3A_3741 = tpu.matmul %convert_element_type3A_3721, %convert_element_type3A_12, %dot_general3A_3740 {dimension_numbers = #tpu.dot_dimension_numbers<[1], [0], [0], [1], [0, 0, 1, 1], [], []>, transpose_lhs_hint = false} : vector<8x256xbf16>, vector<256x384xbf16>, vector<8x384xf32> -> vector<8x384xf32>
    %add3A_3742 = vector.broadcast %mul3A_23 : vector<1x384xf32> to vector<8x384xf32>
    %add3A_3743 = arith.addf %dot_general3A_3741, %add3A_3742 : vector<8x384xf32>
    %slice3A_3744 = vector.extract_strided_slice %add3A_3743 {offsets = [0, 0], sizes = [8, 128], strides = [1, 1]} : vector<8x384xf32> to vector<8x128xf32>
    %slice3A_3745 = vector.extract_strided_slice %add3A_3743 {offsets = [0, 128], sizes = [8, 128], strides = [1, 1]} : vector<8x384xf32> to vector<8x128xf32>
    %slice3A_3746 = vector.extract_strided_slice %add3A_3743 {offsets = [0, 256], sizes = [8, 128], strides = [1, 1]} : vector<8x384xf32> to vector<8x128xf32>
    %tanh3A_3747 = math.tanh %slice3A_3744 : vector<8x128xf32>
    %mul3A_3748 = arith.constant 5.000000e-01 : f32
    %mul3A_3749 = vector.broadcast %mul3A_3748 : f32 to vector<8x128xf32>
    %mul3A_3750 = arith.mulf %mul3A_3749, %tanh3A_3747 : vector<8x128xf32>
    %add3A_3751 = arith.constant 5.000000e-01 : f32
    %add3A_3752 = vector.broadcast %add3A_3751 : f32 to vector<8x128xf32>
    %add3A_3753 = arith.addf %mul3A_3750, %add3A_3752 : vector<8x128xf32>
    %tanh3A_3754 = math.tanh %slice3A_3746 : vector<8x128xf32>
    %mul3A_3755 = arith.mulf %add3A_3753, %tanh3A_3754 : vector<8x128xf32>
    %add3A_3756 = arith.addf %mul3A_3755, %add3A_3739 : vector<8x128xf32>
    %tanh3A_3757 = math.tanh %slice3A_3745 : vector<8x128xf32>
    %mul3A_3758 = arith.constant 5.000000e-01 : f32
    %mul3A_3759 = vector.broadcast %mul3A_3758 : f32 to vector<8x128xf32>
    %mul3A_3760 = arith.mulf %mul3A_3759, %tanh3A_3757 : vector<8x128xf32>
    %add3A_3761 = arith.constant 5.000000e-01 : f32
    %add3A_3762 = vector.broadcast %add3A_3761 : f32 to vector<8x128xf32>
    %add3A_3763 = arith.addf %mul3A_3760, %add3A_3762 : vector<8x128xf32>
    %tanh3A_3764 = math.tanh %add3A_3756 : vector<8x128xf32>
    %mul3A_3765 = arith.mulf %add3A_3763, %tanh3A_3764 : vector<8x128xf32>
    %swap3A_3766 = arith.constant 0 : index
    %swap3A_3767 = arith.constant 0 : index
    %swap3A_3768 = vector.load %arg11[%swap3A_3766, %swap3A_3767] : memref<8192x128xf32, #tpu.memory_space<vmem>>, vector<8x128xf32>
    tpu.vector_store %arg11[%swap3A_3766, %swap3A_3767], %mul3A_3765 {strides = array<i32>} : memref<8192x128xf32, #tpu.memory_space<vmem>>, vector<8x128xf32>,
    %swap3A_3769 = arith.constant 0 : index
    %swap3A_3770 = arith.constant 0 : index
    %swap3A_3771 = vector.load %arg12[%swap3A_3769, %swap3A_3770] : memref<8192x128xf32, #tpu.memory_space<vmem>>, vector<8x128xf32>
    tpu.vector_store %arg12[%swap3A_3769, %swap3A_3770], %add3A_3756 {strides = array<i32>} : memref<8192x128xf32, #tpu.memory_space<vmem>>, vector<8x128xf32>,
    %convert_element_type3A_3772 = arith.truncf %mul3A_3765 : vector<8x128xf32> to vector<8x128xbf16>
    %dot_general3A_3773 = arith.constant dense<0.000000e+00> : vector<8x5xf32>
    %dot_general3A_3774 = tpu.matmul %convert_element_type3A_3772, %convert_element_type3A_33, %dot_general3A_3773 {dimension_numbers = #tpu.dot_dimension_numbers<[1], [0], [0], [1], [0, 0, 1, 1], [], []>, transpose_lhs_hint = false} : vector<8x128xbf16>, vector<128x5xbf16>, vector<8x5xf32> -> vector<8x5xf32>
    %add3A_3775 = vector.broadcast %get3A_36 : vector<1x5xf32> to vector<8x5xf32>
    %add3A_3776 = arith.addf %dot_general3A_3774, %add3A_3775 : vector<8x5xf32>
    %dma_wait3A_3777 = arith.constant 2 : i32
    %dma_wait3A_3778 = arith.constant 127 : i32
    %dma_wait3A_3779 = arith.constant 0 : i32
    %dma_wait3A_3780 = tpu.memref_slice %arg8[%dma_wait3A_3778, %dma_wait3A_3779] : memref<65535x5xf32, #tpu.memory_space<hbm>> -> memref<128x5xf32, #tpu.memory_space<hbm>>
    %dma_wait3A_3781 = arith.constant 0 : i32
    %dma_wait3A_3782 = arith.constant 0 : i32
    %dma_wait3A_3783 = tpu.memref_slice %arg13[%dma_wait3A_3777, %dma_wait3A_3781, %dma_wait3A_3782] : memref<4x2048x5xf32, #tpu.memory_space<vmem>> -> memref<1x128x5xf32, #tpu.memory_space<vmem>>
    %dma_wait3A_3784 = tpu.memref_squeeze %dma_wait3A_3783 : memref<1x128x5xf32, #tpu.memory_space<vmem>> -> memref<128x5xf32, #tpu.memory_space<vmem>>
    tpu.wait_dma2 semaphore(%arg15 : memref<!tpu.dma_semaphore, #tpu.memory_space<semaphore_mem>>) src(%dma_wait3A_3784 : memref<128x5xf32, #tpu.memory_space<vmem>>) dst(%dma_wait3A_3780 : memref<128x5xf32, #tpu.memory_space<hbm>>)
    %swap3A_3785 = arith.constant 2 : index
    %swap3A_3786 = arith.constant 0 : index
    %swap3A_3787 = arith.constant 0 : index
    %swap3A_3788 = vector.load %arg13[%swap3A_3785, %swap3A_3786, %swap3A_3787] : memref<4x2048x5xf32, #tpu.memory_space<vmem>>, vector<1x8x5xf32>
    %swap3A_3789 = vector.shape_cast %swap3A_3788 : vector<1x8x5xf32> to vector<8x5xf32>
    %swap3A_3790 = vector.shape_cast %add3A_3776 : vector<8x5xf32> to vector<1x8x5xf32>
    tpu.vector_store %arg13[%swap3A_3785, %swap3A_3786, %swap3A_3787], %swap3A_3790 {strides = array<i32>} : memref<4x2048x5xf32, #tpu.memory_space<vmem>>, vector<1x8x5xf32>,
    %dma_start3A_3791 = arith.constant 2 : i32
    %dma_start3A_3792 = arith.constant 7 : i32
    %dma_start3A_3793 = arith.constant 0 : i32
    %dma_start3A_3794 = tpu.memref_slice %arg8[%dma_start3A_3792, %dma_start3A_3793] : memref<65535x5xf32, #tpu.memory_space<hbm>> -> memref<8x5xf32, #tpu.memory_space<hbm>>
    %dma_start3A_3795 = arith.constant 0 : i32
    %dma_start3A_3796 = arith.constant 0 : i32
    %dma_start3A_3797 = tpu.memref_slice %arg13[%dma_start3A_3791, %dma_start3A_3795, %dma_start3A_3796] : memref<4x2048x5xf32, #tpu.memory_space<vmem>> -> memref<1x8x5xf32, #tpu.memory_space<vmem>>
    %dma_start3A_3798 = tpu.memref_squeeze %dma_start3A_3797 : memref<1x8x5xf32, #tpu.memory_space<vmem>> -> memref<8x5xf32, #tpu.memory_space<vmem>>
    tpu.enqueue_dma source(%dma_start3A_3798 : memref<8x5xf32, #tpu.memory_space<vmem>>) target(%dma_start3A_3794 : memref<8x5xf32, #tpu.memory_space<hbm>>) target_semaphore(%arg15 : memref<!tpu.dma_semaphore, #tpu.memory_space<semaphore_mem>>)
    %get3A_3799 = arith.constant 0 : index
    %get3A_3800 = arith.constant 0 : index
    %get3A_3801 = vector.load %arg11[%get3A_3799, %get3A_3800] : memref<8192x128xf32, #tpu.memory_space<vmem>>, vector<8x128xf32>
    %get3A_3802 = arith.constant 0 : index
    %get3A_3803 = arith.constant 0 : index
    %get3A_3804 = vector.load %arg12[%get3A_3802, %get3A_3803] : memref<8192x128xf32, #tpu.memory_space<vmem>>, vector<8x128xf32>
    %reshape3A_3805 = vector.shape_cast %get3A_3801 : vector<8x128xf32> to vector<4x256xf32>
    %reshape3A_3806 = vector.shape_cast %get3A_3804 : vector<8x128xf32> to vector<4x256xf32>
    %convert_element_type3A_3807 = arith.truncf %reshape3A_3805 : vector<4x256xf32> to vector<4x256xbf16>
    %dot_general3A_3808 = arith.constant dense<0.000000e+00> : vector<4x256xf32>
    %dot_general3A_3809 = tpu.matmul %convert_element_type3A_3807, %convert_element_type3A_19, %dot_general3A_3808 {dimension_numbers = #tpu.dot_dimension_numbers<[1], [0], [0], [1], [0, 0, 1, 1], [], []>, transpose_lhs_hint = false} : vector<4x256xbf16>, vector<256x256xbf16>, vector<4x256xf32> -> vector<4x256xf32>
    %add3A_3810 = vector.broadcast %mul3A_29 : vector<1x256xf32> to vector<4x256xf32>
    %add3A_3811 = arith.addf %dot_general3A_3809, %add3A_3810 : vector<4x256xf32>
    %tanh3A_3812 = math.tanh %add3A_3811 : vector<4x256xf32>
    %mul3A_3813 = arith.constant 5.000000e-01 : f32
    %mul3A_3814 = vector.broadcast %mul3A_3813 : f32 to vector<4x256xf32>
    %mul3A_3815 = arith.mulf %mul3A_3814, %tanh3A_3812 : vector<4x256xf32>
    %add3A_3816 = arith.constant 5.000000e-01 : f32
    %add3A_3817 = vector.broadcast %add3A_3816 : f32 to vector<4x256xf32>
    %add3A_3818 = arith.addf %mul3A_3815, %add3A_3817 : vector<4x256xf32>
    %slice3A_3819 = vector.extract_strided_slice %add3A_3818 {offsets = [0, 0], sizes = [4, 128], strides = [1, 1]} : vector<4x256xf32> to vector<4x128xf32>
    %slice3A_3820 = vector.extract_strided_slice %reshape3A_3806 {offsets = [0, 0], sizes = [4, 128], strides = [1, 1]} : vector<4x256xf32> to vector<4x128xf32>
    %mul3A_3821 = arith.mulf %slice3A_3819, %slice3A_3820 : vector<4x128xf32>
    %slice3A_3822 = vector.extract_strided_slice %add3A_3818 {offsets = [0, 128], sizes = [4, 128], strides = [1, 1]} : vector<4x256xf32> to vector<4x128xf32>
    %slice3A_3823 = vector.extract_strided_slice %reshape3A_3806 {offsets = [0, 128], sizes = [4, 128], strides = [1, 1]} : vector<4x256xf32> to vector<4x128xf32>
    %mul3A_3824 = arith.mulf %slice3A_3822, %slice3A_3823 : vector<4x128xf32>
    %add3A_3825 = arith.addf %mul3A_3821, %mul3A_3824 : vector<4x128xf32>
    %dot_general3A_3826 = arith.constant dense<0.000000e+00> : vector<4x384xf32>
    %dot_general3A_3827 = tpu.matmul %convert_element_type3A_3807, %convert_element_type3A_12, %dot_general3A_3826 {dimension_numbers = #tpu.dot_dimension_numbers<[1], [0], [0], [1], [0, 0, 1, 1], [], []>, transpose_lhs_hint = false} : vector<4x256xbf16>, vector<256x384xbf16>, vector<4x384xf32> -> vector<4x384xf32>
    %add3A_3828 = vector.broadcast %mul3A_23 : vector<1x384xf32> to vector<4x384xf32>
    %add3A_3829 = arith.addf %dot_general3A_3827, %add3A_3828 : vector<4x384xf32>
    %slice3A_3830 = vector.extract_strided_slice %add3A_3829 {offsets = [0, 0], sizes = [4, 128], strides = [1, 1]} : vector<4x384xf32> to vector<4x128xf32>
    %slice3A_3831 = vector.extract_strided_slice %add3A_3829 {offsets = [0, 128], sizes = [4, 128], strides = [1, 1]} : vector<4x384xf32> to vector<4x128xf32>
    %slice3A_3832 = vector.extract_strided_slice %add3A_3829 {offsets = [0, 256], sizes = [4, 128], strides = [1, 1]} : vector<4x384xf32> to vector<4x128xf32>
    %tanh3A_3833 = math.tanh %slice3A_3830 : vector<4x128xf32>
    %mul3A_3834 = arith.constant 5.000000e-01 : f32
    %mul3A_3835 = vector.broadcast %mul3A_3834 : f32 to vector<4x128xf32>
    %mul3A_3836 = arith.mulf %mul3A_3835, %tanh3A_3833 : vector<4x128xf32>
    %add3A_3837 = arith.constant 5.000000e-01 : f32
    %add3A_3838 = vector.broadcast %add3A_3837 : f32 to vector<4x128xf32>
    %add3A_3839 = arith.addf %mul3A_3836, %add3A_3838 : vector<4x128xf32>
    %tanh3A_3840 = math.tanh %slice3A_3832 : vector<4x128xf32>
    %mul3A_3841 = arith.mulf %add3A_3839, %tanh3A_3840 : vector<4x128xf32>
    %add3A_3842 = arith.addf %mul3A_3841, %add3A_3825 : vector<4x128xf32>
    %tanh3A_3843 = math.tanh %slice3A_3831 : vector<4x128xf32>
    %mul3A_3844 = arith.constant 5.000000e-01 : f32
    %mul3A_3845 = vector.broadcast %mul3A_3844 : f32 to vector<4x128xf32>
    %mul3A_3846 = arith.mulf %mul3A_3845, %tanh3A_3843 : vector<4x128xf32>
    %add3A_3847 = arith.constant 5.000000e-01 : f32
    %add3A_3848 = vector.broadcast %add3A_3847 : f32 to vector<4x128xf32>
    %add3A_3849 = arith.addf %mul3A_3846, %add3A_3848 : vector<4x128xf32>
    %tanh3A_3850 = math.tanh %add3A_3842 : vector<4x128xf32>
    %mul3A_3851 = arith.mulf %add3A_3849, %tanh3A_3850 : vector<4x128xf32>
    %swap3A_3852 = arith.constant 0 : index
    %swap3A_3853 = arith.constant 0 : index
    %swap3A_3854 = vector.load %arg9[%swap3A_3852, %swap3A_3853] : memref<16384x128xf32, #tpu.memory_space<vmem>>, vector<4x128xf32>
    tpu.vector_store %arg9[%swap3A_3852, %swap3A_3853], %mul3A_3851 {strides = array<i32>} : memref<16384x128xf32, #tpu.memory_space<vmem>>, vector<4x128xf32>,
    %swap3A_3855 = arith.constant 0 : index
    %swap3A_3856 = arith.constant 0 : index
    %swap3A_3857 = vector.load %arg10[%swap3A_3855, %swap3A_3856] : memref<16384x128xf32, #tpu.memory_space<vmem>>, vector<4x128xf32>
    tpu.vector_store %arg10[%swap3A_3855, %swap3A_3856], %add3A_3842 {strides = array<i32>} : memref<16384x128xf32, #tpu.memory_space<vmem>>, vector<4x128xf32>,
    %convert_element_type3A_3858 = arith.truncf %mul3A_3851 : vector<4x128xf32> to vector<4x128xbf16>
    %dot_general3A_3859 = arith.constant dense<0.000000e+00> : vector<4x5xf32>
    %dot_general3A_3860 = tpu.matmul %convert_element_type3A_3858, %convert_element_type3A_33, %dot_general3A_3859 {dimension_numbers = #tpu.dot_dimension_numbers<[1], [0], [0], [1], [0, 0, 1, 1], [], []>, transpose_lhs_hint = false} : vector<4x128xbf16>, vector<128x5xbf16>, vector<4x5xf32> -> vector<4x5xf32>
    %add3A_3861 = vector.broadcast %get3A_36 : vector<1x5xf32> to vector<4x5xf32>
    %add3A_3862 = arith.addf %dot_general3A_3860, %add3A_3861 : vector<4x5xf32>
    %dma_wait3A_3863 = arith.constant 3 : i32
    %dma_wait3A_3864 = arith.constant 63 : i32
    %dma_wait3A_3865 = arith.constant 0 : i32
    %dma_wait3A_3866 = tpu.memref_slice %arg8[%dma_wait3A_3864, %dma_wait3A_3865] : memref<65535x5xf32, #tpu.memory_space<hbm>> -> memref<64x5xf32, #tpu.memory_space<hbm>>
    %dma_wait3A_3867 = arith.constant 0 : i32
    %dma_wait3A_3868 = arith.constant 0 : i32
    %dma_wait3A_3869 = tpu.memref_slice %arg13[%dma_wait3A_3863, %dma_wait3A_3867, %dma_wait3A_3868] : memref<4x2048x5xf32, #tpu.memory_space<vmem>> -> memref<1x64x5xf32, #tpu.memory_space<vmem>>
    %dma_wait3A_3870 = tpu.memref_squeeze %dma_wait3A_3869 : memref<1x64x5xf32, #tpu.memory_space<vmem>> -> memref<64x5xf32, #tpu.memory_space<vmem>>
    tpu.wait_dma2 semaphore(%arg15 : memref<!tpu.dma_semaphore, #tpu.memory_space<semaphore_mem>>) src(%dma_wait3A_3870 : memref<64x5xf32, #tpu.memory_space<vmem>>) dst(%dma_wait3A_3866 : memref<64x5xf32, #tpu.memory_space<hbm>>)
    %swap3A_3871 = arith.constant 3 : index
    %swap3A_3872 = arith.constant 0 : index
    %swap3A_3873 = arith.constant 0 : index
    %swap3A_3874 = vector.load %arg13[%swap3A_3871, %swap3A_3872, %swap3A_3873] : memref<4x2048x5xf32, #tpu.memory_space<vmem>>, vector<1x4x5xf32>
    %swap3A_3875 = vector.shape_cast %swap3A_3874 : vector<1x4x5xf32> to vector<4x5xf32>
    %swap3A_3876 = vector.shape_cast %add3A_3862 : vector<4x5xf32> to vector<1x4x5xf32>
    tpu.vector_store %arg13[%swap3A_3871, %swap3A_3872, %swap3A_3873], %swap3A_3876 {strides = array<i32>} : memref<4x2048x5xf32, #tpu.memory_space<vmem>>, vector<1x4x5xf32>,
    %dma_start3A_3877 = arith.constant 3 : i32
    %dma_start3A_3878 = arith.constant 3 : i32
    %dma_start3A_3879 = arith.constant 0 : i32
    %dma_start3A_3880 = tpu.memref_slice %arg8[%dma_start3A_3878, %dma_start3A_3879] : memref<65535x5xf32, #tpu.memory_space<hbm>> -> memref<4x5xf32, #tpu.memory_space<hbm>>
    %dma_start3A_3881 = arith.constant 0 : i32
    %dma_start3A_3882 = arith.constant 0 : i32
    %dma_start3A_3883 = tpu.memref_slice %arg13[%dma_start3A_3877, %dma_start3A_3881, %dma_start3A_3882] : memref<4x2048x5xf32, #tpu.memory_space<vmem>> -> memref<1x4x5xf32, #tpu.memory_space<vmem>>
    %dma_start3A_3884 = tpu.memref_squeeze %dma_start3A_3883 : memref<1x4x5xf32, #tpu.memory_space<vmem>> -> memref<4x5xf32, #tpu.memory_space<vmem>>
    tpu.enqueue_dma source(%dma_start3A_3884 : memref<4x5xf32, #tpu.memory_space<vmem>>) target(%dma_start3A_3880 : memref<4x5xf32, #tpu.memory_space<hbm>>) target_semaphore(%arg15 : memref<!tpu.dma_semaphore, #tpu.memory_space<semaphore_mem>>)
    %get3A_3885 = arith.constant 0 : index
    %get3A_3886 = arith.constant 0 : index
    %get3A_3887 = vector.load %arg9[%get3A_3885, %get3A_3886] : memref<16384x128xf32, #tpu.memory_space<vmem>>, vector<4x128xf32>
    %get3A_3888 = arith.constant 0 : index
    %get3A_3889 = arith.constant 0 : index
    %get3A_3890 = vector.load %arg10[%get3A_3888, %get3A_3889] : memref<16384x128xf32, #tpu.memory_space<vmem>>, vector<4x128xf32>
    %reshape3A_3891 = vector.shape_cast %get3A_3887 : vector<4x128xf32> to vector<2x256xf32>
    %reshape3A_3892 = vector.shape_cast %get3A_3890 : vector<4x128xf32> to vector<2x256xf32>
    %convert_element_type3A_3893 = arith.truncf %reshape3A_3891 : vector<2x256xf32> to vector<2x256xbf16>
    %dot_general3A_3894 = arith.constant dense<0.000000e+00> : vector<2x256xf32>
    %dot_general3A_3895 = tpu.matmul %convert_element_type3A_3893, %convert_element_type3A_19, %dot_general3A_3894 {dimension_numbers = #tpu.dot_dimension_numbers<[1], [0], [0], [1], [0, 0, 1, 1], [], []>, transpose_lhs_hint = false} : vector<2x256xbf16>, vector<256x256xbf16>, vector<2x256xf32> -> vector<2x256xf32>
    %add3A_3896 = vector.broadcast %mul3A_29 : vector<1x256xf32> to vector<2x256xf32>
    %add3A_3897 = arith.addf %dot_general3A_3895, %add3A_3896 : vector<2x256xf32>
    %tanh3A_3898 = math.tanh %add3A_3897 : vector<2x256xf32>
    %mul3A_3899 = arith.constant 5.000000e-01 : f32
    %mul3A_3900 = vector.broadcast %mul3A_3899 : f32 to vector<2x256xf32>
    %mul3A_3901 = arith.mulf %mul3A_3900, %tanh3A_3898 : vector<2x256xf32>
    %add3A_3902 = arith.constant 5.000000e-01 : f32
    %add3A_3903 = vector.broadcast %add3A_3902 : f32 to vector<2x256xf32>
    %add3A_3904 = arith.addf %mul3A_3901, %add3A_3903 : vector<2x256xf32>
    %slice3A_3905 = vector.extract_strided_slice %add3A_3904 {offsets = [0, 0], sizes = [2, 128], strides = [1, 1]} : vector<2x256xf32> to vector<2x128xf32>
    %slice3A_3906 = vector.extract_strided_slice %reshape3A_3892 {offsets = [0, 0], sizes = [2, 128], strides = [1, 1]} : vector<2x256xf32> to vector<2x128xf32>
    %mul3A_3907 = arith.mulf %slice3A_3905, %slice3A_3906 : vector<2x128xf32>
    %slice3A_3908 = vector.extract_strided_slice %add3A_3904 {offsets = [0, 128], sizes = [2, 128], strides = [1, 1]} : vector<2x256xf32> to vector<2x128xf32>
    %slice3A_3909 = vector.extract_strided_slice %reshape3A_3892 {offsets = [0, 128], sizes = [2, 128], strides = [1, 1]} : vector<2x256xf32> to vector<2x128xf32>
    %mul3A_3910 = arith.mulf %slice3A_3908, %slice3A_3909 : vector<2x128xf32>
    %add3A_3911 = arith.addf %mul3A_3907, %mul3A_3910 : vector<2x128xf32>
    %dot_general3A_3912 = arith.constant dense<0.000000e+00> : vector<2x384xf32>
    %dot_general3A_3913 = tpu.matmul %convert_element_type3A_3893, %convert_element_type3A_12, %dot_general3A_3912 {dimension_numbers = #tpu.dot_dimension_numbers<[1], [0], [0], [1], [0, 0, 1, 1], [], []>, transpose_lhs_hint = false} : vector<2x256xbf16>, vector<256x384xbf16>, vector<2x384xf32> -> vector<2x384xf32>
    %add3A_3914 = vector.broadcast %mul3A_23 : vector<1x384xf32> to vector<2x384xf32>
    %add3A_3915 = arith.addf %dot_general3A_3913, %add3A_3914 : vector<2x384xf32>
    %slice3A_3916 = vector.extract_strided_slice %add3A_3915 {offsets = [0, 0], sizes = [2, 128], strides = [1, 1]} : vector<2x384xf32> to vector<2x128xf32>
    %slice3A_3917 = vector.extract_strided_slice %add3A_3915 {offsets = [0, 128], sizes = [2, 128], strides = [1, 1]} : vector<2x384xf32> to vector<2x128xf32>
    %slice3A_3918 = vector.extract_strided_slice %add3A_3915 {offsets = [0, 256], sizes = [2, 128], strides = [1, 1]} : vector<2x384xf32> to vector<2x128xf32>
    %tanh3A_3919 = math.tanh %slice3A_3916 : vector<2x128xf32>
    %mul3A_3920 = arith.constant 5.000000e-01 : f32
    %mul3A_3921 = vector.broadcast %mul3A_3920 : f32 to vector<2x128xf32>
    %mul3A_3922 = arith.mulf %mul3A_3921, %tanh3A_3919 : vector<2x128xf32>
    %add3A_3923 = arith.constant 5.000000e-01 : f32
    %add3A_3924 = vector.broadcast %add3A_3923 : f32 to vector<2x128xf32>
    %add3A_3925 = arith.addf %mul3A_3922, %add3A_3924 : vector<2x128xf32>
    %tanh3A_3926 = math.tanh %slice3A_3918 : vector<2x128xf32>
    %mul3A_3927 = arith.mulf %add3A_3925, %tanh3A_3926 : vector<2x128xf32>
    %add3A_3928 = arith.addf %mul3A_3927, %add3A_3911 : vector<2x128xf32>
    %tanh3A_3929 = math.tanh %slice3A_3917 : vector<2x128xf32>
    %mul3A_3930 = arith.constant 5.000000e-01 : f32
    %mul3A_3931 = vector.broadcast %mul3A_3930 : f32 to vector<2x128xf32>
    %mul3A_3932 = arith.mulf %mul3A_3931, %tanh3A_3929 : vector<2x128xf32>
    %add3A_3933 = arith.constant 5.000000e-01 : f32
    %add3A_3934 = vector.broadcast %add3A_3933 : f32 to vector<2x128xf32>
    %add3A_3935 = arith.addf %mul3A_3932, %add3A_3934 : vector<2x128xf32>
    %tanh3A_3936 = math.tanh %add3A_3928 : vector<2x128xf32>
    %mul3A_3937 = arith.mulf %add3A_3935, %tanh3A_3936 : vector<2x128xf32>
    %swap3A_3938 = arith.constant 0 : index
    %swap3A_3939 = arith.constant 0 : index
    %swap3A_3940 = vector.load %arg11[%swap3A_3938, %swap3A_3939] : memref<8192x128xf32, #tpu.memory_space<vmem>>, vector<2x128xf32>
    tpu.vector_store %arg11[%swap3A_3938, %swap3A_3939], %mul3A_3937 {strides = array<i32>} : memref<8192x128xf32, #tpu.memory_space<vmem>>, vector<2x128xf32>,
    %swap3A_3941 = arith.constant 0 : index
    %swap3A_3942 = arith.constant 0 : index
    %swap3A_3943 = vector.load %arg12[%swap3A_3941, %swap3A_3942] : memref<8192x128xf32, #tpu.memory_space<vmem>>, vector<2x128xf32>
    tpu.vector_store %arg12[%swap3A_3941, %swap3A_3942], %add3A_3928 {strides = array<i32>} : memref<8192x128xf32, #tpu.memory_space<vmem>>, vector<2x128xf32>,
    %convert_element_type3A_3944 = arith.truncf %mul3A_3937 : vector<2x128xf32> to vector<2x128xbf16>
    %dot_general3A_3945 = arith.constant dense<0.000000e+00> : vector<2x5xf32>
    %dot_general3A_3946 = tpu.matmul %convert_element_type3A_3944, %convert_element_type3A_33, %dot_general3A_3945 {dimension_numbers = #tpu.dot_dimension_numbers<[1], [0], [0], [1], [0, 0, 1, 1], [], []>, transpose_lhs_hint = false} : vector<2x128xbf16>, vector<128x5xbf16>, vector<2x5xf32> -> vector<2x5xf32>
    %add3A_3947 = vector.broadcast %get3A_36 : vector<1x5xf32> to vector<2x5xf32>
    %add3A_3948 = arith.addf %dot_general3A_3946, %add3A_3947 : vector<2x5xf32>
    %dma_wait3A_3949 = arith.constant 0 : i32
    %dma_wait3A_3950 = arith.constant 31 : i32
    %dma_wait3A_3951 = arith.constant 0 : i32
    %dma_wait3A_3952 = tpu.memref_slice %arg8[%dma_wait3A_3950, %dma_wait3A_3951] : memref<65535x5xf32, #tpu.memory_space<hbm>> -> memref<32x5xf32, #tpu.memory_space<hbm>>
    %dma_wait3A_3953 = arith.constant 0 : i32
    %dma_wait3A_3954 = arith.constant 0 : i32
    %dma_wait3A_3955 = tpu.memref_slice %arg13[%dma_wait3A_3949, %dma_wait3A_3953, %dma_wait3A_3954] : memref<4x2048x5xf32, #tpu.memory_space<vmem>> -> memref<1x32x5xf32, #tpu.memory_space<vmem>>
    %dma_wait3A_3956 = tpu.memref_squeeze %dma_wait3A_3955 : memref<1x32x5xf32, #tpu.memory_space<vmem>> -> memref<32x5xf32, #tpu.memory_space<vmem>>
    tpu.wait_dma2 semaphore(%arg15 : memref<!tpu.dma_semaphore, #tpu.memory_space<semaphore_mem>>) src(%dma_wait3A_3956 : memref<32x5xf32, #tpu.memory_space<vmem>>) dst(%dma_wait3A_3952 : memref<32x5xf32, #tpu.memory_space<hbm>>)
    %swap3A_3957 = arith.constant 0 : index
    %swap3A_3958 = arith.constant 0 : index
    %swap3A_3959 = arith.constant 0 : index
    %swap3A_3960 = vector.load %arg13[%swap3A_3957, %swap3A_3958, %swap3A_3959] : memref<4x2048x5xf32, #tpu.memory_space<vmem>>, vector<1x2x5xf32>
    %swap3A_3961 = vector.shape_cast %swap3A_3960 : vector<1x2x5xf32> to vector<2x5xf32>
    %swap3A_3962 = vector.shape_cast %add3A_3948 : vector<2x5xf32> to vector<1x2x5xf32>
    tpu.vector_store %arg13[%swap3A_3957, %swap3A_3958, %swap3A_3959], %swap3A_3962 {strides = array<i32>} : memref<4x2048x5xf32, #tpu.memory_space<vmem>>, vector<1x2x5xf32>,
    %dma_start3A_3963 = arith.constant 0 : i32
    %dma_start3A_3964 = arith.constant 1 : i32
    %dma_start3A_3965 = arith.constant 0 : i32
    %dma_start3A_3966 = tpu.memref_slice %arg8[%dma_start3A_3964, %dma_start3A_3965] : memref<65535x5xf32, #tpu.memory_space<hbm>> -> memref<2x5xf32, #tpu.memory_space<hbm>>
    %dma_start3A_3967 = arith.constant 0 : i32
    %dma_start3A_3968 = arith.constant 0 : i32
    %dma_start3A_3969 = tpu.memref_slice %arg13[%dma_start3A_3963, %dma_start3A_3967, %dma_start3A_3968] : memref<4x2048x5xf32, #tpu.memory_space<vmem>> -> memref<1x2x5xf32, #tpu.memory_space<vmem>>
    %dma_start3A_3970 = tpu.memref_squeeze %dma_start3A_3969 : memref<1x2x5xf32, #tpu.memory_space<vmem>> -> memref<2x5xf32, #tpu.memory_space<vmem>>
    tpu.enqueue_dma source(%dma_start3A_3970 : memref<2x5xf32, #tpu.memory_space<vmem>>) target(%dma_start3A_3966 : memref<2x5xf32, #tpu.memory_space<hbm>>) target_semaphore(%arg15 : memref<!tpu.dma_semaphore, #tpu.memory_space<semaphore_mem>>)
    %get3A_3971 = arith.constant 0 : index
    %get3A_3972 = arith.constant 0 : index
    %get3A_3973 = vector.load %arg11[%get3A_3971, %get3A_3972] : memref<8192x128xf32, #tpu.memory_space<vmem>>, vector<2x128xf32>
    %get3A_3974 = arith.constant 0 : index
    %get3A_3975 = arith.constant 0 : index
    %get3A_3976 = vector.load %arg12[%get3A_3974, %get3A_3975] : memref<8192x128xf32, #tpu.memory_space<vmem>>, vector<2x128xf32>
    %reshape3A_3977 = vector.shape_cast %get3A_3973 : vector<2x128xf32> to vector<1x256xf32>
    %reshape3A_3978 = vector.shape_cast %get3A_3976 : vector<2x128xf32> to vector<1x256xf32>
    %convert_element_type3A_3979 = arith.truncf %reshape3A_3977 : vector<1x256xf32> to vector<1x256xbf16>
    %dot_general3A_3980 = arith.constant dense<0.000000e+00> : vector<1x256xf32>
    %dot_general3A_3981 = tpu.matmul %convert_element_type3A_3979, %convert_element_type3A_19, %dot_general3A_3980 {dimension_numbers = #tpu.dot_dimension_numbers<[1], [0], [0], [1], [0, 0, 1, 1], [], []>, transpose_lhs_hint = false} : vector<1x256xbf16>, vector<256x256xbf16>, vector<1x256xf32> -> vector<1x256xf32>
    %add3A_3982 = arith.addf %dot_general3A_3981, %mul3A_29 : vector<1x256xf32>
    %tanh3A_3983 = math.tanh %add3A_3982 : vector<1x256xf32>
    %mul3A_3984 = arith.constant 5.000000e-01 : f32
    %mul3A_3985 = vector.broadcast %mul3A_3984 : f32 to vector<1x256xf32>
    %mul3A_3986 = arith.mulf %mul3A_3985, %tanh3A_3983 : vector<1x256xf32>
    %add3A_3987 = arith.constant 5.000000e-01 : f32
    %add3A_3988 = vector.broadcast %add3A_3987 : f32 to vector<1x256xf32>
    %add3A_3989 = arith.addf %mul3A_3986, %add3A_3988 : vector<1x256xf32>
    %slice3A_3990 = vector.extract_strided_slice %add3A_3989 {offsets = [0, 0], sizes = [1, 128], strides = [1, 1]} : vector<1x256xf32> to vector<1x128xf32>
    %slice3A_3991 = vector.extract_strided_slice %reshape3A_3978 {offsets = [0, 0], sizes = [1, 128], strides = [1, 1]} : vector<1x256xf32> to vector<1x128xf32>
    %mul3A_3992 = arith.mulf %slice3A_3990, %slice3A_3991 : vector<1x128xf32>
    %slice3A_3993 = vector.extract_strided_slice %add3A_3989 {offsets = [0, 128], sizes = [1, 128], strides = [1, 1]} : vector<1x256xf32> to vector<1x128xf32>
    %slice3A_3994 = vector.extract_strided_slice %reshape3A_3978 {offsets = [0, 128], sizes = [1, 128], strides = [1, 1]} : vector<1x256xf32> to vector<1x128xf32>
    %mul3A_3995 = arith.mulf %slice3A_3993, %slice3A_3994 : vector<1x128xf32>
    %add3A_3996 = arith.addf %mul3A_3992, %mul3A_3995 : vector<1x128xf32>
    %dot_general3A_3997 = arith.constant dense<0.000000e+00> : vector<1x384xf32>
    %dot_general3A_3998 = tpu.matmul %convert_element_type3A_3979, %convert_element_type3A_12, %dot_general3A_3997 {dimension_numbers = #tpu.dot_dimension_numbers<[1], [0], [0], [1], [0, 0, 1, 1], [], []>, transpose_lhs_hint = false} : vector<1x256xbf16>, vector<256x384xbf16>, vector<1x384xf32> -> vector<1x384xf32>
    %add3A_3999 = arith.addf %dot_general3A_3998, %mul3A_23 : vector<1x384xf32>
    %slice3A_4000 = vector.extract_strided_slice %add3A_3999 {offsets = [0, 0], sizes = [1, 128], strides = [1, 1]} : vector<1x384xf32> to vector<1x128xf32>
    %slice3A_4001 = vector.extract_strided_slice %add3A_3999 {offsets = [0, 128], sizes = [1, 128], strides = [1, 1]} : vector<1x384xf32> to vector<1x128xf32>
    %slice3A_4002 = vector.extract_strided_slice %add3A_3999 {offsets = [0, 256], sizes = [1, 128], strides = [1, 1]} : vector<1x384xf32> to vector<1x128xf32>
    %tanh3A_4003 = math.tanh %slice3A_4000 : vector<1x128xf32>
    %mul3A_4004 = arith.constant 5.000000e-01 : f32
    %mul3A_4005 = vector.broadcast %mul3A_4004 : f32 to vector<1x128xf32>
    %mul3A_4006 = arith.mulf %mul3A_4005, %tanh3A_4003 : vector<1x128xf32>
    %add3A_4007 = arith.constant 5.000000e-01 : f32
    %add3A_4008 = vector.broadcast %add3A_4007 : f32 to vector<1x128xf32>
    %add3A_4009 = arith.addf %mul3A_4006, %add3A_4008 : vector<1x128xf32>
    %tanh3A_4010 = math.tanh %slice3A_4002 : vector<1x128xf32>
    %mul3A_4011 = arith.mulf %add3A_4009, %tanh3A_4010 : vector<1x128xf32>
    %add3A_4012 = arith.addf %mul3A_4011, %add3A_3996 : vector<1x128xf32>
    %tanh3A_4013 = math.tanh %slice3A_4001 : vector<1x128xf32>
    %mul3A_4014 = arith.constant 5.000000e-01 : f32
    %mul3A_4015 = vector.broadcast %mul3A_4014 : f32 to vector<1x128xf32>
    %mul3A_4016 = arith.mulf %mul3A_4015, %tanh3A_4013 : vector<1x128xf32>
    %add3A_4017 = arith.constant 5.000000e-01 : f32
    %add3A_4018 = vector.broadcast %add3A_4017 : f32 to vector<1x128xf32>
    %add3A_4019 = arith.addf %mul3A_4016, %add3A_4018 : vector<1x128xf32>
    %tanh3A_4020 = math.tanh %add3A_4012 : vector<1x128xf32>
    %mul3A_4021 = arith.mulf %add3A_4019, %tanh3A_4020 : vector<1x128xf32>
    %swap3A_4022 = arith.constant 0 : index
    %swap3A_4023 = arith.constant 0 : index
    %swap3A_4024 = vector.load %arg9[%swap3A_4022, %swap3A_4023] : memref<16384x128xf32, #tpu.memory_space<vmem>>, vector<1x128xf32>
    tpu.vector_store %arg9[%swap3A_4022, %swap3A_4023], %mul3A_4021 {strides = array<i32>} : memref<16384x128xf32, #tpu.memory_space<vmem>>, vector<1x128xf32>,
    %swap3A_4025 = arith.constant 0 : index
    %swap3A_4026 = arith.constant 0 : index
    %swap3A_4027 = vector.load %arg10[%swap3A_4025, %swap3A_4026] : memref<16384x128xf32, #tpu.memory_space<vmem>>, vector<1x128xf32>
    tpu.vector_store %arg10[%swap3A_4025, %swap3A_4026], %add3A_4012 {strides = array<i32>} : memref<16384x128xf32, #tpu.memory_space<vmem>>, vector<1x128xf32>,
    %convert_element_type3A_4028 = arith.truncf %mul3A_4021 : vector<1x128xf32> to vector<1x128xbf16>
    %dot_general3A_4029 = arith.constant dense<0.000000e+00> : vector<1x5xf32>
    %dot_general3A_4030 = tpu.matmul %convert_element_type3A_4028, %convert_element_type3A_33, %dot_general3A_4029 {dimension_numbers = #tpu.dot_dimension_numbers<[1], [0], [0], [1], [0, 0, 1, 1], [], []>, transpose_lhs_hint = false} : vector<1x128xbf16>, vector<128x5xbf16>, vector<1x5xf32> -> vector<1x5xf32>
    %add3A_4031 = arith.addf %dot_general3A_4030, %get3A_36 : vector<1x5xf32>
    %dma_wait3A_4032 = arith.constant 1 : i32
    %dma_wait3A_4033 = arith.constant 15 : i32
    %dma_wait3A_4034 = arith.constant 0 : i32
    %dma_wait3A_4035 = tpu.memref_slice %arg8[%dma_wait3A_4033, %dma_wait3A_4034] : memref<65535x5xf32, #tpu.memory_space<hbm>> -> memref<16x5xf32, #tpu.memory_space<hbm>>
    %dma_wait3A_4036 = arith.constant 0 : i32
    %dma_wait3A_4037 = arith.constant 0 : i32
    %dma_wait3A_4038 = tpu.memref_slice %arg13[%dma_wait3A_4032, %dma_wait3A_4036, %dma_wait3A_4037] : memref<4x2048x5xf32, #tpu.memory_space<vmem>> -> memref<1x16x5xf32, #tpu.memory_space<vmem>>
    %dma_wait3A_4039 = tpu.memref_squeeze %dma_wait3A_4038 : memref<1x16x5xf32, #tpu.memory_space<vmem>> -> memref<16x5xf32, #tpu.memory_space<vmem>>
    tpu.wait_dma2 semaphore(%arg15 : memref<!tpu.dma_semaphore, #tpu.memory_space<semaphore_mem>>) src(%dma_wait3A_4039 : memref<16x5xf32, #tpu.memory_space<vmem>>) dst(%dma_wait3A_4035 : memref<16x5xf32, #tpu.memory_space<hbm>>)
    %swap3A_4040 = arith.constant 1 : index
    %swap3A_4041 = arith.constant 0 : index
    %swap3A_4042 = arith.constant 0 : index
    %swap3A_4043 = vector.load %arg13[%swap3A_4040, %swap3A_4041, %swap3A_4042] : memref<4x2048x5xf32, #tpu.memory_space<vmem>>, vector<1x1x5xf32>
    %swap3A_4044 = vector.shape_cast %swap3A_4043 : vector<1x1x5xf32> to vector<1x5xf32>
    %swap3A_4045 = vector.shape_cast %add3A_4031 : vector<1x5xf32> to vector<1x1x5xf32>
    tpu.vector_store %arg13[%swap3A_4040, %swap3A_4041, %swap3A_4042], %swap3A_4045 {strides = array<i32>} : memref<4x2048x5xf32, #tpu.memory_space<vmem>>, vector<1x1x5xf32>,
    %dma_start3A_4046 = arith.constant 1 : i32
    %dma_start3A_4047 = arith.constant 0 : i32
    %dma_start3A_4048 = arith.constant 0 : i32
    %dma_start3A_4049 = tpu.memref_slice %arg8[%dma_start3A_4047, %dma_start3A_4048] : memref<65535x5xf32, #tpu.memory_space<hbm>> -> memref<1x5xf32, #tpu.memory_space<hbm>>
    %dma_start3A_4050 = arith.constant 0 : i32
    %dma_start3A_4051 = arith.constant 0 : i32
    %dma_start3A_4052 = tpu.memref_slice %arg13[%dma_start3A_4046, %dma_start3A_4050, %dma_start3A_4051] : memref<4x2048x5xf32, #tpu.memory_space<vmem>> -> memref<1x1x5xf32, #tpu.memory_space<vmem>>
    %dma_start3A_4053 = tpu.memref_squeeze %dma_start3A_4052 : memref<1x1x5xf32, #tpu.memory_space<vmem>> -> memref<1x5xf32, #tpu.memory_space<vmem>>
    tpu.enqueue_dma source(%dma_start3A_4053 : memref<1x5xf32, #tpu.memory_space<vmem>>) target(%dma_start3A_4049 : memref<1x5xf32, #tpu.memory_space<hbm>>) target_semaphore(%arg15 : memref<!tpu.dma_semaphore, #tpu.memory_space<semaphore_mem>>)
    %dma_wait3A_4054 = arith.constant 2 : i32
    %dma_wait3A_4055 = arith.constant 7 : i32
    %dma_wait3A_4056 = arith.constant 0 : i32
    %dma_wait3A_4057 = tpu.memref_slice %arg8[%dma_wait3A_4055, %dma_wait3A_4056] : memref<65535x5xf32, #tpu.memory_space<hbm>> -> memref<8x5xf32, #tpu.memory_space<hbm>>
    %dma_wait3A_4058 = arith.constant 0 : i32
    %dma_wait3A_4059 = arith.constant 0 : i32
    %dma_wait3A_4060 = tpu.memref_slice %arg13[%dma_wait3A_4054, %dma_wait3A_4058, %dma_wait3A_4059] : memref<4x2048x5xf32, #tpu.memory_space<vmem>> -> memref<1x8x5xf32, #tpu.memory_space<vmem>>
    %dma_wait3A_4061 = tpu.memref_squeeze %dma_wait3A_4060 : memref<1x8x5xf32, #tpu.memory_space<vmem>> -> memref<8x5xf32, #tpu.memory_space<vmem>>
    tpu.wait_dma2 semaphore(%arg15 : memref<!tpu.dma_semaphore, #tpu.memory_space<semaphore_mem>>) src(%dma_wait3A_4061 : memref<8x5xf32, #tpu.memory_space<vmem>>) dst(%dma_wait3A_4057 : memref<8x5xf32, #tpu.memory_space<hbm>>)
    %dma_wait3A_4062 = arith.constant 3 : i32
    %dma_wait3A_4063 = arith.constant 3 : i32
    %dma_wait3A_4064 = arith.constant 0 : i32
    %dma_wait3A_4065 = tpu.memref_slice %arg8[%dma_wait3A_4063, %dma_wait3A_4064] : memref<65535x5xf32, #tpu.memory_space<hbm>> -> memref<4x5xf32, #tpu.memory_space<hbm>>
    %dma_wait3A_4066 = arith.constant 0 : i32
    %dma_wait3A_4067 = arith.constant 0 : i32
    %dma_wait3A_4068 = tpu.memref_slice %arg13[%dma_wait3A_4062, %dma_wait3A_4066, %dma_wait3A_4067] : memref<4x2048x5xf32, #tpu.memory_space<vmem>> -> memref<1x4x5xf32, #tpu.memory_space<vmem>>
    %dma_wait3A_4069 = tpu.memref_squeeze %dma_wait3A_4068 : memref<1x4x5xf32, #tpu.memory_space<vmem>> -> memref<4x5xf32, #tpu.memory_space<vmem>>
    tpu.wait_dma2 semaphore(%arg15 : memref<!tpu.dma_semaphore, #tpu.memory_space<semaphore_mem>>) src(%dma_wait3A_4069 : memref<4x5xf32, #tpu.memory_space<vmem>>) dst(%dma_wait3A_4065 : memref<4x5xf32, #tpu.memory_space<hbm>>)
    %dma_wait3A_4070 = arith.constant 0 : i32
    %dma_wait3A_4071 = arith.constant 1 : i32
    %dma_wait3A_4072 = arith.constant 0 : i32
    %dma_wait3A_4073 = tpu.memref_slice %arg8[%dma_wait3A_4071, %dma_wait3A_4072] : memref<65535x5xf32, #tpu.memory_space<hbm>> -> memref<2x5xf32, #tpu.memory_space<hbm>>
    %dma_wait3A_4074 = arith.constant 0 : i32
    %dma_wait3A_4075 = arith.constant 0 : i32
    %dma_wait3A_4076 = tpu.memref_slice %arg13[%dma_wait3A_4070, %dma_wait3A_4074, %dma_wait3A_4075] : memref<4x2048x5xf32, #tpu.memory_space<vmem>> -> memref<1x2x5xf32, #tpu.memory_space<vmem>>
    %dma_wait3A_4077 = tpu.memref_squeeze %dma_wait3A_4076 : memref<1x2x5xf32, #tpu.memory_space<vmem>> -> memref<2x5xf32, #tpu.memory_space<vmem>>
    tpu.wait_dma2 semaphore(%arg15 : memref<!tpu.dma_semaphore, #tpu.memory_space<semaphore_mem>>) src(%dma_wait3A_4077 : memref<2x5xf32, #tpu.memory_space<vmem>>) dst(%dma_wait3A_4073 : memref<2x5xf32, #tpu.memory_space<hbm>>)
    %dma_wait3A_4078 = arith.constant 1 : i32
    %dma_wait3A_4079 = arith.constant 0 : i32
    %dma_wait3A_4080 = arith.constant 0 : i32
    %dma_wait3A_4081 = tpu.memref_slice %arg8[%dma_wait3A_4079, %dma_wait3A_4080] : memref<65535x5xf32, #tpu.memory_space<hbm>> -> memref<1x5xf32, #tpu.memory_space<hbm>>
    %dma_wait3A_4082 = arith.constant 0 : i32
    %dma_wait3A_4083 = arith.constant 0 : i32
    %dma_wait3A_4084 = tpu.memref_slice %arg13[%dma_wait3A_4078, %dma_wait3A_4082, %dma_wait3A_4083] : memref<4x2048x5xf32, #tpu.memory_space<vmem>> -> memref<1x1x5xf32, #tpu.memory_space<vmem>>
    %dma_wait3A_4085 = tpu.memref_squeeze %dma_wait3A_4084 : memref<1x1x5xf32, #tpu.memory_space<vmem>> -> memref<1x5xf32, #tpu.memory_space<vmem>>
    tpu.wait_dma2 semaphore(%arg15 : memref<!tpu.dma_semaphore, #tpu.memory_space<semaphore_mem>>) src(%dma_wait3A_4085 : memref<1x5xf32, #tpu.memory_space<vmem>>) dst(%dma_wait3A_4081 : memref<1x5xf32, #tpu.memory_space<hbm>>)
    return
  }
}

</mosaic_0001>

<sc_bundles>
// kernel: kernel.4.cloned.1.call-start
scs
__scs_entry_jumppad:
0x0: {  	(pc) =	sbr.rel $0x88, $3  }
0x1: {  	(tag) =	ssettag $0x0;
	lr =	simm.s32 $0x1  }
0x2: {  	[smem:$0x3F98] =	sst lr;
	_ =	strace $0xD0000000  }
0x3: {  	_ = 	snop  }
0x4: {  	_ = 	snop  }
0x5: {  	_ = 	snop  }
0x6: {  	_ = 	snop  }
0x7: {  	_ = 	snop  }
__scs_overlays_trampoline_lowered:
0x8: {  	[smem:$0x3FA7] =	sst s0  }
0x9: {  	[smem:$0x3FA8] =	sst s1  }
0xa: {  	[smem:$0x3FA9] =	sst s2  }
0xb: {  	[smem:$0x3FAA] =	sst s3  }
0xc: {  	[smem:$0x3FAB] =	sst s4  }
0xd: {  	[smem:$0x3FAC] =	sst s5  }
0xe: {  	[smem:$0x3FAD] =	sst s6  }
0xf: {  	[smem:$0x3FAE] =	sst s7  }
0x10: {  	[smem:$0x3FAF] =	sst s8  }
0x11: {  	[smem:$0x3FB0] =	sst s9;
	s0 =	simm.s32 @!p0 $0x0  }
0x12: {  	s1 =	sld [smem:$0x3F96];
	s0 =	simm.s32 @p0 $0x1  }
0x13: {  	[smem:$0x3FB1] =	sst s0;
	s0 =	simm.s32 @!p1 $0x0  }
0x14: {  	s2 =	sld [smem:$0x3F95];
	s0 =	simm.s32 @p1 $0x1  }
0x15: {  	[smem:$0x3FB2] =	sst s0;
	s0 =	simm.s32 @!p2 $0x0  }
0x16: {  	s3 =	sld [smem:$0x3FDB];
	s0 =	simm.s32 @p2 $0x1  }
0x17: {  	s4 =	simm.s32 $0x1BF5;
	[smem:$0x3FB4] =	sst s0  }
0x18: {  	s0 =	sld [smem:$0x3F97];
	_ =	swait.ge [sflag:s4], $0x0  }
0x19: {  	s7 =	sld [smem:$0x3F98]  }
0x1a: {  	s8 =	sadd.s32 $0xFFFFE003, lr  }
0x1b: {  	s9 =	sadd.s32 $0xFFFFFEF7, lr;
	s5 =	simm.s32 $0xFFFFFFFF;
	p2 =	slt.u32 s8, $0xFFFFF086  }
0x1c: {  	p1 =	slt.u32 s9, $0xF7A;
	s5 =	simm.s32 @!p2 $0x0  }
0x1d: {  	s5 =	simm.s32 @p1 $0x1;
	p0 =	seq.s32 s7, s2  }
0x1e: {  	s7 =	smul.u32 @!p0 $0xF7A, s2;
	p2 =	seq.s32 @!p0 s5, $0x0  }
0x1f: {  	s9 =	smul.u32 $0xF7A, s1;
	s8 =	simm.s32 @!p0 $0x1BF5;
	p2 =	por !p2, p0  }
0x20: {  	[sflag:s8] =	ssyncset.s32 @!p0 $0xFFFFF086;
	s6 =	sadd.s32 @!p0 s3, s7;
	s7 =	simm.s32 @!p0 $0x108  }
0x21: {  	s3 =	sadd.s32 s3, s9;
	s6 =	sadd.s32 @!p0 $0x88, s6;
	s7 =	simm.s32 @p2 $0x1082  }
0x22: {  	[simem:s7], [sflag:s8] =	dma.local @!p0 [hbm:s6], $0xF7A  }
0x23: {  	s9 =	sor.u32 $0xD0000000, s2;
	s6 =	simm.s32 $0x108;
	_ =	swait.ge @!p0 [sflag:s8], $0x0  }
0x24: {  	s3 =	sadd.s32 $0x88, s3;
	s6 =	simm.s32 @!p1 $0x1082;
	[sflag:s4] =	ssyncset.s32 $0xFFFFF086  }
0x25: {  	[simem:s6], [sflag:s4] =	dma.local [hbm:s3], $0xF7A  }
0x26: {  	[smem:$0x3F98] =	sst s1;
	(tag) =	ssettag s2;
	_ =	strace s9  }
0x27: {  	s1 =	sld [smem:$0x3FA8]  }
0x28: {  	s2 =	sld [smem:$0x3FA9]  }
0x29: {  	s4 =	sld [smem:$0x3FAB]  }
0x2a: {  	p0 =	seq.s32 s5, $0x0;
	s5 =	sld [smem:$0x3FAC]  }
0x2b: {  	s6 =	sld [smem:$0x3FAD]  }
0x2c: {  	s7 =	sld [smem:$0x3FAE]  }
0x2d: {  	s3 =	simm.s32 $0x108;
	s8 =	sld [smem:$0x3FAF]  }
0x2e: {  	s3 =	simm.s32 @!p0 $0x1082;
	s9 =	sld [smem:$0x3FB0]  }
0x2f: {  	lr =	sadd.s32 s0, s3;
	s0 =	sld [smem:$0x3FA7]  }
0x30: {  	s3 =	sld [smem:$0x3FAA]  }
0x31: {  	[smem:$0x3FB3] =	sst s10  }
0x32: {  	s10 =	sld [smem:$0x3FB1];
	_ =	sdelay $0x3  }
0x33: {  	p0 =	seq.s32 s10, $0x1;
	s10 =	sld [smem:$0x3FB3];
	_ =	sdelay $0x3  }
0x34: {  	[smem:$0x3FB3] =	sst s10  }
0x35: {  	s10 =	sld [smem:$0x3FB2];
	_ =	sdelay $0x3  }
0x36: {  	p1 =	seq.s32 s10, $0x1;
	s10 =	sld [smem:$0x3FB3];
	_ =	sdelay $0x3  }
0x37: {  	[smem:$0x3FB3] =	sst s10  }
0x38: {  	s10 =	sld [smem:$0x3FB4]  }
0x39: {  	_ = 	snop;
	(pc) =	sbr.ind lr, $3  }
0x3a: {  	_ = 	snop  }
0x3b: {  	_ = 	snop  }
0x3c: {  	p2 =	seq.s32 s10, $0x1;
	s10 =	sld [smem:$0x3FB3]  }
0x3d: {  	_ =	shalt  }
0x3e: {  	_ =	shalt  }
0x3f: {  	_ =	shalt  }
0x40: {  	_ =	shalt  }
0x41: {  	_ =	shalt  }
0x42: {  	_ =	shalt  }
0x43: {  	_ =	shalt  }
0x44: {  	_ =	shalt  }
0x45: {  	_ =	shalt  }
0x46: {  	_ =	shalt  }
0x47: {  	_ =	shalt  }
0x48: {  	_ =	shalt  }
0x49: {  	_ =	shalt  }
0x4a: {  	_ =	shalt  }
0x4b: {  	_ =	shalt  }
0x4c: {  	_ =	shalt  }
0x4d: {  	_ =	shalt  }
0x4e: {  	_ =	shalt  }
0x4f: {  	_ =	shalt  }
0x50: {  	_ =	shalt  }
0x51: {  	_ =	shalt  }
0x52: {  	_ =	shalt  }
0x53: {  	_ =	shalt  }
0x54: {  	_ =	shalt  }
0x55: {  	_ =	shalt  }
0x56: {  	_ =	shalt  }
0x57: {  	_ =	shalt  }
0x58: {  	_ =	shalt  }
0x59: {  	_ =	shalt  }
0x5a: {  	_ =	shalt  }
0x5b: {  	_ =	shalt  }
0x5c: {  	_ =	shalt  }
0x5d: {  	_ =	shalt  }
0x5e: {  	_ =	shalt  }
0x5f: {  	_ =	shalt  }
0x60: {  	_ =	shalt  }
0x61: {  	_ =	shalt  }
0x62: {  	_ =	shalt  }
0x63: {  	_ =	shalt  }
0x64: {  	_ =	shalt  }
0x65: {  	_ =	shalt  }
0x66: {  	_ =	shalt  }
0x67: {  	_ =	shalt  }
0x68: {  	_ =	shalt  }
0x69: {  	_ =	shalt  }
0x6a: {  	_ =	shalt  }
0x6b: {  	_ =	shalt  }
0x6c: {  	_ =	shalt  }
0x6d: {  	_ =	shalt  }
0x6e: {  	_ =	shalt  }
0x6f: {  	_ =	shalt  }
0x70: {  	_ =	shalt  }
0x71: {  	_ =	shalt  }
0x72: {  	_ =	shalt  }
0x73: {  	_ =	shalt  }
0x74: {  	_ =	shalt  }
0x75: {  	_ =	shalt  }
0x76: {  	_ =	shalt  }
0x77: {  	_ =	shalt  }
0x78: {  	_ =	shalt  }
0x79: {  	_ =	shalt  }
0x7a: {  	_ =	shalt  }
0x7b: {  	_ =	shalt  }
0x7c: {  	_ =	shalt  }
0x7d: {  	_ =	shalt  }
0x7e: {  	_ =	shalt  }
0x7f: {  	_ =	shalt  }
0x80: {  	_ =	shalt  }
0x81: {  	_ =	shalt  }
0x82: {  	_ =	shalt  }
0x83: {  	_ =	shalt  }
0x84: {  	_ =	shalt  }
0x85: {  	_ =	shalt  }
0x86: {  	_ =	shalt  }
0x87: {  	_ =	shalt  }
.Lfunc_end0:
.L_simem_size_0:
called_computation_lowered:
.L_overlay_start_0:
0x88: {  	s2 =	sld [smem:$0x3FD9]  }
0x89: {  	s3 =	sld [smem:$0x3FFE];
	_ =	sdelay $0x1  }
0x8a: {  	s1 =	srdreg.scid  }
0x8b: {  	s0 =	sand.u32 $0x1, s1  }
0x8c: {  	s17 =	sshll.u32 s0, $0xA;
	s2 =	sadd.s32 s3, s2  }
0x8d: {  	s2 =	sadd.s32 s2, s17  }
0x8e: {  	[smem:$0x3FBF] =	sst s2  }
0x8f: {  	_ = 	snop  }
0x90: {  	s2 =	sld [smem:$0x3FC9]  }
0x91: {  	s18 =	sld [smem:$0x3FC8];
	(tm) =	ssettm $0x1  }
0x92: {  	s4 =	sld [smem:$0x3FFB];
	_ =	sdelay $0x3  }
0x93: {  	_ =	strace s4  }
0x94: {  	s4 =	sld [smem:$0x3FFC];
	_ =	sdelay $0x3  }
0x95: {  	_ =	strace s4  }
0x96: {  	s4 =	sld [smem:$0x3FFD];
	_ =	sdelay $0x3  }
0x97: {  	_ =	strace s4  }
0x98: {  	_ =	strace $0x8FFFFFFF  }
0x99: {  	s19 =	sld [smem:$0x3FDB];
	_ =	sdelay $0x1  }
0x9a: {  	s5 =	simm.s32 $_scs_section_size  }
0x9b: {  	s6 =	simm.s32 $_size__tile_overlayer_lowered;
	s7 =	simm.s32 $_tile_overlayer_lowered  }
0x9c: {  	s22 =	simm.s32 $0x1BFF;
	s21 =	sshll.u32 s7, $0x1;
	s4 =	sadd.s32 s5, s19  }
0x9d: {  	s8 =	simm.s32 $0x0;
	s20 =	sshll.u32 s6, $0x1;
	s6 =	sadd.s32 s21, s4  }
0x9e: {  	[timem:s8], [sflag:s22] =	dma.local [hbm:s6], s20  }
0x9f: {  	_ =	swait.ge [sflag:s22], s20  }
0xa0: {  	s5 =	ssub.s32 $0x0, s20;
	[sflag:s22] =	ssyncset.done $0x0  }
0xa1: {  	[sflag:s22] =	ssyncadd.s32 s5;
	_ =	sdelay $0x1  }
0xa2: {  	s23 =	simm.s32 $0x1B8B  }
0xa3: {  	_ =	swait.ge [sflag:s23], $0x1  }
0xa4: {  	[sflag:s23] =	ssyncset.done $0x0  }
0xa5: {  	s25 =	simm.s32 $0x1B8E;
	s24 =	sld [smem:$0x3FFE];
	[sflag:s23] =	ssyncadd.s32 $0xFFFFFFFF  }
0xa6: {  	s26 =	simm.s32 $execute0_lowered;
	[smem:$0x3FD2] =	sst s25  }
0xa7: {  	s6 =	sshll.u32 s26, $0x1;
	_ =	strace $0x80000046;
	[dreg:$0x1] =	wrdreg $0xFFFFFFFF  }
0xa8: {  	s28 =	simm.s32 $_size_execute0_lowered;
	s4 =	sadd.s32 s4, s6;
	[dreg:$0x0] =	wrdreg $0x0  }
0xa9: {  	s6 =	sshll.u32 s28, $0x1;
	[dreg:$0x2] =	wrdreg s4  }
0xaa: {  	[dreg:$0x3] =	wrdreg s6  }
0xab: {  	[dreg:$0x4] =	wrdreg $0xC0  }
0xac: {  	_ =	task [dreg:s8], $0x5FFFF  }
0xad: {  	[dreg:$0x1] =	wrdreg $0xFFFFFFFF  }
0xae: {  	[dreg:$0x0] =	wrdreg $0x60  }
0xaf: {  	[dreg:$0x2] =	wrdreg s18  }
0xb0: {  	[dreg:$0x3] =	wrdreg s2  }
0xb1: {  	[dreg:$0x4] =	wrdreg s24  }
0xb2: {  	[dreg:$0x5] =	wrdreg $0x9  }
0xb3: {  	_ =	task.clear_ibuf [dreg:s8], $0x6FFFF;
	_ =	strace $0x90000046  }
0xb4: {  	s29 =	simm.s32 $0x9;
	_ =	strace $0x80000048  }
0xb5: {  	_ =	swait.ge [sflag:s29], $0x1  }
0xb6: {  	[sflag:s29] =	ssyncadd.s32 $0xFFFFFFFF  }
0xb7: {  	_ =	strace $0x90000048  }
0xb8: {  	_ =	sfence  }
0xb9: {  	s30 =	sld [smem:$0x0];
	_ =	sdelay $0x2  }
0xba: {  	s31 =	sshll.u32 s1, $0xD;
	s1 =	sshrl.u32 s1, $0x2  }
0xbb: {  	s3 =	sand.u32 $0x4000, s31;
	s1 =	sadd.s32 s1, s30  }
0xbc: {  	s0 =	sor.u32 s3, s0;
	s1 =	sshll.u32 s1, $0x11  }
0xbd: {  	s0 =	sor.u32 s1, s0  }
0xbe: {  	s0 =	sadd.s32 $0x8F2B, s0  }
0xbf: {  	[sflag:s0] =	ssyncadd.remote.s32 $0x1  }
0xc0: {  	_ =	sfence.sel $0xFFFF  }
0xc1: {  	[dreg:$0x0] =	wrdreg $0xFFFFFFFF;
	(pc) =	sbr.abs _section_cstart, $3  }
0xc2: {  	[dreg:$0x1] =	wrdreg $0xFFFFFFFF  }
0xc3: {  	_ =	task.clear_ibuf [dreg:s8], $0x2FFFF;
	_ =	strace $0x9FFFFFFF  }
0xc4: {  	(tm) =	ssettm $0x7FFFFFFF  }
0xc5: {  	_ =	shalt  }
tec
execute0_lowered:
.L_overlay_start_1:
0x0: {  	(tag) =	ssettag $0x1  }
0x1: {  	s1 =	rddreg [dreg:$0x0];
	s2 =	srdreg.scid  }
0x2: {  	s4 =	rddreg [dreg:$0x1];
	s0 =	stileid.u32;
	s18 =	sand.u32 $0x1, s2  }
0x3: {  	s12 =	rddreg [dreg:$0x2];
	s5 =	sshll.u32 s0, $0xB;
	s6 =	sshll.u32 s18, $0xA  }
0x4: {  	s3 =	simm.s32 $0x0;
	s2 =	rddreg [dreg:$0x3];
	s13 =	sor.u32 s6, s5  }
0x5: {  	[smem:$0x7FF] =	sst s3;
	s5 =	sshrl.u32 s13, $0x3  }
0x6: {  	_ =	strace $0x80000047;
	s4 =	sadd.s32 s4, s5;
	s5 =	simm.s32 $0x3  }
0x7: {  	[tilespmem:s3], [sflag:$0x3] =	stream.linear.gather [hbm4b:s4+s3], $0x400, $0x38;
	[tilespmem:$0x18400] =	vst v63  }
0x8: {  	_ =	swait.ge [sflag:s5], $0x400  }
0x9: {  	[sflag:s5] =	ssyncset.done $0x0  }
0xa: {  	s7 =	simm.s32 $0x400;
	s6 =	simm.s32 $0x100;
	[sflag:s5] =	ssyncadd.s32 $0xFFFFFC00  }
0xb: {  	[tilespmem:s7], [sflag:$0x1] =	stream.indirect.gather [hbm4b:s1+s6], $0x80, s3, s6, $0xb8;
	[tilespmem:$0x18400] =	vst v63  }
0xc: {  	s8 =	simm.s32 $0x8400  }
0xd: {  	[tilespmem:s8], [sflag:$0x1] =	stream.indirect.gather [hbm4b:s1+s6], $0x80, s6, s6, $0xb8;
	[tilespmem:$0x18400] =	vst v63  }
0xe: {  	s9 =	simm.s32 $0x200;
	s10 =	simm.s32 $0x10400;
	s11 =	simm.s32 $0x1  }
0xf: {  	[tilespmem:s10], [sflag:$0x1] =	stream.indirect.gather [hbm4b:s1+s6], $0x80, s9, s6, $0xb8;
	[tilespmem:$0x18400] =	vst v63  }
0x10: {  	s13 =	sshll.u32 s13, $0x4;
	_ =	swait.ge [sflag:s11], $0x8000  }
0x11: {  	s17 =	sadd.s32 s13, s12;
	[sflag:s11] =	ssyncset.done $0x0  }
0x12: {  	s12 =	simm.s32 $0x2;
	s13 =	sadd.s32 $0x600, s17;
	[sflag:s11] =	ssyncadd.s32 $0xFFFF8000  }
0x13: {  	[hbm4b:s13+s3] =	stream.linear.scatter [tilespmem:s7], [sflag:$0x2], $0x8000, $0x38;
	[tilespmem:$0x18400] =	vst v63  }
0x14: {  	_ =	swait.ge [sflag:s12], $0x8000  }
0x15: {  	[sflag:s12] =	ssyncset.done $0x0  }
0x16: {  	s14 =	simm.s32 $0x300;
	[sflag:s12] =	ssyncadd.s32 $0xFFFF8000  }
0x17: {  	[tilespmem:s7], [sflag:$0x1] =	stream.indirect.gather [hbm4b:s1+s6], $0x80, s14, s6, $0xb8;
	[tilespmem:$0x18400] =	vst v63  }
0x18: {  	_ =	swait.ge [sflag:s11], $0x8000  }
0x19: {  	[sflag:s11] =	ssyncset.done $0x0  }
0x1a: {  	s15 =	sadd.s32 $0x1600, s17;
	[sflag:s11] =	ssyncadd.s32 $0xFFFF8000  }
0x1b: {  	[hbm4b:s15+s3] =	stream.linear.scatter [tilespmem:s8], [sflag:$0x2], $0x8000, $0x38;
	[tilespmem:$0x18400] =	vst v63  }
0x1c: {  	_ =	swait.ge [sflag:s11], $0x8000  }
0x1d: {  	[sflag:s11] =	ssyncset.done $0x0  }
0x1e: {  	s16 =	sadd.s32 $0x2600, s17;
	[sflag:s11] =	ssyncadd.s32 $0xFFFF8000  }
0x1f: {  	[hbm4b:s16+s3] =	stream.linear.scatter [tilespmem:s10], [sflag:$0x2], $0x8000, $0x38;
	[tilespmem:$0x18400] =	vst v63  }
0x20: {  	_ =	swait.ge [sflag:s11], $0x8000  }
0x21: {  	s18 =	ssub.s32 $0x2, s18;
	[sflag:s11] =	ssyncset.done $0x0  }
0x22: {  	s19 =	sshrl.u32 s18, $0x1;
	s17 =	sadd.s32 $0x3600, s17;
	[sflag:s11] =	ssyncadd.s32 $0xFFFF8000  }
0x23: {  	[hbm4b:s17+s3] =	stream.linear.scatter [tilespmem:s7], [sflag:$0x2], $0x8000, $0x38;
	[tilespmem:$0x18400] =	vst v63  }
0x24: {  	s18 =	ssub.s32 s18, s19;
	_ =	swait.ge [sflag:s12], $0x8000  }
0x25: {  	s18 =	smax.u32 s18, $0x1;
	[sflag:s12] =	ssyncset.done $0x0  }
0x26: {  	p0 =	sne.s32 s18, $0x1;
	[sflag:s12] =	ssyncadd.s32 $0xFFFF8000  }
.Ltmp0:
0x27: {  	_ =	swait.ge [sflag:s12], $0x8000;
	(pc) =	sbr.rel @!p0 .LBB2_2-.Ltmp0, $4  }
0x28: {  	[sflag:s12] =	ssyncset.done $0x0  }
0x29: {  	[sflag:s12] =	ssyncadd.s32 $0xFFFF8000  }
0x2a: {  	_ =	swait.ge [sflag:s12], $0x8000  }
0x2b: {  	s18 =	sadd.s32 $0xFFFFFFFF, s18;
	[sflag:s12] =	ssyncset.done $0x0  }
.LBB2_1:
0x2c: {  	p0 =	sne.s32 s18, $0x1;
	s18 =	sadd.s32 $0xFFFFFFFF, s18;
	[sflag:s12] =	ssyncadd.s32 $0xFFFF8000  }
0x2d: {  	[tilespmem:s3], [sflag:$0x3] =	stream.linear.gather [hbm4b:s4+s3], $0x400, $0x38;
	[tilespmem:$0x18400] =	vst v63  }
0x2e: {  	_ =	swait.ge [sflag:s5], $0x400  }
0x2f: {  	[sflag:s5] =	ssyncset.done $0x0  }
0x30: {  	[sflag:s5] =	ssyncadd.s32 $0xFFFFFC00  }
0x31: {  	[tilespmem:s7], [sflag:$0x1] =	stream.indirect.gather [hbm4b:s1+s6], $0x80, s3, s6, $0xb8;
	[tilespmem:$0x18400] =	vst v63  }
0x32: {  	_ = 	snop  }
0x33: {  	[tilespmem:s8], [sflag:$0x1] =	stream.indirect.gather [hbm4b:s1+s6], $0x80, s6, s6, $0xb8;
	[tilespmem:$0x18400] =	vst v63  }
0x34: {  	_ = 	snop  }
0x35: {  	[tilespmem:s10], [sflag:$0x1] =	stream.indirect.gather [hbm4b:s1+s6], $0x80, s9, s6, $0xb8;
	[tilespmem:$0x18400] =	vst v63  }
0x36: {  	_ =	swait.ge [sflag:s11], $0x8000  }
0x37: {  	[sflag:s11] =	ssyncset.done $0x0  }
0x38: {  	[sflag:s11] =	ssyncadd.s32 $0xFFFF8000  }
0x39: {  	[hbm4b:s13+s3] =	stream.linear.scatter [tilespmem:s7], [sflag:$0x2], $0x8000, $0x38;
	[tilespmem:$0x18400] =	vst v63  }
0x3a: {  	_ =	swait.ge [sflag:s12], $0x8000  }
0x3b: {  	[sflag:s12] =	ssyncset.done $0x0  }
0x3c: {  	[sflag:s12] =	ssyncadd.s32 $0xFFFF8000  }
0x3d: {  	[tilespmem:s7], [sflag:$0x1] =	stream.indirect.gather [hbm4b:s1+s6], $0x80, s14, s6, $0xb8;
	[tilespmem:$0x18400] =	vst v63  }
0x3e: {  	_ =	swait.ge [sflag:s11], $0x8000  }
0x3f: {  	[sflag:s11] =	ssyncset.done $0x0  }
0x40: {  	[sflag:s11] =	ssyncadd.s32 $0xFFFF8000  }
0x41: {  	[hbm4b:s15+s3] =	stream.linear.scatter [tilespmem:s8], [sflag:$0x2], $0x8000, $0x38;
	[tilespmem:$0x18400] =	vst v63  }
0x42: {  	_ =	swait.ge [sflag:s11], $0x8000  }
0x43: {  	[sflag:s11] =	ssyncset.done $0x0  }
0x44: {  	[sflag:s11] =	ssyncadd.s32 $0xFFFF8000  }
0x45: {  	[hbm4b:s16+s3] =	stream.linear.scatter [tilespmem:s10], [sflag:$0x2], $0x8000, $0x38;
	[tilespmem:$0x18400] =	vst v63  }
0x46: {  	_ =	swait.ge [sflag:s11], $0x8000  }
0x47: {  	[sflag:s11] =	ssyncset.done $0x0  }
0x48: {  	[sflag:s11] =	ssyncadd.s32 $0xFFFF8000  }
0x49: {  	[hbm4b:s17+s3] =	stream.linear.scatter [tilespmem:s7], [sflag:$0x2], $0x8000, $0x38;
	[tilespmem:$0x18400] =	vst v63  }
0x4a: {  	_ =	swait.ge [sflag:s12], $0x8000  }
0x4b: {  	[sflag:s12] =	ssyncset.done $0x0  }
0x4c: {  	[sflag:s12] =	ssyncadd.s32 $0xFFFF8000  }
.Ltmp1:
0x4d: {  	_ =	swait.ge [sflag:s12], $0x8000;
	(pc) =	sbr.rel @p0 .LBB2_1-.Ltmp1, $4  }
0x4e: {  	[sflag:s12] =	ssyncset.done $0x0  }
0x4f: {  	[sflag:s12] =	ssyncadd.s32 $0xFFFF8000  }
0x50: {  	_ =	swait.ge [sflag:s12], $0x8000  }
0x51: {  	[sflag:s12] =	ssyncset.done $0x0  }
.LBB2_2:
0x52: {  	[sflag:s12] =	ssyncadd.s32 $0xFFFF8000  }
0x53: {  	_ =	sfence.sel $0x180000  }
0x54: {  	[bflag:$0x0] =	sbarrier.arrive $0xFFFF  }
0x55: {  	p0 =	sne.s32 s0, $0x0;
	_ =	strace $0x90000047  }
0x56: {  	s0 =	sadd.s32 @!p0 $0x100000, s2;
	[bflag:$0x2] =	sbarrier.arrive $0xFFFF  }
0x57: {  	[sflag:s0] =	ssyncadd.tile.s32 @!p0 $0x1;
	_ =	shalt  }
.Lfunc_end2:
_tile_overlayer_lowered:
.L_overlay_start_2:
0x58: {  	(tag) =	ssettag $0x2  }
0x59: {  	s0 =	rddreg [dreg:$0x0];
	s2 =	stileid.u32  }
0x5a: {  	s1 =	rddreg [dreg:$0x1];
	p0 =	sne.s32 s2, $0x0  }
0x5b: {  	s3 =	rddreg [dreg:$0x2];
	[bflag:$0x3] =	sbarrier.arrive $0xFFFF;
	s2 =	simm.s32 @!p0 $0x1C03  }
0x5c: {  	[timem:s3], [sflag:s2] =	dma.local @!p0 [hbm:s0], s1  }
0x5d: {  	s0 =	simm.s32 @!p0 $0x3  }
0x5e: {  	_ =	swait.ge @!p0 [sflag:s0], s1  }
0x5f: {  	s1 =	ssub.s32 @!p0 $0x0, s1;
	[sflag:s0] =	ssyncset.done @!p0 $0x0  }
0x60: {  	[sflag:s0] =	ssyncadd.s32 @!p0 s1  }
0x61: {  	[bflag:$0x3] =	sbarrier.arrive $0xFFFF  }
0x62: {  	_ =	shalt  }

</sc_bundles>
